<compile_context>
chip_gen: v7x
topology: tpu7x:2x2x1
jax: 0.10.2.dev20260603
libtpu: 0.0.44.dev20260713+nightly
codegen_flags: <defaults>
</compile_context>

<pallas_src>
import functools

import jax
import jax.numpy as jnp
from jax import lax
from jax.experimental import pallas as pl
from jax.experimental.pallas import tpu as pltpu
from jax.experimental.pallas import tpu_sc as plsc

N = 10000
NPAD = 10240
E = 320000
EPAD = 327680
CHUNK = 128
NSUB = 16
RPT = NPAD // NSUB
BLK = 640
DEGW = 16
DW = 128

F32 = jnp.float32



def _fill(buf, rows, width, value):
    per_row = width // 16

    def body(i, _):
        r = i // per_row
        k = i % per_row
        buf[r, pl.ds(k * 16, 16)] = jnp.full((16,), value, F32)
        return 0

    lax.fori_loop(0, rows * per_row, body, 0)


def _zero_spmem_slice(zbuf, acc_sh, base):
    for t in range(RPT // 16):
        pltpu.sync_copy(zbuf, acc_sh.at[pl.ds(base + t * 16, 16)])



def _make_deg_kernel():
    nch = EPAD // 32 // CHUNK

    @functools.partial(
        pl.kernel,
        out_type=jax.ShapeDtypeStruct((32, NPAD), F32),
        mesh=plsc.VectorSubcoreMesh(core_axis_name="c", subcore_axis_name="s"),
        scratch_types=[
            pltpu.VMEM((nch, CHUNK), jnp.int32),
            pltpu.VMEM((NPAD,), F32),
        ],
        compiler_params=pltpu.CompilerParams(needs_layout_passes=False),
    )
    def deg_kernel(dst32, deg_out, didx, hist):
        c = lax.axis_index("c")
        s = lax.axis_index("s")
        w = c * NSUB + s

        def zero(i, _):
            hist[pl.ds(i * 16, 16)] = jnp.zeros((16,), F32)
            return 0

        lax.fori_loop(0, NPAD // 16, zero, 0)
        pltpu.sync_copy(dst32.at[w], didx)
        ones16 = jnp.ones((16,), F32)
        per_ch = CHUNK // 16

        def body(i, _):
            vidx = didx[i // per_ch, pl.ds((i % per_ch) * 16, 16)]
            plsc.addupdate_scatter(hist, [vidx], ones16)
            return 0

        lax.fori_loop(0, nch * per_ch, body, 0)
        pltpu.sync_copy(hist, deg_out.at[w])

    return deg_kernel



def _make_edge_kernel(mode):
    nch = (EPAD // NSUB if mode == "feat" else EPAD // 32) // CHUNK
    n_hs = 2 if mode == "feat" else 1
    slab = 40
    n_slab = nch // slab

    @functools.partial(
        pl.kernel,
        out_type=[jax.ShapeDtypeStruct((NPAD, DW), F32)] * 2,
        mesh=plsc.VectorSubcoreMesh(core_axis_name="c", subcore_axis_name="s"),
        scratch_types=[
            pltpu.VMEM((slab, CHUNK), jnp.int32),
            pltpu.VMEM((slab, CHUNK), jnp.int32),
            pltpu.VMEM((2, CHUNK, DW), F32),
            pltpu.VMEM((16, DW), F32),
            pltpu.SemaphoreType.DMA,
            pltpu.SemaphoreType.DMA,
            pltpu.VMEM_SHARED((NPAD, DW), F32),
        ],
    )
    def edge_kernel(*args):
        hs = args[:n_hs]
        srcr, dstr = args[n_hs], args[n_hs + 1]
        out_a, out_b = args[n_hs + 2], args[n_hs + 3]
        sidx, didx, rows, zbuf, sem, sem_s, acc_sh = args[n_hs + 4:]
        c = lax.axis_index("c")
        s = lax.axis_index("s")
        base = s * RPT
        w = s if mode == "feat" else c * NSUB + s
        _fill(zbuf, 16, DW, 0.0)
        _zero_spmem_slice(zbuf, acc_sh, base)
        plsc.subcore_barrier()

        def run(h, out):
            for blk in range(n_slab):
                pltpu.sync_copy(srcr.at[w, pl.ds(blk * slab, slab)], sidx)
                pltpu.sync_copy(dstr.at[w, pl.ds(blk * slab, slab)], didx)
                pltpu.async_copy(h.at[sidx.at[0]], rows.at[0], sem)

                def body(t, _):
                    cur = rows.at[t % 2]
                    nxt = rows.at[(t + 1) % 2]
                    pltpu.make_async_copy(h.at[sidx.at[t]], cur, sem).wait()
                    pltpu.async_copy(cur, acc_sh.at[didx.at[t]], sem_s,
                                     add=True)

                    @pl.when(t >= 1)
                    def _():
                        pltpu.make_async_copy(
                            nxt, acc_sh.at[didx.at[t - 1]], sem_s).wait()

                    @pl.when(t + 1 < slab)
                    def _():
                        pltpu.async_copy(h.at[sidx.at[t + 1]], nxt, sem)

                    return 0

                lax.fori_loop(0, slab, body, 0)
                pltpu.make_async_copy(
                    rows.at[(slab - 1) % 2],
                    acc_sh.at[didx.at[slab - 1]], sem_s).wait()
            plsc.subcore_barrier()
            pltpu.sync_copy(acc_sh.at[pl.ds(base, RPT)], out.at[pl.ds(base, RPT)])

        @pl.when(c == 0)
        def _():
            run(hs[0], out_a)

        @pl.when(c == 1)
        def _():
            run(hs[-1], out_b)

    return edge_kernel


_deg_kernel = _make_deg_kernel()
_edge_kernel_1 = _make_edge_kernel("feat")
_edge_kernel_2 = _make_edge_kernel("esplit")



def _mm_body(x_ref, w_ref, out_ref):
    out_ref[...] = jnp.dot(x_ref[...], w_ref[...],
                           preferred_element_type=F32)


def _mm(x, w):
    n, din = x.shape
    dout = w.shape[1]
    return pl.pallas_call(
        _mm_body,
        grid=(n // BLK,),
        in_specs=[
            pl.BlockSpec((BLK, din), lambda i: (i, 0)),
            pl.BlockSpec((din, dout), lambda i: (0, 0)),
        ],
        out_specs=pl.BlockSpec((BLK, dout), lambda i: (i, 0)),
        out_shape=jax.ShapeDtypeStruct((n, dout), F32),
    )(x, w)


def _scale_body(h_ref, deg_ref, outa_ref, outb_ref, dinv_ref):
    dsum = lax.dot_general(deg_ref[...], jnp.ones((32, 1), F32),
                           (((0,), (0,)), ((), ())),
                           preferred_element_type=F32)
    dinv = lax.rsqrt(1.0 + dsum)
    hs = h_ref[...] * dinv
    outa_ref[...] = hs[:, :DW]
    outb_ref[...] = hs[:, DW:]
    dinv_ref[...] = dinv


def _scale_split(h1, deg):
    n, d = h1.shape
    return pl.pallas_call(
        _scale_body,
        grid=(n // BLK,),
        in_specs=[
            pl.BlockSpec((BLK, d), lambda i: (i, 0)),
            pl.BlockSpec((32, BLK), lambda i: (0, i)),
        ],
        out_specs=[
            pl.BlockSpec((BLK, DW), lambda i: (i, 0)),
            pl.BlockSpec((BLK, DW), lambda i: (i, 0)),
            pl.BlockSpec((BLK, 1), lambda i: (i, 0)),
        ],
        out_shape=[
            jax.ShapeDtypeStruct((n, DW), F32),
            jax.ShapeDtypeStruct((n, DW), F32),
            jax.ShapeDtypeStruct((n, 1), F32),
        ],
    )(h1, deg)


def _ln(u, g, beta):
    mu = jnp.mean(u, axis=-1, keepdims=True)
    var = jnp.mean((u - mu) ** 2, axis=-1, keepdims=True)
    return (u - mu) * lax.rsqrt(var + 1e-5) * g + beta


def _mid_body(acca_ref, accb_ref, hsa_ref, hsb_ref, dinv_ref,
              b_ref, g_ref, beta_ref, w_ref, out_ref):
    dinv = dinv_ref[...]
    u = jnp.concatenate(
        [acca_ref[...] + hsa_ref[...], accb_ref[...] + hsb_ref[...]],
        axis=1) * dinv + b_ref[...]
    t = jnp.maximum(_ln(u, g_ref[...], beta_ref[...]), 0.0)
    out_ref[...] = jnp.dot(t, w_ref[...], preferred_element_type=F32) * dinv


def _mid(acc_a, acc_b, hs_a, hs_b, dinv, b, g, beta, w):
    n = dinv.shape[0]
    d = w.shape[0]
    dout = w.shape[1]
    return pl.pallas_call(
        _mid_body,
        grid=(n // BLK,),
        in_specs=[pl.BlockSpec((BLK, DW), lambda i: (i, 0))] * 4 + [
            pl.BlockSpec((BLK, 1), lambda i: (i, 0)),
            pl.BlockSpec((1, d), lambda i: (0, 0)),
            pl.BlockSpec((1, d), lambda i: (0, 0)),
            pl.BlockSpec((1, d), lambda i: (0, 0)),
            pl.BlockSpec((d, dout), lambda i: (0, 0)),
        ],
        out_specs=pl.BlockSpec((BLK, dout), lambda i: (i, 0)),
        out_shape=jax.ShapeDtypeStruct((n, dout), F32),
    )(acc_a, acc_b, hs_a, hs_b, dinv, b[None, :], g[None, :], beta[None, :], w)


def _final_body(acca_ref, accb_ref, hs_ref, dinv_ref,
                b_ref, g_ref, beta_ref, out_ref):
    u = (acca_ref[...] + accb_ref[...] + hs_ref[...]) * dinv_ref[...] \
        + b_ref[...]
    out_ref[...] = jnp.maximum(_ln(u, g_ref[...], beta_ref[...]), 0.0)


def _final(acc_a, acc_b, hs, dinv, b, g, beta):
    n, d = hs.shape
    return pl.pallas_call(
        _final_body,
        grid=(n // BLK,),
        in_specs=[pl.BlockSpec((BLK, d), lambda i: (i, 0))] * 3 + [
            pl.BlockSpec((BLK, 1), lambda i: (i, 0)),
            pl.BlockSpec((1, d), lambda i: (0, 0)),
            pl.BlockSpec((1, d), lambda i: (0, 0)),
            pl.BlockSpec((1, d), lambda i: (0, 0)),
        ],
        out_specs=pl.BlockSpec((BLK, d), lambda i: (i, 0)),
        out_shape=jax.ShapeDtypeStruct((n, d), F32),
    )(acc_a, acc_b, hs, dinv, b[None, :], g[None, :], beta[None, :])



_SC_DEG = True
_SC_EDGE1 = True
_SC_EDGE2 = True


def kernel(x, edge_index, W1, b1, g1, beta1, W2, b2, g2, beta2):
    src = edge_index[0].astype(jnp.int32)
    dst = edge_index[1].astype(jnp.int32)
    padlen = EPAD - E
    src_p = jnp.concatenate([src, jnp.full((padlen,), N, jnp.int32)])
    dst_p = jnp.concatenate([dst, jnp.full((padlen,), N, jnp.int32)])
    src16 = src_p.reshape(NSUB, EPAD // NSUB // CHUNK, CHUNK)
    dst16 = dst_p.reshape(NSUB, EPAD // NSUB // CHUNK, CHUNK)
    src32 = src_p.reshape(32, EPAD // 32 // CHUNK, CHUNK)
    dst32 = dst_p.reshape(32, EPAD // 32 // CHUNK, CHUNK)
    x_pad = jnp.pad(x, ((0, NPAD - N), (0, 0)))

    if _SC_DEG:
        deg = _deg_kernel(dst32)
    else:
        degx = jnp.zeros((NPAD,), F32).at[dst].add(1.0)
        deg = jnp.concatenate([degx[None, :], jnp.zeros((31, NPAD), F32)], axis=0)
    h1 = _mm(x_pad, W1)
    hs1_a, hs1_b, dinv = _scale_split(h1, deg)
    if _SC_EDGE1:
        acc1_a, acc1_b = _edge_kernel_1(hs1_a, hs1_b, src16, dst16)
    else:
        acc1_a = jnp.zeros((NPAD, DW), F32).at[dst].add(hs1_a[src])
        acc1_b = jnp.zeros((NPAD, DW), F32).at[dst].add(hs1_b[src])
    hs2 = _mid(acc1_a, acc1_b, hs1_a, hs1_b, dinv, b1, g1, beta1, W2)
    if _SC_EDGE2:
        acc2_a, acc2_b = _edge_kernel_2(hs2, src32, dst32)
    else:
        acc2_a = jnp.zeros((NPAD, DW), F32).at[dst].add(hs2[src])
        acc2_b = jnp.zeros((NPAD, DW), F32)
    out = _final(acc2_a, acc2_b, hs2, dinv, b2, g2, beta2)
    return out[:N]

# --- scband reference (transcript-rebuilt; emitter-appended) ---
"""Pipeline reference for scband-model-20100446945622 (READ-ONLY COPY).

The authoritative reference and input builder live on the scoring server;
editing this copy changes nothing except your own understanding.
"""

import jax, jax.numpy as jnp
import numpy as np

N_NODES = 10000
D_IN = 128
D_OUT = 128
D_HID = 2 * D_OUT  # 256
N_EDGES = 320000


def setup_inputs(seed: int = 0) -> dict:
    key = jax.random.key(seed)
    ks = jax.random.split(key, 12)
    x = jax.random.normal(ks[0], (N_NODES, D_IN), dtype=jnp.float32)
    edge_index = jax.random.randint(ks[1], (2, N_EDGES), 0, N_NODES, dtype=jnp.int64)
    # GCNConv layer 1: in=128 -> 256
    W1 = jax.random.normal(ks[2], (D_IN, D_HID), dtype=jnp.float32) * (1.0 / np.sqrt(D_IN))
    b1 = jnp.zeros((D_HID,), dtype=jnp.float32)
    # LayerNorm 1 params
    g1 = jnp.ones((D_HID,), dtype=jnp.float32)
    beta1 = jnp.zeros((D_HID,), dtype=jnp.float32)
    # GCNConv layer 2: 256 -> 128
    W2 = jax.random.normal(ks[3], (D_HID, D_OUT), dtype=jnp.float32) * (1.0 / np.sqrt(D_HID))
    b2 = jnp.zeros((D_OUT,), dtype=jnp.float32)
    # LayerNorm 2 params
    g2 = jnp.ones((D_OUT,), dtype=jnp.float32)
    beta2 = jnp.zeros((D_OUT,), dtype=jnp.float32)
    return {"x": x, "edge_index": edge_index, "W1": W1, "b1": b1, "g1": g1,
            "beta1": beta1, "W2": W2, "b2": b2, "g2": g2, "beta2": beta2}


def _gcn_conv(x, src, dst, W, b, n_nodes):
    # GCNConv with self-loops and symmetric normalization: D^-1/2 (A+I) D^-1/2 X W + b
    loop = jnp.arange(n_nodes, dtype=src.dtype)
    src_full = jnp.concatenate([src, loop])
    dst_full = jnp.concatenate([dst, loop])
    deg = jnp.zeros((n_nodes,), dtype=x.dtype).at[dst_full].add(1.0)
    dinv = jnp.where(deg > 0, jax.lax.rsqrt(deg), 0.0)
    norm = dinv[src_full] * dinv[dst_full]
    h = x @ W
    msg = jnp.take(h, src_full, axis=0) * norm[:, None]
    out = jax.ops.segment_sum(msg, dst_full, num_segments=n_nodes)
    return out + b


def _layer_norm(x, g, beta, eps=1e-5):
    mu = jnp.mean(x, axis=-1, keepdims=True)
    var = jnp.mean((x - mu) ** 2, axis=-1, keepdims=True)
    return (x - mu) * jax.lax.rsqrt(var + eps) * g + beta


def reference(x, edge_index, W1, b1, g1, beta1, W2, b2, g2, beta2):
    # Model.forward == Encoder.forward (eval mode: dropout is identity)
    n = x.shape[0]
    src, dst = edge_index[0], edge_index[1]
    h = _gcn_conv(x, src, dst, W1, b1, n)
    h = _layer_norm(h, g1, beta1)
    h = jax.nn.relu(h)
    h = _gcn_conv(h, src, dst, W2, b2, n)
    h = _layer_norm(h, g2, beta2)
    return jax.nn.relu(h)

if __name__ == "__main__":
    import jax
    _d = setup_inputs()
    print(jax.jit(kernel)(*tuple(_d.values())))

</pallas_src>

<mosaic_0001>
#map = affine_map<(d0, d1) -> (0, 0)>
#map1 = affine_map<(d0, d1) -> (0, 0, 0)>
module attributes {stable_mosaic.version = 14 : i64} {
  func.func @edge_kernel(%arg0: i32, %arg1: i32, %arg2: memref<10240x128xf32, #tpu.memory_space<hbm>>, %arg3: memref<10240x128xf32, #tpu.memory_space<hbm>>, %arg4: memref<16x160x128xi32, #tpu.memory_space<hbm>>, %arg5: memref<16x160x128xi32, #tpu.memory_space<hbm>>, %arg6: memref<10240x128xf32, #tpu.memory_space<hbm>>, %arg7: memref<10240x128xf32, #tpu.memory_space<hbm>>, %arg8: memref<40x128xi32, #tpu.memory_space<vmem>>, %arg9: memref<40x128xi32, #tpu.memory_space<vmem>>, %arg10: memref<2x128x128xf32, #tpu.memory_space<vmem>>, %arg11: memref<16x128xf32, #tpu.memory_space<vmem>>, %arg12: memref<!tpu.dma_semaphore, #tpu.memory_space<semaphore_mem>>, %arg13: memref<!tpu.dma_semaphore, #tpu.memory_space<semaphore_mem>>, %arg14: memref<10240x128xf32, #tpu.memory_space<vmem_shared>>) attributes {dimension_semantics = [#tpu.dimension_semantics<core_parallel>, #tpu.dimension_semantics<subcore_parallel>], iteration_bounds = array<i64: 2, 16>, scalar_prefetch = 0 : i64, scratch_operands = 7 : i64, tpu.core_type = #tpu.core_type<sc_vector_subcore>, window_params = [{transform_indices = #map}, {transform_indices = #map}, {transform_indices = #map1}, {transform_indices = #map1}, {transform_indices = #map}, {transform_indices = #map}]} {
    %mul3A = arith.constant 640 : i32
    %mul3A_0 = arith.muli %arg1, %mul3A : i32
    %scan3A = arith.constant 0 : i32
    %scan3A_1 = arith.constant 0 : i32
    %scan3A_2 = arith.constant 128 : i32
    %scan3A_3 = arith.addi %scan3A_1, %scan3A_2 : i32
    %scan3A_4 = arith.constant 1 : i32
    %scan3A_5 = scf.for %scan3A_93 = %scan3A_1 to %scan3A_3 step %scan3A_4 iter_args(%scan3A_94 = %scan3A) -> (i32)  : i32 {
      %jit3A = arith.constant 8 : i32
      %div3A = arith.divsi %scan3A_93, %jit3A : i32
      %sign3A = arith.constant 0 : i32
      %sign3A_95 = arith.cmpi sgt, %scan3A_93, %sign3A : i32
      %sign3A_96 = arith.extui %sign3A_95 : i1 to i32
      %sign3A_97 = arith.constant 0 : i32
      %sign3A_98 = arith.cmpi slt, %scan3A_93, %sign3A_97 : i32
      %sign3A_99 = arith.extui %sign3A_98 : i1 to i32
      %sign3A_100 = arith.subi %sign3A_96, %sign3A_99 : i32
      %sign3A_101 = arith.constant 0 : i32
      %sign3A_102 = arith.cmpi sgt, %jit3A, %sign3A_101 : i32
      %sign3A_103 = arith.extui %sign3A_102 : i1 to i32
      %sign3A_104 = arith.constant 0 : i32
      %sign3A_105 = arith.cmpi slt, %jit3A, %sign3A_104 : i32
      %sign3A_106 = arith.extui %sign3A_105 : i1 to i32
      %sign3A_107 = arith.subi %sign3A_103, %sign3A_106 : i32
      %ne3A = arith.cmpi ne, %sign3A_100, %sign3A_107 : i32
      %rem3A = arith.remsi %scan3A_93, %jit3A : i32
      %ne3A_108 = arith.constant 0 : i32
      %ne3A_109 = arith.cmpi ne, %rem3A, %ne3A_108 : i32
      %and3A = arith.andi %ne3A, %ne3A_109 : i1
      %sub3A = arith.constant 1 : i32
      %sub3A_110 = arith.subi %div3A, %sub3A : i32
      %select_n3A = arith.select %and3A, %sub3A_110, %div3A : i32
      %jit3A_111 = arith.constant 8 : i32
      %eq3A_112 = arith.constant 0 : i32
      %eq3A_113 = arith.cmpi eq, %jit3A_111, %eq3A_112 : i32
      %jit3A_114 = arith.constant 1 : i32
      %select_n3A_115 = arith.select %eq3A_113, %jit3A_114, %jit3A_111 : i32
      %rem3A_116 = arith.remsi %scan3A_93, %select_n3A_115 : i32
      %ne3A_117 = arith.constant 0 : i32
      %ne3A_118 = arith.cmpi ne, %rem3A_116, %ne3A_117 : i32
      %lt3A = arith.constant 0 : i32
      %lt3A_119 = arith.cmpi slt, %rem3A_116, %lt3A : i32
      %lt3A_120 = arith.constant 0 : i32
      %lt3A_121 = arith.cmpi slt, %select_n3A_115, %lt3A_120 : i32
      %ne3A_122 = arith.xori %lt3A_119, %lt3A_121 : i1
      %and3A_123 = arith.andi %ne3A_122, %ne3A_118 : i1
      %add3A_124 = arith.addi %rem3A_116, %select_n3A_115 : i32
      %select_n3A_125 = arith.select %and3A_123, %add3A_124, %rem3A_116 : i32
      %broadcast_in_dim3A = arith.constant 0.000000e+00 : f32
      %broadcast_in_dim3A_126 = vector.broadcast %broadcast_in_dim3A : f32 to vector<16xf32>
      %mul3A_127 = arith.constant 16 : i32
      %mul3A_128 = arith.muli %select_n3A_125, %mul3A_127 : i32
      %swap3A = arith.index_cast %select_n3A : i32 to index
      %swap3A_129 = arith.index_cast %mul3A_128 : i32 to index
      %swap3A_130 = tpu.vector_load %arg11[%swap3A, %swap3A_129] {strides = array<i32>} : memref<16x128xf32, #tpu.memory_space<vmem>>, vector<1x16xf32>,
      %swap3A_131 = vector.shape_cast %swap3A_130 : vector<1x16xf32> to vector<16xf32>
      %swap3A_132 = vector.shape_cast %broadcast_in_dim3A_126 : vector<16xf32> to vector<1x16xf32>
      tpu.vector_store %arg11[%swap3A, %swap3A_129], %swap3A_132 {strides = array<i32>} : memref<16x128xf32, #tpu.memory_space<vmem>>, vector<1x16xf32>,
      %scan3A_133 = arith.constant 0 : i32
      scf.yield %scan3A_133 : i32
    }
    %scan3A_6 = arith.constant 128 : i32
    %add3A = arith.constant 0 : i32
    %add3A_7 = arith.addi %mul3A_0, %add3A : i32
    "tpu.region"() ({
      %run_scoped3A = tpu.sem_alloc : memref<!tpu.dma_semaphore, #tpu.memory_space<semaphore_mem>>
      %dma_start3A = arith.constant 0 : i32
      %dma_start3A_93 = tpu.memref_slice %arg14[%add3A_7, %dma_start3A] : memref<10240x128xf32, #tpu.memory_space<vmem_shared>> -> memref<16x128xf32, #tpu.memory_space<vmem_shared>>
      %dma_start3A_94 = arith.constant 0 : i32
      %dma_start3A_95 = tpu.memref_slice %arg14[%add3A_7, %dma_start3A_94] : memref<10240x128xf32, #tpu.memory_space<vmem_shared>> -> memref<16x128xf32, #tpu.memory_space<vmem_shared>>
      tpu.enqueue_dma source(%arg11 : memref<16x128xf32, #tpu.memory_space<vmem>>) target(%dma_start3A_95 : memref<16x128xf32, #tpu.memory_space<vmem_shared>>) target_semaphore(%run_scoped3A : memref<!tpu.dma_semaphore, #tpu.memory_space<semaphore_mem>>)
      %dma_wait3A = arith.constant 0 : i32
      %dma_wait3A_96 = tpu.memref_slice %arg14[%add3A_7, %dma_wait3A] : memref<10240x128xf32, #tpu.memory_space<vmem_shared>> -> memref<16x128xf32, #tpu.memory_space<vmem_shared>>
      %dma_wait3A_97 = arith.constant 0 : i32
      %dma_wait3A_98 = tpu.memref_slice %arg14[%add3A_7, %dma_wait3A_97] : memref<10240x128xf32, #tpu.memory_space<vmem_shared>> -> memref<16x128xf32, #tpu.memory_space<vmem_shared>>
      tpu.wait_dma2 semaphore(%run_scoped3A : memref<!tpu.dma_semaphore, #tpu.memory_space<semaphore_mem>>) src(%arg11 : memref<16x128xf32, #tpu.memory_space<vmem>>) dst(%dma_wait3A_98 : memref<16x128xf32, #tpu.memory_space<vmem_shared>>)
      tpu.yield
    }) : () -> ()
    %add3A_8 = arith.constant 16 : i32
    %add3A_9 = arith.addi %mul3A_0, %add3A_8 : i32
    "tpu.region"() ({
      %run_scoped3A = tpu.sem_alloc : memref<!tpu.dma_semaphore, #tpu.memory_space<semaphore_mem>>
      %dma_start3A = arith.constant 0 : i32
      %dma_start3A_93 = tpu.memref_slice %arg14[%add3A_9, %dma_start3A] : memref<10240x128xf32, #tpu.memory_space<vmem_shared>> -> memref<16x128xf32, #tpu.memory_space<vmem_shared>>
      %dma_start3A_94 = arith.constant 0 : i32
      %dma_start3A_95 = tpu.memref_slice %arg14[%add3A_9, %dma_start3A_94] : memref<10240x128xf32, #tpu.memory_space<vmem_shared>> -> memref<16x128xf32, #tpu.memory_space<vmem_shared>>
      tpu.enqueue_dma source(%arg11 : memref<16x128xf32, #tpu.memory_space<vmem>>) target(%dma_start3A_95 : memref<16x128xf32, #tpu.memory_space<vmem_shared>>) target_semaphore(%run_scoped3A : memref<!tpu.dma_semaphore, #tpu.memory_space<semaphore_mem>>)
      %dma_wait3A = arith.constant 0 : i32
      %dma_wait3A_96 = tpu.memref_slice %arg14[%add3A_9, %dma_wait3A] : memref<10240x128xf32, #tpu.memory_space<vmem_shared>> -> memref<16x128xf32, #tpu.memory_space<vmem_shared>>
      %dma_wait3A_97 = arith.constant 0 : i32
      %dma_wait3A_98 = tpu.memref_slice %arg14[%add3A_9, %dma_wait3A_97] : memref<10240x128xf32, #tpu.memory_space<vmem_shared>> -> memref<16x128xf32, #tpu.memory_space<vmem_shared>>
      tpu.wait_dma2 semaphore(%run_scoped3A : memref<!tpu.dma_semaphore, #tpu.memory_space<semaphore_mem>>) src(%arg11 : memref<16x128xf32, #tpu.memory_space<vmem>>) dst(%dma_wait3A_98 : memref<16x128xf32, #tpu.memory_space<vmem_shared>>)
      tpu.yield
    }) : () -> ()
    %add3A_10 = arith.constant 32 : i32
    %add3A_11 = arith.addi %mul3A_0, %add3A_10 : i32
    "tpu.region"() ({
      %run_scoped3A = tpu.sem_alloc : memref<!tpu.dma_semaphore, #tpu.memory_space<semaphore_mem>>
      %dma_start3A = arith.constant 0 : i32
      %dma_start3A_93 = tpu.memref_slice %arg14[%add3A_11, %dma_start3A] : memref<10240x128xf32, #tpu.memory_space<vmem_shared>> -> memref<16x128xf32, #tpu.memory_space<vmem_shared>>
      %dma_start3A_94 = arith.constant 0 : i32
      %dma_start3A_95 = tpu.memref_slice %arg14[%add3A_11, %dma_start3A_94] : memref<10240x128xf32, #tpu.memory_space<vmem_shared>> -> memref<16x128xf32, #tpu.memory_space<vmem_shared>>
      tpu.enqueue_dma source(%arg11 : memref<16x128xf32, #tpu.memory_space<vmem>>) target(%dma_start3A_95 : memref<16x128xf32, #tpu.memory_space<vmem_shared>>) target_semaphore(%run_scoped3A : memref<!tpu.dma_semaphore, #tpu.memory_space<semaphore_mem>>)
      %dma_wait3A = arith.constant 0 : i32
      %dma_wait3A_96 = tpu.memref_slice %arg14[%add3A_11, %dma_wait3A] : memref<10240x128xf32, #tpu.memory_space<vmem_shared>> -> memref<16x128xf32, #tpu.memory_space<vmem_shared>>
      %dma_wait3A_97 = arith.constant 0 : i32
      %dma_wait3A_98 = tpu.memref_slice %arg14[%add3A_11, %dma_wait3A_97] : memref<10240x128xf32, #tpu.memory_space<vmem_shared>> -> memref<16x128xf32, #tpu.memory_space<vmem_shared>>
      tpu.wait_dma2 semaphore(%run_scoped3A : memref<!tpu.dma_semaphore, #tpu.memory_space<semaphore_mem>>) src(%arg11 : memref<16x128xf32, #tpu.memory_space<vmem>>) dst(%dma_wait3A_98 : memref<16x128xf32, #tpu.memory_space<vmem_shared>>)
      tpu.yield
    }) : () -> ()
    %add3A_12 = arith.constant 48 : i32
    %add3A_13 = arith.addi %mul3A_0, %add3A_12 : i32
    "tpu.region"() ({
      %run_scoped3A = tpu.sem_alloc : memref<!tpu.dma_semaphore, #tpu.memory_space<semaphore_mem>>
      %dma_start3A = arith.constant 0 : i32
      %dma_start3A_93 = tpu.memref_slice %arg14[%add3A_13, %dma_start3A] : memref<10240x128xf32, #tpu.memory_space<vmem_shared>> -> memref<16x128xf32, #tpu.memory_space<vmem_shared>>
      %dma_start3A_94 = arith.constant 0 : i32
      %dma_start3A_95 = tpu.memref_slice %arg14[%add3A_13, %dma_start3A_94] : memref<10240x128xf32, #tpu.memory_space<vmem_shared>> -> memref<16x128xf32, #tpu.memory_space<vmem_shared>>
      tpu.enqueue_dma source(%arg11 : memref<16x128xf32, #tpu.memory_space<vmem>>) target(%dma_start3A_95 : memref<16x128xf32, #tpu.memory_space<vmem_shared>>) target_semaphore(%run_scoped3A : memref<!tpu.dma_semaphore, #tpu.memory_space<semaphore_mem>>)
      %dma_wait3A = arith.constant 0 : i32
      %dma_wait3A_96 = tpu.memref_slice %arg14[%add3A_13, %dma_wait3A] : memref<10240x128xf32, #tpu.memory_space<vmem_shared>> -> memref<16x128xf32, #tpu.memory_space<vmem_shared>>
      %dma_wait3A_97 = arith.constant 0 : i32
      %dma_wait3A_98 = tpu.memref_slice %arg14[%add3A_13, %dma_wait3A_97] : memref<10240x128xf32, #tpu.memory_space<vmem_shared>> -> memref<16x128xf32, #tpu.memory_space<vmem_shared>>
      tpu.wait_dma2 semaphore(%run_scoped3A : memref<!tpu.dma_semaphore, #tpu.memory_space<semaphore_mem>>) src(%arg11 : memref<16x128xf32, #tpu.memory_space<vmem>>) dst(%dma_wait3A_98 : memref<16x128xf32, #tpu.memory_space<vmem_shared>>)
      tpu.yield
    }) : () -> ()
    %add3A_14 = arith.constant 64 : i32
    %add3A_15 = arith.addi %mul3A_0, %add3A_14 : i32
    "tpu.region"() ({
      %run_scoped3A = tpu.sem_alloc : memref<!tpu.dma_semaphore, #tpu.memory_space<semaphore_mem>>
      %dma_start3A = arith.constant 0 : i32
      %dma_start3A_93 = tpu.memref_slice %arg14[%add3A_15, %dma_start3A] : memref<10240x128xf32, #tpu.memory_space<vmem_shared>> -> memref<16x128xf32, #tpu.memory_space<vmem_shared>>
      %dma_start3A_94 = arith.constant 0 : i32
      %dma_start3A_95 = tpu.memref_slice %arg14[%add3A_15, %dma_start3A_94] : memref<10240x128xf32, #tpu.memory_space<vmem_shared>> -> memref<16x128xf32, #tpu.memory_space<vmem_shared>>
      tpu.enqueue_dma source(%arg11 : memref<16x128xf32, #tpu.memory_space<vmem>>) target(%dma_start3A_95 : memref<16x128xf32, #tpu.memory_space<vmem_shared>>) target_semaphore(%run_scoped3A : memref<!tpu.dma_semaphore, #tpu.memory_space<semaphore_mem>>)
      %dma_wait3A = arith.constant 0 : i32
      %dma_wait3A_96 = tpu.memref_slice %arg14[%add3A_15, %dma_wait3A] : memref<10240x128xf32, #tpu.memory_space<vmem_shared>> -> memref<16x128xf32, #tpu.memory_space<vmem_shared>>
      %dma_wait3A_97 = arith.constant 0 : i32
      %dma_wait3A_98 = tpu.memref_slice %arg14[%add3A_15, %dma_wait3A_97] : memref<10240x128xf32, #tpu.memory_space<vmem_shared>> -> memref<16x128xf32, #tpu.memory_space<vmem_shared>>
      tpu.wait_dma2 semaphore(%run_scoped3A : memref<!tpu.dma_semaphore, #tpu.memory_space<semaphore_mem>>) src(%arg11 : memref<16x128xf32, #tpu.memory_space<vmem>>) dst(%dma_wait3A_98 : memref<16x128xf32, #tpu.memory_space<vmem_shared>>)
      tpu.yield
    }) : () -> ()
    %add3A_16 = arith.constant 80 : i32
    %add3A_17 = arith.addi %mul3A_0, %add3A_16 : i32
    "tpu.region"() ({
      %run_scoped3A = tpu.sem_alloc : memref<!tpu.dma_semaphore, #tpu.memory_space<semaphore_mem>>
      %dma_start3A = arith.constant 0 : i32
      %dma_start3A_93 = tpu.memref_slice %arg14[%add3A_17, %dma_start3A] : memref<10240x128xf32, #tpu.memory_space<vmem_shared>> -> memref<16x128xf32, #tpu.memory_space<vmem_shared>>
      %dma_start3A_94 = arith.constant 0 : i32
      %dma_start3A_95 = tpu.memref_slice %arg14[%add3A_17, %dma_start3A_94] : memref<10240x128xf32, #tpu.memory_space<vmem_shared>> -> memref<16x128xf32, #tpu.memory_space<vmem_shared>>
      tpu.enqueue_dma source(%arg11 : memref<16x128xf32, #tpu.memory_space<vmem>>) target(%dma_start3A_95 : memref<16x128xf32, #tpu.memory_space<vmem_shared>>) target_semaphore(%run_scoped3A : memref<!tpu.dma_semaphore, #tpu.memory_space<semaphore_mem>>)
      %dma_wait3A = arith.constant 0 : i32
      %dma_wait3A_96 = tpu.memref_slice %arg14[%add3A_17, %dma_wait3A] : memref<10240x128xf32, #tpu.memory_space<vmem_shared>> -> memref<16x128xf32, #tpu.memory_space<vmem_shared>>
      %dma_wait3A_97 = arith.constant 0 : i32
      %dma_wait3A_98 = tpu.memref_slice %arg14[%add3A_17, %dma_wait3A_97] : memref<10240x128xf32, #tpu.memory_space<vmem_shared>> -> memref<16x128xf32, #tpu.memory_space<vmem_shared>>
      tpu.wait_dma2 semaphore(%run_scoped3A : memref<!tpu.dma_semaphore, #tpu.memory_space<semaphore_mem>>) src(%arg11 : memref<16x128xf32, #tpu.memory_space<vmem>>) dst(%dma_wait3A_98 : memref<16x128xf32, #tpu.memory_space<vmem_shared>>)
      tpu.yield
    }) : () -> ()
    %add3A_18 = arith.constant 96 : i32
    %add3A_19 = arith.addi %mul3A_0, %add3A_18 : i32
    "tpu.region"() ({
      %run_scoped3A = tpu.sem_alloc : memref<!tpu.dma_semaphore, #tpu.memory_space<semaphore_mem>>
      %dma_start3A = arith.constant 0 : i32
      %dma_start3A_93 = tpu.memref_slice %arg14[%add3A_19, %dma_start3A] : memref<10240x128xf32, #tpu.memory_space<vmem_shared>> -> memref<16x128xf32, #tpu.memory_space<vmem_shared>>
      %dma_start3A_94 = arith.constant 0 : i32
      %dma_start3A_95 = tpu.memref_slice %arg14[%add3A_19, %dma_start3A_94] : memref<10240x128xf32, #tpu.memory_space<vmem_shared>> -> memref<16x128xf32, #tpu.memory_space<vmem_shared>>
      tpu.enqueue_dma source(%arg11 : memref<16x128xf32, #tpu.memory_space<vmem>>) target(%dma_start3A_95 : memref<16x128xf32, #tpu.memory_space<vmem_shared>>) target_semaphore(%run_scoped3A : memref<!tpu.dma_semaphore, #tpu.memory_space<semaphore_mem>>)
      %dma_wait3A = arith.constant 0 : i32
      %dma_wait3A_96 = tpu.memref_slice %arg14[%add3A_19, %dma_wait3A] : memref<10240x128xf32, #tpu.memory_space<vmem_shared>> -> memref<16x128xf32, #tpu.memory_space<vmem_shared>>
      %dma_wait3A_97 = arith.constant 0 : i32
      %dma_wait3A_98 = tpu.memref_slice %arg14[%add3A_19, %dma_wait3A_97] : memref<10240x128xf32, #tpu.memory_space<vmem_shared>> -> memref<16x128xf32, #tpu.memory_space<vmem_shared>>
      tpu.wait_dma2 semaphore(%run_scoped3A : memref<!tpu.dma_semaphore, #tpu.memory_space<semaphore_mem>>) src(%arg11 : memref<16x128xf32, #tpu.memory_space<vmem>>) dst(%dma_wait3A_98 : memref<16x128xf32, #tpu.memory_space<vmem_shared>>)
      tpu.yield
    }) : () -> ()
    %add3A_20 = arith.constant 112 : i32
    %add3A_21 = arith.addi %mul3A_0, %add3A_20 : i32
    "tpu.region"() ({
      %run_scoped3A = tpu.sem_alloc : memref<!tpu.dma_semaphore, #tpu.memory_space<semaphore_mem>>
      %dma_start3A = arith.constant 0 : i32
      %dma_start3A_93 = tpu.memref_slice %arg14[%add3A_21, %dma_start3A] : memref<10240x128xf32, #tpu.memory_space<vmem_shared>> -> memref<16x128xf32, #tpu.memory_space<vmem_shared>>
      %dma_start3A_94 = arith.constant 0 : i32
      %dma_start3A_95 = tpu.memref_slice %arg14[%add3A_21, %dma_start3A_94] : memref<10240x128xf32, #tpu.memory_space<vmem_shared>> -> memref<16x128xf32, #tpu.memory_space<vmem_shared>>
      tpu.enqueue_dma source(%arg11 : memref<16x128xf32, #tpu.memory_space<vmem>>) target(%dma_start3A_95 : memref<16x128xf32, #tpu.memory_space<vmem_shared>>) target_semaphore(%run_scoped3A : memref<!tpu.dma_semaphore, #tpu.memory_space<semaphore_mem>>)
      %dma_wait3A = arith.constant 0 : i32
      %dma_wait3A_96 = tpu.memref_slice %arg14[%add3A_21, %dma_wait3A] : memref<10240x128xf32, #tpu.memory_space<vmem_shared>> -> memref<16x128xf32, #tpu.memory_space<vmem_shared>>
      %dma_wait3A_97 = arith.constant 0 : i32
      %dma_wait3A_98 = tpu.memref_slice %arg14[%add3A_21, %dma_wait3A_97] : memref<10240x128xf32, #tpu.memory_space<vmem_shared>> -> memref<16x128xf32, #tpu.memory_space<vmem_shared>>
      tpu.wait_dma2 semaphore(%run_scoped3A : memref<!tpu.dma_semaphore, #tpu.memory_space<semaphore_mem>>) src(%arg11 : memref<16x128xf32, #tpu.memory_space<vmem>>) dst(%dma_wait3A_98 : memref<16x128xf32, #tpu.memory_space<vmem_shared>>)
      tpu.yield
    }) : () -> ()
    %add3A_22 = arith.constant 128 : i32
    %add3A_23 = arith.addi %mul3A_0, %add3A_22 : i32
    "tpu.region"() ({
      %run_scoped3A = tpu.sem_alloc : memref<!tpu.dma_semaphore, #tpu.memory_space<semaphore_mem>>
      %dma_start3A = arith.constant 0 : i32
      %dma_start3A_93 = tpu.memref_slice %arg14[%add3A_23, %dma_start3A] : memref<10240x128xf32, #tpu.memory_space<vmem_shared>> -> memref<16x128xf32, #tpu.memory_space<vmem_shared>>
      %dma_start3A_94 = arith.constant 0 : i32
      %dma_start3A_95 = tpu.memref_slice %arg14[%add3A_23, %dma_start3A_94] : memref<10240x128xf32, #tpu.memory_space<vmem_shared>> -> memref<16x128xf32, #tpu.memory_space<vmem_shared>>
      tpu.enqueue_dma source(%arg11 : memref<16x128xf32, #tpu.memory_space<vmem>>) target(%dma_start3A_95 : memref<16x128xf32, #tpu.memory_space<vmem_shared>>) target_semaphore(%run_scoped3A : memref<!tpu.dma_semaphore, #tpu.memory_space<semaphore_mem>>)
      %dma_wait3A = arith.constant 0 : i32
      %dma_wait3A_96 = tpu.memref_slice %arg14[%add3A_23, %dma_wait3A] : memref<10240x128xf32, #tpu.memory_space<vmem_shared>> -> memref<16x128xf32, #tpu.memory_space<vmem_shared>>
      %dma_wait3A_97 = arith.constant 0 : i32
      %dma_wait3A_98 = tpu.memref_slice %arg14[%add3A_23, %dma_wait3A_97] : memref<10240x128xf32, #tpu.memory_space<vmem_shared>> -> memref<16x128xf32, #tpu.memory_space<vmem_shared>>
      tpu.wait_dma2 semaphore(%run_scoped3A : memref<!tpu.dma_semaphore, #tpu.memory_space<semaphore_mem>>) src(%arg11 : memref<16x128xf32, #tpu.memory_space<vmem>>) dst(%dma_wait3A_98 : memref<16x128xf32, #tpu.memory_space<vmem_shared>>)
      tpu.yield
    }) : () -> ()
    %add3A_24 = arith.constant 144 : i32
    %add3A_25 = arith.addi %mul3A_0, %add3A_24 : i32
    "tpu.region"() ({
      %run_scoped3A = tpu.sem_alloc : memref<!tpu.dma_semaphore, #tpu.memory_space<semaphore_mem>>
      %dma_start3A = arith.constant 0 : i32
      %dma_start3A_93 = tpu.memref_slice %arg14[%add3A_25, %dma_start3A] : memref<10240x128xf32, #tpu.memory_space<vmem_shared>> -> memref<16x128xf32, #tpu.memory_space<vmem_shared>>
      %dma_start3A_94 = arith.constant 0 : i32
      %dma_start3A_95 = tpu.memref_slice %arg14[%add3A_25, %dma_start3A_94] : memref<10240x128xf32, #tpu.memory_space<vmem_shared>> -> memref<16x128xf32, #tpu.memory_space<vmem_shared>>
      tpu.enqueue_dma source(%arg11 : memref<16x128xf32, #tpu.memory_space<vmem>>) target(%dma_start3A_95 : memref<16x128xf32, #tpu.memory_space<vmem_shared>>) target_semaphore(%run_scoped3A : memref<!tpu.dma_semaphore, #tpu.memory_space<semaphore_mem>>)
      %dma_wait3A = arith.constant 0 : i32
      %dma_wait3A_96 = tpu.memref_slice %arg14[%add3A_25, %dma_wait3A] : memref<10240x128xf32, #tpu.memory_space<vmem_shared>> -> memref<16x128xf32, #tpu.memory_space<vmem_shared>>
      %dma_wait3A_97 = arith.constant 0 : i32
      %dma_wait3A_98 = tpu.memref_slice %arg14[%add3A_25, %dma_wait3A_97] : memref<10240x128xf32, #tpu.memory_space<vmem_shared>> -> memref<16x128xf32, #tpu.memory_space<vmem_shared>>
      tpu.wait_dma2 semaphore(%run_scoped3A : memref<!tpu.dma_semaphore, #tpu.memory_space<semaphore_mem>>) src(%arg11 : memref<16x128xf32, #tpu.memory_space<vmem>>) dst(%dma_wait3A_98 : memref<16x128xf32, #tpu.memory_space<vmem_shared>>)
      tpu.yield
    }) : () -> ()
    %add3A_26 = arith.constant 160 : i32
    %add3A_27 = arith.addi %mul3A_0, %add3A_26 : i32
    "tpu.region"() ({
      %run_scoped3A = tpu.sem_alloc : memref<!tpu.dma_semaphore, #tpu.memory_space<semaphore_mem>>
      %dma_start3A = arith.constant 0 : i32
      %dma_start3A_93 = tpu.memref_slice %arg14[%add3A_27, %dma_start3A] : memref<10240x128xf32, #tpu.memory_space<vmem_shared>> -> memref<16x128xf32, #tpu.memory_space<vmem_shared>>
      %dma_start3A_94 = arith.constant 0 : i32
      %dma_start3A_95 = tpu.memref_slice %arg14[%add3A_27, %dma_start3A_94] : memref<10240x128xf32, #tpu.memory_space<vmem_shared>> -> memref<16x128xf32, #tpu.memory_space<vmem_shared>>
      tpu.enqueue_dma source(%arg11 : memref<16x128xf32, #tpu.memory_space<vmem>>) target(%dma_start3A_95 : memref<16x128xf32, #tpu.memory_space<vmem_shared>>) target_semaphore(%run_scoped3A : memref<!tpu.dma_semaphore, #tpu.memory_space<semaphore_mem>>)
      %dma_wait3A = arith.constant 0 : i32
      %dma_wait3A_96 = tpu.memref_slice %arg14[%add3A_27, %dma_wait3A] : memref<10240x128xf32, #tpu.memory_space<vmem_shared>> -> memref<16x128xf32, #tpu.memory_space<vmem_shared>>
      %dma_wait3A_97 = arith.constant 0 : i32
      %dma_wait3A_98 = tpu.memref_slice %arg14[%add3A_27, %dma_wait3A_97] : memref<10240x128xf32, #tpu.memory_space<vmem_shared>> -> memref<16x128xf32, #tpu.memory_space<vmem_shared>>
      tpu.wait_dma2 semaphore(%run_scoped3A : memref<!tpu.dma_semaphore, #tpu.memory_space<semaphore_mem>>) src(%arg11 : memref<16x128xf32, #tpu.memory_space<vmem>>) dst(%dma_wait3A_98 : memref<16x128xf32, #tpu.memory_space<vmem_shared>>)
      tpu.yield
    }) : () -> ()
    %add3A_28 = arith.constant 176 : i32
    %add3A_29 = arith.addi %mul3A_0, %add3A_28 : i32
    "tpu.region"() ({
      %run_scoped3A = tpu.sem_alloc : memref<!tpu.dma_semaphore, #tpu.memory_space<semaphore_mem>>
      %dma_start3A = arith.constant 0 : i32
      %dma_start3A_93 = tpu.memref_slice %arg14[%add3A_29, %dma_start3A] : memref<10240x128xf32, #tpu.memory_space<vmem_shared>> -> memref<16x128xf32, #tpu.memory_space<vmem_shared>>
      %dma_start3A_94 = arith.constant 0 : i32
      %dma_start3A_95 = tpu.memref_slice %arg14[%add3A_29, %dma_start3A_94] : memref<10240x128xf32, #tpu.memory_space<vmem_shared>> -> memref<16x128xf32, #tpu.memory_space<vmem_shared>>
      tpu.enqueue_dma source(%arg11 : memref<16x128xf32, #tpu.memory_space<vmem>>) target(%dma_start3A_95 : memref<16x128xf32, #tpu.memory_space<vmem_shared>>) target_semaphore(%run_scoped3A : memref<!tpu.dma_semaphore, #tpu.memory_space<semaphore_mem>>)
      %dma_wait3A = arith.constant 0 : i32
      %dma_wait3A_96 = tpu.memref_slice %arg14[%add3A_29, %dma_wait3A] : memref<10240x128xf32, #tpu.memory_space<vmem_shared>> -> memref<16x128xf32, #tpu.memory_space<vmem_shared>>
      %dma_wait3A_97 = arith.constant 0 : i32
      %dma_wait3A_98 = tpu.memref_slice %arg14[%add3A_29, %dma_wait3A_97] : memref<10240x128xf32, #tpu.memory_space<vmem_shared>> -> memref<16x128xf32, #tpu.memory_space<vmem_shared>>
      tpu.wait_dma2 semaphore(%run_scoped3A : memref<!tpu.dma_semaphore, #tpu.memory_space<semaphore_mem>>) src(%arg11 : memref<16x128xf32, #tpu.memory_space<vmem>>) dst(%dma_wait3A_98 : memref<16x128xf32, #tpu.memory_space<vmem_shared>>)
      tpu.yield
    }) : () -> ()
    %add3A_30 = arith.constant 192 : i32
    %add3A_31 = arith.addi %mul3A_0, %add3A_30 : i32
    "tpu.region"() ({
      %run_scoped3A = tpu.sem_alloc : memref<!tpu.dma_semaphore, #tpu.memory_space<semaphore_mem>>
      %dma_start3A = arith.constant 0 : i32
      %dma_start3A_93 = tpu.memref_slice %arg14[%add3A_31, %dma_start3A] : memref<10240x128xf32, #tpu.memory_space<vmem_shared>> -> memref<16x128xf32, #tpu.memory_space<vmem_shared>>
      %dma_start3A_94 = arith.constant 0 : i32
      %dma_start3A_95 = tpu.memref_slice %arg14[%add3A_31, %dma_start3A_94] : memref<10240x128xf32, #tpu.memory_space<vmem_shared>> -> memref<16x128xf32, #tpu.memory_space<vmem_shared>>
      tpu.enqueue_dma source(%arg11 : memref<16x128xf32, #tpu.memory_space<vmem>>) target(%dma_start3A_95 : memref<16x128xf32, #tpu.memory_space<vmem_shared>>) target_semaphore(%run_scoped3A : memref<!tpu.dma_semaphore, #tpu.memory_space<semaphore_mem>>)
      %dma_wait3A = arith.constant 0 : i32
      %dma_wait3A_96 = tpu.memref_slice %arg14[%add3A_31, %dma_wait3A] : memref<10240x128xf32, #tpu.memory_space<vmem_shared>> -> memref<16x128xf32, #tpu.memory_space<vmem_shared>>
      %dma_wait3A_97 = arith.constant 0 : i32
      %dma_wait3A_98 = tpu.memref_slice %arg14[%add3A_31, %dma_wait3A_97] : memref<10240x128xf32, #tpu.memory_space<vmem_shared>> -> memref<16x128xf32, #tpu.memory_space<vmem_shared>>
      tpu.wait_dma2 semaphore(%run_scoped3A : memref<!tpu.dma_semaphore, #tpu.memory_space<semaphore_mem>>) src(%arg11 : memref<16x128xf32, #tpu.memory_space<vmem>>) dst(%dma_wait3A_98 : memref<16x128xf32, #tpu.memory_space<vmem_shared>>)
      tpu.yield
    }) : () -> ()
    %add3A_32 = arith.constant 208 : i32
    %add3A_33 = arith.addi %mul3A_0, %add3A_32 : i32
    "tpu.region"() ({
      %run_scoped3A = tpu.sem_alloc : memref<!tpu.dma_semaphore, #tpu.memory_space<semaphore_mem>>
      %dma_start3A = arith.constant 0 : i32
      %dma_start3A_93 = tpu.memref_slice %arg14[%add3A_33, %dma_start3A] : memref<10240x128xf32, #tpu.memory_space<vmem_shared>> -> memref<16x128xf32, #tpu.memory_space<vmem_shared>>
      %dma_start3A_94 = arith.constant 0 : i32
      %dma_start3A_95 = tpu.memref_slice %arg14[%add3A_33, %dma_start3A_94] : memref<10240x128xf32, #tpu.memory_space<vmem_shared>> -> memref<16x128xf32, #tpu.memory_space<vmem_shared>>
      tpu.enqueue_dma source(%arg11 : memref<16x128xf32, #tpu.memory_space<vmem>>) target(%dma_start3A_95 : memref<16x128xf32, #tpu.memory_space<vmem_shared>>) target_semaphore(%run_scoped3A : memref<!tpu.dma_semaphore, #tpu.memory_space<semaphore_mem>>)
      %dma_wait3A = arith.constant 0 : i32
      %dma_wait3A_96 = tpu.memref_slice %arg14[%add3A_33, %dma_wait3A] : memref<10240x128xf32, #tpu.memory_space<vmem_shared>> -> memref<16x128xf32, #tpu.memory_space<vmem_shared>>
      %dma_wait3A_97 = arith.constant 0 : i32
      %dma_wait3A_98 = tpu.memref_slice %arg14[%add3A_33, %dma_wait3A_97] : memref<10240x128xf32, #tpu.memory_space<vmem_shared>> -> memref<16x128xf32, #tpu.memory_space<vmem_shared>>
      tpu.wait_dma2 semaphore(%run_scoped3A : memref<!tpu.dma_semaphore, #tpu.memory_space<semaphore_mem>>) src(%arg11 : memref<16x128xf32, #tpu.memory_space<vmem>>) dst(%dma_wait3A_98 : memref<16x128xf32, #tpu.memory_space<vmem_shared>>)
      tpu.yield
    }) : () -> ()
    %add3A_34 = arith.constant 224 : i32
    %add3A_35 = arith.addi %mul3A_0, %add3A_34 : i32
    "tpu.region"() ({
      %run_scoped3A = tpu.sem_alloc : memref<!tpu.dma_semaphore, #tpu.memory_space<semaphore_mem>>
      %dma_start3A = arith.constant 0 : i32
      %dma_start3A_93 = tpu.memref_slice %arg14[%add3A_35, %dma_start3A] : memref<10240x128xf32, #tpu.memory_space<vmem_shared>> -> memref<16x128xf32, #tpu.memory_space<vmem_shared>>
      %dma_start3A_94 = arith.constant 0 : i32
      %dma_start3A_95 = tpu.memref_slice %arg14[%add3A_35, %dma_start3A_94] : memref<10240x128xf32, #tpu.memory_space<vmem_shared>> -> memref<16x128xf32, #tpu.memory_space<vmem_shared>>
      tpu.enqueue_dma source(%arg11 : memref<16x128xf32, #tpu.memory_space<vmem>>) target(%dma_start3A_95 : memref<16x128xf32, #tpu.memory_space<vmem_shared>>) target_semaphore(%run_scoped3A : memref<!tpu.dma_semaphore, #tpu.memory_space<semaphore_mem>>)
      %dma_wait3A = arith.constant 0 : i32
      %dma_wait3A_96 = tpu.memref_slice %arg14[%add3A_35, %dma_wait3A] : memref<10240x128xf32, #tpu.memory_space<vmem_shared>> -> memref<16x128xf32, #tpu.memory_space<vmem_shared>>
      %dma_wait3A_97 = arith.constant 0 : i32
      %dma_wait3A_98 = tpu.memref_slice %arg14[%add3A_35, %dma_wait3A_97] : memref<10240x128xf32, #tpu.memory_space<vmem_shared>> -> memref<16x128xf32, #tpu.memory_space<vmem_shared>>
      tpu.wait_dma2 semaphore(%run_scoped3A : memref<!tpu.dma_semaphore, #tpu.memory_space<semaphore_mem>>) src(%arg11 : memref<16x128xf32, #tpu.memory_space<vmem>>) dst(%dma_wait3A_98 : memref<16x128xf32, #tpu.memory_space<vmem_shared>>)
      tpu.yield
    }) : () -> ()
    %add3A_36 = arith.constant 240 : i32
    %add3A_37 = arith.addi %mul3A_0, %add3A_36 : i32
    "tpu.region"() ({
      %run_scoped3A = tpu.sem_alloc : memref<!tpu.dma_semaphore, #tpu.memory_space<semaphore_mem>>
      %dma_start3A = arith.constant 0 : i32
      %dma_start3A_93 = tpu.memref_slice %arg14[%add3A_37, %dma_start3A] : memref<10240x128xf32, #tpu.memory_space<vmem_shared>> -> memref<16x128xf32, #tpu.memory_space<vmem_shared>>
      %dma_start3A_94 = arith.constant 0 : i32
      %dma_start3A_95 = tpu.memref_slice %arg14[%add3A_37, %dma_start3A_94] : memref<10240x128xf32, #tpu.memory_space<vmem_shared>> -> memref<16x128xf32, #tpu.memory_space<vmem_shared>>
      tpu.enqueue_dma source(%arg11 : memref<16x128xf32, #tpu.memory_space<vmem>>) target(%dma_start3A_95 : memref<16x128xf32, #tpu.memory_space<vmem_shared>>) target_semaphore(%run_scoped3A : memref<!tpu.dma_semaphore, #tpu.memory_space<semaphore_mem>>)
      %dma_wait3A = arith.constant 0 : i32
      %dma_wait3A_96 = tpu.memref_slice %arg14[%add3A_37, %dma_wait3A] : memref<10240x128xf32, #tpu.memory_space<vmem_shared>> -> memref<16x128xf32, #tpu.memory_space<vmem_shared>>
      %dma_wait3A_97 = arith.constant 0 : i32
      %dma_wait3A_98 = tpu.memref_slice %arg14[%add3A_37, %dma_wait3A_97] : memref<10240x128xf32, #tpu.memory_space<vmem_shared>> -> memref<16x128xf32, #tpu.memory_space<vmem_shared>>
      tpu.wait_dma2 semaphore(%run_scoped3A : memref<!tpu.dma_semaphore, #tpu.memory_space<semaphore_mem>>) src(%arg11 : memref<16x128xf32, #tpu.memory_space<vmem>>) dst(%dma_wait3A_98 : memref<16x128xf32, #tpu.memory_space<vmem_shared>>)
      tpu.yield
    }) : () -> ()
    %add3A_38 = arith.constant 256 : i32
    %add3A_39 = arith.addi %mul3A_0, %add3A_38 : i32
    "tpu.region"() ({
      %run_scoped3A = tpu.sem_alloc : memref<!tpu.dma_semaphore, #tpu.memory_space<semaphore_mem>>
      %dma_start3A = arith.constant 0 : i32
      %dma_start3A_93 = tpu.memref_slice %arg14[%add3A_39, %dma_start3A] : memref<10240x128xf32, #tpu.memory_space<vmem_shared>> -> memref<16x128xf32, #tpu.memory_space<vmem_shared>>
      %dma_start3A_94 = arith.constant 0 : i32
      %dma_start3A_95 = tpu.memref_slice %arg14[%add3A_39, %dma_start3A_94] : memref<10240x128xf32, #tpu.memory_space<vmem_shared>> -> memref<16x128xf32, #tpu.memory_space<vmem_shared>>
      tpu.enqueue_dma source(%arg11 : memref<16x128xf32, #tpu.memory_space<vmem>>) target(%dma_start3A_95 : memref<16x128xf32, #tpu.memory_space<vmem_shared>>) target_semaphore(%run_scoped3A : memref<!tpu.dma_semaphore, #tpu.memory_space<semaphore_mem>>)
      %dma_wait3A = arith.constant 0 : i32
      %dma_wait3A_96 = tpu.memref_slice %arg14[%add3A_39, %dma_wait3A] : memref<10240x128xf32, #tpu.memory_space<vmem_shared>> -> memref<16x128xf32, #tpu.memory_space<vmem_shared>>
      %dma_wait3A_97 = arith.constant 0 : i32
      %dma_wait3A_98 = tpu.memref_slice %arg14[%add3A_39, %dma_wait3A_97] : memref<10240x128xf32, #tpu.memory_space<vmem_shared>> -> memref<16x128xf32, #tpu.memory_space<vmem_shared>>
      tpu.wait_dma2 semaphore(%run_scoped3A : memref<!tpu.dma_semaphore, #tpu.memory_space<semaphore_mem>>) src(%arg11 : memref<16x128xf32, #tpu.memory_space<vmem>>) dst(%dma_wait3A_98 : memref<16x128xf32, #tpu.memory_space<vmem_shared>>)
      tpu.yield
    }) : () -> ()
    %add3A_40 = arith.constant 272 : i32
    %add3A_41 = arith.addi %mul3A_0, %add3A_40 : i32
    "tpu.region"() ({
      %run_scoped3A = tpu.sem_alloc : memref<!tpu.dma_semaphore, #tpu.memory_space<semaphore_mem>>
      %dma_start3A = arith.constant 0 : i32
      %dma_start3A_93 = tpu.memref_slice %arg14[%add3A_41, %dma_start3A] : memref<10240x128xf32, #tpu.memory_space<vmem_shared>> -> memref<16x128xf32, #tpu.memory_space<vmem_shared>>
      %dma_start3A_94 = arith.constant 0 : i32
      %dma_start3A_95 = tpu.memref_slice %arg14[%add3A_41, %dma_start3A_94] : memref<10240x128xf32, #tpu.memory_space<vmem_shared>> -> memref<16x128xf32, #tpu.memory_space<vmem_shared>>
      tpu.enqueue_dma source(%arg11 : memref<16x128xf32, #tpu.memory_space<vmem>>) target(%dma_start3A_95 : memref<16x128xf32, #tpu.memory_space<vmem_shared>>) target_semaphore(%run_scoped3A : memref<!tpu.dma_semaphore, #tpu.memory_space<semaphore_mem>>)
      %dma_wait3A = arith.constant 0 : i32
      %dma_wait3A_96 = tpu.memref_slice %arg14[%add3A_41, %dma_wait3A] : memref<10240x128xf32, #tpu.memory_space<vmem_shared>> -> memref<16x128xf32, #tpu.memory_space<vmem_shared>>
      %dma_wait3A_97 = arith.constant 0 : i32
      %dma_wait3A_98 = tpu.memref_slice %arg14[%add3A_41, %dma_wait3A_97] : memref<10240x128xf32, #tpu.memory_space<vmem_shared>> -> memref<16x128xf32, #tpu.memory_space<vmem_shared>>
      tpu.wait_dma2 semaphore(%run_scoped3A : memref<!tpu.dma_semaphore, #tpu.memory_space<semaphore_mem>>) src(%arg11 : memref<16x128xf32, #tpu.memory_space<vmem>>) dst(%dma_wait3A_98 : memref<16x128xf32, #tpu.memory_space<vmem_shared>>)
      tpu.yield
    }) : () -> ()
    %add3A_42 = arith.constant 288 : i32
    %add3A_43 = arith.addi %mul3A_0, %add3A_42 : i32
    "tpu.region"() ({
      %run_scoped3A = tpu.sem_alloc : memref<!tpu.dma_semaphore, #tpu.memory_space<semaphore_mem>>
      %dma_start3A = arith.constant 0 : i32
      %dma_start3A_93 = tpu.memref_slice %arg14[%add3A_43, %dma_start3A] : memref<10240x128xf32, #tpu.memory_space<vmem_shared>> -> memref<16x128xf32, #tpu.memory_space<vmem_shared>>
      %dma_start3A_94 = arith.constant 0 : i32
      %dma_start3A_95 = tpu.memref_slice %arg14[%add3A_43, %dma_start3A_94] : memref<10240x128xf32, #tpu.memory_space<vmem_shared>> -> memref<16x128xf32, #tpu.memory_space<vmem_shared>>
      tpu.enqueue_dma source(%arg11 : memref<16x128xf32, #tpu.memory_space<vmem>>) target(%dma_start3A_95 : memref<16x128xf32, #tpu.memory_space<vmem_shared>>) target_semaphore(%run_scoped3A : memref<!tpu.dma_semaphore, #tpu.memory_space<semaphore_mem>>)
      %dma_wait3A = arith.constant 0 : i32
      %dma_wait3A_96 = tpu.memref_slice %arg14[%add3A_43, %dma_wait3A] : memref<10240x128xf32, #tpu.memory_space<vmem_shared>> -> memref<16x128xf32, #tpu.memory_space<vmem_shared>>
      %dma_wait3A_97 = arith.constant 0 : i32
      %dma_wait3A_98 = tpu.memref_slice %arg14[%add3A_43, %dma_wait3A_97] : memref<10240x128xf32, #tpu.memory_space<vmem_shared>> -> memref<16x128xf32, #tpu.memory_space<vmem_shared>>
      tpu.wait_dma2 semaphore(%run_scoped3A : memref<!tpu.dma_semaphore, #tpu.memory_space<semaphore_mem>>) src(%arg11 : memref<16x128xf32, #tpu.memory_space<vmem>>) dst(%dma_wait3A_98 : memref<16x128xf32, #tpu.memory_space<vmem_shared>>)
      tpu.yield
    }) : () -> ()
    %add3A_44 = arith.constant 304 : i32
    %add3A_45 = arith.addi %mul3A_0, %add3A_44 : i32
    "tpu.region"() ({
      %run_scoped3A = tpu.sem_alloc : memref<!tpu.dma_semaphore, #tpu.memory_space<semaphore_mem>>
      %dma_start3A = arith.constant 0 : i32
      %dma_start3A_93 = tpu.memref_slice %arg14[%add3A_45, %dma_start3A] : memref<10240x128xf32, #tpu.memory_space<vmem_shared>> -> memref<16x128xf32, #tpu.memory_space<vmem_shared>>
      %dma_start3A_94 = arith.constant 0 : i32
      %dma_start3A_95 = tpu.memref_slice %arg14[%add3A_45, %dma_start3A_94] : memref<10240x128xf32, #tpu.memory_space<vmem_shared>> -> memref<16x128xf32, #tpu.memory_space<vmem_shared>>
      tpu.enqueue_dma source(%arg11 : memref<16x128xf32, #tpu.memory_space<vmem>>) target(%dma_start3A_95 : memref<16x128xf32, #tpu.memory_space<vmem_shared>>) target_semaphore(%run_scoped3A : memref<!tpu.dma_semaphore, #tpu.memory_space<semaphore_mem>>)
      %dma_wait3A = arith.constant 0 : i32
      %dma_wait3A_96 = tpu.memref_slice %arg14[%add3A_45, %dma_wait3A] : memref<10240x128xf32, #tpu.memory_space<vmem_shared>> -> memref<16x128xf32, #tpu.memory_space<vmem_shared>>
      %dma_wait3A_97 = arith.constant 0 : i32
      %dma_wait3A_98 = tpu.memref_slice %arg14[%add3A_45, %dma_wait3A_97] : memref<10240x128xf32, #tpu.memory_space<vmem_shared>> -> memref<16x128xf32, #tpu.memory_space<vmem_shared>>
      tpu.wait_dma2 semaphore(%run_scoped3A : memref<!tpu.dma_semaphore, #tpu.memory_space<semaphore_mem>>) src(%arg11 : memref<16x128xf32, #tpu.memory_space<vmem>>) dst(%dma_wait3A_98 : memref<16x128xf32, #tpu.memory_space<vmem_shared>>)
      tpu.yield
    }) : () -> ()
    %add3A_46 = arith.constant 320 : i32
    %add3A_47 = arith.addi %mul3A_0, %add3A_46 : i32
    "tpu.region"() ({
      %run_scoped3A = tpu.sem_alloc : memref<!tpu.dma_semaphore, #tpu.memory_space<semaphore_mem>>
      %dma_start3A = arith.constant 0 : i32
      %dma_start3A_93 = tpu.memref_slice %arg14[%add3A_47, %dma_start3A] : memref<10240x128xf32, #tpu.memory_space<vmem_shared>> -> memref<16x128xf32, #tpu.memory_space<vmem_shared>>
      %dma_start3A_94 = arith.constant 0 : i32
      %dma_start3A_95 = tpu.memref_slice %arg14[%add3A_47, %dma_start3A_94] : memref<10240x128xf32, #tpu.memory_space<vmem_shared>> -> memref<16x128xf32, #tpu.memory_space<vmem_shared>>
      tpu.enqueue_dma source(%arg11 : memref<16x128xf32, #tpu.memory_space<vmem>>) target(%dma_start3A_95 : memref<16x128xf32, #tpu.memory_space<vmem_shared>>) target_semaphore(%run_scoped3A : memref<!tpu.dma_semaphore, #tpu.memory_space<semaphore_mem>>)
      %dma_wait3A = arith.constant 0 : i32
      %dma_wait3A_96 = tpu.memref_slice %arg14[%add3A_47, %dma_wait3A] : memref<10240x128xf32, #tpu.memory_space<vmem_shared>> -> memref<16x128xf32, #tpu.memory_space<vmem_shared>>
      %dma_wait3A_97 = arith.constant 0 : i32
      %dma_wait3A_98 = tpu.memref_slice %arg14[%add3A_47, %dma_wait3A_97] : memref<10240x128xf32, #tpu.memory_space<vmem_shared>> -> memref<16x128xf32, #tpu.memory_space<vmem_shared>>
      tpu.wait_dma2 semaphore(%run_scoped3A : memref<!tpu.dma_semaphore, #tpu.memory_space<semaphore_mem>>) src(%arg11 : memref<16x128xf32, #tpu.memory_space<vmem>>) dst(%dma_wait3A_98 : memref<16x128xf32, #tpu.memory_space<vmem_shared>>)
      tpu.yield
    }) : () -> ()
    %add3A_48 = arith.constant 336 : i32
    %add3A_49 = arith.addi %mul3A_0, %add3A_48 : i32
    "tpu.region"() ({
      %run_scoped3A = tpu.sem_alloc : memref<!tpu.dma_semaphore, #tpu.memory_space<semaphore_mem>>
      %dma_start3A = arith.constant 0 : i32
      %dma_start3A_93 = tpu.memref_slice %arg14[%add3A_49, %dma_start3A] : memref<10240x128xf32, #tpu.memory_space<vmem_shared>> -> memref<16x128xf32, #tpu.memory_space<vmem_shared>>
      %dma_start3A_94 = arith.constant 0 : i32
      %dma_start3A_95 = tpu.memref_slice %arg14[%add3A_49, %dma_start3A_94] : memref<10240x128xf32, #tpu.memory_space<vmem_shared>> -> memref<16x128xf32, #tpu.memory_space<vmem_shared>>
      tpu.enqueue_dma source(%arg11 : memref<16x128xf32, #tpu.memory_space<vmem>>) target(%dma_start3A_95 : memref<16x128xf32, #tpu.memory_space<vmem_shared>>) target_semaphore(%run_scoped3A : memref<!tpu.dma_semaphore, #tpu.memory_space<semaphore_mem>>)
      %dma_wait3A = arith.constant 0 : i32
      %dma_wait3A_96 = tpu.memref_slice %arg14[%add3A_49, %dma_wait3A] : memref<10240x128xf32, #tpu.memory_space<vmem_shared>> -> memref<16x128xf32, #tpu.memory_space<vmem_shared>>
      %dma_wait3A_97 = arith.constant 0 : i32
      %dma_wait3A_98 = tpu.memref_slice %arg14[%add3A_49, %dma_wait3A_97] : memref<10240x128xf32, #tpu.memory_space<vmem_shared>> -> memref<16x128xf32, #tpu.memory_space<vmem_shared>>
      tpu.wait_dma2 semaphore(%run_scoped3A : memref<!tpu.dma_semaphore, #tpu.memory_space<semaphore_mem>>) src(%arg11 : memref<16x128xf32, #tpu.memory_space<vmem>>) dst(%dma_wait3A_98 : memref<16x128xf32, #tpu.memory_space<vmem_shared>>)
      tpu.yield
    }) : () -> ()
    %add3A_50 = arith.constant 352 : i32
    %add3A_51 = arith.addi %mul3A_0, %add3A_50 : i32
    "tpu.region"() ({
      %run_scoped3A = tpu.sem_alloc : memref<!tpu.dma_semaphore, #tpu.memory_space<semaphore_mem>>
      %dma_start3A = arith.constant 0 : i32
      %dma_start3A_93 = tpu.memref_slice %arg14[%add3A_51, %dma_start3A] : memref<10240x128xf32, #tpu.memory_space<vmem_shared>> -> memref<16x128xf32, #tpu.memory_space<vmem_shared>>
      %dma_start3A_94 = arith.constant 0 : i32
      %dma_start3A_95 = tpu.memref_slice %arg14[%add3A_51, %dma_start3A_94] : memref<10240x128xf32, #tpu.memory_space<vmem_shared>> -> memref<16x128xf32, #tpu.memory_space<vmem_shared>>
      tpu.enqueue_dma source(%arg11 : memref<16x128xf32, #tpu.memory_space<vmem>>) target(%dma_start3A_95 : memref<16x128xf32, #tpu.memory_space<vmem_shared>>) target_semaphore(%run_scoped3A : memref<!tpu.dma_semaphore, #tpu.memory_space<semaphore_mem>>)
      %dma_wait3A = arith.constant 0 : i32
      %dma_wait3A_96 = tpu.memref_slice %arg14[%add3A_51, %dma_wait3A] : memref<10240x128xf32, #tpu.memory_space<vmem_shared>> -> memref<16x128xf32, #tpu.memory_space<vmem_shared>>
      %dma_wait3A_97 = arith.constant 0 : i32
      %dma_wait3A_98 = tpu.memref_slice %arg14[%add3A_51, %dma_wait3A_97] : memref<10240x128xf32, #tpu.memory_space<vmem_shared>> -> memref<16x128xf32, #tpu.memory_space<vmem_shared>>
      tpu.wait_dma2 semaphore(%run_scoped3A : memref<!tpu.dma_semaphore, #tpu.memory_space<semaphore_mem>>) src(%arg11 : memref<16x128xf32, #tpu.memory_space<vmem>>) dst(%dma_wait3A_98 : memref<16x128xf32, #tpu.memory_space<vmem_shared>>)
      tpu.yield
    }) : () -> ()
    %add3A_52 = arith.constant 368 : i32
    %add3A_53 = arith.addi %mul3A_0, %add3A_52 : i32
    "tpu.region"() ({
      %run_scoped3A = tpu.sem_alloc : memref<!tpu.dma_semaphore, #tpu.memory_space<semaphore_mem>>
      %dma_start3A = arith.constant 0 : i32
      %dma_start3A_93 = tpu.memref_slice %arg14[%add3A_53, %dma_start3A] : memref<10240x128xf32, #tpu.memory_space<vmem_shared>> -> memref<16x128xf32, #tpu.memory_space<vmem_shared>>
      %dma_start3A_94 = arith.constant 0 : i32
      %dma_start3A_95 = tpu.memref_slice %arg14[%add3A_53, %dma_start3A_94] : memref<10240x128xf32, #tpu.memory_space<vmem_shared>> -> memref<16x128xf32, #tpu.memory_space<vmem_shared>>
      tpu.enqueue_dma source(%arg11 : memref<16x128xf32, #tpu.memory_space<vmem>>) target(%dma_start3A_95 : memref<16x128xf32, #tpu.memory_space<vmem_shared>>) target_semaphore(%run_scoped3A : memref<!tpu.dma_semaphore, #tpu.memory_space<semaphore_mem>>)
      %dma_wait3A = arith.constant 0 : i32
      %dma_wait3A_96 = tpu.memref_slice %arg14[%add3A_53, %dma_wait3A] : memref<10240x128xf32, #tpu.memory_space<vmem_shared>> -> memref<16x128xf32, #tpu.memory_space<vmem_shared>>
      %dma_wait3A_97 = arith.constant 0 : i32
      %dma_wait3A_98 = tpu.memref_slice %arg14[%add3A_53, %dma_wait3A_97] : memref<10240x128xf32, #tpu.memory_space<vmem_shared>> -> memref<16x128xf32, #tpu.memory_space<vmem_shared>>
      tpu.wait_dma2 semaphore(%run_scoped3A : memref<!tpu.dma_semaphore, #tpu.memory_space<semaphore_mem>>) src(%arg11 : memref<16x128xf32, #tpu.memory_space<vmem>>) dst(%dma_wait3A_98 : memref<16x128xf32, #tpu.memory_space<vmem_shared>>)
      tpu.yield
    }) : () -> ()
    %add3A_54 = arith.constant 384 : i32
    %add3A_55 = arith.addi %mul3A_0, %add3A_54 : i32
    "tpu.region"() ({
      %run_scoped3A = tpu.sem_alloc : memref<!tpu.dma_semaphore, #tpu.memory_space<semaphore_mem>>
      %dma_start3A = arith.constant 0 : i32
      %dma_start3A_93 = tpu.memref_slice %arg14[%add3A_55, %dma_start3A] : memref<10240x128xf32, #tpu.memory_space<vmem_shared>> -> memref<16x128xf32, #tpu.memory_space<vmem_shared>>
      %dma_start3A_94 = arith.constant 0 : i32
      %dma_start3A_95 = tpu.memref_slice %arg14[%add3A_55, %dma_start3A_94] : memref<10240x128xf32, #tpu.memory_space<vmem_shared>> -> memref<16x128xf32, #tpu.memory_space<vmem_shared>>
      tpu.enqueue_dma source(%arg11 : memref<16x128xf32, #tpu.memory_space<vmem>>) target(%dma_start3A_95 : memref<16x128xf32, #tpu.memory_space<vmem_shared>>) target_semaphore(%run_scoped3A : memref<!tpu.dma_semaphore, #tpu.memory_space<semaphore_mem>>)
      %dma_wait3A = arith.constant 0 : i32
      %dma_wait3A_96 = tpu.memref_slice %arg14[%add3A_55, %dma_wait3A] : memref<10240x128xf32, #tpu.memory_space<vmem_shared>> -> memref<16x128xf32, #tpu.memory_space<vmem_shared>>
      %dma_wait3A_97 = arith.constant 0 : i32
      %dma_wait3A_98 = tpu.memref_slice %arg14[%add3A_55, %dma_wait3A_97] : memref<10240x128xf32, #tpu.memory_space<vmem_shared>> -> memref<16x128xf32, #tpu.memory_space<vmem_shared>>
      tpu.wait_dma2 semaphore(%run_scoped3A : memref<!tpu.dma_semaphore, #tpu.memory_space<semaphore_mem>>) src(%arg11 : memref<16x128xf32, #tpu.memory_space<vmem>>) dst(%dma_wait3A_98 : memref<16x128xf32, #tpu.memory_space<vmem_shared>>)
      tpu.yield
    }) : () -> ()
    %add3A_56 = arith.constant 400 : i32
    %add3A_57 = arith.addi %mul3A_0, %add3A_56 : i32
    "tpu.region"() ({
      %run_scoped3A = tpu.sem_alloc : memref<!tpu.dma_semaphore, #tpu.memory_space<semaphore_mem>>
      %dma_start3A = arith.constant 0 : i32
      %dma_start3A_93 = tpu.memref_slice %arg14[%add3A_57, %dma_start3A] : memref<10240x128xf32, #tpu.memory_space<vmem_shared>> -> memref<16x128xf32, #tpu.memory_space<vmem_shared>>
      %dma_start3A_94 = arith.constant 0 : i32
      %dma_start3A_95 = tpu.memref_slice %arg14[%add3A_57, %dma_start3A_94] : memref<10240x128xf32, #tpu.memory_space<vmem_shared>> -> memref<16x128xf32, #tpu.memory_space<vmem_shared>>
      tpu.enqueue_dma source(%arg11 : memref<16x128xf32, #tpu.memory_space<vmem>>) target(%dma_start3A_95 : memref<16x128xf32, #tpu.memory_space<vmem_shared>>) target_semaphore(%run_scoped3A : memref<!tpu.dma_semaphore, #tpu.memory_space<semaphore_mem>>)
      %dma_wait3A = arith.constant 0 : i32
      %dma_wait3A_96 = tpu.memref_slice %arg14[%add3A_57, %dma_wait3A] : memref<10240x128xf32, #tpu.memory_space<vmem_shared>> -> memref<16x128xf32, #tpu.memory_space<vmem_shared>>
      %dma_wait3A_97 = arith.constant 0 : i32
      %dma_wait3A_98 = tpu.memref_slice %arg14[%add3A_57, %dma_wait3A_97] : memref<10240x128xf32, #tpu.memory_space<vmem_shared>> -> memref<16x128xf32, #tpu.memory_space<vmem_shared>>
      tpu.wait_dma2 semaphore(%run_scoped3A : memref<!tpu.dma_semaphore, #tpu.memory_space<semaphore_mem>>) src(%arg11 : memref<16x128xf32, #tpu.memory_space<vmem>>) dst(%dma_wait3A_98 : memref<16x128xf32, #tpu.memory_space<vmem_shared>>)
      tpu.yield
    }) : () -> ()
    %add3A_58 = arith.constant 416 : i32
    %add3A_59 = arith.addi %mul3A_0, %add3A_58 : i32
    "tpu.region"() ({
      %run_scoped3A = tpu.sem_alloc : memref<!tpu.dma_semaphore, #tpu.memory_space<semaphore_mem>>
      %dma_start3A = arith.constant 0 : i32
      %dma_start3A_93 = tpu.memref_slice %arg14[%add3A_59, %dma_start3A] : memref<10240x128xf32, #tpu.memory_space<vmem_shared>> -> memref<16x128xf32, #tpu.memory_space<vmem_shared>>
      %dma_start3A_94 = arith.constant 0 : i32
      %dma_start3A_95 = tpu.memref_slice %arg14[%add3A_59, %dma_start3A_94] : memref<10240x128xf32, #tpu.memory_space<vmem_shared>> -> memref<16x128xf32, #tpu.memory_space<vmem_shared>>
      tpu.enqueue_dma source(%arg11 : memref<16x128xf32, #tpu.memory_space<vmem>>) target(%dma_start3A_95 : memref<16x128xf32, #tpu.memory_space<vmem_shared>>) target_semaphore(%run_scoped3A : memref<!tpu.dma_semaphore, #tpu.memory_space<semaphore_mem>>)
      %dma_wait3A = arith.constant 0 : i32
      %dma_wait3A_96 = tpu.memref_slice %arg14[%add3A_59, %dma_wait3A] : memref<10240x128xf32, #tpu.memory_space<vmem_shared>> -> memref<16x128xf32, #tpu.memory_space<vmem_shared>>
      %dma_wait3A_97 = arith.constant 0 : i32
      %dma_wait3A_98 = tpu.memref_slice %arg14[%add3A_59, %dma_wait3A_97] : memref<10240x128xf32, #tpu.memory_space<vmem_shared>> -> memref<16x128xf32, #tpu.memory_space<vmem_shared>>
      tpu.wait_dma2 semaphore(%run_scoped3A : memref<!tpu.dma_semaphore, #tpu.memory_space<semaphore_mem>>) src(%arg11 : memref<16x128xf32, #tpu.memory_space<vmem>>) dst(%dma_wait3A_98 : memref<16x128xf32, #tpu.memory_space<vmem_shared>>)
      tpu.yield
    }) : () -> ()
    %add3A_60 = arith.constant 432 : i32
    %add3A_61 = arith.addi %mul3A_0, %add3A_60 : i32
    "tpu.region"() ({
      %run_scoped3A = tpu.sem_alloc : memref<!tpu.dma_semaphore, #tpu.memory_space<semaphore_mem>>
      %dma_start3A = arith.constant 0 : i32
      %dma_start3A_93 = tpu.memref_slice %arg14[%add3A_61, %dma_start3A] : memref<10240x128xf32, #tpu.memory_space<vmem_shared>> -> memref<16x128xf32, #tpu.memory_space<vmem_shared>>
      %dma_start3A_94 = arith.constant 0 : i32
      %dma_start3A_95 = tpu.memref_slice %arg14[%add3A_61, %dma_start3A_94] : memref<10240x128xf32, #tpu.memory_space<vmem_shared>> -> memref<16x128xf32, #tpu.memory_space<vmem_shared>>
      tpu.enqueue_dma source(%arg11 : memref<16x128xf32, #tpu.memory_space<vmem>>) target(%dma_start3A_95 : memref<16x128xf32, #tpu.memory_space<vmem_shared>>) target_semaphore(%run_scoped3A : memref<!tpu.dma_semaphore, #tpu.memory_space<semaphore_mem>>)
      %dma_wait3A = arith.constant 0 : i32
      %dma_wait3A_96 = tpu.memref_slice %arg14[%add3A_61, %dma_wait3A] : memref<10240x128xf32, #tpu.memory_space<vmem_shared>> -> memref<16x128xf32, #tpu.memory_space<vmem_shared>>
      %dma_wait3A_97 = arith.constant 0 : i32
      %dma_wait3A_98 = tpu.memref_slice %arg14[%add3A_61, %dma_wait3A_97] : memref<10240x128xf32, #tpu.memory_space<vmem_shared>> -> memref<16x128xf32, #tpu.memory_space<vmem_shared>>
      tpu.wait_dma2 semaphore(%run_scoped3A : memref<!tpu.dma_semaphore, #tpu.memory_space<semaphore_mem>>) src(%arg11 : memref<16x128xf32, #tpu.memory_space<vmem>>) dst(%dma_wait3A_98 : memref<16x128xf32, #tpu.memory_space<vmem_shared>>)
      tpu.yield
    }) : () -> ()
    %add3A_62 = arith.constant 448 : i32
    %add3A_63 = arith.addi %mul3A_0, %add3A_62 : i32
    "tpu.region"() ({
      %run_scoped3A = tpu.sem_alloc : memref<!tpu.dma_semaphore, #tpu.memory_space<semaphore_mem>>
      %dma_start3A = arith.constant 0 : i32
      %dma_start3A_93 = tpu.memref_slice %arg14[%add3A_63, %dma_start3A] : memref<10240x128xf32, #tpu.memory_space<vmem_shared>> -> memref<16x128xf32, #tpu.memory_space<vmem_shared>>
      %dma_start3A_94 = arith.constant 0 : i32
      %dma_start3A_95 = tpu.memref_slice %arg14[%add3A_63, %dma_start3A_94] : memref<10240x128xf32, #tpu.memory_space<vmem_shared>> -> memref<16x128xf32, #tpu.memory_space<vmem_shared>>
      tpu.enqueue_dma source(%arg11 : memref<16x128xf32, #tpu.memory_space<vmem>>) target(%dma_start3A_95 : memref<16x128xf32, #tpu.memory_space<vmem_shared>>) target_semaphore(%run_scoped3A : memref<!tpu.dma_semaphore, #tpu.memory_space<semaphore_mem>>)
      %dma_wait3A = arith.constant 0 : i32
      %dma_wait3A_96 = tpu.memref_slice %arg14[%add3A_63, %dma_wait3A] : memref<10240x128xf32, #tpu.memory_space<vmem_shared>> -> memref<16x128xf32, #tpu.memory_space<vmem_shared>>
      %dma_wait3A_97 = arith.constant 0 : i32
      %dma_wait3A_98 = tpu.memref_slice %arg14[%add3A_63, %dma_wait3A_97] : memref<10240x128xf32, #tpu.memory_space<vmem_shared>> -> memref<16x128xf32, #tpu.memory_space<vmem_shared>>
      tpu.wait_dma2 semaphore(%run_scoped3A : memref<!tpu.dma_semaphore, #tpu.memory_space<semaphore_mem>>) src(%arg11 : memref<16x128xf32, #tpu.memory_space<vmem>>) dst(%dma_wait3A_98 : memref<16x128xf32, #tpu.memory_space<vmem_shared>>)
      tpu.yield
    }) : () -> ()
    %add3A_64 = arith.constant 464 : i32
    %add3A_65 = arith.addi %mul3A_0, %add3A_64 : i32
    "tpu.region"() ({
      %run_scoped3A = tpu.sem_alloc : memref<!tpu.dma_semaphore, #tpu.memory_space<semaphore_mem>>
      %dma_start3A = arith.constant 0 : i32
      %dma_start3A_93 = tpu.memref_slice %arg14[%add3A_65, %dma_start3A] : memref<10240x128xf32, #tpu.memory_space<vmem_shared>> -> memref<16x128xf32, #tpu.memory_space<vmem_shared>>
      %dma_start3A_94 = arith.constant 0 : i32
      %dma_start3A_95 = tpu.memref_slice %arg14[%add3A_65, %dma_start3A_94] : memref<10240x128xf32, #tpu.memory_space<vmem_shared>> -> memref<16x128xf32, #tpu.memory_space<vmem_shared>>
      tpu.enqueue_dma source(%arg11 : memref<16x128xf32, #tpu.memory_space<vmem>>) target(%dma_start3A_95 : memref<16x128xf32, #tpu.memory_space<vmem_shared>>) target_semaphore(%run_scoped3A : memref<!tpu.dma_semaphore, #tpu.memory_space<semaphore_mem>>)
      %dma_wait3A = arith.constant 0 : i32
      %dma_wait3A_96 = tpu.memref_slice %arg14[%add3A_65, %dma_wait3A] : memref<10240x128xf32, #tpu.memory_space<vmem_shared>> -> memref<16x128xf32, #tpu.memory_space<vmem_shared>>
      %dma_wait3A_97 = arith.constant 0 : i32
      %dma_wait3A_98 = tpu.memref_slice %arg14[%add3A_65, %dma_wait3A_97] : memref<10240x128xf32, #tpu.memory_space<vmem_shared>> -> memref<16x128xf32, #tpu.memory_space<vmem_shared>>
      tpu.wait_dma2 semaphore(%run_scoped3A : memref<!tpu.dma_semaphore, #tpu.memory_space<semaphore_mem>>) src(%arg11 : memref<16x128xf32, #tpu.memory_space<vmem>>) dst(%dma_wait3A_98 : memref<16x128xf32, #tpu.memory_space<vmem_shared>>)
      tpu.yield
    }) : () -> ()
    %add3A_66 = arith.constant 480 : i32
    %add3A_67 = arith.addi %mul3A_0, %add3A_66 : i32
    "tpu.region"() ({
      %run_scoped3A = tpu.sem_alloc : memref<!tpu.dma_semaphore, #tpu.memory_space<semaphore_mem>>
      %dma_start3A = arith.constant 0 : i32
      %dma_start3A_93 = tpu.memref_slice %arg14[%add3A_67, %dma_start3A] : memref<10240x128xf32, #tpu.memory_space<vmem_shared>> -> memref<16x128xf32, #tpu.memory_space<vmem_shared>>
      %dma_start3A_94 = arith.constant 0 : i32
      %dma_start3A_95 = tpu.memref_slice %arg14[%add3A_67, %dma_start3A_94] : memref<10240x128xf32, #tpu.memory_space<vmem_shared>> -> memref<16x128xf32, #tpu.memory_space<vmem_shared>>
      tpu.enqueue_dma source(%arg11 : memref<16x128xf32, #tpu.memory_space<vmem>>) target(%dma_start3A_95 : memref<16x128xf32, #tpu.memory_space<vmem_shared>>) target_semaphore(%run_scoped3A : memref<!tpu.dma_semaphore, #tpu.memory_space<semaphore_mem>>)
      %dma_wait3A = arith.constant 0 : i32
      %dma_wait3A_96 = tpu.memref_slice %arg14[%add3A_67, %dma_wait3A] : memref<10240x128xf32, #tpu.memory_space<vmem_shared>> -> memref<16x128xf32, #tpu.memory_space<vmem_shared>>
      %dma_wait3A_97 = arith.constant 0 : i32
      %dma_wait3A_98 = tpu.memref_slice %arg14[%add3A_67, %dma_wait3A_97] : memref<10240x128xf32, #tpu.memory_space<vmem_shared>> -> memref<16x128xf32, #tpu.memory_space<vmem_shared>>
      tpu.wait_dma2 semaphore(%run_scoped3A : memref<!tpu.dma_semaphore, #tpu.memory_space<semaphore_mem>>) src(%arg11 : memref<16x128xf32, #tpu.memory_space<vmem>>) dst(%dma_wait3A_98 : memref<16x128xf32, #tpu.memory_space<vmem_shared>>)
      tpu.yield
    }) : () -> ()
    %add3A_68 = arith.constant 496 : i32
    %add3A_69 = arith.addi %mul3A_0, %add3A_68 : i32
    "tpu.region"() ({
      %run_scoped3A = tpu.sem_alloc : memref<!tpu.dma_semaphore, #tpu.memory_space<semaphore_mem>>
      %dma_start3A = arith.constant 0 : i32
      %dma_start3A_93 = tpu.memref_slice %arg14[%add3A_69, %dma_start3A] : memref<10240x128xf32, #tpu.memory_space<vmem_shared>> -> memref<16x128xf32, #tpu.memory_space<vmem_shared>>
      %dma_start3A_94 = arith.constant 0 : i32
      %dma_start3A_95 = tpu.memref_slice %arg14[%add3A_69, %dma_start3A_94] : memref<10240x128xf32, #tpu.memory_space<vmem_shared>> -> memref<16x128xf32, #tpu.memory_space<vmem_shared>>
      tpu.enqueue_dma source(%arg11 : memref<16x128xf32, #tpu.memory_space<vmem>>) target(%dma_start3A_95 : memref<16x128xf32, #tpu.memory_space<vmem_shared>>) target_semaphore(%run_scoped3A : memref<!tpu.dma_semaphore, #tpu.memory_space<semaphore_mem>>)
      %dma_wait3A = arith.constant 0 : i32
      %dma_wait3A_96 = tpu.memref_slice %arg14[%add3A_69, %dma_wait3A] : memref<10240x128xf32, #tpu.memory_space<vmem_shared>> -> memref<16x128xf32, #tpu.memory_space<vmem_shared>>
      %dma_wait3A_97 = arith.constant 0 : i32
      %dma_wait3A_98 = tpu.memref_slice %arg14[%add3A_69, %dma_wait3A_97] : memref<10240x128xf32, #tpu.memory_space<vmem_shared>> -> memref<16x128xf32, #tpu.memory_space<vmem_shared>>
      tpu.wait_dma2 semaphore(%run_scoped3A : memref<!tpu.dma_semaphore, #tpu.memory_space<semaphore_mem>>) src(%arg11 : memref<16x128xf32, #tpu.memory_space<vmem>>) dst(%dma_wait3A_98 : memref<16x128xf32, #tpu.memory_space<vmem_shared>>)
      tpu.yield
    }) : () -> ()
    %add3A_70 = arith.constant 512 : i32
    %add3A_71 = arith.addi %mul3A_0, %add3A_70 : i32
    "tpu.region"() ({
      %run_scoped3A = tpu.sem_alloc : memref<!tpu.dma_semaphore, #tpu.memory_space<semaphore_mem>>
      %dma_start3A = arith.constant 0 : i32
      %dma_start3A_93 = tpu.memref_slice %arg14[%add3A_71, %dma_start3A] : memref<10240x128xf32, #tpu.memory_space<vmem_shared>> -> memref<16x128xf32, #tpu.memory_space<vmem_shared>>
      %dma_start3A_94 = arith.constant 0 : i32
      %dma_start3A_95 = tpu.memref_slice %arg14[%add3A_71, %dma_start3A_94] : memref<10240x128xf32, #tpu.memory_space<vmem_shared>> -> memref<16x128xf32, #tpu.memory_space<vmem_shared>>
      tpu.enqueue_dma source(%arg11 : memref<16x128xf32, #tpu.memory_space<vmem>>) target(%dma_start3A_95 : memref<16x128xf32, #tpu.memory_space<vmem_shared>>) target_semaphore(%run_scoped3A : memref<!tpu.dma_semaphore, #tpu.memory_space<semaphore_mem>>)
      %dma_wait3A = arith.constant 0 : i32
      %dma_wait3A_96 = tpu.memref_slice %arg14[%add3A_71, %dma_wait3A] : memref<10240x128xf32, #tpu.memory_space<vmem_shared>> -> memref<16x128xf32, #tpu.memory_space<vmem_shared>>
      %dma_wait3A_97 = arith.constant 0 : i32
      %dma_wait3A_98 = tpu.memref_slice %arg14[%add3A_71, %dma_wait3A_97] : memref<10240x128xf32, #tpu.memory_space<vmem_shared>> -> memref<16x128xf32, #tpu.memory_space<vmem_shared>>
      tpu.wait_dma2 semaphore(%run_scoped3A : memref<!tpu.dma_semaphore, #tpu.memory_space<semaphore_mem>>) src(%arg11 : memref<16x128xf32, #tpu.memory_space<vmem>>) dst(%dma_wait3A_98 : memref<16x128xf32, #tpu.memory_space<vmem_shared>>)
      tpu.yield
    }) : () -> ()
    %add3A_72 = arith.constant 528 : i32
    %add3A_73 = arith.addi %mul3A_0, %add3A_72 : i32
    "tpu.region"() ({
      %run_scoped3A = tpu.sem_alloc : memref<!tpu.dma_semaphore, #tpu.memory_space<semaphore_mem>>
      %dma_start3A = arith.constant 0 : i32
      %dma_start3A_93 = tpu.memref_slice %arg14[%add3A_73, %dma_start3A] : memref<10240x128xf32, #tpu.memory_space<vmem_shared>> -> memref<16x128xf32, #tpu.memory_space<vmem_shared>>
      %dma_start3A_94 = arith.constant 0 : i32
      %dma_start3A_95 = tpu.memref_slice %arg14[%add3A_73, %dma_start3A_94] : memref<10240x128xf32, #tpu.memory_space<vmem_shared>> -> memref<16x128xf32, #tpu.memory_space<vmem_shared>>
      tpu.enqueue_dma source(%arg11 : memref<16x128xf32, #tpu.memory_space<vmem>>) target(%dma_start3A_95 : memref<16x128xf32, #tpu.memory_space<vmem_shared>>) target_semaphore(%run_scoped3A : memref<!tpu.dma_semaphore, #tpu.memory_space<semaphore_mem>>)
      %dma_wait3A = arith.constant 0 : i32
      %dma_wait3A_96 = tpu.memref_slice %arg14[%add3A_73, %dma_wait3A] : memref<10240x128xf32, #tpu.memory_space<vmem_shared>> -> memref<16x128xf32, #tpu.memory_space<vmem_shared>>
      %dma_wait3A_97 = arith.constant 0 : i32
      %dma_wait3A_98 = tpu.memref_slice %arg14[%add3A_73, %dma_wait3A_97] : memref<10240x128xf32, #tpu.memory_space<vmem_shared>> -> memref<16x128xf32, #tpu.memory_space<vmem_shared>>
      tpu.wait_dma2 semaphore(%run_scoped3A : memref<!tpu.dma_semaphore, #tpu.memory_space<semaphore_mem>>) src(%arg11 : memref<16x128xf32, #tpu.memory_space<vmem>>) dst(%dma_wait3A_98 : memref<16x128xf32, #tpu.memory_space<vmem_shared>>)
      tpu.yield
    }) : () -> ()
    %add3A_74 = arith.constant 544 : i32
    %add3A_75 = arith.addi %mul3A_0, %add3A_74 : i32
    "tpu.region"() ({
      %run_scoped3A = tpu.sem_alloc : memref<!tpu.dma_semaphore, #tpu.memory_space<semaphore_mem>>
      %dma_start3A = arith.constant 0 : i32
      %dma_start3A_93 = tpu.memref_slice %arg14[%add3A_75, %dma_start3A] : memref<10240x128xf32, #tpu.memory_space<vmem_shared>> -> memref<16x128xf32, #tpu.memory_space<vmem_shared>>
      %dma_start3A_94 = arith.constant 0 : i32
      %dma_start3A_95 = tpu.memref_slice %arg14[%add3A_75, %dma_start3A_94] : memref<10240x128xf32, #tpu.memory_space<vmem_shared>> -> memref<16x128xf32, #tpu.memory_space<vmem_shared>>
      tpu.enqueue_dma source(%arg11 : memref<16x128xf32, #tpu.memory_space<vmem>>) target(%dma_start3A_95 : memref<16x128xf32, #tpu.memory_space<vmem_shared>>) target_semaphore(%run_scoped3A : memref<!tpu.dma_semaphore, #tpu.memory_space<semaphore_mem>>)
      %dma_wait3A = arith.constant 0 : i32
      %dma_wait3A_96 = tpu.memref_slice %arg14[%add3A_75, %dma_wait3A] : memref<10240x128xf32, #tpu.memory_space<vmem_shared>> -> memref<16x128xf32, #tpu.memory_space<vmem_shared>>
      %dma_wait3A_97 = arith.constant 0 : i32
      %dma_wait3A_98 = tpu.memref_slice %arg14[%add3A_75, %dma_wait3A_97] : memref<10240x128xf32, #tpu.memory_space<vmem_shared>> -> memref<16x128xf32, #tpu.memory_space<vmem_shared>>
      tpu.wait_dma2 semaphore(%run_scoped3A : memref<!tpu.dma_semaphore, #tpu.memory_space<semaphore_mem>>) src(%arg11 : memref<16x128xf32, #tpu.memory_space<vmem>>) dst(%dma_wait3A_98 : memref<16x128xf32, #tpu.memory_space<vmem_shared>>)
      tpu.yield
    }) : () -> ()
    %add3A_76 = arith.constant 560 : i32
    %add3A_77 = arith.addi %mul3A_0, %add3A_76 : i32
    "tpu.region"() ({
      %run_scoped3A = tpu.sem_alloc : memref<!tpu.dma_semaphore, #tpu.memory_space<semaphore_mem>>
      %dma_start3A = arith.constant 0 : i32
      %dma_start3A_93 = tpu.memref_slice %arg14[%add3A_77, %dma_start3A] : memref<10240x128xf32, #tpu.memory_space<vmem_shared>> -> memref<16x128xf32, #tpu.memory_space<vmem_shared>>
      %dma_start3A_94 = arith.constant 0 : i32
      %dma_start3A_95 = tpu.memref_slice %arg14[%add3A_77, %dma_start3A_94] : memref<10240x128xf32, #tpu.memory_space<vmem_shared>> -> memref<16x128xf32, #tpu.memory_space<vmem_shared>>
      tpu.enqueue_dma source(%arg11 : memref<16x128xf32, #tpu.memory_space<vmem>>) target(%dma_start3A_95 : memref<16x128xf32, #tpu.memory_space<vmem_shared>>) target_semaphore(%run_scoped3A : memref<!tpu.dma_semaphore, #tpu.memory_space<semaphore_mem>>)
      %dma_wait3A = arith.constant 0 : i32
      %dma_wait3A_96 = tpu.memref_slice %arg14[%add3A_77, %dma_wait3A] : memref<10240x128xf32, #tpu.memory_space<vmem_shared>> -> memref<16x128xf32, #tpu.memory_space<vmem_shared>>
      %dma_wait3A_97 = arith.constant 0 : i32
      %dma_wait3A_98 = tpu.memref_slice %arg14[%add3A_77, %dma_wait3A_97] : memref<10240x128xf32, #tpu.memory_space<vmem_shared>> -> memref<16x128xf32, #tpu.memory_space<vmem_shared>>
      tpu.wait_dma2 semaphore(%run_scoped3A : memref<!tpu.dma_semaphore, #tpu.memory_space<semaphore_mem>>) src(%arg11 : memref<16x128xf32, #tpu.memory_space<vmem>>) dst(%dma_wait3A_98 : memref<16x128xf32, #tpu.memory_space<vmem_shared>>)
      tpu.yield
    }) : () -> ()
    %add3A_78 = arith.constant 576 : i32
    %add3A_79 = arith.addi %mul3A_0, %add3A_78 : i32
    "tpu.region"() ({
      %run_scoped3A = tpu.sem_alloc : memref<!tpu.dma_semaphore, #tpu.memory_space<semaphore_mem>>
      %dma_start3A = arith.constant 0 : i32
      %dma_start3A_93 = tpu.memref_slice %arg14[%add3A_79, %dma_start3A] : memref<10240x128xf32, #tpu.memory_space<vmem_shared>> -> memref<16x128xf32, #tpu.memory_space<vmem_shared>>
      %dma_start3A_94 = arith.constant 0 : i32
      %dma_start3A_95 = tpu.memref_slice %arg14[%add3A_79, %dma_start3A_94] : memref<10240x128xf32, #tpu.memory_space<vmem_shared>> -> memref<16x128xf32, #tpu.memory_space<vmem_shared>>
      tpu.enqueue_dma source(%arg11 : memref<16x128xf32, #tpu.memory_space<vmem>>) target(%dma_start3A_95 : memref<16x128xf32, #tpu.memory_space<vmem_shared>>) target_semaphore(%run_scoped3A : memref<!tpu.dma_semaphore, #tpu.memory_space<semaphore_mem>>)
      %dma_wait3A = arith.constant 0 : i32
      %dma_wait3A_96 = tpu.memref_slice %arg14[%add3A_79, %dma_wait3A] : memref<10240x128xf32, #tpu.memory_space<vmem_shared>> -> memref<16x128xf32, #tpu.memory_space<vmem_shared>>
      %dma_wait3A_97 = arith.constant 0 : i32
      %dma_wait3A_98 = tpu.memref_slice %arg14[%add3A_79, %dma_wait3A_97] : memref<10240x128xf32, #tpu.memory_space<vmem_shared>> -> memref<16x128xf32, #tpu.memory_space<vmem_shared>>
      tpu.wait_dma2 semaphore(%run_scoped3A : memref<!tpu.dma_semaphore, #tpu.memory_space<semaphore_mem>>) src(%arg11 : memref<16x128xf32, #tpu.memory_space<vmem>>) dst(%dma_wait3A_98 : memref<16x128xf32, #tpu.memory_space<vmem_shared>>)
      tpu.yield
    }) : () -> ()
    %add3A_80 = arith.constant 592 : i32
    %add3A_81 = arith.addi %mul3A_0, %add3A_80 : i32
    "tpu.region"() ({
      %run_scoped3A = tpu.sem_alloc : memref<!tpu.dma_semaphore, #tpu.memory_space<semaphore_mem>>
      %dma_start3A = arith.constant 0 : i32
      %dma_start3A_93 = tpu.memref_slice %arg14[%add3A_81, %dma_start3A] : memref<10240x128xf32, #tpu.memory_space<vmem_shared>> -> memref<16x128xf32, #tpu.memory_space<vmem_shared>>
      %dma_start3A_94 = arith.constant 0 : i32
      %dma_start3A_95 = tpu.memref_slice %arg14[%add3A_81, %dma_start3A_94] : memref<10240x128xf32, #tpu.memory_space<vmem_shared>> -> memref<16x128xf32, #tpu.memory_space<vmem_shared>>
      tpu.enqueue_dma source(%arg11 : memref<16x128xf32, #tpu.memory_space<vmem>>) target(%dma_start3A_95 : memref<16x128xf32, #tpu.memory_space<vmem_shared>>) target_semaphore(%run_scoped3A : memref<!tpu.dma_semaphore, #tpu.memory_space<semaphore_mem>>)
      %dma_wait3A = arith.constant 0 : i32
      %dma_wait3A_96 = tpu.memref_slice %arg14[%add3A_81, %dma_wait3A] : memref<10240x128xf32, #tpu.memory_space<vmem_shared>> -> memref<16x128xf32, #tpu.memory_space<vmem_shared>>
      %dma_wait3A_97 = arith.constant 0 : i32
      %dma_wait3A_98 = tpu.memref_slice %arg14[%add3A_81, %dma_wait3A_97] : memref<10240x128xf32, #tpu.memory_space<vmem_shared>> -> memref<16x128xf32, #tpu.memory_space<vmem_shared>>
      tpu.wait_dma2 semaphore(%run_scoped3A : memref<!tpu.dma_semaphore, #tpu.memory_space<semaphore_mem>>) src(%arg11 : memref<16x128xf32, #tpu.memory_space<vmem>>) dst(%dma_wait3A_98 : memref<16x128xf32, #tpu.memory_space<vmem_shared>>)
      tpu.yield
    }) : () -> ()
    %add3A_82 = arith.constant 608 : i32
    %add3A_83 = arith.addi %mul3A_0, %add3A_82 : i32
    "tpu.region"() ({
      %run_scoped3A = tpu.sem_alloc : memref<!tpu.dma_semaphore, #tpu.memory_space<semaphore_mem>>
      %dma_start3A = arith.constant 0 : i32
      %dma_start3A_93 = tpu.memref_slice %arg14[%add3A_83, %dma_start3A] : memref<10240x128xf32, #tpu.memory_space<vmem_shared>> -> memref<16x128xf32, #tpu.memory_space<vmem_shared>>
      %dma_start3A_94 = arith.constant 0 : i32
      %dma_start3A_95 = tpu.memref_slice %arg14[%add3A_83, %dma_start3A_94] : memref<10240x128xf32, #tpu.memory_space<vmem_shared>> -> memref<16x128xf32, #tpu.memory_space<vmem_shared>>
      tpu.enqueue_dma source(%arg11 : memref<16x128xf32, #tpu.memory_space<vmem>>) target(%dma_start3A_95 : memref<16x128xf32, #tpu.memory_space<vmem_shared>>) target_semaphore(%run_scoped3A : memref<!tpu.dma_semaphore, #tpu.memory_space<semaphore_mem>>)
      %dma_wait3A = arith.constant 0 : i32
      %dma_wait3A_96 = tpu.memref_slice %arg14[%add3A_83, %dma_wait3A] : memref<10240x128xf32, #tpu.memory_space<vmem_shared>> -> memref<16x128xf32, #tpu.memory_space<vmem_shared>>
      %dma_wait3A_97 = arith.constant 0 : i32
      %dma_wait3A_98 = tpu.memref_slice %arg14[%add3A_83, %dma_wait3A_97] : memref<10240x128xf32, #tpu.memory_space<vmem_shared>> -> memref<16x128xf32, #tpu.memory_space<vmem_shared>>
      tpu.wait_dma2 semaphore(%run_scoped3A : memref<!tpu.dma_semaphore, #tpu.memory_space<semaphore_mem>>) src(%arg11 : memref<16x128xf32, #tpu.memory_space<vmem>>) dst(%dma_wait3A_98 : memref<16x128xf32, #tpu.memory_space<vmem_shared>>)
      tpu.yield
    }) : () -> ()
    %add3A_84 = arith.constant 624 : i32
    %add3A_85 = arith.addi %mul3A_0, %add3A_84 : i32
    "tpu.region"() ({
      %run_scoped3A = tpu.sem_alloc : memref<!tpu.dma_semaphore, #tpu.memory_space<semaphore_mem>>
      %dma_start3A = arith.constant 0 : i32
      %dma_start3A_93 = tpu.memref_slice %arg14[%add3A_85, %dma_start3A] : memref<10240x128xf32, #tpu.memory_space<vmem_shared>> -> memref<16x128xf32, #tpu.memory_space<vmem_shared>>
      %dma_start3A_94 = arith.constant 0 : i32
      %dma_start3A_95 = tpu.memref_slice %arg14[%add3A_85, %dma_start3A_94] : memref<10240x128xf32, #tpu.memory_space<vmem_shared>> -> memref<16x128xf32, #tpu.memory_space<vmem_shared>>
      tpu.enqueue_dma source(%arg11 : memref<16x128xf32, #tpu.memory_space<vmem>>) target(%dma_start3A_95 : memref<16x128xf32, #tpu.memory_space<vmem_shared>>) target_semaphore(%run_scoped3A : memref<!tpu.dma_semaphore, #tpu.memory_space<semaphore_mem>>)
      %dma_wait3A = arith.constant 0 : i32
      %dma_wait3A_96 = tpu.memref_slice %arg14[%add3A_85, %dma_wait3A] : memref<10240x128xf32, #tpu.memory_space<vmem_shared>> -> memref<16x128xf32, #tpu.memory_space<vmem_shared>>
      %dma_wait3A_97 = arith.constant 0 : i32
      %dma_wait3A_98 = tpu.memref_slice %arg14[%add3A_85, %dma_wait3A_97] : memref<10240x128xf32, #tpu.memory_space<vmem_shared>> -> memref<16x128xf32, #tpu.memory_space<vmem_shared>>
      tpu.wait_dma2 semaphore(%run_scoped3A : memref<!tpu.dma_semaphore, #tpu.memory_space<semaphore_mem>>) src(%arg11 : memref<16x128xf32, #tpu.memory_space<vmem>>) dst(%dma_wait3A_98 : memref<16x128xf32, #tpu.memory_space<vmem_shared>>)
      tpu.yield
    }) : () -> ()
    %barrier3A = arith.constant 0 : index
    tpu.barrier barrier_id(%barrier3A)
    %eq3A = arith.constant 0 : i32
    %eq3A_86 = arith.cmpi eq, %arg0, %eq3A : i32
    %convert_element_type3A = arith.extui %eq3A_86 : i1 to i32
    %cond3A = arith.constant 0 : i32
    %cond3A_87 = arith.cmpi ne, %convert_element_type3A, %cond3A : i32
    scf.if %cond3A_87 {
      "tpu.region"() ({
        %run_scoped3A = tpu.sem_alloc : memref<!tpu.dma_semaphore, #tpu.memory_space<semaphore_mem>>
        %dma_start3A_216 = arith.constant 0 : i32
        %dma_start3A_217 = arith.constant 0 : i32
        %dma_start3A_218 = tpu.memref_slice %arg4[%arg1, %dma_start3A_216, %dma_start3A_217] : memref<16x160x128xi32, #tpu.memory_space<hbm>> -> memref<1x40x128xi32, #tpu.memory_space<hbm>>
        %dma_start3A_219 = tpu.memref_squeeze %dma_start3A_218 : memref<1x40x128xi32, #tpu.memory_space<hbm>> -> memref<40x128xi32, #tpu.memory_space<hbm>>
        %dma_start3A_220 = arith.constant 0 : i32
        %dma_start3A_221 = arith.constant 0 : i32
        %dma_start3A_222 = tpu.memref_slice %arg4[%arg1, %dma_start3A_220, %dma_start3A_221] : memref<16x160x128xi32, #tpu.memory_space<hbm>> -> memref<1x40x128xi32, #tpu.memory_space<hbm>>
        %dma_start3A_223 = tpu.memref_squeeze %dma_start3A_222 : memref<1x40x128xi32, #tpu.memory_space<hbm>> -> memref<40x128xi32, #tpu.memory_space<hbm>>
        tpu.enqueue_dma source(%dma_start3A_223 : memref<40x128xi32, #tpu.memory_space<hbm>>) target(%arg8 : memref<40x128xi32, #tpu.memory_space<vmem>>) target_semaphore(%run_scoped3A : memref<!tpu.dma_semaphore, #tpu.memory_space<semaphore_mem>>)
        %dma_wait3A_224 = arith.constant 0 : i32
        %dma_wait3A_225 = arith.constant 0 : i32
        %dma_wait3A_226 = tpu.memref_slice %arg4[%arg1, %dma_wait3A_224, %dma_wait3A_225] : memref<16x160x128xi32, #tpu.memory_space<hbm>> -> memref<1x40x128xi32, #tpu.memory_space<hbm>>
        %dma_wait3A_227 = tpu.memref_squeeze %dma_wait3A_226 : memref<1x40x128xi32, #tpu.memory_space<hbm>> -> memref<40x128xi32, #tpu.memory_space<hbm>>
        %dma_wait3A_228 = arith.constant 0 : i32
        %dma_wait3A_229 = arith.constant 0 : i32
        %dma_wait3A_230 = tpu.memref_slice %arg4[%arg1, %dma_wait3A_228, %dma_wait3A_229] : memref<16x160x128xi32, #tpu.memory_space<hbm>> -> memref<1x40x128xi32, #tpu.memory_space<hbm>>
        %dma_wait3A_231 = tpu.memref_squeeze %dma_wait3A_230 : memref<1x40x128xi32, #tpu.memory_space<hbm>> -> memref<40x128xi32, #tpu.memory_space<hbm>>
        tpu.wait_dma2 semaphore(%run_scoped3A : memref<!tpu.dma_semaphore, #tpu.memory_space<semaphore_mem>>) src(%dma_wait3A_231 : memref<40x128xi32, #tpu.memory_space<hbm>>) dst(%arg8 : memref<40x128xi32, #tpu.memory_space<vmem>>)
        tpu.yield
      }) : () -> ()
      "tpu.region"() ({
        %run_scoped3A = tpu.sem_alloc : memref<!tpu.dma_semaphore, #tpu.memory_space<semaphore_mem>>
        %dma_start3A_216 = arith.constant 0 : i32
        %dma_start3A_217 = arith.constant 0 : i32
        %dma_start3A_218 = tpu.memref_slice %arg5[%arg1, %dma_start3A_216, %dma_start3A_217] : memref<16x160x128xi32, #tpu.memory_space<hbm>> -> memref<1x40x128xi32, #tpu.memory_space<hbm>>
        %dma_start3A_219 = tpu.memref_squeeze %dma_start3A_218 : memref<1x40x128xi32, #tpu.memory_space<hbm>> -> memref<40x128xi32, #tpu.memory_space<hbm>>
        %dma_start3A_220 = arith.constant 0 : i32
        %dma_start3A_221 = arith.constant 0 : i32
        %dma_start3A_222 = tpu.memref_slice %arg5[%arg1, %dma_start3A_220, %dma_start3A_221] : memref<16x160x128xi32, #tpu.memory_space<hbm>> -> memref<1x40x128xi32, #tpu.memory_space<hbm>>
        %dma_start3A_223 = tpu.memref_squeeze %dma_start3A_222 : memref<1x40x128xi32, #tpu.memory_space<hbm>> -> memref<40x128xi32, #tpu.memory_space<hbm>>
        tpu.enqueue_dma source(%dma_start3A_223 : memref<40x128xi32, #tpu.memory_space<hbm>>) target(%arg9 : memref<40x128xi32, #tpu.memory_space<vmem>>) target_semaphore(%run_scoped3A : memref<!tpu.dma_semaphore, #tpu.memory_space<semaphore_mem>>)
        %dma_wait3A_224 = arith.constant 0 : i32
        %dma_wait3A_225 = arith.constant 0 : i32
        %dma_wait3A_226 = tpu.memref_slice %arg5[%arg1, %dma_wait3A_224, %dma_wait3A_225] : memref<16x160x128xi32, #tpu.memory_space<hbm>> -> memref<1x40x128xi32, #tpu.memory_space<hbm>>
        %dma_wait3A_227 = tpu.memref_squeeze %dma_wait3A_226 : memref<1x40x128xi32, #tpu.memory_space<hbm>> -> memref<40x128xi32, #tpu.memory_space<hbm>>
        %dma_wait3A_228 = arith.constant 0 : i32
        %dma_wait3A_229 = arith.constant 0 : i32
        %dma_wait3A_230 = tpu.memref_slice %arg5[%arg1, %dma_wait3A_228, %dma_wait3A_229] : memref<16x160x128xi32, #tpu.memory_space<hbm>> -> memref<1x40x128xi32, #tpu.memory_space<hbm>>
        %dma_wait3A_231 = tpu.memref_squeeze %dma_wait3A_230 : memref<1x40x128xi32, #tpu.memory_space<hbm>> -> memref<40x128xi32, #tpu.memory_space<hbm>>
        tpu.wait_dma2 semaphore(%run_scoped3A : memref<!tpu.dma_semaphore, #tpu.memory_space<semaphore_mem>>) src(%dma_wait3A_231 : memref<40x128xi32, #tpu.memory_space<hbm>>) dst(%arg9 : memref<40x128xi32, #tpu.memory_space<vmem>>)
        tpu.yield
      }) : () -> ()
      %dma_start3A = arith.constant 0 : i32
      %dma_start3A_93 = arith.constant 0 : i32
      %dma_start3A_94 = arith.constant 0 : i32
      %dma_start3A_95 = arith.constant 0 : i32
      %dma_start3A_96 = tpu.memref_slice %arg10[%dma_start3A_93, %dma_start3A_94, %dma_start3A_95] : memref<2x128x128xf32, #tpu.memory_space<vmem>> -> memref<1x128x128xf32, #tpu.memory_space<vmem>>
      %dma_start3A_97 = tpu.memref_squeeze %dma_start3A_96 : memref<1x128x128xf32, #tpu.memory_space<vmem>> -> memref<128x128xf32, #tpu.memory_space<vmem>>
      %dma_start3A_98 = arith.constant 0 : i32
      %dma_start3A_99 = tpu.memref_slice %arg8[%dma_start3A, %dma_start3A_98] : memref<40x128xi32, #tpu.memory_space<vmem>> -> memref<1x128xi32, #tpu.memory_space<vmem>>
      %dma_start3A_100 = tpu.memref_squeeze %dma_start3A_99 : memref<1x128xi32, #tpu.memory_space<vmem>> -> memref<128xi32, #tpu.memory_space<vmem>>
      %dma_start3A_101 = arith.constant 0 : i32
      %dma_start3A_102 = arith.constant 0 : i32
      %dma_start3A_103 = tpu.memref_slice %arg2[%dma_start3A_101, %dma_start3A_102] : memref<10240x128xf32, #tpu.memory_space<hbm>> -> memref<10240x128xf32, #tpu.memory_space<hbm>>
      tpu.enqueue_indirect_dma source(%dma_start3A_103 : memref<10240x128xf32, #tpu.memory_space<hbm>>) target(%dma_start3A_97 : memref<128x128xf32, #tpu.memory_space<vmem>>) offsets(%dma_start3A_100 : memref<128xi32, #tpu.memory_space<vmem>>) semaphore(%arg12 : memref<!tpu.dma_semaphore, #tpu.memory_space<semaphore_mem>>)
      %scan3A_104 = arith.constant 0 : i32
      %scan3A_105 = arith.constant 0 : i32
      %scan3A_106 = arith.constant 40 : i32
      %scan3A_107 = arith.addi %scan3A_105, %scan3A_106 : i32
      %scan3A_108 = arith.constant 1 : i32
      %scan3A_109 = scf.for %scan3A_216 = %scan3A_105 to %scan3A_107 step %scan3A_108 iter_args(%scan3A_217 = %scan3A_104) -> (i32)  : i32 {
        %jit3A = arith.constant 2 : i32
        %eq3A_218 = arith.constant 0 : i32
        %eq3A_219 = arith.cmpi eq, %jit3A, %eq3A_218 : i32
        %jit3A_220 = arith.constant 1 : i32
        %select_n3A = arith.select %eq3A_219, %jit3A_220, %jit3A : i32
        %rem3A = arith.remsi %scan3A_216, %select_n3A : i32
        %ne3A = arith.constant 0 : i32
        %ne3A_221 = arith.cmpi ne, %rem3A, %ne3A : i32
        %lt3A = arith.constant 0 : i32
        %lt3A_222 = arith.cmpi slt, %rem3A, %lt3A : i32
        %lt3A_223 = arith.constant 0 : i32
        %lt3A_224 = arith.cmpi slt, %select_n3A, %lt3A_223 : i32
        %ne3A_225 = arith.xori %lt3A_222, %lt3A_224 : i1
        %and3A = arith.andi %ne3A_225, %ne3A_221 : i1
        %add3A_226 = arith.addi %rem3A, %select_n3A : i32
        %select_n3A_227 = arith.select %and3A, %add3A_226, %rem3A : i32
        %add3A_228 = arith.constant 1 : i32
        %add3A_229 = arith.addi %scan3A_216, %add3A_228 : i32
        %jit3A_230 = arith.constant 2 : i32
        %eq3A_231 = arith.constant 0 : i32
        %eq3A_232 = arith.cmpi eq, %jit3A_230, %eq3A_231 : i32
        %jit3A_233 = arith.constant 1 : i32
        %select_n3A_234 = arith.select %eq3A_232, %jit3A_233, %jit3A_230 : i32
        %rem3A_235 = arith.remsi %add3A_229, %select_n3A_234 : i32
        %ne3A_236 = arith.constant 0 : i32
        %ne3A_237 = arith.cmpi ne, %rem3A_235, %ne3A_236 : i32
        %lt3A_238 = arith.constant 0 : i32
        %lt3A_239 = arith.cmpi slt, %rem3A_235, %lt3A_238 : i32
        %lt3A_240 = arith.constant 0 : i32
        %lt3A_241 = arith.cmpi slt, %select_n3A_234, %lt3A_240 : i32
        %ne3A_242 = arith.xori %lt3A_239, %lt3A_241 : i1
        %and3A_243 = arith.andi %ne3A_242, %ne3A_237 : i1
        %add3A_244 = arith.addi %rem3A_235, %select_n3A_234 : i32
        %select_n3A_245 = arith.select %and3A_243, %add3A_244, %rem3A_235 : i32
        %dma_wait3A_246 = arith.constant 0 : i32
        %dma_wait3A_247 = arith.constant 0 : i32
        %dma_wait3A_248 = tpu.memref_slice %arg10[%select_n3A_227, %dma_wait3A_246, %dma_wait3A_247] : memref<2x128x128xf32, #tpu.memory_space<vmem>> -> memref<1x128x128xf32, #tpu.memory_space<vmem>>
        %dma_wait3A_249 = tpu.memref_squeeze %dma_wait3A_248 : memref<1x128x128xf32, #tpu.memory_space<vmem>> -> memref<128x128xf32, #tpu.memory_space<vmem>>
        %dma_wait3A_250 = arith.constant 0 : i32
        %dma_wait3A_251 = tpu.memref_slice %arg8[%scan3A_216, %dma_wait3A_250] : memref<40x128xi32, #tpu.memory_space<vmem>> -> memref<1x128xi32, #tpu.memory_space<vmem>>
        %dma_wait3A_252 = tpu.memref_squeeze %dma_wait3A_251 : memref<1x128xi32, #tpu.memory_space<vmem>> -> memref<128xi32, #tpu.memory_space<vmem>>
        %dma_wait3A_253 = arith.constant 0 : i32
        %dma_wait3A_254 = arith.constant 0 : i32
        %dma_wait3A_255 = tpu.memref_slice %arg2[%dma_wait3A_253, %dma_wait3A_254] : memref<10240x128xf32, #tpu.memory_space<hbm>> -> memref<10240x128xf32, #tpu.memory_space<hbm>>
        tpu.wait_indirect_dma semaphore(%arg12 : memref<!tpu.dma_semaphore, #tpu.memory_space<semaphore_mem>>) src(%dma_wait3A_255 : memref<10240x128xf32, #tpu.memory_space<hbm>>) dst(%dma_wait3A_249 : memref<128x128xf32, #tpu.memory_space<vmem>>)
        %dma_start3A_256 = arith.constant 0 : i32
        %dma_start3A_257 = arith.constant 0 : i32
        %dma_start3A_258 = tpu.memref_slice %arg10[%select_n3A_227, %dma_start3A_256, %dma_start3A_257] : memref<2x128x128xf32, #tpu.memory_space<vmem>> -> memref<1x128x128xf32, #tpu.memory_space<vmem>>
        %dma_start3A_259 = tpu.memref_squeeze %dma_start3A_258 : memref<1x128x128xf32, #tpu.memory_space<vmem>> -> memref<128x128xf32, #tpu.memory_space<vmem>>
        %dma_start3A_260 = arith.constant 0 : i32
        %dma_start3A_261 = tpu.memref_slice %arg9[%scan3A_216, %dma_start3A_260] : memref<40x128xi32, #tpu.memory_space<vmem>> -> memref<1x128xi32, #tpu.memory_space<vmem>>
        %dma_start3A_262 = tpu.memref_squeeze %dma_start3A_261 : memref<1x128xi32, #tpu.memory_space<vmem>> -> memref<128xi32, #tpu.memory_space<vmem>>
        %dma_start3A_263 = arith.constant 0 : i32
        %dma_start3A_264 = arith.constant 0 : i32
        %dma_start3A_265 = tpu.memref_slice %arg14[%dma_start3A_263, %dma_start3A_264] : memref<10240x128xf32, #tpu.memory_space<vmem_shared>> -> memref<10240x128xf32, #tpu.memory_space<vmem_shared>>
        tpu.enqueue_indirect_dma source(%dma_start3A_259 : memref<128x128xf32, #tpu.memory_space<vmem>>) target(%dma_start3A_265 : memref<10240x128xf32, #tpu.memory_space<vmem_shared>>) offsets(%dma_start3A_262 : memref<128xi32, #tpu.memory_space<vmem>>) semaphore(%arg13 : memref<!tpu.dma_semaphore, #tpu.memory_space<semaphore_mem>>) {add = true}
        %ge3A = arith.constant 1 : i32
        %ge3A_266 = arith.cmpi sge, %scan3A_216, %ge3A : i32
        %convert_element_type3A_267 = arith.extui %ge3A_266 : i1 to i32
        %cond3A_268 = arith.constant 0 : i32
        %cond3A_269 = arith.cmpi ne, %convert_element_type3A_267, %cond3A_268 : i32
        scf.if %cond3A_269 {
          %sub3A = arith.constant 1 : i32
          %sub3A_278 = arith.subi %scan3A_216, %sub3A : i32
          %dma_wait3A_279 = arith.constant 0 : i32
          %dma_wait3A_280 = arith.constant 0 : i32
          %dma_wait3A_281 = tpu.memref_slice %arg10[%select_n3A_245, %dma_wait3A_279, %dma_wait3A_280] : memref<2x128x128xf32, #tpu.memory_space<vmem>> -> memref<1x128x128xf32, #tpu.memory_space<vmem>>
          %dma_wait3A_282 = tpu.memref_squeeze %dma_wait3A_281 : memref<1x128x128xf32, #tpu.memory_space<vmem>> -> memref<128x128xf32, #tpu.memory_space<vmem>>
          %dma_wait3A_283 = arith.constant 0 : i32
          %dma_wait3A_284 = tpu.memref_slice %arg9[%sub3A_278, %dma_wait3A_283] : memref<40x128xi32, #tpu.memory_space<vmem>> -> memref<1x128xi32, #tpu.memory_space<vmem>>
          %dma_wait3A_285 = tpu.memref_squeeze %dma_wait3A_284 : memref<1x128xi32, #tpu.memory_space<vmem>> -> memref<128xi32, #tpu.memory_space<vmem>>
          %dma_wait3A_286 = arith.constant 0 : i32
          %dma_wait3A_287 = arith.constant 0 : i32
          %dma_wait3A_288 = tpu.memref_slice %arg14[%dma_wait3A_286, %dma_wait3A_287] : memref<10240x128xf32, #tpu.memory_space<vmem_shared>> -> memref<10240x128xf32, #tpu.memory_space<vmem_shared>>
          tpu.wait_indirect_dma semaphore(%arg13 : memref<!tpu.dma_semaphore, #tpu.memory_space<semaphore_mem>>) src(%dma_wait3A_282 : memref<128x128xf32, #tpu.memory_space<vmem>>) dst(%dma_wait3A_288 : memref<10240x128xf32, #tpu.memory_space<vmem_shared>>)
        } else {
        }
        %add3A_270 = arith.constant 1 : i32
        %add3A_271 = arith.addi %scan3A_216, %add3A_270 : i32
        %lt3A_272 = arith.constant 40 : i32
        %lt3A_273 = arith.cmpi slt, %add3A_271, %lt3A_272 : i32
        %convert_element_type3A_274 = arith.extui %lt3A_273 : i1 to i32
        %cond3A_275 = arith.constant 0 : i32
        %cond3A_276 = arith.cmpi ne, %convert_element_type3A_274, %cond3A_275 : i32
        scf.if %cond3A_276 {
          %add3A_278 = arith.constant 1 : i32
          %add3A_279 = arith.addi %scan3A_216, %add3A_278 : i32
          %dma_start3A_280 = arith.constant 0 : i32
          %dma_start3A_281 = arith.constant 0 : i32
          %dma_start3A_282 = tpu.memref_slice %arg10[%select_n3A_245, %dma_start3A_280, %dma_start3A_281] : memref<2x128x128xf32, #tpu.memory_space<vmem>> -> memref<1x128x128xf32, #tpu.memory_space<vmem>>
          %dma_start3A_283 = tpu.memref_squeeze %dma_start3A_282 : memref<1x128x128xf32, #tpu.memory_space<vmem>> -> memref<128x128xf32, #tpu.memory_space<vmem>>
          %dma_start3A_284 = arith.constant 0 : i32
          %dma_start3A_285 = tpu.memref_slice %arg8[%add3A_279, %dma_start3A_284] : memref<40x128xi32, #tpu.memory_space<vmem>> -> memref<1x128xi32, #tpu.memory_space<vmem>>
          %dma_start3A_286 = tpu.memref_squeeze %dma_start3A_285 : memref<1x128xi32, #tpu.memory_space<vmem>> -> memref<128xi32, #tpu.memory_space<vmem>>
          %dma_start3A_287 = arith.constant 0 : i32
          %dma_start3A_288 = arith.constant 0 : i32
          %dma_start3A_289 = tpu.memref_slice %arg2[%dma_start3A_287, %dma_start3A_288] : memref<10240x128xf32, #tpu.memory_space<hbm>> -> memref<10240x128xf32, #tpu.memory_space<hbm>>
          tpu.enqueue_indirect_dma source(%dma_start3A_289 : memref<10240x128xf32, #tpu.memory_space<hbm>>) target(%dma_start3A_283 : memref<128x128xf32, #tpu.memory_space<vmem>>) offsets(%dma_start3A_286 : memref<128xi32, #tpu.memory_space<vmem>>) semaphore(%arg12 : memref<!tpu.dma_semaphore, #tpu.memory_space<semaphore_mem>>)
        } else {
        }
        %scan3A_277 = arith.constant 0 : i32
        scf.yield %scan3A_277 : i32
      }
      %scan3A_110 = arith.constant 40 : i32
      %dma_wait3A = arith.constant 1 : i32
      %dma_wait3A_111 = arith.constant 39 : i32
      %dma_wait3A_112 = arith.constant 0 : i32
      %dma_wait3A_113 = arith.constant 0 : i32
      %dma_wait3A_114 = tpu.memref_slice %arg10[%dma_wait3A, %dma_wait3A_112, %dma_wait3A_113] : memref<2x128x128xf32, #tpu.memory_space<vmem>> -> memref<1x128x128xf32, #tpu.memory_space<vmem>>
      %dma_wait3A_115 = tpu.memref_squeeze %dma_wait3A_114 : memref<1x128x128xf32, #tpu.memory_space<vmem>> -> memref<128x128xf32, #tpu.memory_space<vmem>>
      %dma_wait3A_116 = arith.constant 0 : i32
      %dma_wait3A_117 = tpu.memref_slice %arg9[%dma_wait3A_111, %dma_wait3A_116] : memref<40x128xi32, #tpu.memory_space<vmem>> -> memref<1x128xi32, #tpu.memory_space<vmem>>
      %dma_wait3A_118 = tpu.memref_squeeze %dma_wait3A_117 : memref<1x128xi32, #tpu.memory_space<vmem>> -> memref<128xi32, #tpu.memory_space<vmem>>
      %dma_wait3A_119 = arith.constant 0 : i32
      %dma_wait3A_120 = arith.constant 0 : i32
      %dma_wait3A_121 = tpu.memref_slice %arg14[%dma_wait3A_119, %dma_wait3A_120] : memref<10240x128xf32, #tpu.memory_space<vmem_shared>> -> memref<10240x128xf32, #tpu.memory_space<vmem_shared>>
      tpu.wait_indirect_dma semaphore(%arg13 : memref<!tpu.dma_semaphore, #tpu.memory_space<semaphore_mem>>) src(%dma_wait3A_115 : memref<128x128xf32, #tpu.memory_space<vmem>>) dst(%dma_wait3A_121 : memref<10240x128xf32, #tpu.memory_space<vmem_shared>>)
      "tpu.region"() ({
        %run_scoped3A = tpu.sem_alloc : memref<!tpu.dma_semaphore, #tpu.memory_space<semaphore_mem>>
        %dma_start3A_216 = arith.constant 40 : i32
        %dma_start3A_217 = arith.constant 0 : i32
        %dma_start3A_218 = tpu.memref_slice %arg4[%arg1, %dma_start3A_216, %dma_start3A_217] : memref<16x160x128xi32, #tpu.memory_space<hbm>> -> memref<1x40x128xi32, #tpu.memory_space<hbm>>
        %dma_start3A_219 = tpu.memref_squeeze %dma_start3A_218 : memref<1x40x128xi32, #tpu.memory_space<hbm>> -> memref<40x128xi32, #tpu.memory_space<hbm>>
        %dma_start3A_220 = arith.constant 40 : i32
        %dma_start3A_221 = arith.constant 0 : i32
        %dma_start3A_222 = tpu.memref_slice %arg4[%arg1, %dma_start3A_220, %dma_start3A_221] : memref<16x160x128xi32, #tpu.memory_space<hbm>> -> memref<1x40x128xi32, #tpu.memory_space<hbm>>
        %dma_start3A_223 = tpu.memref_squeeze %dma_start3A_222 : memref<1x40x128xi32, #tpu.memory_space<hbm>> -> memref<40x128xi32, #tpu.memory_space<hbm>>
        tpu.enqueue_dma source(%dma_start3A_223 : memref<40x128xi32, #tpu.memory_space<hbm>>) target(%arg8 : memref<40x128xi32, #tpu.memory_space<vmem>>) target_semaphore(%run_scoped3A : memref<!tpu.dma_semaphore, #tpu.memory_space<semaphore_mem>>)
        %dma_wait3A_224 = arith.constant 40 : i32
        %dma_wait3A_225 = arith.constant 0 : i32
        %dma_wait3A_226 = tpu.memref_slice %arg4[%arg1, %dma_wait3A_224, %dma_wait3A_225] : memref<16x160x128xi32, #tpu.memory_space<hbm>> -> memref<1x40x128xi32, #tpu.memory_space<hbm>>
        %dma_wait3A_227 = tpu.memref_squeeze %dma_wait3A_226 : memref<1x40x128xi32, #tpu.memory_space<hbm>> -> memref<40x128xi32, #tpu.memory_space<hbm>>
        %dma_wait3A_228 = arith.constant 40 : i32
        %dma_wait3A_229 = arith.constant 0 : i32
        %dma_wait3A_230 = tpu.memref_slice %arg4[%arg1, %dma_wait3A_228, %dma_wait3A_229] : memref<16x160x128xi32, #tpu.memory_space<hbm>> -> memref<1x40x128xi32, #tpu.memory_space<hbm>>
        %dma_wait3A_231 = tpu.memref_squeeze %dma_wait3A_230 : memref<1x40x128xi32, #tpu.memory_space<hbm>> -> memref<40x128xi32, #tpu.memory_space<hbm>>
        tpu.wait_dma2 semaphore(%run_scoped3A : memref<!tpu.dma_semaphore, #tpu.memory_space<semaphore_mem>>) src(%dma_wait3A_231 : memref<40x128xi32, #tpu.memory_space<hbm>>) dst(%arg8 : memref<40x128xi32, #tpu.memory_space<vmem>>)
        tpu.yield
      }) : () -> ()
      "tpu.region"() ({
        %run_scoped3A = tpu.sem_alloc : memref<!tpu.dma_semaphore, #tpu.memory_space<semaphore_mem>>
        %dma_start3A_216 = arith.constant 40 : i32
        %dma_start3A_217 = arith.constant 0 : i32
        %dma_start3A_218 = tpu.memref_slice %arg5[%arg1, %dma_start3A_216, %dma_start3A_217] : memref<16x160x128xi32, #tpu.memory_space<hbm>> -> memref<1x40x128xi32, #tpu.memory_space<hbm>>
        %dma_start3A_219 = tpu.memref_squeeze %dma_start3A_218 : memref<1x40x128xi32, #tpu.memory_space<hbm>> -> memref<40x128xi32, #tpu.memory_space<hbm>>
        %dma_start3A_220 = arith.constant 40 : i32
        %dma_start3A_221 = arith.constant 0 : i32
        %dma_start3A_222 = tpu.memref_slice %arg5[%arg1, %dma_start3A_220, %dma_start3A_221] : memref<16x160x128xi32, #tpu.memory_space<hbm>> -> memref<1x40x128xi32, #tpu.memory_space<hbm>>
        %dma_start3A_223 = tpu.memref_squeeze %dma_start3A_222 : memref<1x40x128xi32, #tpu.memory_space<hbm>> -> memref<40x128xi32, #tpu.memory_space<hbm>>
        tpu.enqueue_dma source(%dma_start3A_223 : memref<40x128xi32, #tpu.memory_space<hbm>>) target(%arg9 : memref<40x128xi32, #tpu.memory_space<vmem>>) target_semaphore(%run_scoped3A : memref<!tpu.dma_semaphore, #tpu.memory_space<semaphore_mem>>)
        %dma_wait3A_224 = arith.constant 40 : i32
        %dma_wait3A_225 = arith.constant 0 : i32
        %dma_wait3A_226 = tpu.memref_slice %arg5[%arg1, %dma_wait3A_224, %dma_wait3A_225] : memref<16x160x128xi32, #tpu.memory_space<hbm>> -> memref<1x40x128xi32, #tpu.memory_space<hbm>>
        %dma_wait3A_227 = tpu.memref_squeeze %dma_wait3A_226 : memref<1x40x128xi32, #tpu.memory_space<hbm>> -> memref<40x128xi32, #tpu.memory_space<hbm>>
        %dma_wait3A_228 = arith.constant 40 : i32
        %dma_wait3A_229 = arith.constant 0 : i32
        %dma_wait3A_230 = tpu.memref_slice %arg5[%arg1, %dma_wait3A_228, %dma_wait3A_229] : memref<16x160x128xi32, #tpu.memory_space<hbm>> -> memref<1x40x128xi32, #tpu.memory_space<hbm>>
        %dma_wait3A_231 = tpu.memref_squeeze %dma_wait3A_230 : memref<1x40x128xi32, #tpu.memory_space<hbm>> -> memref<40x128xi32, #tpu.memory_space<hbm>>
        tpu.wait_dma2 semaphore(%run_scoped3A : memref<!tpu.dma_semaphore, #tpu.memory_space<semaphore_mem>>) src(%dma_wait3A_231 : memref<40x128xi32, #tpu.memory_space<hbm>>) dst(%arg9 : memref<40x128xi32, #tpu.memory_space<vmem>>)
        tpu.yield
      }) : () -> ()
      %dma_start3A_122 = arith.constant 0 : i32
      %dma_start3A_123 = arith.constant 0 : i32
      %dma_start3A_124 = arith.constant 0 : i32
      %dma_start3A_125 = arith.constant 0 : i32
      %dma_start3A_126 = tpu.memref_slice %arg10[%dma_start3A_123, %dma_start3A_124, %dma_start3A_125] : memref<2x128x128xf32, #tpu.memory_space<vmem>> -> memref<1x128x128xf32, #tpu.memory_space<vmem>>
      %dma_start3A_127 = tpu.memref_squeeze %dma_start3A_126 : memref<1x128x128xf32, #tpu.memory_space<vmem>> -> memref<128x128xf32, #tpu.memory_space<vmem>>
      %dma_start3A_128 = arith.constant 0 : i32
      %dma_start3A_129 = tpu.memref_slice %arg8[%dma_start3A_122, %dma_start3A_128] : memref<40x128xi32, #tpu.memory_space<vmem>> -> memref<1x128xi32, #tpu.memory_space<vmem>>
      %dma_start3A_130 = tpu.memref_squeeze %dma_start3A_129 : memref<1x128xi32, #tpu.memory_space<vmem>> -> memref<128xi32, #tpu.memory_space<vmem>>
      %dma_start3A_131 = arith.constant 0 : i32
      %dma_start3A_132 = arith.constant 0 : i32
      %dma_start3A_133 = tpu.memref_slice %arg2[%dma_start3A_131, %dma_start3A_132] : memref<10240x128xf32, #tpu.memory_space<hbm>> -> memref<10240x128xf32, #tpu.memory_space<hbm>>
      tpu.enqueue_indirect_dma source(%dma_start3A_133 : memref<10240x128xf32, #tpu.memory_space<hbm>>) target(%dma_start3A_127 : memref<128x128xf32, #tpu.memory_space<vmem>>) offsets(%dma_start3A_130 : memref<128xi32, #tpu.memory_space<vmem>>) semaphore(%arg12 : memref<!tpu.dma_semaphore, #tpu.memory_space<semaphore_mem>>)
      %scan3A_134 = arith.constant 0 : i32
      %scan3A_135 = arith.constant 0 : i32
      %scan3A_136 = arith.constant 40 : i32
      %scan3A_137 = arith.addi %scan3A_135, %scan3A_136 : i32
      %scan3A_138 = arith.constant 1 : i32
      %scan3A_139 = scf.for %scan3A_216 = %scan3A_135 to %scan3A_137 step %scan3A_138 iter_args(%scan3A_217 = %scan3A_134) -> (i32)  : i32 {
        %jit3A = arith.constant 2 : i32
        %eq3A_218 = arith.constant 0 : i32
        %eq3A_219 = arith.cmpi eq, %jit3A, %eq3A_218 : i32
        %jit3A_220 = arith.constant 1 : i32
        %select_n3A = arith.select %eq3A_219, %jit3A_220, %jit3A : i32
        %rem3A = arith.remsi %scan3A_216, %select_n3A : i32
        %ne3A = arith.constant 0 : i32
        %ne3A_221 = arith.cmpi ne, %rem3A, %ne3A : i32
        %lt3A = arith.constant 0 : i32
        %lt3A_222 = arith.cmpi slt, %rem3A, %lt3A : i32
        %lt3A_223 = arith.constant 0 : i32
        %lt3A_224 = arith.cmpi slt, %select_n3A, %lt3A_223 : i32
        %ne3A_225 = arith.xori %lt3A_222, %lt3A_224 : i1
        %and3A = arith.andi %ne3A_225, %ne3A_221 : i1
        %add3A_226 = arith.addi %rem3A, %select_n3A : i32
        %select_n3A_227 = arith.select %and3A, %add3A_226, %rem3A : i32
        %add3A_228 = arith.constant 1 : i32
        %add3A_229 = arith.addi %scan3A_216, %add3A_228 : i32
        %jit3A_230 = arith.constant 2 : i32
        %eq3A_231 = arith.constant 0 : i32
        %eq3A_232 = arith.cmpi eq, %jit3A_230, %eq3A_231 : i32
        %jit3A_233 = arith.constant 1 : i32
        %select_n3A_234 = arith.select %eq3A_232, %jit3A_233, %jit3A_230 : i32
        %rem3A_235 = arith.remsi %add3A_229, %select_n3A_234 : i32
        %ne3A_236 = arith.constant 0 : i32
        %ne3A_237 = arith.cmpi ne, %rem3A_235, %ne3A_236 : i32
        %lt3A_238 = arith.constant 0 : i32
        %lt3A_239 = arith.cmpi slt, %rem3A_235, %lt3A_238 : i32
        %lt3A_240 = arith.constant 0 : i32
        %lt3A_241 = arith.cmpi slt, %select_n3A_234, %lt3A_240 : i32
        %ne3A_242 = arith.xori %lt3A_239, %lt3A_241 : i1
        %and3A_243 = arith.andi %ne3A_242, %ne3A_237 : i1
        %add3A_244 = arith.addi %rem3A_235, %select_n3A_234 : i32
        %select_n3A_245 = arith.select %and3A_243, %add3A_244, %rem3A_235 : i32
        %dma_wait3A_246 = arith.constant 0 : i32
        %dma_wait3A_247 = arith.constant 0 : i32
        %dma_wait3A_248 = tpu.memref_slice %arg10[%select_n3A_227, %dma_wait3A_246, %dma_wait3A_247] : memref<2x128x128xf32, #tpu.memory_space<vmem>> -> memref<1x128x128xf32, #tpu.memory_space<vmem>>
        %dma_wait3A_249 = tpu.memref_squeeze %dma_wait3A_248 : memref<1x128x128xf32, #tpu.memory_space<vmem>> -> memref<128x128xf32, #tpu.memory_space<vmem>>
        %dma_wait3A_250 = arith.constant 0 : i32
        %dma_wait3A_251 = tpu.memref_slice %arg8[%scan3A_216, %dma_wait3A_250] : memref<40x128xi32, #tpu.memory_space<vmem>> -> memref<1x128xi32, #tpu.memory_space<vmem>>
        %dma_wait3A_252 = tpu.memref_squeeze %dma_wait3A_251 : memref<1x128xi32, #tpu.memory_space<vmem>> -> memref<128xi32, #tpu.memory_space<vmem>>
        %dma_wait3A_253 = arith.constant 0 : i32
        %dma_wait3A_254 = arith.constant 0 : i32
        %dma_wait3A_255 = tpu.memref_slice %arg2[%dma_wait3A_253, %dma_wait3A_254] : memref<10240x128xf32, #tpu.memory_space<hbm>> -> memref<10240x128xf32, #tpu.memory_space<hbm>>
        tpu.wait_indirect_dma semaphore(%arg12 : memref<!tpu.dma_semaphore, #tpu.memory_space<semaphore_mem>>) src(%dma_wait3A_255 : memref<10240x128xf32, #tpu.memory_space<hbm>>) dst(%dma_wait3A_249 : memref<128x128xf32, #tpu.memory_space<vmem>>)
        %dma_start3A_256 = arith.constant 0 : i32
        %dma_start3A_257 = arith.constant 0 : i32
        %dma_start3A_258 = tpu.memref_slice %arg10[%select_n3A_227, %dma_start3A_256, %dma_start3A_257] : memref<2x128x128xf32, #tpu.memory_space<vmem>> -> memref<1x128x128xf32, #tpu.memory_space<vmem>>
        %dma_start3A_259 = tpu.memref_squeeze %dma_start3A_258 : memref<1x128x128xf32, #tpu.memory_space<vmem>> -> memref<128x128xf32, #tpu.memory_space<vmem>>
        %dma_start3A_260 = arith.constant 0 : i32
        %dma_start3A_261 = tpu.memref_slice %arg9[%scan3A_216, %dma_start3A_260] : memref<40x128xi32, #tpu.memory_space<vmem>> -> memref<1x128xi32, #tpu.memory_space<vmem>>
        %dma_start3A_262 = tpu.memref_squeeze %dma_start3A_261 : memref<1x128xi32, #tpu.memory_space<vmem>> -> memref<128xi32, #tpu.memory_space<vmem>>
        %dma_start3A_263 = arith.constant 0 : i32
        %dma_start3A_264 = arith.constant 0 : i32
        %dma_start3A_265 = tpu.memref_slice %arg14[%dma_start3A_263, %dma_start3A_264] : memref<10240x128xf32, #tpu.memory_space<vmem_shared>> -> memref<10240x128xf32, #tpu.memory_space<vmem_shared>>
        tpu.enqueue_indirect_dma source(%dma_start3A_259 : memref<128x128xf32, #tpu.memory_space<vmem>>) target(%dma_start3A_265 : memref<10240x128xf32, #tpu.memory_space<vmem_shared>>) offsets(%dma_start3A_262 : memref<128xi32, #tpu.memory_space<vmem>>) semaphore(%arg13 : memref<!tpu.dma_semaphore, #tpu.memory_space<semaphore_mem>>) {add = true}
        %ge3A = arith.constant 1 : i32
        %ge3A_266 = arith.cmpi sge, %scan3A_216, %ge3A : i32
        %convert_element_type3A_267 = arith.extui %ge3A_266 : i1 to i32
        %cond3A_268 = arith.constant 0 : i32
        %cond3A_269 = arith.cmpi ne, %convert_element_type3A_267, %cond3A_268 : i32
        scf.if %cond3A_269 {
          %sub3A = arith.constant 1 : i32
          %sub3A_278 = arith.subi %scan3A_216, %sub3A : i32
          %dma_wait3A_279 = arith.constant 0 : i32
          %dma_wait3A_280 = arith.constant 0 : i32
          %dma_wait3A_281 = tpu.memref_slice %arg10[%select_n3A_245, %dma_wait3A_279, %dma_wait3A_280] : memref<2x128x128xf32, #tpu.memory_space<vmem>> -> memref<1x128x128xf32, #tpu.memory_space<vmem>>
          %dma_wait3A_282 = tpu.memref_squeeze %dma_wait3A_281 : memref<1x128x128xf32, #tpu.memory_space<vmem>> -> memref<128x128xf32, #tpu.memory_space<vmem>>
          %dma_wait3A_283 = arith.constant 0 : i32
          %dma_wait3A_284 = tpu.memref_slice %arg9[%sub3A_278, %dma_wait3A_283] : memref<40x128xi32, #tpu.memory_space<vmem>> -> memref<1x128xi32, #tpu.memory_space<vmem>>
          %dma_wait3A_285 = tpu.memref_squeeze %dma_wait3A_284 : memref<1x128xi32, #tpu.memory_space<vmem>> -> memref<128xi32, #tpu.memory_space<vmem>>
          %dma_wait3A_286 = arith.constant 0 : i32
          %dma_wait3A_287 = arith.constant 0 : i32
          %dma_wait3A_288 = tpu.memref_slice %arg14[%dma_wait3A_286, %dma_wait3A_287] : memref<10240x128xf32, #tpu.memory_space<vmem_shared>> -> memref<10240x128xf32, #tpu.memory_space<vmem_shared>>
          tpu.wait_indirect_dma semaphore(%arg13 : memref<!tpu.dma_semaphore, #tpu.memory_space<semaphore_mem>>) src(%dma_wait3A_282 : memref<128x128xf32, #tpu.memory_space<vmem>>) dst(%dma_wait3A_288 : memref<10240x128xf32, #tpu.memory_space<vmem_shared>>)
        } else {
        }
        %add3A_270 = arith.constant 1 : i32
        %add3A_271 = arith.addi %scan3A_216, %add3A_270 : i32
        %lt3A_272 = arith.constant 40 : i32
        %lt3A_273 = arith.cmpi slt, %add3A_271, %lt3A_272 : i32
        %convert_element_type3A_274 = arith.extui %lt3A_273 : i1 to i32
        %cond3A_275 = arith.constant 0 : i32
        %cond3A_276 = arith.cmpi ne, %convert_element_type3A_274, %cond3A_275 : i32
        scf.if %cond3A_276 {
          %add3A_278 = arith.constant 1 : i32
          %add3A_279 = arith.addi %scan3A_216, %add3A_278 : i32
          %dma_start3A_280 = arith.constant 0 : i32
          %dma_start3A_281 = arith.constant 0 : i32
          %dma_start3A_282 = tpu.memref_slice %arg10[%select_n3A_245, %dma_start3A_280, %dma_start3A_281] : memref<2x128x128xf32, #tpu.memory_space<vmem>> -> memref<1x128x128xf32, #tpu.memory_space<vmem>>
          %dma_start3A_283 = tpu.memref_squeeze %dma_start3A_282 : memref<1x128x128xf32, #tpu.memory_space<vmem>> -> memref<128x128xf32, #tpu.memory_space<vmem>>
          %dma_start3A_284 = arith.constant 0 : i32
          %dma_start3A_285 = tpu.memref_slice %arg8[%add3A_279, %dma_start3A_284] : memref<40x128xi32, #tpu.memory_space<vmem>> -> memref<1x128xi32, #tpu.memory_space<vmem>>
          %dma_start3A_286 = tpu.memref_squeeze %dma_start3A_285 : memref<1x128xi32, #tpu.memory_space<vmem>> -> memref<128xi32, #tpu.memory_space<vmem>>
          %dma_start3A_287 = arith.constant 0 : i32
          %dma_start3A_288 = arith.constant 0 : i32
          %dma_start3A_289 = tpu.memref_slice %arg2[%dma_start3A_287, %dma_start3A_288] : memref<10240x128xf32, #tpu.memory_space<hbm>> -> memref<10240x128xf32, #tpu.memory_space<hbm>>
          tpu.enqueue_indirect_dma source(%dma_start3A_289 : memref<10240x128xf32, #tpu.memory_space<hbm>>) target(%dma_start3A_283 : memref<128x128xf32, #tpu.memory_space<vmem>>) offsets(%dma_start3A_286 : memref<128xi32, #tpu.memory_space<vmem>>) semaphore(%arg12 : memref<!tpu.dma_semaphore, #tpu.memory_space<semaphore_mem>>)
        } else {
        }
        %scan3A_277 = arith.constant 0 : i32
        scf.yield %scan3A_277 : i32
      }
      %scan3A_140 = arith.constant 40 : i32
      %dma_wait3A_141 = arith.constant 1 : i32
      %dma_wait3A_142 = arith.constant 39 : i32
      %dma_wait3A_143 = arith.constant 0 : i32
      %dma_wait3A_144 = arith.constant 0 : i32
      %dma_wait3A_145 = tpu.memref_slice %arg10[%dma_wait3A_141, %dma_wait3A_143, %dma_wait3A_144] : memref<2x128x128xf32, #tpu.memory_space<vmem>> -> memref<1x128x128xf32, #tpu.memory_space<vmem>>
      %dma_wait3A_146 = tpu.memref_squeeze %dma_wait3A_145 : memref<1x128x128xf32, #tpu.memory_space<vmem>> -> memref<128x128xf32, #tpu.memory_space<vmem>>
      %dma_wait3A_147 = arith.constant 0 : i32
      %dma_wait3A_148 = tpu.memref_slice %arg9[%dma_wait3A_142, %dma_wait3A_147] : memref<40x128xi32, #tpu.memory_space<vmem>> -> memref<1x128xi32, #tpu.memory_space<vmem>>
      %dma_wait3A_149 = tpu.memref_squeeze %dma_wait3A_148 : memref<1x128xi32, #tpu.memory_space<vmem>> -> memref<128xi32, #tpu.memory_space<vmem>>
      %dma_wait3A_150 = arith.constant 0 : i32
      %dma_wait3A_151 = arith.constant 0 : i32
      %dma_wait3A_152 = tpu.memref_slice %arg14[%dma_wait3A_150, %dma_wait3A_151] : memref<10240x128xf32, #tpu.memory_space<vmem_shared>> -> memref<10240x128xf32, #tpu.memory_space<vmem_shared>>
      tpu.wait_indirect_dma semaphore(%arg13 : memref<!tpu.dma_semaphore, #tpu.memory_space<semaphore_mem>>) src(%dma_wait3A_146 : memref<128x128xf32, #tpu.memory_space<vmem>>) dst(%dma_wait3A_152 : memref<10240x128xf32, #tpu.memory_space<vmem_shared>>)
      "tpu.region"() ({
        %run_scoped3A = tpu.sem_alloc : memref<!tpu.dma_semaphore, #tpu.memory_space<semaphore_mem>>
        %dma_start3A_216 = arith.constant 80 : i32
        %dma_start3A_217 = arith.constant 0 : i32
        %dma_start3A_218 = tpu.memref_slice %arg4[%arg1, %dma_start3A_216, %dma_start3A_217] : memref<16x160x128xi32, #tpu.memory_space<hbm>> -> memref<1x40x128xi32, #tpu.memory_space<hbm>>
        %dma_start3A_219 = tpu.memref_squeeze %dma_start3A_218 : memref<1x40x128xi32, #tpu.memory_space<hbm>> -> memref<40x128xi32, #tpu.memory_space<hbm>>
        %dma_start3A_220 = arith.constant 80 : i32
        %dma_start3A_221 = arith.constant 0 : i32
        %dma_start3A_222 = tpu.memref_slice %arg4[%arg1, %dma_start3A_220, %dma_start3A_221] : memref<16x160x128xi32, #tpu.memory_space<hbm>> -> memref<1x40x128xi32, #tpu.memory_space<hbm>>
        %dma_start3A_223 = tpu.memref_squeeze %dma_start3A_222 : memref<1x40x128xi32, #tpu.memory_space<hbm>> -> memref<40x128xi32, #tpu.memory_space<hbm>>
        tpu.enqueue_dma source(%dma_start3A_223 : memref<40x128xi32, #tpu.memory_space<hbm>>) target(%arg8 : memref<40x128xi32, #tpu.memory_space<vmem>>) target_semaphore(%run_scoped3A : memref<!tpu.dma_semaphore, #tpu.memory_space<semaphore_mem>>)
        %dma_wait3A_224 = arith.constant 80 : i32
        %dma_wait3A_225 = arith.constant 0 : i32
        %dma_wait3A_226 = tpu.memref_slice %arg4[%arg1, %dma_wait3A_224, %dma_wait3A_225] : memref<16x160x128xi32, #tpu.memory_space<hbm>> -> memref<1x40x128xi32, #tpu.memory_space<hbm>>
        %dma_wait3A_227 = tpu.memref_squeeze %dma_wait3A_226 : memref<1x40x128xi32, #tpu.memory_space<hbm>> -> memref<40x128xi32, #tpu.memory_space<hbm>>
        %dma_wait3A_228 = arith.constant 80 : i32
        %dma_wait3A_229 = arith.constant 0 : i32
        %dma_wait3A_230 = tpu.memref_slice %arg4[%arg1, %dma_wait3A_228, %dma_wait3A_229] : memref<16x160x128xi32, #tpu.memory_space<hbm>> -> memref<1x40x128xi32, #tpu.memory_space<hbm>>
        %dma_wait3A_231 = tpu.memref_squeeze %dma_wait3A_230 : memref<1x40x128xi32, #tpu.memory_space<hbm>> -> memref<40x128xi32, #tpu.memory_space<hbm>>
        tpu.wait_dma2 semaphore(%run_scoped3A : memref<!tpu.dma_semaphore, #tpu.memory_space<semaphore_mem>>) src(%dma_wait3A_231 : memref<40x128xi32, #tpu.memory_space<hbm>>) dst(%arg8 : memref<40x128xi32, #tpu.memory_space<vmem>>)
        tpu.yield
      }) : () -> ()
      "tpu.region"() ({
        %run_scoped3A = tpu.sem_alloc : memref<!tpu.dma_semaphore, #tpu.memory_space<semaphore_mem>>
        %dma_start3A_216 = arith.constant 80 : i32
        %dma_start3A_217 = arith.constant 0 : i32
        %dma_start3A_218 = tpu.memref_slice %arg5[%arg1, %dma_start3A_216, %dma_start3A_217] : memref<16x160x128xi32, #tpu.memory_space<hbm>> -> memref<1x40x128xi32, #tpu.memory_space<hbm>>
        %dma_start3A_219 = tpu.memref_squeeze %dma_start3A_218 : memref<1x40x128xi32, #tpu.memory_space<hbm>> -> memref<40x128xi32, #tpu.memory_space<hbm>>
        %dma_start3A_220 = arith.constant 80 : i32
        %dma_start3A_221 = arith.constant 0 : i32
        %dma_start3A_222 = tpu.memref_slice %arg5[%arg1, %dma_start3A_220, %dma_start3A_221] : memref<16x160x128xi32, #tpu.memory_space<hbm>> -> memref<1x40x128xi32, #tpu.memory_space<hbm>>
        %dma_start3A_223 = tpu.memref_squeeze %dma_start3A_222 : memref<1x40x128xi32, #tpu.memory_space<hbm>> -> memref<40x128xi32, #tpu.memory_space<hbm>>
        tpu.enqueue_dma source(%dma_start3A_223 : memref<40x128xi32, #tpu.memory_space<hbm>>) target(%arg9 : memref<40x128xi32, #tpu.memory_space<vmem>>) target_semaphore(%run_scoped3A : memref<!tpu.dma_semaphore, #tpu.memory_space<semaphore_mem>>)
        %dma_wait3A_224 = arith.constant 80 : i32
        %dma_wait3A_225 = arith.constant 0 : i32
        %dma_wait3A_226 = tpu.memref_slice %arg5[%arg1, %dma_wait3A_224, %dma_wait3A_225] : memref<16x160x128xi32, #tpu.memory_space<hbm>> -> memref<1x40x128xi32, #tpu.memory_space<hbm>>
        %dma_wait3A_227 = tpu.memref_squeeze %dma_wait3A_226 : memref<1x40x128xi32, #tpu.memory_space<hbm>> -> memref<40x128xi32, #tpu.memory_space<hbm>>
        %dma_wait3A_228 = arith.constant 80 : i32
        %dma_wait3A_229 = arith.constant 0 : i32
        %dma_wait3A_230 = tpu.memref_slice %arg5[%arg1, %dma_wait3A_228, %dma_wait3A_229] : memref<16x160x128xi32, #tpu.memory_space<hbm>> -> memref<1x40x128xi32, #tpu.memory_space<hbm>>
        %dma_wait3A_231 = tpu.memref_squeeze %dma_wait3A_230 : memref<1x40x128xi32, #tpu.memory_space<hbm>> -> memref<40x128xi32, #tpu.memory_space<hbm>>
        tpu.wait_dma2 semaphore(%run_scoped3A : memref<!tpu.dma_semaphore, #tpu.memory_space<semaphore_mem>>) src(%dma_wait3A_231 : memref<40x128xi32, #tpu.memory_space<hbm>>) dst(%arg9 : memref<40x128xi32, #tpu.memory_space<vmem>>)
        tpu.yield
      }) : () -> ()
      %dma_start3A_153 = arith.constant 0 : i32
      %dma_start3A_154 = arith.constant 0 : i32
      %dma_start3A_155 = arith.constant 0 : i32
      %dma_start3A_156 = arith.constant 0 : i32
      %dma_start3A_157 = tpu.memref_slice %arg10[%dma_start3A_154, %dma_start3A_155, %dma_start3A_156] : memref<2x128x128xf32, #tpu.memory_space<vmem>> -> memref<1x128x128xf32, #tpu.memory_space<vmem>>
      %dma_start3A_158 = tpu.memref_squeeze %dma_start3A_157 : memref<1x128x128xf32, #tpu.memory_space<vmem>> -> memref<128x128xf32, #tpu.memory_space<vmem>>
      %dma_start3A_159 = arith.constant 0 : i32
      %dma_start3A_160 = tpu.memref_slice %arg8[%dma_start3A_153, %dma_start3A_159] : memref<40x128xi32, #tpu.memory_space<vmem>> -> memref<1x128xi32, #tpu.memory_space<vmem>>
      %dma_start3A_161 = tpu.memref_squeeze %dma_start3A_160 : memref<1x128xi32, #tpu.memory_space<vmem>> -> memref<128xi32, #tpu.memory_space<vmem>>
      %dma_start3A_162 = arith.constant 0 : i32
      %dma_start3A_163 = arith.constant 0 : i32
      %dma_start3A_164 = tpu.memref_slice %arg2[%dma_start3A_162, %dma_start3A_163] : memref<10240x128xf32, #tpu.memory_space<hbm>> -> memref<10240x128xf32, #tpu.memory_space<hbm>>
      tpu.enqueue_indirect_dma source(%dma_start3A_164 : memref<10240x128xf32, #tpu.memory_space<hbm>>) target(%dma_start3A_158 : memref<128x128xf32, #tpu.memory_space<vmem>>) offsets(%dma_start3A_161 : memref<128xi32, #tpu.memory_space<vmem>>) semaphore(%arg12 : memref<!tpu.dma_semaphore, #tpu.memory_space<semaphore_mem>>)
      %scan3A_165 = arith.constant 0 : i32
      %scan3A_166 = arith.constant 0 : i32
      %scan3A_167 = arith.constant 40 : i32
      %scan3A_168 = arith.addi %scan3A_166, %scan3A_167 : i32
      %scan3A_169 = arith.constant 1 : i32
      %scan3A_170 = scf.for %scan3A_216 = %scan3A_166 to %scan3A_168 step %scan3A_169 iter_args(%scan3A_217 = %scan3A_165) -> (i32)  : i32 {
        %jit3A = arith.constant 2 : i32
        %eq3A_218 = arith.constant 0 : i32
        %eq3A_219 = arith.cmpi eq, %jit3A, %eq3A_218 : i32
        %jit3A_220 = arith.constant 1 : i32
        %select_n3A = arith.select %eq3A_219, %jit3A_220, %jit3A : i32
        %rem3A = arith.remsi %scan3A_216, %select_n3A : i32
        %ne3A = arith.constant 0 : i32
        %ne3A_221 = arith.cmpi ne, %rem3A, %ne3A : i32
        %lt3A = arith.constant 0 : i32
        %lt3A_222 = arith.cmpi slt, %rem3A, %lt3A : i32
        %lt3A_223 = arith.constant 0 : i32
        %lt3A_224 = arith.cmpi slt, %select_n3A, %lt3A_223 : i32
        %ne3A_225 = arith.xori %lt3A_222, %lt3A_224 : i1
        %and3A = arith.andi %ne3A_225, %ne3A_221 : i1
        %add3A_226 = arith.addi %rem3A, %select_n3A : i32
        %select_n3A_227 = arith.select %and3A, %add3A_226, %rem3A : i32
        %add3A_228 = arith.constant 1 : i32
        %add3A_229 = arith.addi %scan3A_216, %add3A_228 : i32
        %jit3A_230 = arith.constant 2 : i32
        %eq3A_231 = arith.constant 0 : i32
        %eq3A_232 = arith.cmpi eq, %jit3A_230, %eq3A_231 : i32
        %jit3A_233 = arith.constant 1 : i32
        %select_n3A_234 = arith.select %eq3A_232, %jit3A_233, %jit3A_230 : i32
        %rem3A_235 = arith.remsi %add3A_229, %select_n3A_234 : i32
        %ne3A_236 = arith.constant 0 : i32
        %ne3A_237 = arith.cmpi ne, %rem3A_235, %ne3A_236 : i32
        %lt3A_238 = arith.constant 0 : i32
        %lt3A_239 = arith.cmpi slt, %rem3A_235, %lt3A_238 : i32
        %lt3A_240 = arith.constant 0 : i32
        %lt3A_241 = arith.cmpi slt, %select_n3A_234, %lt3A_240 : i32
        %ne3A_242 = arith.xori %lt3A_239, %lt3A_241 : i1
        %and3A_243 = arith.andi %ne3A_242, %ne3A_237 : i1
        %add3A_244 = arith.addi %rem3A_235, %select_n3A_234 : i32
        %select_n3A_245 = arith.select %and3A_243, %add3A_244, %rem3A_235 : i32
        %dma_wait3A_246 = arith.constant 0 : i32
        %dma_wait3A_247 = arith.constant 0 : i32
        %dma_wait3A_248 = tpu.memref_slice %arg10[%select_n3A_227, %dma_wait3A_246, %dma_wait3A_247] : memref<2x128x128xf32, #tpu.memory_space<vmem>> -> memref<1x128x128xf32, #tpu.memory_space<vmem>>
        %dma_wait3A_249 = tpu.memref_squeeze %dma_wait3A_248 : memref<1x128x128xf32, #tpu.memory_space<vmem>> -> memref<128x128xf32, #tpu.memory_space<vmem>>
        %dma_wait3A_250 = arith.constant 0 : i32
        %dma_wait3A_251 = tpu.memref_slice %arg8[%scan3A_216, %dma_wait3A_250] : memref<40x128xi32, #tpu.memory_space<vmem>> -> memref<1x128xi32, #tpu.memory_space<vmem>>
        %dma_wait3A_252 = tpu.memref_squeeze %dma_wait3A_251 : memref<1x128xi32, #tpu.memory_space<vmem>> -> memref<128xi32, #tpu.memory_space<vmem>>
        %dma_wait3A_253 = arith.constant 0 : i32
        %dma_wait3A_254 = arith.constant 0 : i32
        %dma_wait3A_255 = tpu.memref_slice %arg2[%dma_wait3A_253, %dma_wait3A_254] : memref<10240x128xf32, #tpu.memory_space<hbm>> -> memref<10240x128xf32, #tpu.memory_space<hbm>>
        tpu.wait_indirect_dma semaphore(%arg12 : memref<!tpu.dma_semaphore, #tpu.memory_space<semaphore_mem>>) src(%dma_wait3A_255 : memref<10240x128xf32, #tpu.memory_space<hbm>>) dst(%dma_wait3A_249 : memref<128x128xf32, #tpu.memory_space<vmem>>)
        %dma_start3A_256 = arith.constant 0 : i32
        %dma_start3A_257 = arith.constant 0 : i32
        %dma_start3A_258 = tpu.memref_slice %arg10[%select_n3A_227, %dma_start3A_256, %dma_start3A_257] : memref<2x128x128xf32, #tpu.memory_space<vmem>> -> memref<1x128x128xf32, #tpu.memory_space<vmem>>
        %dma_start3A_259 = tpu.memref_squeeze %dma_start3A_258 : memref<1x128x128xf32, #tpu.memory_space<vmem>> -> memref<128x128xf32, #tpu.memory_space<vmem>>
        %dma_start3A_260 = arith.constant 0 : i32
        %dma_start3A_261 = tpu.memref_slice %arg9[%scan3A_216, %dma_start3A_260] : memref<40x128xi32, #tpu.memory_space<vmem>> -> memref<1x128xi32, #tpu.memory_space<vmem>>
        %dma_start3A_262 = tpu.memref_squeeze %dma_start3A_261 : memref<1x128xi32, #tpu.memory_space<vmem>> -> memref<128xi32, #tpu.memory_space<vmem>>
        %dma_start3A_263 = arith.constant 0 : i32
        %dma_start3A_264 = arith.constant 0 : i32
        %dma_start3A_265 = tpu.memref_slice %arg14[%dma_start3A_263, %dma_start3A_264] : memref<10240x128xf32, #tpu.memory_space<vmem_shared>> -> memref<10240x128xf32, #tpu.memory_space<vmem_shared>>
        tpu.enqueue_indirect_dma source(%dma_start3A_259 : memref<128x128xf32, #tpu.memory_space<vmem>>) target(%dma_start3A_265 : memref<10240x128xf32, #tpu.memory_space<vmem_shared>>) offsets(%dma_start3A_262 : memref<128xi32, #tpu.memory_space<vmem>>) semaphore(%arg13 : memref<!tpu.dma_semaphore, #tpu.memory_space<semaphore_mem>>) {add = true}
        %ge3A = arith.constant 1 : i32
        %ge3A_266 = arith.cmpi sge, %scan3A_216, %ge3A : i32
        %convert_element_type3A_267 = arith.extui %ge3A_266 : i1 to i32
        %cond3A_268 = arith.constant 0 : i32
        %cond3A_269 = arith.cmpi ne, %convert_element_type3A_267, %cond3A_268 : i32
        scf.if %cond3A_269 {
          %sub3A = arith.constant 1 : i32
          %sub3A_278 = arith.subi %scan3A_216, %sub3A : i32
          %dma_wait3A_279 = arith.constant 0 : i32
          %dma_wait3A_280 = arith.constant 0 : i32
          %dma_wait3A_281 = tpu.memref_slice %arg10[%select_n3A_245, %dma_wait3A_279, %dma_wait3A_280] : memref<2x128x128xf32, #tpu.memory_space<vmem>> -> memref<1x128x128xf32, #tpu.memory_space<vmem>>
          %dma_wait3A_282 = tpu.memref_squeeze %dma_wait3A_281 : memref<1x128x128xf32, #tpu.memory_space<vmem>> -> memref<128x128xf32, #tpu.memory_space<vmem>>
          %dma_wait3A_283 = arith.constant 0 : i32
          %dma_wait3A_284 = tpu.memref_slice %arg9[%sub3A_278, %dma_wait3A_283] : memref<40x128xi32, #tpu.memory_space<vmem>> -> memref<1x128xi32, #tpu.memory_space<vmem>>
          %dma_wait3A_285 = tpu.memref_squeeze %dma_wait3A_284 : memref<1x128xi32, #tpu.memory_space<vmem>> -> memref<128xi32, #tpu.memory_space<vmem>>
          %dma_wait3A_286 = arith.constant 0 : i32
          %dma_wait3A_287 = arith.constant 0 : i32
          %dma_wait3A_288 = tpu.memref_slice %arg14[%dma_wait3A_286, %dma_wait3A_287] : memref<10240x128xf32, #tpu.memory_space<vmem_shared>> -> memref<10240x128xf32, #tpu.memory_space<vmem_shared>>
          tpu.wait_indirect_dma semaphore(%arg13 : memref<!tpu.dma_semaphore, #tpu.memory_space<semaphore_mem>>) src(%dma_wait3A_282 : memref<128x128xf32, #tpu.memory_space<vmem>>) dst(%dma_wait3A_288 : memref<10240x128xf32, #tpu.memory_space<vmem_shared>>)
        } else {
        }
        %add3A_270 = arith.constant 1 : i32
        %add3A_271 = arith.addi %scan3A_216, %add3A_270 : i32
        %lt3A_272 = arith.constant 40 : i32
        %lt3A_273 = arith.cmpi slt, %add3A_271, %lt3A_272 : i32
        %convert_element_type3A_274 = arith.extui %lt3A_273 : i1 to i32
        %cond3A_275 = arith.constant 0 : i32
        %cond3A_276 = arith.cmpi ne, %convert_element_type3A_274, %cond3A_275 : i32
        scf.if %cond3A_276 {
          %add3A_278 = arith.constant 1 : i32
          %add3A_279 = arith.addi %scan3A_216, %add3A_278 : i32
          %dma_start3A_280 = arith.constant 0 : i32
          %dma_start3A_281 = arith.constant 0 : i32
          %dma_start3A_282 = tpu.memref_slice %arg10[%select_n3A_245, %dma_start3A_280, %dma_start3A_281] : memref<2x128x128xf32, #tpu.memory_space<vmem>> -> memref<1x128x128xf32, #tpu.memory_space<vmem>>
          %dma_start3A_283 = tpu.memref_squeeze %dma_start3A_282 : memref<1x128x128xf32, #tpu.memory_space<vmem>> -> memref<128x128xf32, #tpu.memory_space<vmem>>
          %dma_start3A_284 = arith.constant 0 : i32
          %dma_start3A_285 = tpu.memref_slice %arg8[%add3A_279, %dma_start3A_284] : memref<40x128xi32, #tpu.memory_space<vmem>> -> memref<1x128xi32, #tpu.memory_space<vmem>>
          %dma_start3A_286 = tpu.memref_squeeze %dma_start3A_285 : memref<1x128xi32, #tpu.memory_space<vmem>> -> memref<128xi32, #tpu.memory_space<vmem>>
          %dma_start3A_287 = arith.constant 0 : i32
          %dma_start3A_288 = arith.constant 0 : i32
          %dma_start3A_289 = tpu.memref_slice %arg2[%dma_start3A_287, %dma_start3A_288] : memref<10240x128xf32, #tpu.memory_space<hbm>> -> memref<10240x128xf32, #tpu.memory_space<hbm>>
          tpu.enqueue_indirect_dma source(%dma_start3A_289 : memref<10240x128xf32, #tpu.memory_space<hbm>>) target(%dma_start3A_283 : memref<128x128xf32, #tpu.memory_space<vmem>>) offsets(%dma_start3A_286 : memref<128xi32, #tpu.memory_space<vmem>>) semaphore(%arg12 : memref<!tpu.dma_semaphore, #tpu.memory_space<semaphore_mem>>)
        } else {
        }
        %scan3A_277 = arith.constant 0 : i32
        scf.yield %scan3A_277 : i32
      }
      %scan3A_171 = arith.constant 40 : i32
      %dma_wait3A_172 = arith.constant 1 : i32
      %dma_wait3A_173 = arith.constant 39 : i32
      %dma_wait3A_174 = arith.constant 0 : i32
      %dma_wait3A_175 = arith.constant 0 : i32
      %dma_wait3A_176 = tpu.memref_slice %arg10[%dma_wait3A_172, %dma_wait3A_174, %dma_wait3A_175] : memref<2x128x128xf32, #tpu.memory_space<vmem>> -> memref<1x128x128xf32, #tpu.memory_space<vmem>>
      %dma_wait3A_177 = tpu.memref_squeeze %dma_wait3A_176 : memref<1x128x128xf32, #tpu.memory_space<vmem>> -> memref<128x128xf32, #tpu.memory_space<vmem>>
      %dma_wait3A_178 = arith.constant 0 : i32
      %dma_wait3A_179 = tpu.memref_slice %arg9[%dma_wait3A_173, %dma_wait3A_178] : memref<40x128xi32, #tpu.memory_space<vmem>> -> memref<1x128xi32, #tpu.memory_space<vmem>>
      %dma_wait3A_180 = tpu.memref_squeeze %dma_wait3A_179 : memref<1x128xi32, #tpu.memory_space<vmem>> -> memref<128xi32, #tpu.memory_space<vmem>>
      %dma_wait3A_181 = arith.constant 0 : i32
      %dma_wait3A_182 = arith.constant 0 : i32
      %dma_wait3A_183 = tpu.memref_slice %arg14[%dma_wait3A_181, %dma_wait3A_182] : memref<10240x128xf32, #tpu.memory_space<vmem_shared>> -> memref<10240x128xf32, #tpu.memory_space<vmem_shared>>
      tpu.wait_indirect_dma semaphore(%arg13 : memref<!tpu.dma_semaphore, #tpu.memory_space<semaphore_mem>>) src(%dma_wait3A_177 : memref<128x128xf32, #tpu.memory_space<vmem>>) dst(%dma_wait3A_183 : memref<10240x128xf32, #tpu.memory_space<vmem_shared>>)
      "tpu.region"() ({
        %run_scoped3A = tpu.sem_alloc : memref<!tpu.dma_semaphore, #tpu.memory_space<semaphore_mem>>
        %dma_start3A_216 = arith.constant 120 : i32
        %dma_start3A_217 = arith.constant 0 : i32
        %dma_start3A_218 = tpu.memref_slice %arg4[%arg1, %dma_start3A_216, %dma_start3A_217] : memref<16x160x128xi32, #tpu.memory_space<hbm>> -> memref<1x40x128xi32, #tpu.memory_space<hbm>>
        %dma_start3A_219 = tpu.memref_squeeze %dma_start3A_218 : memref<1x40x128xi32, #tpu.memory_space<hbm>> -> memref<40x128xi32, #tpu.memory_space<hbm>>
        %dma_start3A_220 = arith.constant 120 : i32
        %dma_start3A_221 = arith.constant 0 : i32
        %dma_start3A_222 = tpu.memref_slice %arg4[%arg1, %dma_start3A_220, %dma_start3A_221] : memref<16x160x128xi32, #tpu.memory_space<hbm>> -> memref<1x40x128xi32, #tpu.memory_space<hbm>>
        %dma_start3A_223 = tpu.memref_squeeze %dma_start3A_222 : memref<1x40x128xi32, #tpu.memory_space<hbm>> -> memref<40x128xi32, #tpu.memory_space<hbm>>
        tpu.enqueue_dma source(%dma_start3A_223 : memref<40x128xi32, #tpu.memory_space<hbm>>) target(%arg8 : memref<40x128xi32, #tpu.memory_space<vmem>>) target_semaphore(%run_scoped3A : memref<!tpu.dma_semaphore, #tpu.memory_space<semaphore_mem>>)
        %dma_wait3A_224 = arith.constant 120 : i32
        %dma_wait3A_225 = arith.constant 0 : i32
        %dma_wait3A_226 = tpu.memref_slice %arg4[%arg1, %dma_wait3A_224, %dma_wait3A_225] : memref<16x160x128xi32, #tpu.memory_space<hbm>> -> memref<1x40x128xi32, #tpu.memory_space<hbm>>
        %dma_wait3A_227 = tpu.memref_squeeze %dma_wait3A_226 : memref<1x40x128xi32, #tpu.memory_space<hbm>> -> memref<40x128xi32, #tpu.memory_space<hbm>>
        %dma_wait3A_228 = arith.constant 120 : i32
        %dma_wait3A_229 = arith.constant 0 : i32
        %dma_wait3A_230 = tpu.memref_slice %arg4[%arg1, %dma_wait3A_228, %dma_wait3A_229] : memref<16x160x128xi32, #tpu.memory_space<hbm>> -> memref<1x40x128xi32, #tpu.memory_space<hbm>>
        %dma_wait3A_231 = tpu.memref_squeeze %dma_wait3A_230 : memref<1x40x128xi32, #tpu.memory_space<hbm>> -> memref<40x128xi32, #tpu.memory_space<hbm>>
        tpu.wait_dma2 semaphore(%run_scoped3A : memref<!tpu.dma_semaphore, #tpu.memory_space<semaphore_mem>>) src(%dma_wait3A_231 : memref<40x128xi32, #tpu.memory_space<hbm>>) dst(%arg8 : memref<40x128xi32, #tpu.memory_space<vmem>>)
        tpu.yield
      }) : () -> ()
      "tpu.region"() ({
        %run_scoped3A = tpu.sem_alloc : memref<!tpu.dma_semaphore, #tpu.memory_space<semaphore_mem>>
        %dma_start3A_216 = arith.constant 120 : i32
        %dma_start3A_217 = arith.constant 0 : i32
        %dma_start3A_218 = tpu.memref_slice %arg5[%arg1, %dma_start3A_216, %dma_start3A_217] : memref<16x160x128xi32, #tpu.memory_space<hbm>> -> memref<1x40x128xi32, #tpu.memory_space<hbm>>
        %dma_start3A_219 = tpu.memref_squeeze %dma_start3A_218 : memref<1x40x128xi32, #tpu.memory_space<hbm>> -> memref<40x128xi32, #tpu.memory_space<hbm>>
        %dma_start3A_220 = arith.constant 120 : i32
        %dma_start3A_221 = arith.constant 0 : i32
        %dma_start3A_222 = tpu.memref_slice %arg5[%arg1, %dma_start3A_220, %dma_start3A_221] : memref<16x160x128xi32, #tpu.memory_space<hbm>> -> memref<1x40x128xi32, #tpu.memory_space<hbm>>
        %dma_start3A_223 = tpu.memref_squeeze %dma_start3A_222 : memref<1x40x128xi32, #tpu.memory_space<hbm>> -> memref<40x128xi32, #tpu.memory_space<hbm>>
        tpu.enqueue_dma source(%dma_start3A_223 : memref<40x128xi32, #tpu.memory_space<hbm>>) target(%arg9 : memref<40x128xi32, #tpu.memory_space<vmem>>) target_semaphore(%run_scoped3A : memref<!tpu.dma_semaphore, #tpu.memory_space<semaphore_mem>>)
        %dma_wait3A_224 = arith.constant 120 : i32
        %dma_wait3A_225 = arith.constant 0 : i32
        %dma_wait3A_226 = tpu.memref_slice %arg5[%arg1, %dma_wait3A_224, %dma_wait3A_225] : memref<16x160x128xi32, #tpu.memory_space<hbm>> -> memref<1x40x128xi32, #tpu.memory_space<hbm>>
        %dma_wait3A_227 = tpu.memref_squeeze %dma_wait3A_226 : memref<1x40x128xi32, #tpu.memory_space<hbm>> -> memref<40x128xi32, #tpu.memory_space<hbm>>
        %dma_wait3A_228 = arith.constant 120 : i32
        %dma_wait3A_229 = arith.constant 0 : i32
        %dma_wait3A_230 = tpu.memref_slice %arg5[%arg1, %dma_wait3A_228, %dma_wait3A_229] : memref<16x160x128xi32, #tpu.memory_space<hbm>> -> memref<1x40x128xi32, #tpu.memory_space<hbm>>
        %dma_wait3A_231 = tpu.memref_squeeze %dma_wait3A_230 : memref<1x40x128xi32, #tpu.memory_space<hbm>> -> memref<40x128xi32, #tpu.memory_space<hbm>>
        tpu.wait_dma2 semaphore(%run_scoped3A : memref<!tpu.dma_semaphore, #tpu.memory_space<semaphore_mem>>) src(%dma_wait3A_231 : memref<40x128xi32, #tpu.memory_space<hbm>>) dst(%arg9 : memref<40x128xi32, #tpu.memory_space<vmem>>)
        tpu.yield
      }) : () -> ()
      %dma_start3A_184 = arith.constant 0 : i32
      %dma_start3A_185 = arith.constant 0 : i32
      %dma_start3A_186 = arith.constant 0 : i32
      %dma_start3A_187 = arith.constant 0 : i32
      %dma_start3A_188 = tpu.memref_slice %arg10[%dma_start3A_185, %dma_start3A_186, %dma_start3A_187] : memref<2x128x128xf32, #tpu.memory_space<vmem>> -> memref<1x128x128xf32, #tpu.memory_space<vmem>>
      %dma_start3A_189 = tpu.memref_squeeze %dma_start3A_188 : memref<1x128x128xf32, #tpu.memory_space<vmem>> -> memref<128x128xf32, #tpu.memory_space<vmem>>
      %dma_start3A_190 = arith.constant 0 : i32
      %dma_start3A_191 = tpu.memref_slice %arg8[%dma_start3A_184, %dma_start3A_190] : memref<40x128xi32, #tpu.memory_space<vmem>> -> memref<1x128xi32, #tpu.memory_space<vmem>>
      %dma_start3A_192 = tpu.memref_squeeze %dma_start3A_191 : memref<1x128xi32, #tpu.memory_space<vmem>> -> memref<128xi32, #tpu.memory_space<vmem>>
      %dma_start3A_193 = arith.constant 0 : i32
      %dma_start3A_194 = arith.constant 0 : i32
      %dma_start3A_195 = tpu.memref_slice %arg2[%dma_start3A_193, %dma_start3A_194] : memref<10240x128xf32, #tpu.memory_space<hbm>> -> memref<10240x128xf32, #tpu.memory_space<hbm>>
      tpu.enqueue_indirect_dma source(%dma_start3A_195 : memref<10240x128xf32, #tpu.memory_space<hbm>>) target(%dma_start3A_189 : memref<128x128xf32, #tpu.memory_space<vmem>>) offsets(%dma_start3A_192 : memref<128xi32, #tpu.memory_space<vmem>>) semaphore(%arg12 : memref<!tpu.dma_semaphore, #tpu.memory_space<semaphore_mem>>)
      %scan3A_196 = arith.constant 0 : i32
      %scan3A_197 = arith.constant 0 : i32
      %scan3A_198 = arith.constant 40 : i32
      %scan3A_199 = arith.addi %scan3A_197, %scan3A_198 : i32
      %scan3A_200 = arith.constant 1 : i32
      %scan3A_201 = scf.for %scan3A_216 = %scan3A_197 to %scan3A_199 step %scan3A_200 iter_args(%scan3A_217 = %scan3A_196) -> (i32)  : i32 {
        %jit3A = arith.constant 2 : i32
        %eq3A_218 = arith.constant 0 : i32
        %eq3A_219 = arith.cmpi eq, %jit3A, %eq3A_218 : i32
        %jit3A_220 = arith.constant 1 : i32
        %select_n3A = arith.select %eq3A_219, %jit3A_220, %jit3A : i32
        %rem3A = arith.remsi %scan3A_216, %select_n3A : i32
        %ne3A = arith.constant 0 : i32
        %ne3A_221 = arith.cmpi ne, %rem3A, %ne3A : i32
        %lt3A = arith.constant 0 : i32
        %lt3A_222 = arith.cmpi slt, %rem3A, %lt3A : i32
        %lt3A_223 = arith.constant 0 : i32
        %lt3A_224 = arith.cmpi slt, %select_n3A, %lt3A_223 : i32
        %ne3A_225 = arith.xori %lt3A_222, %lt3A_224 : i1
        %and3A = arith.andi %ne3A_225, %ne3A_221 : i1
        %add3A_226 = arith.addi %rem3A, %select_n3A : i32
        %select_n3A_227 = arith.select %and3A, %add3A_226, %rem3A : i32
        %add3A_228 = arith.constant 1 : i32
        %add3A_229 = arith.addi %scan3A_216, %add3A_228 : i32
        %jit3A_230 = arith.constant 2 : i32
        %eq3A_231 = arith.constant 0 : i32
        %eq3A_232 = arith.cmpi eq, %jit3A_230, %eq3A_231 : i32
        %jit3A_233 = arith.constant 1 : i32
        %select_n3A_234 = arith.select %eq3A_232, %jit3A_233, %jit3A_230 : i32
        %rem3A_235 = arith.remsi %add3A_229, %select_n3A_234 : i32
        %ne3A_236 = arith.constant 0 : i32
        %ne3A_237 = arith.cmpi ne, %rem3A_235, %ne3A_236 : i32
        %lt3A_238 = arith.constant 0 : i32
        %lt3A_239 = arith.cmpi slt, %rem3A_235, %lt3A_238 : i32
        %lt3A_240 = arith.constant 0 : i32
        %lt3A_241 = arith.cmpi slt, %select_n3A_234, %lt3A_240 : i32
        %ne3A_242 = arith.xori %lt3A_239, %lt3A_241 : i1
        %and3A_243 = arith.andi %ne3A_242, %ne3A_237 : i1
        %add3A_244 = arith.addi %rem3A_235, %select_n3A_234 : i32
        %select_n3A_245 = arith.select %and3A_243, %add3A_244, %rem3A_235 : i32
        %dma_wait3A_246 = arith.constant 0 : i32
        %dma_wait3A_247 = arith.constant 0 : i32
        %dma_wait3A_248 = tpu.memref_slice %arg10[%select_n3A_227, %dma_wait3A_246, %dma_wait3A_247] : memref<2x128x128xf32, #tpu.memory_space<vmem>> -> memref<1x128x128xf32, #tpu.memory_space<vmem>>
        %dma_wait3A_249 = tpu.memref_squeeze %dma_wait3A_248 : memref<1x128x128xf32, #tpu.memory_space<vmem>> -> memref<128x128xf32, #tpu.memory_space<vmem>>
        %dma_wait3A_250 = arith.constant 0 : i32
        %dma_wait3A_251 = tpu.memref_slice %arg8[%scan3A_216, %dma_wait3A_250] : memref<40x128xi32, #tpu.memory_space<vmem>> -> memref<1x128xi32, #tpu.memory_space<vmem>>
        %dma_wait3A_252 = tpu.memref_squeeze %dma_wait3A_251 : memref<1x128xi32, #tpu.memory_space<vmem>> -> memref<128xi32, #tpu.memory_space<vmem>>
        %dma_wait3A_253 = arith.constant 0 : i32
        %dma_wait3A_254 = arith.constant 0 : i32
        %dma_wait3A_255 = tpu.memref_slice %arg2[%dma_wait3A_253, %dma_wait3A_254] : memref<10240x128xf32, #tpu.memory_space<hbm>> -> memref<10240x128xf32, #tpu.memory_space<hbm>>
        tpu.wait_indirect_dma semaphore(%arg12 : memref<!tpu.dma_semaphore, #tpu.memory_space<semaphore_mem>>) src(%dma_wait3A_255 : memref<10240x128xf32, #tpu.memory_space<hbm>>) dst(%dma_wait3A_249 : memref<128x128xf32, #tpu.memory_space<vmem>>)
        %dma_start3A_256 = arith.constant 0 : i32
        %dma_start3A_257 = arith.constant 0 : i32
        %dma_start3A_258 = tpu.memref_slice %arg10[%select_n3A_227, %dma_start3A_256, %dma_start3A_257] : memref<2x128x128xf32, #tpu.memory_space<vmem>> -> memref<1x128x128xf32, #tpu.memory_space<vmem>>
        %dma_start3A_259 = tpu.memref_squeeze %dma_start3A_258 : memref<1x128x128xf32, #tpu.memory_space<vmem>> -> memref<128x128xf32, #tpu.memory_space<vmem>>
        %dma_start3A_260 = arith.constant 0 : i32
        %dma_start3A_261 = tpu.memref_slice %arg9[%scan3A_216, %dma_start3A_260] : memref<40x128xi32, #tpu.memory_space<vmem>> -> memref<1x128xi32, #tpu.memory_space<vmem>>
        %dma_start3A_262 = tpu.memref_squeeze %dma_start3A_261 : memref<1x128xi32, #tpu.memory_space<vmem>> -> memref<128xi32, #tpu.memory_space<vmem>>
        %dma_start3A_263 = arith.constant 0 : i32
        %dma_start3A_264 = arith.constant 0 : i32
        %dma_start3A_265 = tpu.memref_slice %arg14[%dma_start3A_263, %dma_start3A_264] : memref<10240x128xf32, #tpu.memory_space<vmem_shared>> -> memref<10240x128xf32, #tpu.memory_space<vmem_shared>>
        tpu.enqueue_indirect_dma source(%dma_start3A_259 : memref<128x128xf32, #tpu.memory_space<vmem>>) target(%dma_start3A_265 : memref<10240x128xf32, #tpu.memory_space<vmem_shared>>) offsets(%dma_start3A_262 : memref<128xi32, #tpu.memory_space<vmem>>) semaphore(%arg13 : memref<!tpu.dma_semaphore, #tpu.memory_space<semaphore_mem>>) {add = true}
        %ge3A = arith.constant 1 : i32
        %ge3A_266 = arith.cmpi sge, %scan3A_216, %ge3A : i32
        %convert_element_type3A_267 = arith.extui %ge3A_266 : i1 to i32
        %cond3A_268 = arith.constant 0 : i32
        %cond3A_269 = arith.cmpi ne, %convert_element_type3A_267, %cond3A_268 : i32
        scf.if %cond3A_269 {
          %sub3A = arith.constant 1 : i32
          %sub3A_278 = arith.subi %scan3A_216, %sub3A : i32
          %dma_wait3A_279 = arith.constant 0 : i32
          %dma_wait3A_280 = arith.constant 0 : i32
          %dma_wait3A_281 = tpu.memref_slice %arg10[%select_n3A_245, %dma_wait3A_279, %dma_wait3A_280] : memref<2x128x128xf32, #tpu.memory_space<vmem>> -> memref<1x128x128xf32, #tpu.memory_space<vmem>>
          %dma_wait3A_282 = tpu.memref_squeeze %dma_wait3A_281 : memref<1x128x128xf32, #tpu.memory_space<vmem>> -> memref<128x128xf32, #tpu.memory_space<vmem>>
          %dma_wait3A_283 = arith.constant 0 : i32
          %dma_wait3A_284 = tpu.memref_slice %arg9[%sub3A_278, %dma_wait3A_283] : memref<40x128xi32, #tpu.memory_space<vmem>> -> memref<1x128xi32, #tpu.memory_space<vmem>>
          %dma_wait3A_285 = tpu.memref_squeeze %dma_wait3A_284 : memref<1x128xi32, #tpu.memory_space<vmem>> -> memref<128xi32, #tpu.memory_space<vmem>>
          %dma_wait3A_286 = arith.constant 0 : i32
          %dma_wait3A_287 = arith.constant 0 : i32
          %dma_wait3A_288 = tpu.memref_slice %arg14[%dma_wait3A_286, %dma_wait3A_287] : memref<10240x128xf32, #tpu.memory_space<vmem_shared>> -> memref<10240x128xf32, #tpu.memory_space<vmem_shared>>
          tpu.wait_indirect_dma semaphore(%arg13 : memref<!tpu.dma_semaphore, #tpu.memory_space<semaphore_mem>>) src(%dma_wait3A_282 : memref<128x128xf32, #tpu.memory_space<vmem>>) dst(%dma_wait3A_288 : memref<10240x128xf32, #tpu.memory_space<vmem_shared>>)
        } else {
        }
        %add3A_270 = arith.constant 1 : i32
        %add3A_271 = arith.addi %scan3A_216, %add3A_270 : i32
        %lt3A_272 = arith.constant 40 : i32
        %lt3A_273 = arith.cmpi slt, %add3A_271, %lt3A_272 : i32
        %convert_element_type3A_274 = arith.extui %lt3A_273 : i1 to i32
        %cond3A_275 = arith.constant 0 : i32
        %cond3A_276 = arith.cmpi ne, %convert_element_type3A_274, %cond3A_275 : i32
        scf.if %cond3A_276 {
          %add3A_278 = arith.constant 1 : i32
          %add3A_279 = arith.addi %scan3A_216, %add3A_278 : i32
          %dma_start3A_280 = arith.constant 0 : i32
          %dma_start3A_281 = arith.constant 0 : i32
          %dma_start3A_282 = tpu.memref_slice %arg10[%select_n3A_245, %dma_start3A_280, %dma_start3A_281] : memref<2x128x128xf32, #tpu.memory_space<vmem>> -> memref<1x128x128xf32, #tpu.memory_space<vmem>>
          %dma_start3A_283 = tpu.memref_squeeze %dma_start3A_282 : memref<1x128x128xf32, #tpu.memory_space<vmem>> -> memref<128x128xf32, #tpu.memory_space<vmem>>
          %dma_start3A_284 = arith.constant 0 : i32
          %dma_start3A_285 = tpu.memref_slice %arg8[%add3A_279, %dma_start3A_284] : memref<40x128xi32, #tpu.memory_space<vmem>> -> memref<1x128xi32, #tpu.memory_space<vmem>>
          %dma_start3A_286 = tpu.memref_squeeze %dma_start3A_285 : memref<1x128xi32, #tpu.memory_space<vmem>> -> memref<128xi32, #tpu.memory_space<vmem>>
          %dma_start3A_287 = arith.constant 0 : i32
          %dma_start3A_288 = arith.constant 0 : i32
          %dma_start3A_289 = tpu.memref_slice %arg2[%dma_start3A_287, %dma_start3A_288] : memref<10240x128xf32, #tpu.memory_space<hbm>> -> memref<10240x128xf32, #tpu.memory_space<hbm>>
          tpu.enqueue_indirect_dma source(%dma_start3A_289 : memref<10240x128xf32, #tpu.memory_space<hbm>>) target(%dma_start3A_283 : memref<128x128xf32, #tpu.memory_space<vmem>>) offsets(%dma_start3A_286 : memref<128xi32, #tpu.memory_space<vmem>>) semaphore(%arg12 : memref<!tpu.dma_semaphore, #tpu.memory_space<semaphore_mem>>)
        } else {
        }
        %scan3A_277 = arith.constant 0 : i32
        scf.yield %scan3A_277 : i32
      }
      %scan3A_202 = arith.constant 40 : i32
      %dma_wait3A_203 = arith.constant 1 : i32
      %dma_wait3A_204 = arith.constant 39 : i32
      %dma_wait3A_205 = arith.constant 0 : i32
      %dma_wait3A_206 = arith.constant 0 : i32
      %dma_wait3A_207 = tpu.memref_slice %arg10[%dma_wait3A_203, %dma_wait3A_205, %dma_wait3A_206] : memref<2x128x128xf32, #tpu.memory_space<vmem>> -> memref<1x128x128xf32, #tpu.memory_space<vmem>>
      %dma_wait3A_208 = tpu.memref_squeeze %dma_wait3A_207 : memref<1x128x128xf32, #tpu.memory_space<vmem>> -> memref<128x128xf32, #tpu.memory_space<vmem>>
      %dma_wait3A_209 = arith.constant 0 : i32
      %dma_wait3A_210 = tpu.memref_slice %arg9[%dma_wait3A_204, %dma_wait3A_209] : memref<40x128xi32, #tpu.memory_space<vmem>> -> memref<1x128xi32, #tpu.memory_space<vmem>>
      %dma_wait3A_211 = tpu.memref_squeeze %dma_wait3A_210 : memref<1x128xi32, #tpu.memory_space<vmem>> -> memref<128xi32, #tpu.memory_space<vmem>>
      %dma_wait3A_212 = arith.constant 0 : i32
      %dma_wait3A_213 = arith.constant 0 : i32
      %dma_wait3A_214 = tpu.memref_slice %arg14[%dma_wait3A_212, %dma_wait3A_213] : memref<10240x128xf32, #tpu.memory_space<vmem_shared>> -> memref<10240x128xf32, #tpu.memory_space<vmem_shared>>
      tpu.wait_indirect_dma semaphore(%arg13 : memref<!tpu.dma_semaphore, #tpu.memory_space<semaphore_mem>>) src(%dma_wait3A_208 : memref<128x128xf32, #tpu.memory_space<vmem>>) dst(%dma_wait3A_214 : memref<10240x128xf32, #tpu.memory_space<vmem_shared>>)
      %barrier3A_215 = arith.constant 0 : index
      tpu.barrier barrier_id(%barrier3A_215)
      "tpu.region"() ({
        %run_scoped3A = tpu.sem_alloc : memref<!tpu.dma_semaphore, #tpu.memory_space<semaphore_mem>>
        %dma_start3A_216 = arith.constant 0 : i32
        %dma_start3A_217 = tpu.memref_slice %arg6[%mul3A_0, %dma_start3A_216] : memref<10240x128xf32, #tpu.memory_space<hbm>> -> memref<640x128xf32, #tpu.memory_space<hbm>>
        %dma_start3A_218 = arith.constant 0 : i32
        %dma_start3A_219 = tpu.memref_slice %arg14[%mul3A_0, %dma_start3A_218] : memref<10240x128xf32, #tpu.memory_space<vmem_shared>> -> memref<640x128xf32, #tpu.memory_space<vmem_shared>>
        tpu.enqueue_dma source(%dma_start3A_219 : memref<640x128xf32, #tpu.memory_space<vmem_shared>>) target(%dma_start3A_217 : memref<640x128xf32, #tpu.memory_space<hbm>>) target_semaphore(%run_scoped3A : memref<!tpu.dma_semaphore, #tpu.memory_space<semaphore_mem>>)
        %dma_wait3A_220 = arith.constant 0 : i32
        %dma_wait3A_221 = tpu.memref_slice %arg6[%mul3A_0, %dma_wait3A_220] : memref<10240x128xf32, #tpu.memory_space<hbm>> -> memref<640x128xf32, #tpu.memory_space<hbm>>
        %dma_wait3A_222 = arith.constant 0 : i32
        %dma_wait3A_223 = tpu.memref_slice %arg14[%mul3A_0, %dma_wait3A_222] : memref<10240x128xf32, #tpu.memory_space<vmem_shared>> -> memref<640x128xf32, #tpu.memory_space<vmem_shared>>
        tpu.wait_dma2 semaphore(%run_scoped3A : memref<!tpu.dma_semaphore, #tpu.memory_space<semaphore_mem>>) src(%dma_wait3A_223 : memref<640x128xf32, #tpu.memory_space<vmem_shared>>) dst(%dma_wait3A_221 : memref<640x128xf32, #tpu.memory_space<hbm>>)
        tpu.yield
      }) : () -> ()
    } else {
    }
    %eq3A_88 = arith.constant 1 : i32
    %eq3A_89 = arith.cmpi eq, %arg0, %eq3A_88 : i32
    %convert_element_type3A_90 = arith.extui %eq3A_89 : i1 to i32
    %cond3A_91 = arith.constant 0 : i32
    %cond3A_92 = arith.cmpi ne, %convert_element_type3A_90, %cond3A_91 : i32
    scf.if %cond3A_92 {
      "tpu.region"() ({
        %run_scoped3A = tpu.sem_alloc : memref<!tpu.dma_semaphore, #tpu.memory_space<semaphore_mem>>
        %dma_start3A_216 = arith.constant 0 : i32
        %dma_start3A_217 = arith.constant 0 : i32
        %dma_start3A_218 = tpu.memref_slice %arg4[%arg1, %dma_start3A_216, %dma_start3A_217] : memref<16x160x128xi32, #tpu.memory_space<hbm>> -> memref<1x40x128xi32, #tpu.memory_space<hbm>>
        %dma_start3A_219 = tpu.memref_squeeze %dma_start3A_218 : memref<1x40x128xi32, #tpu.memory_space<hbm>> -> memref<40x128xi32, #tpu.memory_space<hbm>>
        %dma_start3A_220 = arith.constant 0 : i32
        %dma_start3A_221 = arith.constant 0 : i32
        %dma_start3A_222 = tpu.memref_slice %arg4[%arg1, %dma_start3A_220, %dma_start3A_221] : memref<16x160x128xi32, #tpu.memory_space<hbm>> -> memref<1x40x128xi32, #tpu.memory_space<hbm>>
        %dma_start3A_223 = tpu.memref_squeeze %dma_start3A_222 : memref<1x40x128xi32, #tpu.memory_space<hbm>> -> memref<40x128xi32, #tpu.memory_space<hbm>>
        tpu.enqueue_dma source(%dma_start3A_223 : memref<40x128xi32, #tpu.memory_space<hbm>>) target(%arg8 : memref<40x128xi32, #tpu.memory_space<vmem>>) target_semaphore(%run_scoped3A : memref<!tpu.dma_semaphore, #tpu.memory_space<semaphore_mem>>)
        %dma_wait3A_224 = arith.constant 0 : i32
        %dma_wait3A_225 = arith.constant 0 : i32
        %dma_wait3A_226 = tpu.memref_slice %arg4[%arg1, %dma_wait3A_224, %dma_wait3A_225] : memref<16x160x128xi32, #tpu.memory_space<hbm>> -> memref<1x40x128xi32, #tpu.memory_space<hbm>>
        %dma_wait3A_227 = tpu.memref_squeeze %dma_wait3A_226 : memref<1x40x128xi32, #tpu.memory_space<hbm>> -> memref<40x128xi32, #tpu.memory_space<hbm>>
        %dma_wait3A_228 = arith.constant 0 : i32
        %dma_wait3A_229 = arith.constant 0 : i32
        %dma_wait3A_230 = tpu.memref_slice %arg4[%arg1, %dma_wait3A_228, %dma_wait3A_229] : memref<16x160x128xi32, #tpu.memory_space<hbm>> -> memref<1x40x128xi32, #tpu.memory_space<hbm>>
        %dma_wait3A_231 = tpu.memref_squeeze %dma_wait3A_230 : memref<1x40x128xi32, #tpu.memory_space<hbm>> -> memref<40x128xi32, #tpu.memory_space<hbm>>
        tpu.wait_dma2 semaphore(%run_scoped3A : memref<!tpu.dma_semaphore, #tpu.memory_space<semaphore_mem>>) src(%dma_wait3A_231 : memref<40x128xi32, #tpu.memory_space<hbm>>) dst(%arg8 : memref<40x128xi32, #tpu.memory_space<vmem>>)
        tpu.yield
      }) : () -> ()
      "tpu.region"() ({
        %run_scoped3A = tpu.sem_alloc : memref<!tpu.dma_semaphore, #tpu.memory_space<semaphore_mem>>
        %dma_start3A_216 = arith.constant 0 : i32
        %dma_start3A_217 = arith.constant 0 : i32
        %dma_start3A_218 = tpu.memref_slice %arg5[%arg1, %dma_start3A_216, %dma_start3A_217] : memref<16x160x128xi32, #tpu.memory_space<hbm>> -> memref<1x40x128xi32, #tpu.memory_space<hbm>>
        %dma_start3A_219 = tpu.memref_squeeze %dma_start3A_218 : memref<1x40x128xi32, #tpu.memory_space<hbm>> -> memref<40x128xi32, #tpu.memory_space<hbm>>
        %dma_start3A_220 = arith.constant 0 : i32
        %dma_start3A_221 = arith.constant 0 : i32
        %dma_start3A_222 = tpu.memref_slice %arg5[%arg1, %dma_start3A_220, %dma_start3A_221] : memref<16x160x128xi32, #tpu.memory_space<hbm>> -> memref<1x40x128xi32, #tpu.memory_space<hbm>>
        %dma_start3A_223 = tpu.memref_squeeze %dma_start3A_222 : memref<1x40x128xi32, #tpu.memory_space<hbm>> -> memref<40x128xi32, #tpu.memory_space<hbm>>
        tpu.enqueue_dma source(%dma_start3A_223 : memref<40x128xi32, #tpu.memory_space<hbm>>) target(%arg9 : memref<40x128xi32, #tpu.memory_space<vmem>>) target_semaphore(%run_scoped3A : memref<!tpu.dma_semaphore, #tpu.memory_space<semaphore_mem>>)
        %dma_wait3A_224 = arith.constant 0 : i32
        %dma_wait3A_225 = arith.constant 0 : i32
        %dma_wait3A_226 = tpu.memref_slice %arg5[%arg1, %dma_wait3A_224, %dma_wait3A_225] : memref<16x160x128xi32, #tpu.memory_space<hbm>> -> memref<1x40x128xi32, #tpu.memory_space<hbm>>
        %dma_wait3A_227 = tpu.memref_squeeze %dma_wait3A_226 : memref<1x40x128xi32, #tpu.memory_space<hbm>> -> memref<40x128xi32, #tpu.memory_space<hbm>>
        %dma_wait3A_228 = arith.constant 0 : i32
        %dma_wait3A_229 = arith.constant 0 : i32
        %dma_wait3A_230 = tpu.memref_slice %arg5[%arg1, %dma_wait3A_228, %dma_wait3A_229] : memref<16x160x128xi32, #tpu.memory_space<hbm>> -> memref<1x40x128xi32, #tpu.memory_space<hbm>>
        %dma_wait3A_231 = tpu.memref_squeeze %dma_wait3A_230 : memref<1x40x128xi32, #tpu.memory_space<hbm>> -> memref<40x128xi32, #tpu.memory_space<hbm>>
        tpu.wait_dma2 semaphore(%run_scoped3A : memref<!tpu.dma_semaphore, #tpu.memory_space<semaphore_mem>>) src(%dma_wait3A_231 : memref<40x128xi32, #tpu.memory_space<hbm>>) dst(%arg9 : memref<40x128xi32, #tpu.memory_space<vmem>>)
        tpu.yield
      }) : () -> ()
      %dma_start3A = arith.constant 0 : i32
      %dma_start3A_93 = arith.constant 0 : i32
      %dma_start3A_94 = arith.constant 0 : i32
      %dma_start3A_95 = arith.constant 0 : i32
      %dma_start3A_96 = tpu.memref_slice %arg10[%dma_start3A_93, %dma_start3A_94, %dma_start3A_95] : memref<2x128x128xf32, #tpu.memory_space<vmem>> -> memref<1x128x128xf32, #tpu.memory_space<vmem>>
      %dma_start3A_97 = tpu.memref_squeeze %dma_start3A_96 : memref<1x128x128xf32, #tpu.memory_space<vmem>> -> memref<128x128xf32, #tpu.memory_space<vmem>>
      %dma_start3A_98 = arith.constant 0 : i32
      %dma_start3A_99 = tpu.memref_slice %arg8[%dma_start3A, %dma_start3A_98] : memref<40x128xi32, #tpu.memory_space<vmem>> -> memref<1x128xi32, #tpu.memory_space<vmem>>
      %dma_start3A_100 = tpu.memref_squeeze %dma_start3A_99 : memref<1x128xi32, #tpu.memory_space<vmem>> -> memref<128xi32, #tpu.memory_space<vmem>>
      %dma_start3A_101 = arith.constant 0 : i32
      %dma_start3A_102 = arith.constant 0 : i32
      %dma_start3A_103 = tpu.memref_slice %arg3[%dma_start3A_101, %dma_start3A_102] : memref<10240x128xf32, #tpu.memory_space<hbm>> -> memref<10240x128xf32, #tpu.memory_space<hbm>>
      tpu.enqueue_indirect_dma source(%dma_start3A_103 : memref<10240x128xf32, #tpu.memory_space<hbm>>) target(%dma_start3A_97 : memref<128x128xf32, #tpu.memory_space<vmem>>) offsets(%dma_start3A_100 : memref<128xi32, #tpu.memory_space<vmem>>) semaphore(%arg12 : memref<!tpu.dma_semaphore, #tpu.memory_space<semaphore_mem>>)
      %scan3A_104 = arith.constant 0 : i32
      %scan3A_105 = arith.constant 0 : i32
      %scan3A_106 = arith.constant 40 : i32
      %scan3A_107 = arith.addi %scan3A_105, %scan3A_106 : i32
      %scan3A_108 = arith.constant 1 : i32
      %scan3A_109 = scf.for %scan3A_216 = %scan3A_105 to %scan3A_107 step %scan3A_108 iter_args(%scan3A_217 = %scan3A_104) -> (i32)  : i32 {
        %jit3A = arith.constant 2 : i32
        %eq3A_218 = arith.constant 0 : i32
        %eq3A_219 = arith.cmpi eq, %jit3A, %eq3A_218 : i32
        %jit3A_220 = arith.constant 1 : i32
        %select_n3A = arith.select %eq3A_219, %jit3A_220, %jit3A : i32
        %rem3A = arith.remsi %scan3A_216, %select_n3A : i32
        %ne3A = arith.constant 0 : i32
        %ne3A_221 = arith.cmpi ne, %rem3A, %ne3A : i32
        %lt3A = arith.constant 0 : i32
        %lt3A_222 = arith.cmpi slt, %rem3A, %lt3A : i32
        %lt3A_223 = arith.constant 0 : i32
        %lt3A_224 = arith.cmpi slt, %select_n3A, %lt3A_223 : i32
        %ne3A_225 = arith.xori %lt3A_222, %lt3A_224 : i1
        %and3A = arith.andi %ne3A_225, %ne3A_221 : i1
        %add3A_226 = arith.addi %rem3A, %select_n3A : i32
        %select_n3A_227 = arith.select %and3A, %add3A_226, %rem3A : i32
        %add3A_228 = arith.constant 1 : i32
        %add3A_229 = arith.addi %scan3A_216, %add3A_228 : i32
        %jit3A_230 = arith.constant 2 : i32
        %eq3A_231 = arith.constant 0 : i32
        %eq3A_232 = arith.cmpi eq, %jit3A_230, %eq3A_231 : i32
        %jit3A_233 = arith.constant 1 : i32
        %select_n3A_234 = arith.select %eq3A_232, %jit3A_233, %jit3A_230 : i32
        %rem3A_235 = arith.remsi %add3A_229, %select_n3A_234 : i32
        %ne3A_236 = arith.constant 0 : i32
        %ne3A_237 = arith.cmpi ne, %rem3A_235, %ne3A_236 : i32
        %lt3A_238 = arith.constant 0 : i32
        %lt3A_239 = arith.cmpi slt, %rem3A_235, %lt3A_238 : i32
        %lt3A_240 = arith.constant 0 : i32
        %lt3A_241 = arith.cmpi slt, %select_n3A_234, %lt3A_240 : i32
        %ne3A_242 = arith.xori %lt3A_239, %lt3A_241 : i1
        %and3A_243 = arith.andi %ne3A_242, %ne3A_237 : i1
        %add3A_244 = arith.addi %rem3A_235, %select_n3A_234 : i32
        %select_n3A_245 = arith.select %and3A_243, %add3A_244, %rem3A_235 : i32
        %dma_wait3A_246 = arith.constant 0 : i32
        %dma_wait3A_247 = arith.constant 0 : i32
        %dma_wait3A_248 = tpu.memref_slice %arg10[%select_n3A_227, %dma_wait3A_246, %dma_wait3A_247] : memref<2x128x128xf32, #tpu.memory_space<vmem>> -> memref<1x128x128xf32, #tpu.memory_space<vmem>>
        %dma_wait3A_249 = tpu.memref_squeeze %dma_wait3A_248 : memref<1x128x128xf32, #tpu.memory_space<vmem>> -> memref<128x128xf32, #tpu.memory_space<vmem>>
        %dma_wait3A_250 = arith.constant 0 : i32
        %dma_wait3A_251 = tpu.memref_slice %arg8[%scan3A_216, %dma_wait3A_250] : memref<40x128xi32, #tpu.memory_space<vmem>> -> memref<1x128xi32, #tpu.memory_space<vmem>>
        %dma_wait3A_252 = tpu.memref_squeeze %dma_wait3A_251 : memref<1x128xi32, #tpu.memory_space<vmem>> -> memref<128xi32, #tpu.memory_space<vmem>>
        %dma_wait3A_253 = arith.constant 0 : i32
        %dma_wait3A_254 = arith.constant 0 : i32
        %dma_wait3A_255 = tpu.memref_slice %arg3[%dma_wait3A_253, %dma_wait3A_254] : memref<10240x128xf32, #tpu.memory_space<hbm>> -> memref<10240x128xf32, #tpu.memory_space<hbm>>
        tpu.wait_indirect_dma semaphore(%arg12 : memref<!tpu.dma_semaphore, #tpu.memory_space<semaphore_mem>>) src(%dma_wait3A_255 : memref<10240x128xf32, #tpu.memory_space<hbm>>) dst(%dma_wait3A_249 : memref<128x128xf32, #tpu.memory_space<vmem>>)
        %dma_start3A_256 = arith.constant 0 : i32
        %dma_start3A_257 = arith.constant 0 : i32
        %dma_start3A_258 = tpu.memref_slice %arg10[%select_n3A_227, %dma_start3A_256, %dma_start3A_257] : memref<2x128x128xf32, #tpu.memory_space<vmem>> -> memref<1x128x128xf32, #tpu.memory_space<vmem>>
        %dma_start3A_259 = tpu.memref_squeeze %dma_start3A_258 : memref<1x128x128xf32, #tpu.memory_space<vmem>> -> memref<128x128xf32, #tpu.memory_space<vmem>>
        %dma_start3A_260 = arith.constant 0 : i32
        %dma_start3A_261 = tpu.memref_slice %arg9[%scan3A_216, %dma_start3A_260] : memref<40x128xi32, #tpu.memory_space<vmem>> -> memref<1x128xi32, #tpu.memory_space<vmem>>
        %dma_start3A_262 = tpu.memref_squeeze %dma_start3A_261 : memref<1x128xi32, #tpu.memory_space<vmem>> -> memref<128xi32, #tpu.memory_space<vmem>>
        %dma_start3A_263 = arith.constant 0 : i32
        %dma_start3A_264 = arith.constant 0 : i32
        %dma_start3A_265 = tpu.memref_slice %arg14[%dma_start3A_263, %dma_start3A_264] : memref<10240x128xf32, #tpu.memory_space<vmem_shared>> -> memref<10240x128xf32, #tpu.memory_space<vmem_shared>>
        tpu.enqueue_indirect_dma source(%dma_start3A_259 : memref<128x128xf32, #tpu.memory_space<vmem>>) target(%dma_start3A_265 : memref<10240x128xf32, #tpu.memory_space<vmem_shared>>) offsets(%dma_start3A_262 : memref<128xi32, #tpu.memory_space<vmem>>) semaphore(%arg13 : memref<!tpu.dma_semaphore, #tpu.memory_space<semaphore_mem>>) {add = true}
        %ge3A = arith.constant 1 : i32
        %ge3A_266 = arith.cmpi sge, %scan3A_216, %ge3A : i32
        %convert_element_type3A_267 = arith.extui %ge3A_266 : i1 to i32
        %cond3A_268 = arith.constant 0 : i32
        %cond3A_269 = arith.cmpi ne, %convert_element_type3A_267, %cond3A_268 : i32
        scf.if %cond3A_269 {
          %sub3A = arith.constant 1 : i32
          %sub3A_278 = arith.subi %scan3A_216, %sub3A : i32
          %dma_wait3A_279 = arith.constant 0 : i32
          %dma_wait3A_280 = arith.constant 0 : i32
          %dma_wait3A_281 = tpu.memref_slice %arg10[%select_n3A_245, %dma_wait3A_279, %dma_wait3A_280] : memref<2x128x128xf32, #tpu.memory_space<vmem>> -> memref<1x128x128xf32, #tpu.memory_space<vmem>>
          %dma_wait3A_282 = tpu.memref_squeeze %dma_wait3A_281 : memref<1x128x128xf32, #tpu.memory_space<vmem>> -> memref<128x128xf32, #tpu.memory_space<vmem>>
          %dma_wait3A_283 = arith.constant 0 : i32
          %dma_wait3A_284 = tpu.memref_slice %arg9[%sub3A_278, %dma_wait3A_283] : memref<40x128xi32, #tpu.memory_space<vmem>> -> memref<1x128xi32, #tpu.memory_space<vmem>>
          %dma_wait3A_285 = tpu.memref_squeeze %dma_wait3A_284 : memref<1x128xi32, #tpu.memory_space<vmem>> -> memref<128xi32, #tpu.memory_space<vmem>>
          %dma_wait3A_286 = arith.constant 0 : i32
          %dma_wait3A_287 = arith.constant 0 : i32
          %dma_wait3A_288 = tpu.memref_slice %arg14[%dma_wait3A_286, %dma_wait3A_287] : memref<10240x128xf32, #tpu.memory_space<vmem_shared>> -> memref<10240x128xf32, #tpu.memory_space<vmem_shared>>
          tpu.wait_indirect_dma semaphore(%arg13 : memref<!tpu.dma_semaphore, #tpu.memory_space<semaphore_mem>>) src(%dma_wait3A_282 : memref<128x128xf32, #tpu.memory_space<vmem>>) dst(%dma_wait3A_288 : memref<10240x128xf32, #tpu.memory_space<vmem_shared>>)
        } else {
        }
        %add3A_270 = arith.constant 1 : i32
        %add3A_271 = arith.addi %scan3A_216, %add3A_270 : i32
        %lt3A_272 = arith.constant 40 : i32
        %lt3A_273 = arith.cmpi slt, %add3A_271, %lt3A_272 : i32
        %convert_element_type3A_274 = arith.extui %lt3A_273 : i1 to i32
        %cond3A_275 = arith.constant 0 : i32
        %cond3A_276 = arith.cmpi ne, %convert_element_type3A_274, %cond3A_275 : i32
        scf.if %cond3A_276 {
          %add3A_278 = arith.constant 1 : i32
          %add3A_279 = arith.addi %scan3A_216, %add3A_278 : i32
          %dma_start3A_280 = arith.constant 0 : i32
          %dma_start3A_281 = arith.constant 0 : i32
          %dma_start3A_282 = tpu.memref_slice %arg10[%select_n3A_245, %dma_start3A_280, %dma_start3A_281] : memref<2x128x128xf32, #tpu.memory_space<vmem>> -> memref<1x128x128xf32, #tpu.memory_space<vmem>>
          %dma_start3A_283 = tpu.memref_squeeze %dma_start3A_282 : memref<1x128x128xf32, #tpu.memory_space<vmem>> -> memref<128x128xf32, #tpu.memory_space<vmem>>
          %dma_start3A_284 = arith.constant 0 : i32
          %dma_start3A_285 = tpu.memref_slice %arg8[%add3A_279, %dma_start3A_284] : memref<40x128xi32, #tpu.memory_space<vmem>> -> memref<1x128xi32, #tpu.memory_space<vmem>>
          %dma_start3A_286 = tpu.memref_squeeze %dma_start3A_285 : memref<1x128xi32, #tpu.memory_space<vmem>> -> memref<128xi32, #tpu.memory_space<vmem>>
          %dma_start3A_287 = arith.constant 0 : i32
          %dma_start3A_288 = arith.constant 0 : i32
          %dma_start3A_289 = tpu.memref_slice %arg3[%dma_start3A_287, %dma_start3A_288] : memref<10240x128xf32, #tpu.memory_space<hbm>> -> memref<10240x128xf32, #tpu.memory_space<hbm>>
          tpu.enqueue_indirect_dma source(%dma_start3A_289 : memref<10240x128xf32, #tpu.memory_space<hbm>>) target(%dma_start3A_283 : memref<128x128xf32, #tpu.memory_space<vmem>>) offsets(%dma_start3A_286 : memref<128xi32, #tpu.memory_space<vmem>>) semaphore(%arg12 : memref<!tpu.dma_semaphore, #tpu.memory_space<semaphore_mem>>)
        } else {
        }
        %scan3A_277 = arith.constant 0 : i32
        scf.yield %scan3A_277 : i32
      }
      %scan3A_110 = arith.constant 40 : i32
      %dma_wait3A = arith.constant 1 : i32
      %dma_wait3A_111 = arith.constant 39 : i32
      %dma_wait3A_112 = arith.constant 0 : i32
      %dma_wait3A_113 = arith.constant 0 : i32
      %dma_wait3A_114 = tpu.memref_slice %arg10[%dma_wait3A, %dma_wait3A_112, %dma_wait3A_113] : memref<2x128x128xf32, #tpu.memory_space<vmem>> -> memref<1x128x128xf32, #tpu.memory_space<vmem>>
      %dma_wait3A_115 = tpu.memref_squeeze %dma_wait3A_114 : memref<1x128x128xf32, #tpu.memory_space<vmem>> -> memref<128x128xf32, #tpu.memory_space<vmem>>
      %dma_wait3A_116 = arith.constant 0 : i32
      %dma_wait3A_117 = tpu.memref_slice %arg9[%dma_wait3A_111, %dma_wait3A_116] : memref<40x128xi32, #tpu.memory_space<vmem>> -> memref<1x128xi32, #tpu.memory_space<vmem>>
      %dma_wait3A_118 = tpu.memref_squeeze %dma_wait3A_117 : memref<1x128xi32, #tpu.memory_space<vmem>> -> memref<128xi32, #tpu.memory_space<vmem>>
      %dma_wait3A_119 = arith.constant 0 : i32
      %dma_wait3A_120 = arith.constant 0 : i32
      %dma_wait3A_121 = tpu.memref_slice %arg14[%dma_wait3A_119, %dma_wait3A_120] : memref<10240x128xf32, #tpu.memory_space<vmem_shared>> -> memref<10240x128xf32, #tpu.memory_space<vmem_shared>>
      tpu.wait_indirect_dma semaphore(%arg13 : memref<!tpu.dma_semaphore, #tpu.memory_space<semaphore_mem>>) src(%dma_wait3A_115 : memref<128x128xf32, #tpu.memory_space<vmem>>) dst(%dma_wait3A_121 : memref<10240x128xf32, #tpu.memory_space<vmem_shared>>)
      "tpu.region"() ({
        %run_scoped3A = tpu.sem_alloc : memref<!tpu.dma_semaphore, #tpu.memory_space<semaphore_mem>>
        %dma_start3A_216 = arith.constant 40 : i32
        %dma_start3A_217 = arith.constant 0 : i32
        %dma_start3A_218 = tpu.memref_slice %arg4[%arg1, %dma_start3A_216, %dma_start3A_217] : memref<16x160x128xi32, #tpu.memory_space<hbm>> -> memref<1x40x128xi32, #tpu.memory_space<hbm>>
        %dma_start3A_219 = tpu.memref_squeeze %dma_start3A_218 : memref<1x40x128xi32, #tpu.memory_space<hbm>> -> memref<40x128xi32, #tpu.memory_space<hbm>>
        %dma_start3A_220 = arith.constant 40 : i32
        %dma_start3A_221 = arith.constant 0 : i32
        %dma_start3A_222 = tpu.memref_slice %arg4[%arg1, %dma_start3A_220, %dma_start3A_221] : memref<16x160x128xi32, #tpu.memory_space<hbm>> -> memref<1x40x128xi32, #tpu.memory_space<hbm>>
        %dma_start3A_223 = tpu.memref_squeeze %dma_start3A_222 : memref<1x40x128xi32, #tpu.memory_space<hbm>> -> memref<40x128xi32, #tpu.memory_space<hbm>>
        tpu.enqueue_dma source(%dma_start3A_223 : memref<40x128xi32, #tpu.memory_space<hbm>>) target(%arg8 : memref<40x128xi32, #tpu.memory_space<vmem>>) target_semaphore(%run_scoped3A : memref<!tpu.dma_semaphore, #tpu.memory_space<semaphore_mem>>)
        %dma_wait3A_224 = arith.constant 40 : i32
        %dma_wait3A_225 = arith.constant 0 : i32
        %dma_wait3A_226 = tpu.memref_slice %arg4[%arg1, %dma_wait3A_224, %dma_wait3A_225] : memref<16x160x128xi32, #tpu.memory_space<hbm>> -> memref<1x40x128xi32, #tpu.memory_space<hbm>>
        %dma_wait3A_227 = tpu.memref_squeeze %dma_wait3A_226 : memref<1x40x128xi32, #tpu.memory_space<hbm>> -> memref<40x128xi32, #tpu.memory_space<hbm>>
        %dma_wait3A_228 = arith.constant 40 : i32
        %dma_wait3A_229 = arith.constant 0 : i32
        %dma_wait3A_230 = tpu.memref_slice %arg4[%arg1, %dma_wait3A_228, %dma_wait3A_229] : memref<16x160x128xi32, #tpu.memory_space<hbm>> -> memref<1x40x128xi32, #tpu.memory_space<hbm>>
        %dma_wait3A_231 = tpu.memref_squeeze %dma_wait3A_230 : memref<1x40x128xi32, #tpu.memory_space<hbm>> -> memref<40x128xi32, #tpu.memory_space<hbm>>
        tpu.wait_dma2 semaphore(%run_scoped3A : memref<!tpu.dma_semaphore, #tpu.memory_space<semaphore_mem>>) src(%dma_wait3A_231 : memref<40x128xi32, #tpu.memory_space<hbm>>) dst(%arg8 : memref<40x128xi32, #tpu.memory_space<vmem>>)
        tpu.yield
      }) : () -> ()
      "tpu.region"() ({
        %run_scoped3A = tpu.sem_alloc : memref<!tpu.dma_semaphore, #tpu.memory_space<semaphore_mem>>
        %dma_start3A_216 = arith.constant 40 : i32
        %dma_start3A_217 = arith.constant 0 : i32
        %dma_start3A_218 = tpu.memref_slice %arg5[%arg1, %dma_start3A_216, %dma_start3A_217] : memref<16x160x128xi32, #tpu.memory_space<hbm>> -> memref<1x40x128xi32, #tpu.memory_space<hbm>>
        %dma_start3A_219 = tpu.memref_squeeze %dma_start3A_218 : memref<1x40x128xi32, #tpu.memory_space<hbm>> -> memref<40x128xi32, #tpu.memory_space<hbm>>
        %dma_start3A_220 = arith.constant 40 : i32
        %dma_start3A_221 = arith.constant 0 : i32
        %dma_start3A_222 = tpu.memref_slice %arg5[%arg1, %dma_start3A_220, %dma_start3A_221] : memref<16x160x128xi32, #tpu.memory_space<hbm>> -> memref<1x40x128xi32, #tpu.memory_space<hbm>>
        %dma_start3A_223 = tpu.memref_squeeze %dma_start3A_222 : memref<1x40x128xi32, #tpu.memory_space<hbm>> -> memref<40x128xi32, #tpu.memory_space<hbm>>
        tpu.enqueue_dma source(%dma_start3A_223 : memref<40x128xi32, #tpu.memory_space<hbm>>) target(%arg9 : memref<40x128xi32, #tpu.memory_space<vmem>>) target_semaphore(%run_scoped3A : memref<!tpu.dma_semaphore, #tpu.memory_space<semaphore_mem>>)
        %dma_wait3A_224 = arith.constant 40 : i32
        %dma_wait3A_225 = arith.constant 0 : i32
        %dma_wait3A_226 = tpu.memref_slice %arg5[%arg1, %dma_wait3A_224, %dma_wait3A_225] : memref<16x160x128xi32, #tpu.memory_space<hbm>> -> memref<1x40x128xi32, #tpu.memory_space<hbm>>
        %dma_wait3A_227 = tpu.memref_squeeze %dma_wait3A_226 : memref<1x40x128xi32, #tpu.memory_space<hbm>> -> memref<40x128xi32, #tpu.memory_space<hbm>>
        %dma_wait3A_228 = arith.constant 40 : i32
        %dma_wait3A_229 = arith.constant 0 : i32
        %dma_wait3A_230 = tpu.memref_slice %arg5[%arg1, %dma_wait3A_228, %dma_wait3A_229] : memref<16x160x128xi32, #tpu.memory_space<hbm>> -> memref<1x40x128xi32, #tpu.memory_space<hbm>>
        %dma_wait3A_231 = tpu.memref_squeeze %dma_wait3A_230 : memref<1x40x128xi32, #tpu.memory_space<hbm>> -> memref<40x128xi32, #tpu.memory_space<hbm>>
        tpu.wait_dma2 semaphore(%run_scoped3A : memref<!tpu.dma_semaphore, #tpu.memory_space<semaphore_mem>>) src(%dma_wait3A_231 : memref<40x128xi32, #tpu.memory_space<hbm>>) dst(%arg9 : memref<40x128xi32, #tpu.memory_space<vmem>>)
        tpu.yield
      }) : () -> ()
      %dma_start3A_122 = arith.constant 0 : i32
      %dma_start3A_123 = arith.constant 0 : i32
      %dma_start3A_124 = arith.constant 0 : i32
      %dma_start3A_125 = arith.constant 0 : i32
      %dma_start3A_126 = tpu.memref_slice %arg10[%dma_start3A_123, %dma_start3A_124, %dma_start3A_125] : memref<2x128x128xf32, #tpu.memory_space<vmem>> -> memref<1x128x128xf32, #tpu.memory_space<vmem>>
      %dma_start3A_127 = tpu.memref_squeeze %dma_start3A_126 : memref<1x128x128xf32, #tpu.memory_space<vmem>> -> memref<128x128xf32, #tpu.memory_space<vmem>>
      %dma_start3A_128 = arith.constant 0 : i32
      %dma_start3A_129 = tpu.memref_slice %arg8[%dma_start3A_122, %dma_start3A_128] : memref<40x128xi32, #tpu.memory_space<vmem>> -> memref<1x128xi32, #tpu.memory_space<vmem>>
      %dma_start3A_130 = tpu.memref_squeeze %dma_start3A_129 : memref<1x128xi32, #tpu.memory_space<vmem>> -> memref<128xi32, #tpu.memory_space<vmem>>
      %dma_start3A_131 = arith.constant 0 : i32
      %dma_start3A_132 = arith.constant 0 : i32
      %dma_start3A_133 = tpu.memref_slice %arg3[%dma_start3A_131, %dma_start3A_132] : memref<10240x128xf32, #tpu.memory_space<hbm>> -> memref<10240x128xf32, #tpu.memory_space<hbm>>
      tpu.enqueue_indirect_dma source(%dma_start3A_133 : memref<10240x128xf32, #tpu.memory_space<hbm>>) target(%dma_start3A_127 : memref<128x128xf32, #tpu.memory_space<vmem>>) offsets(%dma_start3A_130 : memref<128xi32, #tpu.memory_space<vmem>>) semaphore(%arg12 : memref<!tpu.dma_semaphore, #tpu.memory_space<semaphore_mem>>)
      %scan3A_134 = arith.constant 0 : i32
      %scan3A_135 = arith.constant 0 : i32
      %scan3A_136 = arith.constant 40 : i32
      %scan3A_137 = arith.addi %scan3A_135, %scan3A_136 : i32
      %scan3A_138 = arith.constant 1 : i32
      %scan3A_139 = scf.for %scan3A_216 = %scan3A_135 to %scan3A_137 step %scan3A_138 iter_args(%scan3A_217 = %scan3A_134) -> (i32)  : i32 {
        %jit3A = arith.constant 2 : i32
        %eq3A_218 = arith.constant 0 : i32
        %eq3A_219 = arith.cmpi eq, %jit3A, %eq3A_218 : i32
        %jit3A_220 = arith.constant 1 : i32
        %select_n3A = arith.select %eq3A_219, %jit3A_220, %jit3A : i32
        %rem3A = arith.remsi %scan3A_216, %select_n3A : i32
        %ne3A = arith.constant 0 : i32
        %ne3A_221 = arith.cmpi ne, %rem3A, %ne3A : i32
        %lt3A = arith.constant 0 : i32
        %lt3A_222 = arith.cmpi slt, %rem3A, %lt3A : i32
        %lt3A_223 = arith.constant 0 : i32
        %lt3A_224 = arith.cmpi slt, %select_n3A, %lt3A_223 : i32
        %ne3A_225 = arith.xori %lt3A_222, %lt3A_224 : i1
        %and3A = arith.andi %ne3A_225, %ne3A_221 : i1
        %add3A_226 = arith.addi %rem3A, %select_n3A : i32
        %select_n3A_227 = arith.select %and3A, %add3A_226, %rem3A : i32
        %add3A_228 = arith.constant 1 : i32
        %add3A_229 = arith.addi %scan3A_216, %add3A_228 : i32
        %jit3A_230 = arith.constant 2 : i32
        %eq3A_231 = arith.constant 0 : i32
        %eq3A_232 = arith.cmpi eq, %jit3A_230, %eq3A_231 : i32
        %jit3A_233 = arith.constant 1 : i32
        %select_n3A_234 = arith.select %eq3A_232, %jit3A_233, %jit3A_230 : i32
        %rem3A_235 = arith.remsi %add3A_229, %select_n3A_234 : i32
        %ne3A_236 = arith.constant 0 : i32
        %ne3A_237 = arith.cmpi ne, %rem3A_235, %ne3A_236 : i32
        %lt3A_238 = arith.constant 0 : i32
        %lt3A_239 = arith.cmpi slt, %rem3A_235, %lt3A_238 : i32
        %lt3A_240 = arith.constant 0 : i32
        %lt3A_241 = arith.cmpi slt, %select_n3A_234, %lt3A_240 : i32
        %ne3A_242 = arith.xori %lt3A_239, %lt3A_241 : i1
        %and3A_243 = arith.andi %ne3A_242, %ne3A_237 : i1
        %add3A_244 = arith.addi %rem3A_235, %select_n3A_234 : i32
        %select_n3A_245 = arith.select %and3A_243, %add3A_244, %rem3A_235 : i32
        %dma_wait3A_246 = arith.constant 0 : i32
        %dma_wait3A_247 = arith.constant 0 : i32
        %dma_wait3A_248 = tpu.memref_slice %arg10[%select_n3A_227, %dma_wait3A_246, %dma_wait3A_247] : memref<2x128x128xf32, #tpu.memory_space<vmem>> -> memref<1x128x128xf32, #tpu.memory_space<vmem>>
        %dma_wait3A_249 = tpu.memref_squeeze %dma_wait3A_248 : memref<1x128x128xf32, #tpu.memory_space<vmem>> -> memref<128x128xf32, #tpu.memory_space<vmem>>
        %dma_wait3A_250 = arith.constant 0 : i32
        %dma_wait3A_251 = tpu.memref_slice %arg8[%scan3A_216, %dma_wait3A_250] : memref<40x128xi32, #tpu.memory_space<vmem>> -> memref<1x128xi32, #tpu.memory_space<vmem>>
        %dma_wait3A_252 = tpu.memref_squeeze %dma_wait3A_251 : memref<1x128xi32, #tpu.memory_space<vmem>> -> memref<128xi32, #tpu.memory_space<vmem>>
        %dma_wait3A_253 = arith.constant 0 : i32
        %dma_wait3A_254 = arith.constant 0 : i32
        %dma_wait3A_255 = tpu.memref_slice %arg3[%dma_wait3A_253, %dma_wait3A_254] : memref<10240x128xf32, #tpu.memory_space<hbm>> -> memref<10240x128xf32, #tpu.memory_space<hbm>>
        tpu.wait_indirect_dma semaphore(%arg12 : memref<!tpu.dma_semaphore, #tpu.memory_space<semaphore_mem>>) src(%dma_wait3A_255 : memref<10240x128xf32, #tpu.memory_space<hbm>>) dst(%dma_wait3A_249 : memref<128x128xf32, #tpu.memory_space<vmem>>)
        %dma_start3A_256 = arith.constant 0 : i32
        %dma_start3A_257 = arith.constant 0 : i32
        %dma_start3A_258 = tpu.memref_slice %arg10[%select_n3A_227, %dma_start3A_256, %dma_start3A_257] : memref<2x128x128xf32, #tpu.memory_space<vmem>> -> memref<1x128x128xf32, #tpu.memory_space<vmem>>
        %dma_start3A_259 = tpu.memref_squeeze %dma_start3A_258 : memref<1x128x128xf32, #tpu.memory_space<vmem>> -> memref<128x128xf32, #tpu.memory_space<vmem>>
        %dma_start3A_260 = arith.constant 0 : i32
        %dma_start3A_261 = tpu.memref_slice %arg9[%scan3A_216, %dma_start3A_260] : memref<40x128xi32, #tpu.memory_space<vmem>> -> memref<1x128xi32, #tpu.memory_space<vmem>>
        %dma_start3A_262 = tpu.memref_squeeze %dma_start3A_261 : memref<1x128xi32, #tpu.memory_space<vmem>> -> memref<128xi32, #tpu.memory_space<vmem>>
        %dma_start3A_263 = arith.constant 0 : i32
        %dma_start3A_264 = arith.constant 0 : i32
        %dma_start3A_265 = tpu.memref_slice %arg14[%dma_start3A_263, %dma_start3A_264] : memref<10240x128xf32, #tpu.memory_space<vmem_shared>> -> memref<10240x128xf32, #tpu.memory_space<vmem_shared>>
        tpu.enqueue_indirect_dma source(%dma_start3A_259 : memref<128x128xf32, #tpu.memory_space<vmem>>) target(%dma_start3A_265 : memref<10240x128xf32, #tpu.memory_space<vmem_shared>>) offsets(%dma_start3A_262 : memref<128xi32, #tpu.memory_space<vmem>>) semaphore(%arg13 : memref<!tpu.dma_semaphore, #tpu.memory_space<semaphore_mem>>) {add = true}
        %ge3A = arith.constant 1 : i32
        %ge3A_266 = arith.cmpi sge, %scan3A_216, %ge3A : i32
        %convert_element_type3A_267 = arith.extui %ge3A_266 : i1 to i32
        %cond3A_268 = arith.constant 0 : i32
        %cond3A_269 = arith.cmpi ne, %convert_element_type3A_267, %cond3A_268 : i32
        scf.if %cond3A_269 {
          %sub3A = arith.constant 1 : i32
          %sub3A_278 = arith.subi %scan3A_216, %sub3A : i32
          %dma_wait3A_279 = arith.constant 0 : i32
          %dma_wait3A_280 = arith.constant 0 : i32
          %dma_wait3A_281 = tpu.memref_slice %arg10[%select_n3A_245, %dma_wait3A_279, %dma_wait3A_280] : memref<2x128x128xf32, #tpu.memory_space<vmem>> -> memref<1x128x128xf32, #tpu.memory_space<vmem>>
          %dma_wait3A_282 = tpu.memref_squeeze %dma_wait3A_281 : memref<1x128x128xf32, #tpu.memory_space<vmem>> -> memref<128x128xf32, #tpu.memory_space<vmem>>
          %dma_wait3A_283 = arith.constant 0 : i32
          %dma_wait3A_284 = tpu.memref_slice %arg9[%sub3A_278, %dma_wait3A_283] : memref<40x128xi32, #tpu.memory_space<vmem>> -> memref<1x128xi32, #tpu.memory_space<vmem>>
          %dma_wait3A_285 = tpu.memref_squeeze %dma_wait3A_284 : memref<1x128xi32, #tpu.memory_space<vmem>> -> memref<128xi32, #tpu.memory_space<vmem>>
          %dma_wait3A_286 = arith.constant 0 : i32
          %dma_wait3A_287 = arith.constant 0 : i32
          %dma_wait3A_288 = tpu.memref_slice %arg14[%dma_wait3A_286, %dma_wait3A_287] : memref<10240x128xf32, #tpu.memory_space<vmem_shared>> -> memref<10240x128xf32, #tpu.memory_space<vmem_shared>>
          tpu.wait_indirect_dma semaphore(%arg13 : memref<!tpu.dma_semaphore, #tpu.memory_space<semaphore_mem>>) src(%dma_wait3A_282 : memref<128x128xf32, #tpu.memory_space<vmem>>) dst(%dma_wait3A_288 : memref<10240x128xf32, #tpu.memory_space<vmem_shared>>)
        } else {
        }
        %add3A_270 = arith.constant 1 : i32
        %add3A_271 = arith.addi %scan3A_216, %add3A_270 : i32
        %lt3A_272 = arith.constant 40 : i32
        %lt3A_273 = arith.cmpi slt, %add3A_271, %lt3A_272 : i32
        %convert_element_type3A_274 = arith.extui %lt3A_273 : i1 to i32
        %cond3A_275 = arith.constant 0 : i32
        %cond3A_276 = arith.cmpi ne, %convert_element_type3A_274, %cond3A_275 : i32
        scf.if %cond3A_276 {
          %add3A_278 = arith.constant 1 : i32
          %add3A_279 = arith.addi %scan3A_216, %add3A_278 : i32
          %dma_start3A_280 = arith.constant 0 : i32
          %dma_start3A_281 = arith.constant 0 : i32
          %dma_start3A_282 = tpu.memref_slice %arg10[%select_n3A_245, %dma_start3A_280, %dma_start3A_281] : memref<2x128x128xf32, #tpu.memory_space<vmem>> -> memref<1x128x128xf32, #tpu.memory_space<vmem>>
          %dma_start3A_283 = tpu.memref_squeeze %dma_start3A_282 : memref<1x128x128xf32, #tpu.memory_space<vmem>> -> memref<128x128xf32, #tpu.memory_space<vmem>>
          %dma_start3A_284 = arith.constant 0 : i32
          %dma_start3A_285 = tpu.memref_slice %arg8[%add3A_279, %dma_start3A_284] : memref<40x128xi32, #tpu.memory_space<vmem>> -> memref<1x128xi32, #tpu.memory_space<vmem>>
          %dma_start3A_286 = tpu.memref_squeeze %dma_start3A_285 : memref<1x128xi32, #tpu.memory_space<vmem>> -> memref<128xi32, #tpu.memory_space<vmem>>
          %dma_start3A_287 = arith.constant 0 : i32
          %dma_start3A_288 = arith.constant 0 : i32
          %dma_start3A_289 = tpu.memref_slice %arg3[%dma_start3A_287, %dma_start3A_288] : memref<10240x128xf32, #tpu.memory_space<hbm>> -> memref<10240x128xf32, #tpu.memory_space<hbm>>
          tpu.enqueue_indirect_dma source(%dma_start3A_289 : memref<10240x128xf32, #tpu.memory_space<hbm>>) target(%dma_start3A_283 : memref<128x128xf32, #tpu.memory_space<vmem>>) offsets(%dma_start3A_286 : memref<128xi32, #tpu.memory_space<vmem>>) semaphore(%arg12 : memref<!tpu.dma_semaphore, #tpu.memory_space<semaphore_mem>>)
        } else {
        }
        %scan3A_277 = arith.constant 0 : i32
        scf.yield %scan3A_277 : i32
      }
      %scan3A_140 = arith.constant 40 : i32
      %dma_wait3A_141 = arith.constant 1 : i32
      %dma_wait3A_142 = arith.constant 39 : i32
      %dma_wait3A_143 = arith.constant 0 : i32
      %dma_wait3A_144 = arith.constant 0 : i32
      %dma_wait3A_145 = tpu.memref_slice %arg10[%dma_wait3A_141, %dma_wait3A_143, %dma_wait3A_144] : memref<2x128x128xf32, #tpu.memory_space<vmem>> -> memref<1x128x128xf32, #tpu.memory_space<vmem>>
      %dma_wait3A_146 = tpu.memref_squeeze %dma_wait3A_145 : memref<1x128x128xf32, #tpu.memory_space<vmem>> -> memref<128x128xf32, #tpu.memory_space<vmem>>
      %dma_wait3A_147 = arith.constant 0 : i32
      %dma_wait3A_148 = tpu.memref_slice %arg9[%dma_wait3A_142, %dma_wait3A_147] : memref<40x128xi32, #tpu.memory_space<vmem>> -> memref<1x128xi32, #tpu.memory_space<vmem>>
      %dma_wait3A_149 = tpu.memref_squeeze %dma_wait3A_148 : memref<1x128xi32, #tpu.memory_space<vmem>> -> memref<128xi32, #tpu.memory_space<vmem>>
      %dma_wait3A_150 = arith.constant 0 : i32
      %dma_wait3A_151 = arith.constant 0 : i32
      %dma_wait3A_152 = tpu.memref_slice %arg14[%dma_wait3A_150, %dma_wait3A_151] : memref<10240x128xf32, #tpu.memory_space<vmem_shared>> -> memref<10240x128xf32, #tpu.memory_space<vmem_shared>>
      tpu.wait_indirect_dma semaphore(%arg13 : memref<!tpu.dma_semaphore, #tpu.memory_space<semaphore_mem>>) src(%dma_wait3A_146 : memref<128x128xf32, #tpu.memory_space<vmem>>) dst(%dma_wait3A_152 : memref<10240x128xf32, #tpu.memory_space<vmem_shared>>)
      "tpu.region"() ({
        %run_scoped3A = tpu.sem_alloc : memref<!tpu.dma_semaphore, #tpu.memory_space<semaphore_mem>>
        %dma_start3A_216 = arith.constant 80 : i32
        %dma_start3A_217 = arith.constant 0 : i32
        %dma_start3A_218 = tpu.memref_slice %arg4[%arg1, %dma_start3A_216, %dma_start3A_217] : memref<16x160x128xi32, #tpu.memory_space<hbm>> -> memref<1x40x128xi32, #tpu.memory_space<hbm>>
        %dma_start3A_219 = tpu.memref_squeeze %dma_start3A_218 : memref<1x40x128xi32, #tpu.memory_space<hbm>> -> memref<40x128xi32, #tpu.memory_space<hbm>>
        %dma_start3A_220 = arith.constant 80 : i32
        %dma_start3A_221 = arith.constant 0 : i32
        %dma_start3A_222 = tpu.memref_slice %arg4[%arg1, %dma_start3A_220, %dma_start3A_221] : memref<16x160x128xi32, #tpu.memory_space<hbm>> -> memref<1x40x128xi32, #tpu.memory_space<hbm>>
        %dma_start3A_223 = tpu.memref_squeeze %dma_start3A_222 : memref<1x40x128xi32, #tpu.memory_space<hbm>> -> memref<40x128xi32, #tpu.memory_space<hbm>>
        tpu.enqueue_dma source(%dma_start3A_223 : memref<40x128xi32, #tpu.memory_space<hbm>>) target(%arg8 : memref<40x128xi32, #tpu.memory_space<vmem>>) target_semaphore(%run_scoped3A : memref<!tpu.dma_semaphore, #tpu.memory_space<semaphore_mem>>)
        %dma_wait3A_224 = arith.constant 80 : i32
        %dma_wait3A_225 = arith.constant 0 : i32
        %dma_wait3A_226 = tpu.memref_slice %arg4[%arg1, %dma_wait3A_224, %dma_wait3A_225] : memref<16x160x128xi32, #tpu.memory_space<hbm>> -> memref<1x40x128xi32, #tpu.memory_space<hbm>>
        %dma_wait3A_227 = tpu.memref_squeeze %dma_wait3A_226 : memref<1x40x128xi32, #tpu.memory_space<hbm>> -> memref<40x128xi32, #tpu.memory_space<hbm>>
        %dma_wait3A_228 = arith.constant 80 : i32
        %dma_wait3A_229 = arith.constant 0 : i32
        %dma_wait3A_230 = tpu.memref_slice %arg4[%arg1, %dma_wait3A_228, %dma_wait3A_229] : memref<16x160x128xi32, #tpu.memory_space<hbm>> -> memref<1x40x128xi32, #tpu.memory_space<hbm>>
        %dma_wait3A_231 = tpu.memref_squeeze %dma_wait3A_230 : memref<1x40x128xi32, #tpu.memory_space<hbm>> -> memref<40x128xi32, #tpu.memory_space<hbm>>
        tpu.wait_dma2 semaphore(%run_scoped3A : memref<!tpu.dma_semaphore, #tpu.memory_space<semaphore_mem>>) src(%dma_wait3A_231 : memref<40x128xi32, #tpu.memory_space<hbm>>) dst(%arg8 : memref<40x128xi32, #tpu.memory_space<vmem>>)
        tpu.yield
      }) : () -> ()
      "tpu.region"() ({
        %run_scoped3A = tpu.sem_alloc : memref<!tpu.dma_semaphore, #tpu.memory_space<semaphore_mem>>
        %dma_start3A_216 = arith.constant 80 : i32
        %dma_start3A_217 = arith.constant 0 : i32
        %dma_start3A_218 = tpu.memref_slice %arg5[%arg1, %dma_start3A_216, %dma_start3A_217] : memref<16x160x128xi32, #tpu.memory_space<hbm>> -> memref<1x40x128xi32, #tpu.memory_space<hbm>>
        %dma_start3A_219 = tpu.memref_squeeze %dma_start3A_218 : memref<1x40x128xi32, #tpu.memory_space<hbm>> -> memref<40x128xi32, #tpu.memory_space<hbm>>
        %dma_start3A_220 = arith.constant 80 : i32
        %dma_start3A_221 = arith.constant 0 : i32
        %dma_start3A_222 = tpu.memref_slice %arg5[%arg1, %dma_start3A_220, %dma_start3A_221] : memref<16x160x128xi32, #tpu.memory_space<hbm>> -> memref<1x40x128xi32, #tpu.memory_space<hbm>>
        %dma_start3A_223 = tpu.memref_squeeze %dma_start3A_222 : memref<1x40x128xi32, #tpu.memory_space<hbm>> -> memref<40x128xi32, #tpu.memory_space<hbm>>
        tpu.enqueue_dma source(%dma_start3A_223 : memref<40x128xi32, #tpu.memory_space<hbm>>) target(%arg9 : memref<40x128xi32, #tpu.memory_space<vmem>>) target_semaphore(%run_scoped3A : memref<!tpu.dma_semaphore, #tpu.memory_space<semaphore_mem>>)
        %dma_wait3A_224 = arith.constant 80 : i32
        %dma_wait3A_225 = arith.constant 0 : i32
        %dma_wait3A_226 = tpu.memref_slice %arg5[%arg1, %dma_wait3A_224, %dma_wait3A_225] : memref<16x160x128xi32, #tpu.memory_space<hbm>> -> memref<1x40x128xi32, #tpu.memory_space<hbm>>
        %dma_wait3A_227 = tpu.memref_squeeze %dma_wait3A_226 : memref<1x40x128xi32, #tpu.memory_space<hbm>> -> memref<40x128xi32, #tpu.memory_space<hbm>>
        %dma_wait3A_228 = arith.constant 80 : i32
        %dma_wait3A_229 = arith.constant 0 : i32
        %dma_wait3A_230 = tpu.memref_slice %arg5[%arg1, %dma_wait3A_228, %dma_wait3A_229] : memref<16x160x128xi32, #tpu.memory_space<hbm>> -> memref<1x40x128xi32, #tpu.memory_space<hbm>>
        %dma_wait3A_231 = tpu.memref_squeeze %dma_wait3A_230 : memref<1x40x128xi32, #tpu.memory_space<hbm>> -> memref<40x128xi32, #tpu.memory_space<hbm>>
        tpu.wait_dma2 semaphore(%run_scoped3A : memref<!tpu.dma_semaphore, #tpu.memory_space<semaphore_mem>>) src(%dma_wait3A_231 : memref<40x128xi32, #tpu.memory_space<hbm>>) dst(%arg9 : memref<40x128xi32, #tpu.memory_space<vmem>>)
        tpu.yield
      }) : () -> ()
      %dma_start3A_153 = arith.constant 0 : i32
      %dma_start3A_154 = arith.constant 0 : i32
      %dma_start3A_155 = arith.constant 0 : i32
      %dma_start3A_156 = arith.constant 0 : i32
      %dma_start3A_157 = tpu.memref_slice %arg10[%dma_start3A_154, %dma_start3A_155, %dma_start3A_156] : memref<2x128x128xf32, #tpu.memory_space<vmem>> -> memref<1x128x128xf32, #tpu.memory_space<vmem>>
      %dma_start3A_158 = tpu.memref_squeeze %dma_start3A_157 : memref<1x128x128xf32, #tpu.memory_space<vmem>> -> memref<128x128xf32, #tpu.memory_space<vmem>>
      %dma_start3A_159 = arith.constant 0 : i32
      %dma_start3A_160 = tpu.memref_slice %arg8[%dma_start3A_153, %dma_start3A_159] : memref<40x128xi32, #tpu.memory_space<vmem>> -> memref<1x128xi32, #tpu.memory_space<vmem>>
      %dma_start3A_161 = tpu.memref_squeeze %dma_start3A_160 : memref<1x128xi32, #tpu.memory_space<vmem>> -> memref<128xi32, #tpu.memory_space<vmem>>
      %dma_start3A_162 = arith.constant 0 : i32
      %dma_start3A_163 = arith.constant 0 : i32
      %dma_start3A_164 = tpu.memref_slice %arg3[%dma_start3A_162, %dma_start3A_163] : memref<10240x128xf32, #tpu.memory_space<hbm>> -> memref<10240x128xf32, #tpu.memory_space<hbm>>
      tpu.enqueue_indirect_dma source(%dma_start3A_164 : memref<10240x128xf32, #tpu.memory_space<hbm>>) target(%dma_start3A_158 : memref<128x128xf32, #tpu.memory_space<vmem>>) offsets(%dma_start3A_161 : memref<128xi32, #tpu.memory_space<vmem>>) semaphore(%arg12 : memref<!tpu.dma_semaphore, #tpu.memory_space<semaphore_mem>>)
      %scan3A_165 = arith.constant 0 : i32
      %scan3A_166 = arith.constant 0 : i32
      %scan3A_167 = arith.constant 40 : i32
      %scan3A_168 = arith.addi %scan3A_166, %scan3A_167 : i32
      %scan3A_169 = arith.constant 1 : i32
      %scan3A_170 = scf.for %scan3A_216 = %scan3A_166 to %scan3A_168 step %scan3A_169 iter_args(%scan3A_217 = %scan3A_165) -> (i32)  : i32 {
        %jit3A = arith.constant 2 : i32
        %eq3A_218 = arith.constant 0 : i32
        %eq3A_219 = arith.cmpi eq, %jit3A, %eq3A_218 : i32
        %jit3A_220 = arith.constant 1 : i32
        %select_n3A = arith.select %eq3A_219, %jit3A_220, %jit3A : i32
        %rem3A = arith.remsi %scan3A_216, %select_n3A : i32
        %ne3A = arith.constant 0 : i32
        %ne3A_221 = arith.cmpi ne, %rem3A, %ne3A : i32
        %lt3A = arith.constant 0 : i32
        %lt3A_222 = arith.cmpi slt, %rem3A, %lt3A : i32
        %lt3A_223 = arith.constant 0 : i32
        %lt3A_224 = arith.cmpi slt, %select_n3A, %lt3A_223 : i32
        %ne3A_225 = arith.xori %lt3A_222, %lt3A_224 : i1
        %and3A = arith.andi %ne3A_225, %ne3A_221 : i1
        %add3A_226 = arith.addi %rem3A, %select_n3A : i32
        %select_n3A_227 = arith.select %and3A, %add3A_226, %rem3A : i32
        %add3A_228 = arith.constant 1 : i32
        %add3A_229 = arith.addi %scan3A_216, %add3A_228 : i32
        %jit3A_230 = arith.constant 2 : i32
        %eq3A_231 = arith.constant 0 : i32
        %eq3A_232 = arith.cmpi eq, %jit3A_230, %eq3A_231 : i32
        %jit3A_233 = arith.constant 1 : i32
        %select_n3A_234 = arith.select %eq3A_232, %jit3A_233, %jit3A_230 : i32
        %rem3A_235 = arith.remsi %add3A_229, %select_n3A_234 : i32
        %ne3A_236 = arith.constant 0 : i32
        %ne3A_237 = arith.cmpi ne, %rem3A_235, %ne3A_236 : i32
        %lt3A_238 = arith.constant 0 : i32
        %lt3A_239 = arith.cmpi slt, %rem3A_235, %lt3A_238 : i32
        %lt3A_240 = arith.constant 0 : i32
        %lt3A_241 = arith.cmpi slt, %select_n3A_234, %lt3A_240 : i32
        %ne3A_242 = arith.xori %lt3A_239, %lt3A_241 : i1
        %and3A_243 = arith.andi %ne3A_242, %ne3A_237 : i1
        %add3A_244 = arith.addi %rem3A_235, %select_n3A_234 : i32
        %select_n3A_245 = arith.select %and3A_243, %add3A_244, %rem3A_235 : i32
        %dma_wait3A_246 = arith.constant 0 : i32
        %dma_wait3A_247 = arith.constant 0 : i32
        %dma_wait3A_248 = tpu.memref_slice %arg10[%select_n3A_227, %dma_wait3A_246, %dma_wait3A_247] : memref<2x128x128xf32, #tpu.memory_space<vmem>> -> memref<1x128x128xf32, #tpu.memory_space<vmem>>
        %dma_wait3A_249 = tpu.memref_squeeze %dma_wait3A_248 : memref<1x128x128xf32, #tpu.memory_space<vmem>> -> memref<128x128xf32, #tpu.memory_space<vmem>>
        %dma_wait3A_250 = arith.constant 0 : i32
        %dma_wait3A_251 = tpu.memref_slice %arg8[%scan3A_216, %dma_wait3A_250] : memref<40x128xi32, #tpu.memory_space<vmem>> -> memref<1x128xi32, #tpu.memory_space<vmem>>
        %dma_wait3A_252 = tpu.memref_squeeze %dma_wait3A_251 : memref<1x128xi32, #tpu.memory_space<vmem>> -> memref<128xi32, #tpu.memory_space<vmem>>
        %dma_wait3A_253 = arith.constant 0 : i32
        %dma_wait3A_254 = arith.constant 0 : i32
        %dma_wait3A_255 = tpu.memref_slice %arg3[%dma_wait3A_253, %dma_wait3A_254] : memref<10240x128xf32, #tpu.memory_space<hbm>> -> memref<10240x128xf32, #tpu.memory_space<hbm>>
        tpu.wait_indirect_dma semaphore(%arg12 : memref<!tpu.dma_semaphore, #tpu.memory_space<semaphore_mem>>) src(%dma_wait3A_255 : memref<10240x128xf32, #tpu.memory_space<hbm>>) dst(%dma_wait3A_249 : memref<128x128xf32, #tpu.memory_space<vmem>>)
        %dma_start3A_256 = arith.constant 0 : i32
        %dma_start3A_257 = arith.constant 0 : i32
        %dma_start3A_258 = tpu.memref_slice %arg10[%select_n3A_227, %dma_start3A_256, %dma_start3A_257] : memref<2x128x128xf32, #tpu.memory_space<vmem>> -> memref<1x128x128xf32, #tpu.memory_space<vmem>>
        %dma_start3A_259 = tpu.memref_squeeze %dma_start3A_258 : memref<1x128x128xf32, #tpu.memory_space<vmem>> -> memref<128x128xf32, #tpu.memory_space<vmem>>
        %dma_start3A_260 = arith.constant 0 : i32
        %dma_start3A_261 = tpu.memref_slice %arg9[%scan3A_216, %dma_start3A_260] : memref<40x128xi32, #tpu.memory_space<vmem>> -> memref<1x128xi32, #tpu.memory_space<vmem>>
        %dma_start3A_262 = tpu.memref_squeeze %dma_start3A_261 : memref<1x128xi32, #tpu.memory_space<vmem>> -> memref<128xi32, #tpu.memory_space<vmem>>
        %dma_start3A_263 = arith.constant 0 : i32
        %dma_start3A_264 = arith.constant 0 : i32
        %dma_start3A_265 = tpu.memref_slice %arg14[%dma_start3A_263, %dma_start3A_264] : memref<10240x128xf32, #tpu.memory_space<vmem_shared>> -> memref<10240x128xf32, #tpu.memory_space<vmem_shared>>
        tpu.enqueue_indirect_dma source(%dma_start3A_259 : memref<128x128xf32, #tpu.memory_space<vmem>>) target(%dma_start3A_265 : memref<10240x128xf32, #tpu.memory_space<vmem_shared>>) offsets(%dma_start3A_262 : memref<128xi32, #tpu.memory_space<vmem>>) semaphore(%arg13 : memref<!tpu.dma_semaphore, #tpu.memory_space<semaphore_mem>>) {add = true}
        %ge3A = arith.constant 1 : i32
        %ge3A_266 = arith.cmpi sge, %scan3A_216, %ge3A : i32
        %convert_element_type3A_267 = arith.extui %ge3A_266 : i1 to i32
        %cond3A_268 = arith.constant 0 : i32
        %cond3A_269 = arith.cmpi ne, %convert_element_type3A_267, %cond3A_268 : i32
        scf.if %cond3A_269 {
          %sub3A = arith.constant 1 : i32
          %sub3A_278 = arith.subi %scan3A_216, %sub3A : i32
          %dma_wait3A_279 = arith.constant 0 : i32
          %dma_wait3A_280 = arith.constant 0 : i32
          %dma_wait3A_281 = tpu.memref_slice %arg10[%select_n3A_245, %dma_wait3A_279, %dma_wait3A_280] : memref<2x128x128xf32, #tpu.memory_space<vmem>> -> memref<1x128x128xf32, #tpu.memory_space<vmem>>
          %dma_wait3A_282 = tpu.memref_squeeze %dma_wait3A_281 : memref<1x128x128xf32, #tpu.memory_space<vmem>> -> memref<128x128xf32, #tpu.memory_space<vmem>>
          %dma_wait3A_283 = arith.constant 0 : i32
          %dma_wait3A_284 = tpu.memref_slice %arg9[%sub3A_278, %dma_wait3A_283] : memref<40x128xi32, #tpu.memory_space<vmem>> -> memref<1x128xi32, #tpu.memory_space<vmem>>
          %dma_wait3A_285 = tpu.memref_squeeze %dma_wait3A_284 : memref<1x128xi32, #tpu.memory_space<vmem>> -> memref<128xi32, #tpu.memory_space<vmem>>
          %dma_wait3A_286 = arith.constant 0 : i32
          %dma_wait3A_287 = arith.constant 0 : i32
          %dma_wait3A_288 = tpu.memref_slice %arg14[%dma_wait3A_286, %dma_wait3A_287] : memref<10240x128xf32, #tpu.memory_space<vmem_shared>> -> memref<10240x128xf32, #tpu.memory_space<vmem_shared>>
          tpu.wait_indirect_dma semaphore(%arg13 : memref<!tpu.dma_semaphore, #tpu.memory_space<semaphore_mem>>) src(%dma_wait3A_282 : memref<128x128xf32, #tpu.memory_space<vmem>>) dst(%dma_wait3A_288 : memref<10240x128xf32, #tpu.memory_space<vmem_shared>>)
        } else {
        }
        %add3A_270 = arith.constant 1 : i32
        %add3A_271 = arith.addi %scan3A_216, %add3A_270 : i32
        %lt3A_272 = arith.constant 40 : i32
        %lt3A_273 = arith.cmpi slt, %add3A_271, %lt3A_272 : i32
        %convert_element_type3A_274 = arith.extui %lt3A_273 : i1 to i32
        %cond3A_275 = arith.constant 0 : i32
        %cond3A_276 = arith.cmpi ne, %convert_element_type3A_274, %cond3A_275 : i32
        scf.if %cond3A_276 {
          %add3A_278 = arith.constant 1 : i32
          %add3A_279 = arith.addi %scan3A_216, %add3A_278 : i32
          %dma_start3A_280 = arith.constant 0 : i32
          %dma_start3A_281 = arith.constant 0 : i32
          %dma_start3A_282 = tpu.memref_slice %arg10[%select_n3A_245, %dma_start3A_280, %dma_start3A_281] : memref<2x128x128xf32, #tpu.memory_space<vmem>> -> memref<1x128x128xf32, #tpu.memory_space<vmem>>
          %dma_start3A_283 = tpu.memref_squeeze %dma_start3A_282 : memref<1x128x128xf32, #tpu.memory_space<vmem>> -> memref<128x128xf32, #tpu.memory_space<vmem>>
          %dma_start3A_284 = arith.constant 0 : i32
          %dma_start3A_285 = tpu.memref_slice %arg8[%add3A_279, %dma_start3A_284] : memref<40x128xi32, #tpu.memory_space<vmem>> -> memref<1x128xi32, #tpu.memory_space<vmem>>
          %dma_start3A_286 = tpu.memref_squeeze %dma_start3A_285 : memref<1x128xi32, #tpu.memory_space<vmem>> -> memref<128xi32, #tpu.memory_space<vmem>>
          %dma_start3A_287 = arith.constant 0 : i32
          %dma_start3A_288 = arith.constant 0 : i32
          %dma_start3A_289 = tpu.memref_slice %arg3[%dma_start3A_287, %dma_start3A_288] : memref<10240x128xf32, #tpu.memory_space<hbm>> -> memref<10240x128xf32, #tpu.memory_space<hbm>>
          tpu.enqueue_indirect_dma source(%dma_start3A_289 : memref<10240x128xf32, #tpu.memory_space<hbm>>) target(%dma_start3A_283 : memref<128x128xf32, #tpu.memory_space<vmem>>) offsets(%dma_start3A_286 : memref<128xi32, #tpu.memory_space<vmem>>) semaphore(%arg12 : memref<!tpu.dma_semaphore, #tpu.memory_space<semaphore_mem>>)
        } else {
        }
        %scan3A_277 = arith.constant 0 : i32
        scf.yield %scan3A_277 : i32
      }
      %scan3A_171 = arith.constant 40 : i32
      %dma_wait3A_172 = arith.constant 1 : i32
      %dma_wait3A_173 = arith.constant 39 : i32
      %dma_wait3A_174 = arith.constant 0 : i32
      %dma_wait3A_175 = arith.constant 0 : i32
      %dma_wait3A_176 = tpu.memref_slice %arg10[%dma_wait3A_172, %dma_wait3A_174, %dma_wait3A_175] : memref<2x128x128xf32, #tpu.memory_space<vmem>> -> memref<1x128x128xf32, #tpu.memory_space<vmem>>
      %dma_wait3A_177 = tpu.memref_squeeze %dma_wait3A_176 : memref<1x128x128xf32, #tpu.memory_space<vmem>> -> memref<128x128xf32, #tpu.memory_space<vmem>>
      %dma_wait3A_178 = arith.constant 0 : i32
      %dma_wait3A_179 = tpu.memref_slice %arg9[%dma_wait3A_173, %dma_wait3A_178] : memref<40x128xi32, #tpu.memory_space<vmem>> -> memref<1x128xi32, #tpu.memory_space<vmem>>
      %dma_wait3A_180 = tpu.memref_squeeze %dma_wait3A_179 : memref<1x128xi32, #tpu.memory_space<vmem>> -> memref<128xi32, #tpu.memory_space<vmem>>
      %dma_wait3A_181 = arith.constant 0 : i32
      %dma_wait3A_182 = arith.constant 0 : i32
      %dma_wait3A_183 = tpu.memref_slice %arg14[%dma_wait3A_181, %dma_wait3A_182] : memref<10240x128xf32, #tpu.memory_space<vmem_shared>> -> memref<10240x128xf32, #tpu.memory_space<vmem_shared>>
      tpu.wait_indirect_dma semaphore(%arg13 : memref<!tpu.dma_semaphore, #tpu.memory_space<semaphore_mem>>) src(%dma_wait3A_177 : memref<128x128xf32, #tpu.memory_space<vmem>>) dst(%dma_wait3A_183 : memref<10240x128xf32, #tpu.memory_space<vmem_shared>>)
      "tpu.region"() ({
        %run_scoped3A = tpu.sem_alloc : memref<!tpu.dma_semaphore, #tpu.memory_space<semaphore_mem>>
        %dma_start3A_216 = arith.constant 120 : i32
        %dma_start3A_217 = arith.constant 0 : i32
        %dma_start3A_218 = tpu.memref_slice %arg4[%arg1, %dma_start3A_216, %dma_start3A_217] : memref<16x160x128xi32, #tpu.memory_space<hbm>> -> memref<1x40x128xi32, #tpu.memory_space<hbm>>
        %dma_start3A_219 = tpu.memref_squeeze %dma_start3A_218 : memref<1x40x128xi32, #tpu.memory_space<hbm>> -> memref<40x128xi32, #tpu.memory_space<hbm>>
        %dma_start3A_220 = arith.constant 120 : i32
        %dma_start3A_221 = arith.constant 0 : i32
        %dma_start3A_222 = tpu.memref_slice %arg4[%arg1, %dma_start3A_220, %dma_start3A_221] : memref<16x160x128xi32, #tpu.memory_space<hbm>> -> memref<1x40x128xi32, #tpu.memory_space<hbm>>
        %dma_start3A_223 = tpu.memref_squeeze %dma_start3A_222 : memref<1x40x128xi32, #tpu.memory_space<hbm>> -> memref<40x128xi32, #tpu.memory_space<hbm>>
        tpu.enqueue_dma source(%dma_start3A_223 : memref<40x128xi32, #tpu.memory_space<hbm>>) target(%arg8 : memref<40x128xi32, #tpu.memory_space<vmem>>) target_semaphore(%run_scoped3A : memref<!tpu.dma_semaphore, #tpu.memory_space<semaphore_mem>>)
        %dma_wait3A_224 = arith.constant 120 : i32
        %dma_wait3A_225 = arith.constant 0 : i32
        %dma_wait3A_226 = tpu.memref_slice %arg4[%arg1, %dma_wait3A_224, %dma_wait3A_225] : memref<16x160x128xi32, #tpu.memory_space<hbm>> -> memref<1x40x128xi32, #tpu.memory_space<hbm>>
        %dma_wait3A_227 = tpu.memref_squeeze %dma_wait3A_226 : memref<1x40x128xi32, #tpu.memory_space<hbm>> -> memref<40x128xi32, #tpu.memory_space<hbm>>
        %dma_wait3A_228 = arith.constant 120 : i32
        %dma_wait3A_229 = arith.constant 0 : i32
        %dma_wait3A_230 = tpu.memref_slice %arg4[%arg1, %dma_wait3A_228, %dma_wait3A_229] : memref<16x160x128xi32, #tpu.memory_space<hbm>> -> memref<1x40x128xi32, #tpu.memory_space<hbm>>
        %dma_wait3A_231 = tpu.memref_squeeze %dma_wait3A_230 : memref<1x40x128xi32, #tpu.memory_space<hbm>> -> memref<40x128xi32, #tpu.memory_space<hbm>>
        tpu.wait_dma2 semaphore(%run_scoped3A : memref<!tpu.dma_semaphore, #tpu.memory_space<semaphore_mem>>) src(%dma_wait3A_231 : memref<40x128xi32, #tpu.memory_space<hbm>>) dst(%arg8 : memref<40x128xi32, #tpu.memory_space<vmem>>)
        tpu.yield
      }) : () -> ()
      "tpu.region"() ({
        %run_scoped3A = tpu.sem_alloc : memref<!tpu.dma_semaphore, #tpu.memory_space<semaphore_mem>>
        %dma_start3A_216 = arith.constant 120 : i32
        %dma_start3A_217 = arith.constant 0 : i32
        %dma_start3A_218 = tpu.memref_slice %arg5[%arg1, %dma_start3A_216, %dma_start3A_217] : memref<16x160x128xi32, #tpu.memory_space<hbm>> -> memref<1x40x128xi32, #tpu.memory_space<hbm>>
        %dma_start3A_219 = tpu.memref_squeeze %dma_start3A_218 : memref<1x40x128xi32, #tpu.memory_space<hbm>> -> memref<40x128xi32, #tpu.memory_space<hbm>>
        %dma_start3A_220 = arith.constant 120 : i32
        %dma_start3A_221 = arith.constant 0 : i32
        %dma_start3A_222 = tpu.memref_slice %arg5[%arg1, %dma_start3A_220, %dma_start3A_221] : memref<16x160x128xi32, #tpu.memory_space<hbm>> -> memref<1x40x128xi32, #tpu.memory_space<hbm>>
        %dma_start3A_223 = tpu.memref_squeeze %dma_start3A_222 : memref<1x40x128xi32, #tpu.memory_space<hbm>> -> memref<40x128xi32, #tpu.memory_space<hbm>>
        tpu.enqueue_dma source(%dma_start3A_223 : memref<40x128xi32, #tpu.memory_space<hbm>>) target(%arg9 : memref<40x128xi32, #tpu.memory_space<vmem>>) target_semaphore(%run_scoped3A : memref<!tpu.dma_semaphore, #tpu.memory_space<semaphore_mem>>)
        %dma_wait3A_224 = arith.constant 120 : i32
        %dma_wait3A_225 = arith.constant 0 : i32
        %dma_wait3A_226 = tpu.memref_slice %arg5[%arg1, %dma_wait3A_224, %dma_wait3A_225] : memref<16x160x128xi32, #tpu.memory_space<hbm>> -> memref<1x40x128xi32, #tpu.memory_space<hbm>>
        %dma_wait3A_227 = tpu.memref_squeeze %dma_wait3A_226 : memref<1x40x128xi32, #tpu.memory_space<hbm>> -> memref<40x128xi32, #tpu.memory_space<hbm>>
        %dma_wait3A_228 = arith.constant 120 : i32
        %dma_wait3A_229 = arith.constant 0 : i32
        %dma_wait3A_230 = tpu.memref_slice %arg5[%arg1, %dma_wait3A_228, %dma_wait3A_229] : memref<16x160x128xi32, #tpu.memory_space<hbm>> -> memref<1x40x128xi32, #tpu.memory_space<hbm>>
        %dma_wait3A_231 = tpu.memref_squeeze %dma_wait3A_230 : memref<1x40x128xi32, #tpu.memory_space<hbm>> -> memref<40x128xi32, #tpu.memory_space<hbm>>
        tpu.wait_dma2 semaphore(%run_scoped3A : memref<!tpu.dma_semaphore, #tpu.memory_space<semaphore_mem>>) src(%dma_wait3A_231 : memref<40x128xi32, #tpu.memory_space<hbm>>) dst(%arg9 : memref<40x128xi32, #tpu.memory_space<vmem>>)
        tpu.yield
      }) : () -> ()
      %dma_start3A_184 = arith.constant 0 : i32
      %dma_start3A_185 = arith.constant 0 : i32
      %dma_start3A_186 = arith.constant 0 : i32
      %dma_start3A_187 = arith.constant 0 : i32
      %dma_start3A_188 = tpu.memref_slice %arg10[%dma_start3A_185, %dma_start3A_186, %dma_start3A_187] : memref<2x128x128xf32, #tpu.memory_space<vmem>> -> memref<1x128x128xf32, #tpu.memory_space<vmem>>
      %dma_start3A_189 = tpu.memref_squeeze %dma_start3A_188 : memref<1x128x128xf32, #tpu.memory_space<vmem>> -> memref<128x128xf32, #tpu.memory_space<vmem>>
      %dma_start3A_190 = arith.constant 0 : i32
      %dma_start3A_191 = tpu.memref_slice %arg8[%dma_start3A_184, %dma_start3A_190] : memref<40x128xi32, #tpu.memory_space<vmem>> -> memref<1x128xi32, #tpu.memory_space<vmem>>
      %dma_start3A_192 = tpu.memref_squeeze %dma_start3A_191 : memref<1x128xi32, #tpu.memory_space<vmem>> -> memref<128xi32, #tpu.memory_space<vmem>>
      %dma_start3A_193 = arith.constant 0 : i32
      %dma_start3A_194 = arith.constant 0 : i32
      %dma_start3A_195 = tpu.memref_slice %arg3[%dma_start3A_193, %dma_start3A_194] : memref<10240x128xf32, #tpu.memory_space<hbm>> -> memref<10240x128xf32, #tpu.memory_space<hbm>>
      tpu.enqueue_indirect_dma source(%dma_start3A_195 : memref<10240x128xf32, #tpu.memory_space<hbm>>) target(%dma_start3A_189 : memref<128x128xf32, #tpu.memory_space<vmem>>) offsets(%dma_start3A_192 : memref<128xi32, #tpu.memory_space<vmem>>) semaphore(%arg12 : memref<!tpu.dma_semaphore, #tpu.memory_space<semaphore_mem>>)
      %scan3A_196 = arith.constant 0 : i32
      %scan3A_197 = arith.constant 0 : i32
      %scan3A_198 = arith.constant 40 : i32
      %scan3A_199 = arith.addi %scan3A_197, %scan3A_198 : i32
      %scan3A_200 = arith.constant 1 : i32
      %scan3A_201 = scf.for %scan3A_216 = %scan3A_197 to %scan3A_199 step %scan3A_200 iter_args(%scan3A_217 = %scan3A_196) -> (i32)  : i32 {
        %jit3A = arith.constant 2 : i32
        %eq3A_218 = arith.constant 0 : i32
        %eq3A_219 = arith.cmpi eq, %jit3A, %eq3A_218 : i32
        %jit3A_220 = arith.constant 1 : i32
        %select_n3A = arith.select %eq3A_219, %jit3A_220, %jit3A : i32
        %rem3A = arith.remsi %scan3A_216, %select_n3A : i32
        %ne3A = arith.constant 0 : i32
        %ne3A_221 = arith.cmpi ne, %rem3A, %ne3A : i32
        %lt3A = arith.constant 0 : i32
        %lt3A_222 = arith.cmpi slt, %rem3A, %lt3A : i32
        %lt3A_223 = arith.constant 0 : i32
        %lt3A_224 = arith.cmpi slt, %select_n3A, %lt3A_223 : i32
        %ne3A_225 = arith.xori %lt3A_222, %lt3A_224 : i1
        %and3A = arith.andi %ne3A_225, %ne3A_221 : i1
        %add3A_226 = arith.addi %rem3A, %select_n3A : i32
        %select_n3A_227 = arith.select %and3A, %add3A_226, %rem3A : i32
        %add3A_228 = arith.constant 1 : i32
        %add3A_229 = arith.addi %scan3A_216, %add3A_228 : i32
        %jit3A_230 = arith.constant 2 : i32
        %eq3A_231 = arith.constant 0 : i32
        %eq3A_232 = arith.cmpi eq, %jit3A_230, %eq3A_231 : i32
        %jit3A_233 = arith.constant 1 : i32
        %select_n3A_234 = arith.select %eq3A_232, %jit3A_233, %jit3A_230 : i32
        %rem3A_235 = arith.remsi %add3A_229, %select_n3A_234 : i32
        %ne3A_236 = arith.constant 0 : i32
        %ne3A_237 = arith.cmpi ne, %rem3A_235, %ne3A_236 : i32
        %lt3A_238 = arith.constant 0 : i32
        %lt3A_239 = arith.cmpi slt, %rem3A_235, %lt3A_238 : i32
        %lt3A_240 = arith.constant 0 : i32
        %lt3A_241 = arith.cmpi slt, %select_n3A_234, %lt3A_240 : i32
        %ne3A_242 = arith.xori %lt3A_239, %lt3A_241 : i1
        %and3A_243 = arith.andi %ne3A_242, %ne3A_237 : i1
        %add3A_244 = arith.addi %rem3A_235, %select_n3A_234 : i32
        %select_n3A_245 = arith.select %and3A_243, %add3A_244, %rem3A_235 : i32
        %dma_wait3A_246 = arith.constant 0 : i32
        %dma_wait3A_247 = arith.constant 0 : i32
        %dma_wait3A_248 = tpu.memref_slice %arg10[%select_n3A_227, %dma_wait3A_246, %dma_wait3A_247] : memref<2x128x128xf32, #tpu.memory_space<vmem>> -> memref<1x128x128xf32, #tpu.memory_space<vmem>>
        %dma_wait3A_249 = tpu.memref_squeeze %dma_wait3A_248 : memref<1x128x128xf32, #tpu.memory_space<vmem>> -> memref<128x128xf32, #tpu.memory_space<vmem>>
        %dma_wait3A_250 = arith.constant 0 : i32
        %dma_wait3A_251 = tpu.memref_slice %arg8[%scan3A_216, %dma_wait3A_250] : memref<40x128xi32, #tpu.memory_space<vmem>> -> memref<1x128xi32, #tpu.memory_space<vmem>>
        %dma_wait3A_252 = tpu.memref_squeeze %dma_wait3A_251 : memref<1x128xi32, #tpu.memory_space<vmem>> -> memref<128xi32, #tpu.memory_space<vmem>>
        %dma_wait3A_253 = arith.constant 0 : i32
        %dma_wait3A_254 = arith.constant 0 : i32
        %dma_wait3A_255 = tpu.memref_slice %arg3[%dma_wait3A_253, %dma_wait3A_254] : memref<10240x128xf32, #tpu.memory_space<hbm>> -> memref<10240x128xf32, #tpu.memory_space<hbm>>
        tpu.wait_indirect_dma semaphore(%arg12 : memref<!tpu.dma_semaphore, #tpu.memory_space<semaphore_mem>>) src(%dma_wait3A_255 : memref<10240x128xf32, #tpu.memory_space<hbm>>) dst(%dma_wait3A_249 : memref<128x128xf32, #tpu.memory_space<vmem>>)
        %dma_start3A_256 = arith.constant 0 : i32
        %dma_start3A_257 = arith.constant 0 : i32
        %dma_start3A_258 = tpu.memref_slice %arg10[%select_n3A_227, %dma_start3A_256, %dma_start3A_257] : memref<2x128x128xf32, #tpu.memory_space<vmem>> -> memref<1x128x128xf32, #tpu.memory_space<vmem>>
        %dma_start3A_259 = tpu.memref_squeeze %dma_start3A_258 : memref<1x128x128xf32, #tpu.memory_space<vmem>> -> memref<128x128xf32, #tpu.memory_space<vmem>>
        %dma_start3A_260 = arith.constant 0 : i32
        %dma_start3A_261 = tpu.memref_slice %arg9[%scan3A_216, %dma_start3A_260] : memref<40x128xi32, #tpu.memory_space<vmem>> -> memref<1x128xi32, #tpu.memory_space<vmem>>
        %dma_start3A_262 = tpu.memref_squeeze %dma_start3A_261 : memref<1x128xi32, #tpu.memory_space<vmem>> -> memref<128xi32, #tpu.memory_space<vmem>>
        %dma_start3A_263 = arith.constant 0 : i32
        %dma_start3A_264 = arith.constant 0 : i32
        %dma_start3A_265 = tpu.memref_slice %arg14[%dma_start3A_263, %dma_start3A_264] : memref<10240x128xf32, #tpu.memory_space<vmem_shared>> -> memref<10240x128xf32, #tpu.memory_space<vmem_shared>>
        tpu.enqueue_indirect_dma source(%dma_start3A_259 : memref<128x128xf32, #tpu.memory_space<vmem>>) target(%dma_start3A_265 : memref<10240x128xf32, #tpu.memory_space<vmem_shared>>) offsets(%dma_start3A_262 : memref<128xi32, #tpu.memory_space<vmem>>) semaphore(%arg13 : memref<!tpu.dma_semaphore, #tpu.memory_space<semaphore_mem>>) {add = true}
        %ge3A = arith.constant 1 : i32
        %ge3A_266 = arith.cmpi sge, %scan3A_216, %ge3A : i32
        %convert_element_type3A_267 = arith.extui %ge3A_266 : i1 to i32
        %cond3A_268 = arith.constant 0 : i32
        %cond3A_269 = arith.cmpi ne, %convert_element_type3A_267, %cond3A_268 : i32
        scf.if %cond3A_269 {
          %sub3A = arith.constant 1 : i32
          %sub3A_278 = arith.subi %scan3A_216, %sub3A : i32
          %dma_wait3A_279 = arith.constant 0 : i32
          %dma_wait3A_280 = arith.constant 0 : i32
          %dma_wait3A_281 = tpu.memref_slice %arg10[%select_n3A_245, %dma_wait3A_279, %dma_wait3A_280] : memref<2x128x128xf32, #tpu.memory_space<vmem>> -> memref<1x128x128xf32, #tpu.memory_space<vmem>>
          %dma_wait3A_282 = tpu.memref_squeeze %dma_wait3A_281 : memref<1x128x128xf32, #tpu.memory_space<vmem>> -> memref<128x128xf32, #tpu.memory_space<vmem>>
          %dma_wait3A_283 = arith.constant 0 : i32
          %dma_wait3A_284 = tpu.memref_slice %arg9[%sub3A_278, %dma_wait3A_283] : memref<40x128xi32, #tpu.memory_space<vmem>> -> memref<1x128xi32, #tpu.memory_space<vmem>>
          %dma_wait3A_285 = tpu.memref_squeeze %dma_wait3A_284 : memref<1x128xi32, #tpu.memory_space<vmem>> -> memref<128xi32, #tpu.memory_space<vmem>>
          %dma_wait3A_286 = arith.constant 0 : i32
          %dma_wait3A_287 = arith.constant 0 : i32
          %dma_wait3A_288 = tpu.memref_slice %arg14[%dma_wait3A_286, %dma_wait3A_287] : memref<10240x128xf32, #tpu.memory_space<vmem_shared>> -> memref<10240x128xf32, #tpu.memory_space<vmem_shared>>
          tpu.wait_indirect_dma semaphore(%arg13 : memref<!tpu.dma_semaphore, #tpu.memory_space<semaphore_mem>>) src(%dma_wait3A_282 : memref<128x128xf32, #tpu.memory_space<vmem>>) dst(%dma_wait3A_288 : memref<10240x128xf32, #tpu.memory_space<vmem_shared>>)
        } else {
        }
        %add3A_270 = arith.constant 1 : i32
        %add3A_271 = arith.addi %scan3A_216, %add3A_270 : i32
        %lt3A_272 = arith.constant 40 : i32
        %lt3A_273 = arith.cmpi slt, %add3A_271, %lt3A_272 : i32
        %convert_element_type3A_274 = arith.extui %lt3A_273 : i1 to i32
        %cond3A_275 = arith.constant 0 : i32
        %cond3A_276 = arith.cmpi ne, %convert_element_type3A_274, %cond3A_275 : i32
        scf.if %cond3A_276 {
          %add3A_278 = arith.constant 1 : i32
          %add3A_279 = arith.addi %scan3A_216, %add3A_278 : i32
          %dma_start3A_280 = arith.constant 0 : i32
          %dma_start3A_281 = arith.constant 0 : i32
          %dma_start3A_282 = tpu.memref_slice %arg10[%select_n3A_245, %dma_start3A_280, %dma_start3A_281] : memref<2x128x128xf32, #tpu.memory_space<vmem>> -> memref<1x128x128xf32, #tpu.memory_space<vmem>>
          %dma_start3A_283 = tpu.memref_squeeze %dma_start3A_282 : memref<1x128x128xf32, #tpu.memory_space<vmem>> -> memref<128x128xf32, #tpu.memory_space<vmem>>
          %dma_start3A_284 = arith.constant 0 : i32
          %dma_start3A_285 = tpu.memref_slice %arg8[%add3A_279, %dma_start3A_284] : memref<40x128xi32, #tpu.memory_space<vmem>> -> memref<1x128xi32, #tpu.memory_space<vmem>>
          %dma_start3A_286 = tpu.memref_squeeze %dma_start3A_285 : memref<1x128xi32, #tpu.memory_space<vmem>> -> memref<128xi32, #tpu.memory_space<vmem>>
          %dma_start3A_287 = arith.constant 0 : i32
          %dma_start3A_288 = arith.constant 0 : i32
          %dma_start3A_289 = tpu.memref_slice %arg3[%dma_start3A_287, %dma_start3A_288] : memref<10240x128xf32, #tpu.memory_space<hbm>> -> memref<10240x128xf32, #tpu.memory_space<hbm>>
          tpu.enqueue_indirect_dma source(%dma_start3A_289 : memref<10240x128xf32, #tpu.memory_space<hbm>>) target(%dma_start3A_283 : memref<128x128xf32, #tpu.memory_space<vmem>>) offsets(%dma_start3A_286 : memref<128xi32, #tpu.memory_space<vmem>>) semaphore(%arg12 : memref<!tpu.dma_semaphore, #tpu.memory_space<semaphore_mem>>)
        } else {
        }
        %scan3A_277 = arith.constant 0 : i32
        scf.yield %scan3A_277 : i32
      }
      %scan3A_202 = arith.constant 40 : i32
      %dma_wait3A_203 = arith.constant 1 : i32
      %dma_wait3A_204 = arith.constant 39 : i32
      %dma_wait3A_205 = arith.constant 0 : i32
      %dma_wait3A_206 = arith.constant 0 : i32
      %dma_wait3A_207 = tpu.memref_slice %arg10[%dma_wait3A_203, %dma_wait3A_205, %dma_wait3A_206] : memref<2x128x128xf32, #tpu.memory_space<vmem>> -> memref<1x128x128xf32, #tpu.memory_space<vmem>>
      %dma_wait3A_208 = tpu.memref_squeeze %dma_wait3A_207 : memref<1x128x128xf32, #tpu.memory_space<vmem>> -> memref<128x128xf32, #tpu.memory_space<vmem>>
      %dma_wait3A_209 = arith.constant 0 : i32
      %dma_wait3A_210 = tpu.memref_slice %arg9[%dma_wait3A_204, %dma_wait3A_209] : memref<40x128xi32, #tpu.memory_space<vmem>> -> memref<1x128xi32, #tpu.memory_space<vmem>>
      %dma_wait3A_211 = tpu.memref_squeeze %dma_wait3A_210 : memref<1x128xi32, #tpu.memory_space<vmem>> -> memref<128xi32, #tpu.memory_space<vmem>>
      %dma_wait3A_212 = arith.constant 0 : i32
      %dma_wait3A_213 = arith.constant 0 : i32
      %dma_wait3A_214 = tpu.memref_slice %arg14[%dma_wait3A_212, %dma_wait3A_213] : memref<10240x128xf32, #tpu.memory_space<vmem_shared>> -> memref<10240x128xf32, #tpu.memory_space<vmem_shared>>
      tpu.wait_indirect_dma semaphore(%arg13 : memref<!tpu.dma_semaphore, #tpu.memory_space<semaphore_mem>>) src(%dma_wait3A_208 : memref<128x128xf32, #tpu.memory_space<vmem>>) dst(%dma_wait3A_214 : memref<10240x128xf32, #tpu.memory_space<vmem_shared>>)
      %barrier3A_215 = arith.constant 0 : index
      tpu.barrier barrier_id(%barrier3A_215)
      "tpu.region"() ({
        %run_scoped3A = tpu.sem_alloc : memref<!tpu.dma_semaphore, #tpu.memory_space<semaphore_mem>>
        %dma_start3A_216 = arith.constant 0 : i32
        %dma_start3A_217 = tpu.memref_slice %arg7[%mul3A_0, %dma_start3A_216] : memref<10240x128xf32, #tpu.memory_space<hbm>> -> memref<640x128xf32, #tpu.memory_space<hbm>>
        %dma_start3A_218 = arith.constant 0 : i32
        %dma_start3A_219 = tpu.memref_slice %arg14[%mul3A_0, %dma_start3A_218] : memref<10240x128xf32, #tpu.memory_space<vmem_shared>> -> memref<640x128xf32, #tpu.memory_space<vmem_shared>>
        tpu.enqueue_dma source(%dma_start3A_219 : memref<640x128xf32, #tpu.memory_space<vmem_shared>>) target(%dma_start3A_217 : memref<640x128xf32, #tpu.memory_space<hbm>>) target_semaphore(%run_scoped3A : memref<!tpu.dma_semaphore, #tpu.memory_space<semaphore_mem>>)
        %dma_wait3A_220 = arith.constant 0 : i32
        %dma_wait3A_221 = tpu.memref_slice %arg7[%mul3A_0, %dma_wait3A_220] : memref<10240x128xf32, #tpu.memory_space<hbm>> -> memref<640x128xf32, #tpu.memory_space<hbm>>
        %dma_wait3A_222 = arith.constant 0 : i32
        %dma_wait3A_223 = tpu.memref_slice %arg14[%mul3A_0, %dma_wait3A_222] : memref<10240x128xf32, #tpu.memory_space<vmem_shared>> -> memref<640x128xf32, #tpu.memory_space<vmem_shared>>
        tpu.wait_dma2 semaphore(%run_scoped3A : memref<!tpu.dma_semaphore, #tpu.memory_space<semaphore_mem>>) src(%dma_wait3A_223 : memref<640x128xf32, #tpu.memory_space<vmem_shared>>) dst(%dma_wait3A_221 : memref<640x128xf32, #tpu.memory_space<hbm>>)
        tpu.yield
      }) : () -> ()
    } else {
    }
    return
  }
}

#map = affine_map<(d0, d1) -> (0, 0)>
#map1 = affine_map<(d0, d1) -> (0, 0, 0)>
module attributes {stable_mosaic.version = 14 : i64} {
  func.func @edge_kernel(%arg0: i32, %arg1: i32, %arg2: memref<10240x128xf32, #tpu.memory_space<hbm>>, %arg3: memref<32x80x128xi32, #tpu.memory_space<hbm>>, %arg4: memref<32x80x128xi32, #tpu.memory_space<hbm>>, %arg5: memref<10240x128xf32, #tpu.memory_space<hbm>>, %arg6: memref<10240x128xf32, #tpu.memory_space<hbm>>, %arg7: memref<40x128xi32, #tpu.memory_space<vmem>>, %arg8: memref<40x128xi32, #tpu.memory_space<vmem>>, %arg9: memref<2x128x128xf32, #tpu.memory_space<vmem>>, %arg10: memref<16x128xf32, #tpu.memory_space<vmem>>, %arg11: memref<!tpu.dma_semaphore, #tpu.memory_space<semaphore_mem>>, %arg12: memref<!tpu.dma_semaphore, #tpu.memory_space<semaphore_mem>>, %arg13: memref<10240x128xf32, #tpu.memory_space<vmem_shared>>) attributes {dimension_semantics = [#tpu.dimension_semantics<core_parallel>, #tpu.dimension_semantics<subcore_parallel>], iteration_bounds = array<i64: 2, 16>, scalar_prefetch = 0 : i64, scratch_operands = 7 : i64, tpu.core_type = #tpu.core_type<sc_vector_subcore>, window_params = [{transform_indices = #map}, {transform_indices = #map1}, {transform_indices = #map1}, {transform_indices = #map}, {transform_indices = #map}]} {
    %mul3A = arith.constant 640 : i32
    %mul3A_0 = arith.muli %arg1, %mul3A : i32
    %mul3A_1 = arith.constant 16 : i32
    %mul3A_2 = arith.muli %arg0, %mul3A_1 : i32
    %add3A = arith.addi %mul3A_2, %arg1 : i32
    %scan3A = arith.constant 0 : i32
    %scan3A_3 = arith.constant 0 : i32
    %scan3A_4 = arith.constant 128 : i32
    %scan3A_5 = arith.addi %scan3A_3, %scan3A_4 : i32
    %scan3A_6 = arith.constant 1 : i32
    %scan3A_7 = scf.for %scan3A_96 = %scan3A_3 to %scan3A_5 step %scan3A_6 iter_args(%scan3A_97 = %scan3A) -> (i32)  : i32 {
      %jit3A = arith.constant 8 : i32
      %div3A = arith.divsi %scan3A_96, %jit3A : i32
      %sign3A = arith.constant 0 : i32
      %sign3A_98 = arith.cmpi sgt, %scan3A_96, %sign3A : i32
      %sign3A_99 = arith.extui %sign3A_98 : i1 to i32
      %sign3A_100 = arith.constant 0 : i32
      %sign3A_101 = arith.cmpi slt, %scan3A_96, %sign3A_100 : i32
      %sign3A_102 = arith.extui %sign3A_101 : i1 to i32
      %sign3A_103 = arith.subi %sign3A_99, %sign3A_102 : i32
      %sign3A_104 = arith.constant 0 : i32
      %sign3A_105 = arith.cmpi sgt, %jit3A, %sign3A_104 : i32
      %sign3A_106 = arith.extui %sign3A_105 : i1 to i32
      %sign3A_107 = arith.constant 0 : i32
      %sign3A_108 = arith.cmpi slt, %jit3A, %sign3A_107 : i32
      %sign3A_109 = arith.extui %sign3A_108 : i1 to i32
      %sign3A_110 = arith.subi %sign3A_106, %sign3A_109 : i32
      %ne3A = arith.cmpi ne, %sign3A_103, %sign3A_110 : i32
      %rem3A = arith.remsi %scan3A_96, %jit3A : i32
      %ne3A_111 = arith.constant 0 : i32
      %ne3A_112 = arith.cmpi ne, %rem3A, %ne3A_111 : i32
      %and3A = arith.andi %ne3A, %ne3A_112 : i1
      %sub3A = arith.constant 1 : i32
      %sub3A_113 = arith.subi %div3A, %sub3A : i32
      %select_n3A = arith.select %and3A, %sub3A_113, %div3A : i32
      %jit3A_114 = arith.constant 8 : i32
      %eq3A_115 = arith.constant 0 : i32
      %eq3A_116 = arith.cmpi eq, %jit3A_114, %eq3A_115 : i32
      %jit3A_117 = arith.constant 1 : i32
      %select_n3A_118 = arith.select %eq3A_116, %jit3A_117, %jit3A_114 : i32
      %rem3A_119 = arith.remsi %scan3A_96, %select_n3A_118 : i32
      %ne3A_120 = arith.constant 0 : i32
      %ne3A_121 = arith.cmpi ne, %rem3A_119, %ne3A_120 : i32
      %lt3A = arith.constant 0 : i32
      %lt3A_122 = arith.cmpi slt, %rem3A_119, %lt3A : i32
      %lt3A_123 = arith.constant 0 : i32
      %lt3A_124 = arith.cmpi slt, %select_n3A_118, %lt3A_123 : i32
      %ne3A_125 = arith.xori %lt3A_122, %lt3A_124 : i1
      %and3A_126 = arith.andi %ne3A_125, %ne3A_121 : i1
      %add3A_127 = arith.addi %rem3A_119, %select_n3A_118 : i32
      %select_n3A_128 = arith.select %and3A_126, %add3A_127, %rem3A_119 : i32
      %broadcast_in_dim3A = arith.constant 0.000000e+00 : f32
      %broadcast_in_dim3A_129 = vector.broadcast %broadcast_in_dim3A : f32 to vector<16xf32>
      %mul3A_130 = arith.constant 16 : i32
      %mul3A_131 = arith.muli %select_n3A_128, %mul3A_130 : i32
      %swap3A = arith.index_cast %select_n3A : i32 to index
      %swap3A_132 = arith.index_cast %mul3A_131 : i32 to index
      %swap3A_133 = tpu.vector_load %arg10[%swap3A, %swap3A_132] {strides = array<i32>} : memref<16x128xf32, #tpu.memory_space<vmem>>, vector<1x16xf32>,
      %swap3A_134 = vector.shape_cast %swap3A_133 : vector<1x16xf32> to vector<16xf32>
      %swap3A_135 = vector.shape_cast %broadcast_in_dim3A_129 : vector<16xf32> to vector<1x16xf32>
      tpu.vector_store %arg10[%swap3A, %swap3A_132], %swap3A_135 {strides = array<i32>} : memref<16x128xf32, #tpu.memory_space<vmem>>, vector<1x16xf32>,
      %scan3A_136 = arith.constant 0 : i32
      scf.yield %scan3A_136 : i32
    }
    %scan3A_8 = arith.constant 128 : i32
    %add3A_9 = arith.constant 0 : i32
    %add3A_10 = arith.addi %mul3A_0, %add3A_9 : i32
    "tpu.region"() ({
      %run_scoped3A = tpu.sem_alloc : memref<!tpu.dma_semaphore, #tpu.memory_space<semaphore_mem>>
      %dma_start3A = arith.constant 0 : i32
      %dma_start3A_96 = tpu.memref_slice %arg13[%add3A_10, %dma_start3A] : memref<10240x128xf32, #tpu.memory_space<vmem_shared>> -> memref<16x128xf32, #tpu.memory_space<vmem_shared>>
      %dma_start3A_97 = arith.constant 0 : i32
      %dma_start3A_98 = tpu.memref_slice %arg13[%add3A_10, %dma_start3A_97] : memref<10240x128xf32, #tpu.memory_space<vmem_shared>> -> memref<16x128xf32, #tpu.memory_space<vmem_shared>>
      tpu.enqueue_dma source(%arg10 : memref<16x128xf32, #tpu.memory_space<vmem>>) target(%dma_start3A_98 : memref<16x128xf32, #tpu.memory_space<vmem_shared>>) target_semaphore(%run_scoped3A : memref<!tpu.dma_semaphore, #tpu.memory_space<semaphore_mem>>)
      %dma_wait3A = arith.constant 0 : i32
      %dma_wait3A_99 = tpu.memref_slice %arg13[%add3A_10, %dma_wait3A] : memref<10240x128xf32, #tpu.memory_space<vmem_shared>> -> memref<16x128xf32, #tpu.memory_space<vmem_shared>>
      %dma_wait3A_100 = arith.constant 0 : i32
      %dma_wait3A_101 = tpu.memref_slice %arg13[%add3A_10, %dma_wait3A_100] : memref<10240x128xf32, #tpu.memory_space<vmem_shared>> -> memref<16x128xf32, #tpu.memory_space<vmem_shared>>
      tpu.wait_dma2 semaphore(%run_scoped3A : memref<!tpu.dma_semaphore, #tpu.memory_space<semaphore_mem>>) src(%arg10 : memref<16x128xf32, #tpu.memory_space<vmem>>) dst(%dma_wait3A_101 : memref<16x128xf32, #tpu.memory_space<vmem_shared>>)
      tpu.yield
    }) : () -> ()
    %add3A_11 = arith.constant 16 : i32
    %add3A_12 = arith.addi %mul3A_0, %add3A_11 : i32
    "tpu.region"() ({
      %run_scoped3A = tpu.sem_alloc : memref<!tpu.dma_semaphore, #tpu.memory_space<semaphore_mem>>
      %dma_start3A = arith.constant 0 : i32
      %dma_start3A_96 = tpu.memref_slice %arg13[%add3A_12, %dma_start3A] : memref<10240x128xf32, #tpu.memory_space<vmem_shared>> -> memref<16x128xf32, #tpu.memory_space<vmem_shared>>
      %dma_start3A_97 = arith.constant 0 : i32
      %dma_start3A_98 = tpu.memref_slice %arg13[%add3A_12, %dma_start3A_97] : memref<10240x128xf32, #tpu.memory_space<vmem_shared>> -> memref<16x128xf32, #tpu.memory_space<vmem_shared>>
      tpu.enqueue_dma source(%arg10 : memref<16x128xf32, #tpu.memory_space<vmem>>) target(%dma_start3A_98 : memref<16x128xf32, #tpu.memory_space<vmem_shared>>) target_semaphore(%run_scoped3A : memref<!tpu.dma_semaphore, #tpu.memory_space<semaphore_mem>>)
      %dma_wait3A = arith.constant 0 : i32
      %dma_wait3A_99 = tpu.memref_slice %arg13[%add3A_12, %dma_wait3A] : memref<10240x128xf32, #tpu.memory_space<vmem_shared>> -> memref<16x128xf32, #tpu.memory_space<vmem_shared>>
      %dma_wait3A_100 = arith.constant 0 : i32
      %dma_wait3A_101 = tpu.memref_slice %arg13[%add3A_12, %dma_wait3A_100] : memref<10240x128xf32, #tpu.memory_space<vmem_shared>> -> memref<16x128xf32, #tpu.memory_space<vmem_shared>>
      tpu.wait_dma2 semaphore(%run_scoped3A : memref<!tpu.dma_semaphore, #tpu.memory_space<semaphore_mem>>) src(%arg10 : memref<16x128xf32, #tpu.memory_space<vmem>>) dst(%dma_wait3A_101 : memref<16x128xf32, #tpu.memory_space<vmem_shared>>)
      tpu.yield
    }) : () -> ()
    %add3A_13 = arith.constant 32 : i32
    %add3A_14 = arith.addi %mul3A_0, %add3A_13 : i32
    "tpu.region"() ({
      %run_scoped3A = tpu.sem_alloc : memref<!tpu.dma_semaphore, #tpu.memory_space<semaphore_mem>>
      %dma_start3A = arith.constant 0 : i32
      %dma_start3A_96 = tpu.memref_slice %arg13[%add3A_14, %dma_start3A] : memref<10240x128xf32, #tpu.memory_space<vmem_shared>> -> memref<16x128xf32, #tpu.memory_space<vmem_shared>>
      %dma_start3A_97 = arith.constant 0 : i32
      %dma_start3A_98 = tpu.memref_slice %arg13[%add3A_14, %dma_start3A_97] : memref<10240x128xf32, #tpu.memory_space<vmem_shared>> -> memref<16x128xf32, #tpu.memory_space<vmem_shared>>
      tpu.enqueue_dma source(%arg10 : memref<16x128xf32, #tpu.memory_space<vmem>>) target(%dma_start3A_98 : memref<16x128xf32, #tpu.memory_space<vmem_shared>>) target_semaphore(%run_scoped3A : memref<!tpu.dma_semaphore, #tpu.memory_space<semaphore_mem>>)
      %dma_wait3A = arith.constant 0 : i32
      %dma_wait3A_99 = tpu.memref_slice %arg13[%add3A_14, %dma_wait3A] : memref<10240x128xf32, #tpu.memory_space<vmem_shared>> -> memref<16x128xf32, #tpu.memory_space<vmem_shared>>
      %dma_wait3A_100 = arith.constant 0 : i32
      %dma_wait3A_101 = tpu.memref_slice %arg13[%add3A_14, %dma_wait3A_100] : memref<10240x128xf32, #tpu.memory_space<vmem_shared>> -> memref<16x128xf32, #tpu.memory_space<vmem_shared>>
      tpu.wait_dma2 semaphore(%run_scoped3A : memref<!tpu.dma_semaphore, #tpu.memory_space<semaphore_mem>>) src(%arg10 : memref<16x128xf32, #tpu.memory_space<vmem>>) dst(%dma_wait3A_101 : memref<16x128xf32, #tpu.memory_space<vmem_shared>>)
      tpu.yield
    }) : () -> ()
    %add3A_15 = arith.constant 48 : i32
    %add3A_16 = arith.addi %mul3A_0, %add3A_15 : i32
    "tpu.region"() ({
      %run_scoped3A = tpu.sem_alloc : memref<!tpu.dma_semaphore, #tpu.memory_space<semaphore_mem>>
      %dma_start3A = arith.constant 0 : i32
      %dma_start3A_96 = tpu.memref_slice %arg13[%add3A_16, %dma_start3A] : memref<10240x128xf32, #tpu.memory_space<vmem_shared>> -> memref<16x128xf32, #tpu.memory_space<vmem_shared>>
      %dma_start3A_97 = arith.constant 0 : i32
      %dma_start3A_98 = tpu.memref_slice %arg13[%add3A_16, %dma_start3A_97] : memref<10240x128xf32, #tpu.memory_space<vmem_shared>> -> memref<16x128xf32, #tpu.memory_space<vmem_shared>>
      tpu.enqueue_dma source(%arg10 : memref<16x128xf32, #tpu.memory_space<vmem>>) target(%dma_start3A_98 : memref<16x128xf32, #tpu.memory_space<vmem_shared>>) target_semaphore(%run_scoped3A : memref<!tpu.dma_semaphore, #tpu.memory_space<semaphore_mem>>)
      %dma_wait3A = arith.constant 0 : i32
      %dma_wait3A_99 = tpu.memref_slice %arg13[%add3A_16, %dma_wait3A] : memref<10240x128xf32, #tpu.memory_space<vmem_shared>> -> memref<16x128xf32, #tpu.memory_space<vmem_shared>>
      %dma_wait3A_100 = arith.constant 0 : i32
      %dma_wait3A_101 = tpu.memref_slice %arg13[%add3A_16, %dma_wait3A_100] : memref<10240x128xf32, #tpu.memory_space<vmem_shared>> -> memref<16x128xf32, #tpu.memory_space<vmem_shared>>
      tpu.wait_dma2 semaphore(%run_scoped3A : memref<!tpu.dma_semaphore, #tpu.memory_space<semaphore_mem>>) src(%arg10 : memref<16x128xf32, #tpu.memory_space<vmem>>) dst(%dma_wait3A_101 : memref<16x128xf32, #tpu.memory_space<vmem_shared>>)
      tpu.yield
    }) : () -> ()
    %add3A_17 = arith.constant 64 : i32
    %add3A_18 = arith.addi %mul3A_0, %add3A_17 : i32
    "tpu.region"() ({
      %run_scoped3A = tpu.sem_alloc : memref<!tpu.dma_semaphore, #tpu.memory_space<semaphore_mem>>
      %dma_start3A = arith.constant 0 : i32
      %dma_start3A_96 = tpu.memref_slice %arg13[%add3A_18, %dma_start3A] : memref<10240x128xf32, #tpu.memory_space<vmem_shared>> -> memref<16x128xf32, #tpu.memory_space<vmem_shared>>
      %dma_start3A_97 = arith.constant 0 : i32
      %dma_start3A_98 = tpu.memref_slice %arg13[%add3A_18, %dma_start3A_97] : memref<10240x128xf32, #tpu.memory_space<vmem_shared>> -> memref<16x128xf32, #tpu.memory_space<vmem_shared>>
      tpu.enqueue_dma source(%arg10 : memref<16x128xf32, #tpu.memory_space<vmem>>) target(%dma_start3A_98 : memref<16x128xf32, #tpu.memory_space<vmem_shared>>) target_semaphore(%run_scoped3A : memref<!tpu.dma_semaphore, #tpu.memory_space<semaphore_mem>>)
      %dma_wait3A = arith.constant 0 : i32
      %dma_wait3A_99 = tpu.memref_slice %arg13[%add3A_18, %dma_wait3A] : memref<10240x128xf32, #tpu.memory_space<vmem_shared>> -> memref<16x128xf32, #tpu.memory_space<vmem_shared>>
      %dma_wait3A_100 = arith.constant 0 : i32
      %dma_wait3A_101 = tpu.memref_slice %arg13[%add3A_18, %dma_wait3A_100] : memref<10240x128xf32, #tpu.memory_space<vmem_shared>> -> memref<16x128xf32, #tpu.memory_space<vmem_shared>>
      tpu.wait_dma2 semaphore(%run_scoped3A : memref<!tpu.dma_semaphore, #tpu.memory_space<semaphore_mem>>) src(%arg10 : memref<16x128xf32, #tpu.memory_space<vmem>>) dst(%dma_wait3A_101 : memref<16x128xf32, #tpu.memory_space<vmem_shared>>)
      tpu.yield
    }) : () -> ()
    %add3A_19 = arith.constant 80 : i32
    %add3A_20 = arith.addi %mul3A_0, %add3A_19 : i32
    "tpu.region"() ({
      %run_scoped3A = tpu.sem_alloc : memref<!tpu.dma_semaphore, #tpu.memory_space<semaphore_mem>>
      %dma_start3A = arith.constant 0 : i32
      %dma_start3A_96 = tpu.memref_slice %arg13[%add3A_20, %dma_start3A] : memref<10240x128xf32, #tpu.memory_space<vmem_shared>> -> memref<16x128xf32, #tpu.memory_space<vmem_shared>>
      %dma_start3A_97 = arith.constant 0 : i32
      %dma_start3A_98 = tpu.memref_slice %arg13[%add3A_20, %dma_start3A_97] : memref<10240x128xf32, #tpu.memory_space<vmem_shared>> -> memref<16x128xf32, #tpu.memory_space<vmem_shared>>
      tpu.enqueue_dma source(%arg10 : memref<16x128xf32, #tpu.memory_space<vmem>>) target(%dma_start3A_98 : memref<16x128xf32, #tpu.memory_space<vmem_shared>>) target_semaphore(%run_scoped3A : memref<!tpu.dma_semaphore, #tpu.memory_space<semaphore_mem>>)
      %dma_wait3A = arith.constant 0 : i32
      %dma_wait3A_99 = tpu.memref_slice %arg13[%add3A_20, %dma_wait3A] : memref<10240x128xf32, #tpu.memory_space<vmem_shared>> -> memref<16x128xf32, #tpu.memory_space<vmem_shared>>
      %dma_wait3A_100 = arith.constant 0 : i32
      %dma_wait3A_101 = tpu.memref_slice %arg13[%add3A_20, %dma_wait3A_100] : memref<10240x128xf32, #tpu.memory_space<vmem_shared>> -> memref<16x128xf32, #tpu.memory_space<vmem_shared>>
      tpu.wait_dma2 semaphore(%run_scoped3A : memref<!tpu.dma_semaphore, #tpu.memory_space<semaphore_mem>>) src(%arg10 : memref<16x128xf32, #tpu.memory_space<vmem>>) dst(%dma_wait3A_101 : memref<16x128xf32, #tpu.memory_space<vmem_shared>>)
      tpu.yield
    }) : () -> ()
    %add3A_21 = arith.constant 96 : i32
    %add3A_22 = arith.addi %mul3A_0, %add3A_21 : i32
    "tpu.region"() ({
      %run_scoped3A = tpu.sem_alloc : memref<!tpu.dma_semaphore, #tpu.memory_space<semaphore_mem>>
      %dma_start3A = arith.constant 0 : i32
      %dma_start3A_96 = tpu.memref_slice %arg13[%add3A_22, %dma_start3A] : memref<10240x128xf32, #tpu.memory_space<vmem_shared>> -> memref<16x128xf32, #tpu.memory_space<vmem_shared>>
      %dma_start3A_97 = arith.constant 0 : i32
      %dma_start3A_98 = tpu.memref_slice %arg13[%add3A_22, %dma_start3A_97] : memref<10240x128xf32, #tpu.memory_space<vmem_shared>> -> memref<16x128xf32, #tpu.memory_space<vmem_shared>>
      tpu.enqueue_dma source(%arg10 : memref<16x128xf32, #tpu.memory_space<vmem>>) target(%dma_start3A_98 : memref<16x128xf32, #tpu.memory_space<vmem_shared>>) target_semaphore(%run_scoped3A : memref<!tpu.dma_semaphore, #tpu.memory_space<semaphore_mem>>)
      %dma_wait3A = arith.constant 0 : i32
      %dma_wait3A_99 = tpu.memref_slice %arg13[%add3A_22, %dma_wait3A] : memref<10240x128xf32, #tpu.memory_space<vmem_shared>> -> memref<16x128xf32, #tpu.memory_space<vmem_shared>>
      %dma_wait3A_100 = arith.constant 0 : i32
      %dma_wait3A_101 = tpu.memref_slice %arg13[%add3A_22, %dma_wait3A_100] : memref<10240x128xf32, #tpu.memory_space<vmem_shared>> -> memref<16x128xf32, #tpu.memory_space<vmem_shared>>
      tpu.wait_dma2 semaphore(%run_scoped3A : memref<!tpu.dma_semaphore, #tpu.memory_space<semaphore_mem>>) src(%arg10 : memref<16x128xf32, #tpu.memory_space<vmem>>) dst(%dma_wait3A_101 : memref<16x128xf32, #tpu.memory_space<vmem_shared>>)
      tpu.yield
    }) : () -> ()
    %add3A_23 = arith.constant 112 : i32
    %add3A_24 = arith.addi %mul3A_0, %add3A_23 : i32
    "tpu.region"() ({
      %run_scoped3A = tpu.sem_alloc : memref<!tpu.dma_semaphore, #tpu.memory_space<semaphore_mem>>
      %dma_start3A = arith.constant 0 : i32
      %dma_start3A_96 = tpu.memref_slice %arg13[%add3A_24, %dma_start3A] : memref<10240x128xf32, #tpu.memory_space<vmem_shared>> -> memref<16x128xf32, #tpu.memory_space<vmem_shared>>
      %dma_start3A_97 = arith.constant 0 : i32
      %dma_start3A_98 = tpu.memref_slice %arg13[%add3A_24, %dma_start3A_97] : memref<10240x128xf32, #tpu.memory_space<vmem_shared>> -> memref<16x128xf32, #tpu.memory_space<vmem_shared>>
      tpu.enqueue_dma source(%arg10 : memref<16x128xf32, #tpu.memory_space<vmem>>) target(%dma_start3A_98 : memref<16x128xf32, #tpu.memory_space<vmem_shared>>) target_semaphore(%run_scoped3A : memref<!tpu.dma_semaphore, #tpu.memory_space<semaphore_mem>>)
      %dma_wait3A = arith.constant 0 : i32
      %dma_wait3A_99 = tpu.memref_slice %arg13[%add3A_24, %dma_wait3A] : memref<10240x128xf32, #tpu.memory_space<vmem_shared>> -> memref<16x128xf32, #tpu.memory_space<vmem_shared>>
      %dma_wait3A_100 = arith.constant 0 : i32
      %dma_wait3A_101 = tpu.memref_slice %arg13[%add3A_24, %dma_wait3A_100] : memref<10240x128xf32, #tpu.memory_space<vmem_shared>> -> memref<16x128xf32, #tpu.memory_space<vmem_shared>>
      tpu.wait_dma2 semaphore(%run_scoped3A : memref<!tpu.dma_semaphore, #tpu.memory_space<semaphore_mem>>) src(%arg10 : memref<16x128xf32, #tpu.memory_space<vmem>>) dst(%dma_wait3A_101 : memref<16x128xf32, #tpu.memory_space<vmem_shared>>)
      tpu.yield
    }) : () -> ()
    %add3A_25 = arith.constant 128 : i32
    %add3A_26 = arith.addi %mul3A_0, %add3A_25 : i32
    "tpu.region"() ({
      %run_scoped3A = tpu.sem_alloc : memref<!tpu.dma_semaphore, #tpu.memory_space<semaphore_mem>>
      %dma_start3A = arith.constant 0 : i32
      %dma_start3A_96 = tpu.memref_slice %arg13[%add3A_26, %dma_start3A] : memref<10240x128xf32, #tpu.memory_space<vmem_shared>> -> memref<16x128xf32, #tpu.memory_space<vmem_shared>>
      %dma_start3A_97 = arith.constant 0 : i32
      %dma_start3A_98 = tpu.memref_slice %arg13[%add3A_26, %dma_start3A_97] : memref<10240x128xf32, #tpu.memory_space<vmem_shared>> -> memref<16x128xf32, #tpu.memory_space<vmem_shared>>
      tpu.enqueue_dma source(%arg10 : memref<16x128xf32, #tpu.memory_space<vmem>>) target(%dma_start3A_98 : memref<16x128xf32, #tpu.memory_space<vmem_shared>>) target_semaphore(%run_scoped3A : memref<!tpu.dma_semaphore, #tpu.memory_space<semaphore_mem>>)
      %dma_wait3A = arith.constant 0 : i32
      %dma_wait3A_99 = tpu.memref_slice %arg13[%add3A_26, %dma_wait3A] : memref<10240x128xf32, #tpu.memory_space<vmem_shared>> -> memref<16x128xf32, #tpu.memory_space<vmem_shared>>
      %dma_wait3A_100 = arith.constant 0 : i32
      %dma_wait3A_101 = tpu.memref_slice %arg13[%add3A_26, %dma_wait3A_100] : memref<10240x128xf32, #tpu.memory_space<vmem_shared>> -> memref<16x128xf32, #tpu.memory_space<vmem_shared>>
      tpu.wait_dma2 semaphore(%run_scoped3A : memref<!tpu.dma_semaphore, #tpu.memory_space<semaphore_mem>>) src(%arg10 : memref<16x128xf32, #tpu.memory_space<vmem>>) dst(%dma_wait3A_101 : memref<16x128xf32, #tpu.memory_space<vmem_shared>>)
      tpu.yield
    }) : () -> ()
    %add3A_27 = arith.constant 144 : i32
    %add3A_28 = arith.addi %mul3A_0, %add3A_27 : i32
    "tpu.region"() ({
      %run_scoped3A = tpu.sem_alloc : memref<!tpu.dma_semaphore, #tpu.memory_space<semaphore_mem>>
      %dma_start3A = arith.constant 0 : i32
      %dma_start3A_96 = tpu.memref_slice %arg13[%add3A_28, %dma_start3A] : memref<10240x128xf32, #tpu.memory_space<vmem_shared>> -> memref<16x128xf32, #tpu.memory_space<vmem_shared>>
      %dma_start3A_97 = arith.constant 0 : i32
      %dma_start3A_98 = tpu.memref_slice %arg13[%add3A_28, %dma_start3A_97] : memref<10240x128xf32, #tpu.memory_space<vmem_shared>> -> memref<16x128xf32, #tpu.memory_space<vmem_shared>>
      tpu.enqueue_dma source(%arg10 : memref<16x128xf32, #tpu.memory_space<vmem>>) target(%dma_start3A_98 : memref<16x128xf32, #tpu.memory_space<vmem_shared>>) target_semaphore(%run_scoped3A : memref<!tpu.dma_semaphore, #tpu.memory_space<semaphore_mem>>)
      %dma_wait3A = arith.constant 0 : i32
      %dma_wait3A_99 = tpu.memref_slice %arg13[%add3A_28, %dma_wait3A] : memref<10240x128xf32, #tpu.memory_space<vmem_shared>> -> memref<16x128xf32, #tpu.memory_space<vmem_shared>>
      %dma_wait3A_100 = arith.constant 0 : i32
      %dma_wait3A_101 = tpu.memref_slice %arg13[%add3A_28, %dma_wait3A_100] : memref<10240x128xf32, #tpu.memory_space<vmem_shared>> -> memref<16x128xf32, #tpu.memory_space<vmem_shared>>
      tpu.wait_dma2 semaphore(%run_scoped3A : memref<!tpu.dma_semaphore, #tpu.memory_space<semaphore_mem>>) src(%arg10 : memref<16x128xf32, #tpu.memory_space<vmem>>) dst(%dma_wait3A_101 : memref<16x128xf32, #tpu.memory_space<vmem_shared>>)
      tpu.yield
    }) : () -> ()
    %add3A_29 = arith.constant 160 : i32
    %add3A_30 = arith.addi %mul3A_0, %add3A_29 : i32
    "tpu.region"() ({
      %run_scoped3A = tpu.sem_alloc : memref<!tpu.dma_semaphore, #tpu.memory_space<semaphore_mem>>
      %dma_start3A = arith.constant 0 : i32
      %dma_start3A_96 = tpu.memref_slice %arg13[%add3A_30, %dma_start3A] : memref<10240x128xf32, #tpu.memory_space<vmem_shared>> -> memref<16x128xf32, #tpu.memory_space<vmem_shared>>
      %dma_start3A_97 = arith.constant 0 : i32
      %dma_start3A_98 = tpu.memref_slice %arg13[%add3A_30, %dma_start3A_97] : memref<10240x128xf32, #tpu.memory_space<vmem_shared>> -> memref<16x128xf32, #tpu.memory_space<vmem_shared>>
      tpu.enqueue_dma source(%arg10 : memref<16x128xf32, #tpu.memory_space<vmem>>) target(%dma_start3A_98 : memref<16x128xf32, #tpu.memory_space<vmem_shared>>) target_semaphore(%run_scoped3A : memref<!tpu.dma_semaphore, #tpu.memory_space<semaphore_mem>>)
      %dma_wait3A = arith.constant 0 : i32
      %dma_wait3A_99 = tpu.memref_slice %arg13[%add3A_30, %dma_wait3A] : memref<10240x128xf32, #tpu.memory_space<vmem_shared>> -> memref<16x128xf32, #tpu.memory_space<vmem_shared>>
      %dma_wait3A_100 = arith.constant 0 : i32
      %dma_wait3A_101 = tpu.memref_slice %arg13[%add3A_30, %dma_wait3A_100] : memref<10240x128xf32, #tpu.memory_space<vmem_shared>> -> memref<16x128xf32, #tpu.memory_space<vmem_shared>>
      tpu.wait_dma2 semaphore(%run_scoped3A : memref<!tpu.dma_semaphore, #tpu.memory_space<semaphore_mem>>) src(%arg10 : memref<16x128xf32, #tpu.memory_space<vmem>>) dst(%dma_wait3A_101 : memref<16x128xf32, #tpu.memory_space<vmem_shared>>)
      tpu.yield
    }) : () -> ()
    %add3A_31 = arith.constant 176 : i32
    %add3A_32 = arith.addi %mul3A_0, %add3A_31 : i32
    "tpu.region"() ({
      %run_scoped3A = tpu.sem_alloc : memref<!tpu.dma_semaphore, #tpu.memory_space<semaphore_mem>>
      %dma_start3A = arith.constant 0 : i32
      %dma_start3A_96 = tpu.memref_slice %arg13[%add3A_32, %dma_start3A] : memref<10240x128xf32, #tpu.memory_space<vmem_shared>> -> memref<16x128xf32, #tpu.memory_space<vmem_shared>>
      %dma_start3A_97 = arith.constant 0 : i32
      %dma_start3A_98 = tpu.memref_slice %arg13[%add3A_32, %dma_start3A_97] : memref<10240x128xf32, #tpu.memory_space<vmem_shared>> -> memref<16x128xf32, #tpu.memory_space<vmem_shared>>
      tpu.enqueue_dma source(%arg10 : memref<16x128xf32, #tpu.memory_space<vmem>>) target(%dma_start3A_98 : memref<16x128xf32, #tpu.memory_space<vmem_shared>>) target_semaphore(%run_scoped3A : memref<!tpu.dma_semaphore, #tpu.memory_space<semaphore_mem>>)
      %dma_wait3A = arith.constant 0 : i32
      %dma_wait3A_99 = tpu.memref_slice %arg13[%add3A_32, %dma_wait3A] : memref<10240x128xf32, #tpu.memory_space<vmem_shared>> -> memref<16x128xf32, #tpu.memory_space<vmem_shared>>
      %dma_wait3A_100 = arith.constant 0 : i32
      %dma_wait3A_101 = tpu.memref_slice %arg13[%add3A_32, %dma_wait3A_100] : memref<10240x128xf32, #tpu.memory_space<vmem_shared>> -> memref<16x128xf32, #tpu.memory_space<vmem_shared>>
      tpu.wait_dma2 semaphore(%run_scoped3A : memref<!tpu.dma_semaphore, #tpu.memory_space<semaphore_mem>>) src(%arg10 : memref<16x128xf32, #tpu.memory_space<vmem>>) dst(%dma_wait3A_101 : memref<16x128xf32, #tpu.memory_space<vmem_shared>>)
      tpu.yield
    }) : () -> ()
    %add3A_33 = arith.constant 192 : i32
    %add3A_34 = arith.addi %mul3A_0, %add3A_33 : i32
    "tpu.region"() ({
      %run_scoped3A = tpu.sem_alloc : memref<!tpu.dma_semaphore, #tpu.memory_space<semaphore_mem>>
      %dma_start3A = arith.constant 0 : i32
      %dma_start3A_96 = tpu.memref_slice %arg13[%add3A_34, %dma_start3A] : memref<10240x128xf32, #tpu.memory_space<vmem_shared>> -> memref<16x128xf32, #tpu.memory_space<vmem_shared>>
      %dma_start3A_97 = arith.constant 0 : i32
      %dma_start3A_98 = tpu.memref_slice %arg13[%add3A_34, %dma_start3A_97] : memref<10240x128xf32, #tpu.memory_space<vmem_shared>> -> memref<16x128xf32, #tpu.memory_space<vmem_shared>>
      tpu.enqueue_dma source(%arg10 : memref<16x128xf32, #tpu.memory_space<vmem>>) target(%dma_start3A_98 : memref<16x128xf32, #tpu.memory_space<vmem_shared>>) target_semaphore(%run_scoped3A : memref<!tpu.dma_semaphore, #tpu.memory_space<semaphore_mem>>)
      %dma_wait3A = arith.constant 0 : i32
      %dma_wait3A_99 = tpu.memref_slice %arg13[%add3A_34, %dma_wait3A] : memref<10240x128xf32, #tpu.memory_space<vmem_shared>> -> memref<16x128xf32, #tpu.memory_space<vmem_shared>>
      %dma_wait3A_100 = arith.constant 0 : i32
      %dma_wait3A_101 = tpu.memref_slice %arg13[%add3A_34, %dma_wait3A_100] : memref<10240x128xf32, #tpu.memory_space<vmem_shared>> -> memref<16x128xf32, #tpu.memory_space<vmem_shared>>
      tpu.wait_dma2 semaphore(%run_scoped3A : memref<!tpu.dma_semaphore, #tpu.memory_space<semaphore_mem>>) src(%arg10 : memref<16x128xf32, #tpu.memory_space<vmem>>) dst(%dma_wait3A_101 : memref<16x128xf32, #tpu.memory_space<vmem_shared>>)
      tpu.yield
    }) : () -> ()
    %add3A_35 = arith.constant 208 : i32
    %add3A_36 = arith.addi %mul3A_0, %add3A_35 : i32
    "tpu.region"() ({
      %run_scoped3A = tpu.sem_alloc : memref<!tpu.dma_semaphore, #tpu.memory_space<semaphore_mem>>
      %dma_start3A = arith.constant 0 : i32
      %dma_start3A_96 = tpu.memref_slice %arg13[%add3A_36, %dma_start3A] : memref<10240x128xf32, #tpu.memory_space<vmem_shared>> -> memref<16x128xf32, #tpu.memory_space<vmem_shared>>
      %dma_start3A_97 = arith.constant 0 : i32
      %dma_start3A_98 = tpu.memref_slice %arg13[%add3A_36, %dma_start3A_97] : memref<10240x128xf32, #tpu.memory_space<vmem_shared>> -> memref<16x128xf32, #tpu.memory_space<vmem_shared>>
      tpu.enqueue_dma source(%arg10 : memref<16x128xf32, #tpu.memory_space<vmem>>) target(%dma_start3A_98 : memref<16x128xf32, #tpu.memory_space<vmem_shared>>) target_semaphore(%run_scoped3A : memref<!tpu.dma_semaphore, #tpu.memory_space<semaphore_mem>>)
      %dma_wait3A = arith.constant 0 : i32
      %dma_wait3A_99 = tpu.memref_slice %arg13[%add3A_36, %dma_wait3A] : memref<10240x128xf32, #tpu.memory_space<vmem_shared>> -> memref<16x128xf32, #tpu.memory_space<vmem_shared>>
      %dma_wait3A_100 = arith.constant 0 : i32
      %dma_wait3A_101 = tpu.memref_slice %arg13[%add3A_36, %dma_wait3A_100] : memref<10240x128xf32, #tpu.memory_space<vmem_shared>> -> memref<16x128xf32, #tpu.memory_space<vmem_shared>>
      tpu.wait_dma2 semaphore(%run_scoped3A : memref<!tpu.dma_semaphore, #tpu.memory_space<semaphore_mem>>) src(%arg10 : memref<16x128xf32, #tpu.memory_space<vmem>>) dst(%dma_wait3A_101 : memref<16x128xf32, #tpu.memory_space<vmem_shared>>)
      tpu.yield
    }) : () -> ()
    %add3A_37 = arith.constant 224 : i32
    %add3A_38 = arith.addi %mul3A_0, %add3A_37 : i32
    "tpu.region"() ({
      %run_scoped3A = tpu.sem_alloc : memref<!tpu.dma_semaphore, #tpu.memory_space<semaphore_mem>>
      %dma_start3A = arith.constant 0 : i32
      %dma_start3A_96 = tpu.memref_slice %arg13[%add3A_38, %dma_start3A] : memref<10240x128xf32, #tpu.memory_space<vmem_shared>> -> memref<16x128xf32, #tpu.memory_space<vmem_shared>>
      %dma_start3A_97 = arith.constant 0 : i32
      %dma_start3A_98 = tpu.memref_slice %arg13[%add3A_38, %dma_start3A_97] : memref<10240x128xf32, #tpu.memory_space<vmem_shared>> -> memref<16x128xf32, #tpu.memory_space<vmem_shared>>
      tpu.enqueue_dma source(%arg10 : memref<16x128xf32, #tpu.memory_space<vmem>>) target(%dma_start3A_98 : memref<16x128xf32, #tpu.memory_space<vmem_shared>>) target_semaphore(%run_scoped3A : memref<!tpu.dma_semaphore, #tpu.memory_space<semaphore_mem>>)
      %dma_wait3A = arith.constant 0 : i32
      %dma_wait3A_99 = tpu.memref_slice %arg13[%add3A_38, %dma_wait3A] : memref<10240x128xf32, #tpu.memory_space<vmem_shared>> -> memref<16x128xf32, #tpu.memory_space<vmem_shared>>
      %dma_wait3A_100 = arith.constant 0 : i32
      %dma_wait3A_101 = tpu.memref_slice %arg13[%add3A_38, %dma_wait3A_100] : memref<10240x128xf32, #tpu.memory_space<vmem_shared>> -> memref<16x128xf32, #tpu.memory_space<vmem_shared>>
      tpu.wait_dma2 semaphore(%run_scoped3A : memref<!tpu.dma_semaphore, #tpu.memory_space<semaphore_mem>>) src(%arg10 : memref<16x128xf32, #tpu.memory_space<vmem>>) dst(%dma_wait3A_101 : memref<16x128xf32, #tpu.memory_space<vmem_shared>>)
      tpu.yield
    }) : () -> ()
    %add3A_39 = arith.constant 240 : i32
    %add3A_40 = arith.addi %mul3A_0, %add3A_39 : i32
    "tpu.region"() ({
      %run_scoped3A = tpu.sem_alloc : memref<!tpu.dma_semaphore, #tpu.memory_space<semaphore_mem>>
      %dma_start3A = arith.constant 0 : i32
      %dma_start3A_96 = tpu.memref_slice %arg13[%add3A_40, %dma_start3A] : memref<10240x128xf32, #tpu.memory_space<vmem_shared>> -> memref<16x128xf32, #tpu.memory_space<vmem_shared>>
      %dma_start3A_97 = arith.constant 0 : i32
      %dma_start3A_98 = tpu.memref_slice %arg13[%add3A_40, %dma_start3A_97] : memref<10240x128xf32, #tpu.memory_space<vmem_shared>> -> memref<16x128xf32, #tpu.memory_space<vmem_shared>>
      tpu.enqueue_dma source(%arg10 : memref<16x128xf32, #tpu.memory_space<vmem>>) target(%dma_start3A_98 : memref<16x128xf32, #tpu.memory_space<vmem_shared>>) target_semaphore(%run_scoped3A : memref<!tpu.dma_semaphore, #tpu.memory_space<semaphore_mem>>)
      %dma_wait3A = arith.constant 0 : i32
      %dma_wait3A_99 = tpu.memref_slice %arg13[%add3A_40, %dma_wait3A] : memref<10240x128xf32, #tpu.memory_space<vmem_shared>> -> memref<16x128xf32, #tpu.memory_space<vmem_shared>>
      %dma_wait3A_100 = arith.constant 0 : i32
      %dma_wait3A_101 = tpu.memref_slice %arg13[%add3A_40, %dma_wait3A_100] : memref<10240x128xf32, #tpu.memory_space<vmem_shared>> -> memref<16x128xf32, #tpu.memory_space<vmem_shared>>
      tpu.wait_dma2 semaphore(%run_scoped3A : memref<!tpu.dma_semaphore, #tpu.memory_space<semaphore_mem>>) src(%arg10 : memref<16x128xf32, #tpu.memory_space<vmem>>) dst(%dma_wait3A_101 : memref<16x128xf32, #tpu.memory_space<vmem_shared>>)
      tpu.yield
    }) : () -> ()
    %add3A_41 = arith.constant 256 : i32
    %add3A_42 = arith.addi %mul3A_0, %add3A_41 : i32
    "tpu.region"() ({
      %run_scoped3A = tpu.sem_alloc : memref<!tpu.dma_semaphore, #tpu.memory_space<semaphore_mem>>
      %dma_start3A = arith.constant 0 : i32
      %dma_start3A_96 = tpu.memref_slice %arg13[%add3A_42, %dma_start3A] : memref<10240x128xf32, #tpu.memory_space<vmem_shared>> -> memref<16x128xf32, #tpu.memory_space<vmem_shared>>
      %dma_start3A_97 = arith.constant 0 : i32
      %dma_start3A_98 = tpu.memref_slice %arg13[%add3A_42, %dma_start3A_97] : memref<10240x128xf32, #tpu.memory_space<vmem_shared>> -> memref<16x128xf32, #tpu.memory_space<vmem_shared>>
      tpu.enqueue_dma source(%arg10 : memref<16x128xf32, #tpu.memory_space<vmem>>) target(%dma_start3A_98 : memref<16x128xf32, #tpu.memory_space<vmem_shared>>) target_semaphore(%run_scoped3A : memref<!tpu.dma_semaphore, #tpu.memory_space<semaphore_mem>>)
      %dma_wait3A = arith.constant 0 : i32
      %dma_wait3A_99 = tpu.memref_slice %arg13[%add3A_42, %dma_wait3A] : memref<10240x128xf32, #tpu.memory_space<vmem_shared>> -> memref<16x128xf32, #tpu.memory_space<vmem_shared>>
      %dma_wait3A_100 = arith.constant 0 : i32
      %dma_wait3A_101 = tpu.memref_slice %arg13[%add3A_42, %dma_wait3A_100] : memref<10240x128xf32, #tpu.memory_space<vmem_shared>> -> memref<16x128xf32, #tpu.memory_space<vmem_shared>>
      tpu.wait_dma2 semaphore(%run_scoped3A : memref<!tpu.dma_semaphore, #tpu.memory_space<semaphore_mem>>) src(%arg10 : memref<16x128xf32, #tpu.memory_space<vmem>>) dst(%dma_wait3A_101 : memref<16x128xf32, #tpu.memory_space<vmem_shared>>)
      tpu.yield
    }) : () -> ()
    %add3A_43 = arith.constant 272 : i32
    %add3A_44 = arith.addi %mul3A_0, %add3A_43 : i32
    "tpu.region"() ({
      %run_scoped3A = tpu.sem_alloc : memref<!tpu.dma_semaphore, #tpu.memory_space<semaphore_mem>>
      %dma_start3A = arith.constant 0 : i32
      %dma_start3A_96 = tpu.memref_slice %arg13[%add3A_44, %dma_start3A] : memref<10240x128xf32, #tpu.memory_space<vmem_shared>> -> memref<16x128xf32, #tpu.memory_space<vmem_shared>>
      %dma_start3A_97 = arith.constant 0 : i32
      %dma_start3A_98 = tpu.memref_slice %arg13[%add3A_44, %dma_start3A_97] : memref<10240x128xf32, #tpu.memory_space<vmem_shared>> -> memref<16x128xf32, #tpu.memory_space<vmem_shared>>
      tpu.enqueue_dma source(%arg10 : memref<16x128xf32, #tpu.memory_space<vmem>>) target(%dma_start3A_98 : memref<16x128xf32, #tpu.memory_space<vmem_shared>>) target_semaphore(%run_scoped3A : memref<!tpu.dma_semaphore, #tpu.memory_space<semaphore_mem>>)
      %dma_wait3A = arith.constant 0 : i32
      %dma_wait3A_99 = tpu.memref_slice %arg13[%add3A_44, %dma_wait3A] : memref<10240x128xf32, #tpu.memory_space<vmem_shared>> -> memref<16x128xf32, #tpu.memory_space<vmem_shared>>
      %dma_wait3A_100 = arith.constant 0 : i32
      %dma_wait3A_101 = tpu.memref_slice %arg13[%add3A_44, %dma_wait3A_100] : memref<10240x128xf32, #tpu.memory_space<vmem_shared>> -> memref<16x128xf32, #tpu.memory_space<vmem_shared>>
      tpu.wait_dma2 semaphore(%run_scoped3A : memref<!tpu.dma_semaphore, #tpu.memory_space<semaphore_mem>>) src(%arg10 : memref<16x128xf32, #tpu.memory_space<vmem>>) dst(%dma_wait3A_101 : memref<16x128xf32, #tpu.memory_space<vmem_shared>>)
      tpu.yield
    }) : () -> ()
    %add3A_45 = arith.constant 288 : i32
    %add3A_46 = arith.addi %mul3A_0, %add3A_45 : i32
    "tpu.region"() ({
      %run_scoped3A = tpu.sem_alloc : memref<!tpu.dma_semaphore, #tpu.memory_space<semaphore_mem>>
      %dma_start3A = arith.constant 0 : i32
      %dma_start3A_96 = tpu.memref_slice %arg13[%add3A_46, %dma_start3A] : memref<10240x128xf32, #tpu.memory_space<vmem_shared>> -> memref<16x128xf32, #tpu.memory_space<vmem_shared>>
      %dma_start3A_97 = arith.constant 0 : i32
      %dma_start3A_98 = tpu.memref_slice %arg13[%add3A_46, %dma_start3A_97] : memref<10240x128xf32, #tpu.memory_space<vmem_shared>> -> memref<16x128xf32, #tpu.memory_space<vmem_shared>>
      tpu.enqueue_dma source(%arg10 : memref<16x128xf32, #tpu.memory_space<vmem>>) target(%dma_start3A_98 : memref<16x128xf32, #tpu.memory_space<vmem_shared>>) target_semaphore(%run_scoped3A : memref<!tpu.dma_semaphore, #tpu.memory_space<semaphore_mem>>)
      %dma_wait3A = arith.constant 0 : i32
      %dma_wait3A_99 = tpu.memref_slice %arg13[%add3A_46, %dma_wait3A] : memref<10240x128xf32, #tpu.memory_space<vmem_shared>> -> memref<16x128xf32, #tpu.memory_space<vmem_shared>>
      %dma_wait3A_100 = arith.constant 0 : i32
      %dma_wait3A_101 = tpu.memref_slice %arg13[%add3A_46, %dma_wait3A_100] : memref<10240x128xf32, #tpu.memory_space<vmem_shared>> -> memref<16x128xf32, #tpu.memory_space<vmem_shared>>
      tpu.wait_dma2 semaphore(%run_scoped3A : memref<!tpu.dma_semaphore, #tpu.memory_space<semaphore_mem>>) src(%arg10 : memref<16x128xf32, #tpu.memory_space<vmem>>) dst(%dma_wait3A_101 : memref<16x128xf32, #tpu.memory_space<vmem_shared>>)
      tpu.yield
    }) : () -> ()
    %add3A_47 = arith.constant 304 : i32
    %add3A_48 = arith.addi %mul3A_0, %add3A_47 : i32
    "tpu.region"() ({
      %run_scoped3A = tpu.sem_alloc : memref<!tpu.dma_semaphore, #tpu.memory_space<semaphore_mem>>
      %dma_start3A = arith.constant 0 : i32
      %dma_start3A_96 = tpu.memref_slice %arg13[%add3A_48, %dma_start3A] : memref<10240x128xf32, #tpu.memory_space<vmem_shared>> -> memref<16x128xf32, #tpu.memory_space<vmem_shared>>
      %dma_start3A_97 = arith.constant 0 : i32
      %dma_start3A_98 = tpu.memref_slice %arg13[%add3A_48, %dma_start3A_97] : memref<10240x128xf32, #tpu.memory_space<vmem_shared>> -> memref<16x128xf32, #tpu.memory_space<vmem_shared>>
      tpu.enqueue_dma source(%arg10 : memref<16x128xf32, #tpu.memory_space<vmem>>) target(%dma_start3A_98 : memref<16x128xf32, #tpu.memory_space<vmem_shared>>) target_semaphore(%run_scoped3A : memref<!tpu.dma_semaphore, #tpu.memory_space<semaphore_mem>>)
      %dma_wait3A = arith.constant 0 : i32
      %dma_wait3A_99 = tpu.memref_slice %arg13[%add3A_48, %dma_wait3A] : memref<10240x128xf32, #tpu.memory_space<vmem_shared>> -> memref<16x128xf32, #tpu.memory_space<vmem_shared>>
      %dma_wait3A_100 = arith.constant 0 : i32
      %dma_wait3A_101 = tpu.memref_slice %arg13[%add3A_48, %dma_wait3A_100] : memref<10240x128xf32, #tpu.memory_space<vmem_shared>> -> memref<16x128xf32, #tpu.memory_space<vmem_shared>>
      tpu.wait_dma2 semaphore(%run_scoped3A : memref<!tpu.dma_semaphore, #tpu.memory_space<semaphore_mem>>) src(%arg10 : memref<16x128xf32, #tpu.memory_space<vmem>>) dst(%dma_wait3A_101 : memref<16x128xf32, #tpu.memory_space<vmem_shared>>)
      tpu.yield
    }) : () -> ()
    %add3A_49 = arith.constant 320 : i32
    %add3A_50 = arith.addi %mul3A_0, %add3A_49 : i32
    "tpu.region"() ({
      %run_scoped3A = tpu.sem_alloc : memref<!tpu.dma_semaphore, #tpu.memory_space<semaphore_mem>>
      %dma_start3A = arith.constant 0 : i32
      %dma_start3A_96 = tpu.memref_slice %arg13[%add3A_50, %dma_start3A] : memref<10240x128xf32, #tpu.memory_space<vmem_shared>> -> memref<16x128xf32, #tpu.memory_space<vmem_shared>>
      %dma_start3A_97 = arith.constant 0 : i32
      %dma_start3A_98 = tpu.memref_slice %arg13[%add3A_50, %dma_start3A_97] : memref<10240x128xf32, #tpu.memory_space<vmem_shared>> -> memref<16x128xf32, #tpu.memory_space<vmem_shared>>
      tpu.enqueue_dma source(%arg10 : memref<16x128xf32, #tpu.memory_space<vmem>>) target(%dma_start3A_98 : memref<16x128xf32, #tpu.memory_space<vmem_shared>>) target_semaphore(%run_scoped3A : memref<!tpu.dma_semaphore, #tpu.memory_space<semaphore_mem>>)
      %dma_wait3A = arith.constant 0 : i32
      %dma_wait3A_99 = tpu.memref_slice %arg13[%add3A_50, %dma_wait3A] : memref<10240x128xf32, #tpu.memory_space<vmem_shared>> -> memref<16x128xf32, #tpu.memory_space<vmem_shared>>
      %dma_wait3A_100 = arith.constant 0 : i32
      %dma_wait3A_101 = tpu.memref_slice %arg13[%add3A_50, %dma_wait3A_100] : memref<10240x128xf32, #tpu.memory_space<vmem_shared>> -> memref<16x128xf32, #tpu.memory_space<vmem_shared>>
      tpu.wait_dma2 semaphore(%run_scoped3A : memref<!tpu.dma_semaphore, #tpu.memory_space<semaphore_mem>>) src(%arg10 : memref<16x128xf32, #tpu.memory_space<vmem>>) dst(%dma_wait3A_101 : memref<16x128xf32, #tpu.memory_space<vmem_shared>>)
      tpu.yield
    }) : () -> ()
    %add3A_51 = arith.constant 336 : i32
    %add3A_52 = arith.addi %mul3A_0, %add3A_51 : i32
    "tpu.region"() ({
      %run_scoped3A = tpu.sem_alloc : memref<!tpu.dma_semaphore, #tpu.memory_space<semaphore_mem>>
      %dma_start3A = arith.constant 0 : i32
      %dma_start3A_96 = tpu.memref_slice %arg13[%add3A_52, %dma_start3A] : memref<10240x128xf32, #tpu.memory_space<vmem_shared>> -> memref<16x128xf32, #tpu.memory_space<vmem_shared>>
      %dma_start3A_97 = arith.constant 0 : i32
      %dma_start3A_98 = tpu.memref_slice %arg13[%add3A_52, %dma_start3A_97] : memref<10240x128xf32, #tpu.memory_space<vmem_shared>> -> memref<16x128xf32, #tpu.memory_space<vmem_shared>>
      tpu.enqueue_dma source(%arg10 : memref<16x128xf32, #tpu.memory_space<vmem>>) target(%dma_start3A_98 : memref<16x128xf32, #tpu.memory_space<vmem_shared>>) target_semaphore(%run_scoped3A : memref<!tpu.dma_semaphore, #tpu.memory_space<semaphore_mem>>)
      %dma_wait3A = arith.constant 0 : i32
      %dma_wait3A_99 = tpu.memref_slice %arg13[%add3A_52, %dma_wait3A] : memref<10240x128xf32, #tpu.memory_space<vmem_shared>> -> memref<16x128xf32, #tpu.memory_space<vmem_shared>>
      %dma_wait3A_100 = arith.constant 0 : i32
      %dma_wait3A_101 = tpu.memref_slice %arg13[%add3A_52, %dma_wait3A_100] : memref<10240x128xf32, #tpu.memory_space<vmem_shared>> -> memref<16x128xf32, #tpu.memory_space<vmem_shared>>
      tpu.wait_dma2 semaphore(%run_scoped3A : memref<!tpu.dma_semaphore, #tpu.memory_space<semaphore_mem>>) src(%arg10 : memref<16x128xf32, #tpu.memory_space<vmem>>) dst(%dma_wait3A_101 : memref<16x128xf32, #tpu.memory_space<vmem_shared>>)
      tpu.yield
    }) : () -> ()
    %add3A_53 = arith.constant 352 : i32
    %add3A_54 = arith.addi %mul3A_0, %add3A_53 : i32
    "tpu.region"() ({
      %run_scoped3A = tpu.sem_alloc : memref<!tpu.dma_semaphore, #tpu.memory_space<semaphore_mem>>
      %dma_start3A = arith.constant 0 : i32
      %dma_start3A_96 = tpu.memref_slice %arg13[%add3A_54, %dma_start3A] : memref<10240x128xf32, #tpu.memory_space<vmem_shared>> -> memref<16x128xf32, #tpu.memory_space<vmem_shared>>
      %dma_start3A_97 = arith.constant 0 : i32
      %dma_start3A_98 = tpu.memref_slice %arg13[%add3A_54, %dma_start3A_97] : memref<10240x128xf32, #tpu.memory_space<vmem_shared>> -> memref<16x128xf32, #tpu.memory_space<vmem_shared>>
      tpu.enqueue_dma source(%arg10 : memref<16x128xf32, #tpu.memory_space<vmem>>) target(%dma_start3A_98 : memref<16x128xf32, #tpu.memory_space<vmem_shared>>) target_semaphore(%run_scoped3A : memref<!tpu.dma_semaphore, #tpu.memory_space<semaphore_mem>>)
      %dma_wait3A = arith.constant 0 : i32
      %dma_wait3A_99 = tpu.memref_slice %arg13[%add3A_54, %dma_wait3A] : memref<10240x128xf32, #tpu.memory_space<vmem_shared>> -> memref<16x128xf32, #tpu.memory_space<vmem_shared>>
      %dma_wait3A_100 = arith.constant 0 : i32
      %dma_wait3A_101 = tpu.memref_slice %arg13[%add3A_54, %dma_wait3A_100] : memref<10240x128xf32, #tpu.memory_space<vmem_shared>> -> memref<16x128xf32, #tpu.memory_space<vmem_shared>>
      tpu.wait_dma2 semaphore(%run_scoped3A : memref<!tpu.dma_semaphore, #tpu.memory_space<semaphore_mem>>) src(%arg10 : memref<16x128xf32, #tpu.memory_space<vmem>>) dst(%dma_wait3A_101 : memref<16x128xf32, #tpu.memory_space<vmem_shared>>)
      tpu.yield
    }) : () -> ()
    %add3A_55 = arith.constant 368 : i32
    %add3A_56 = arith.addi %mul3A_0, %add3A_55 : i32
    "tpu.region"() ({
      %run_scoped3A = tpu.sem_alloc : memref<!tpu.dma_semaphore, #tpu.memory_space<semaphore_mem>>
      %dma_start3A = arith.constant 0 : i32
      %dma_start3A_96 = tpu.memref_slice %arg13[%add3A_56, %dma_start3A] : memref<10240x128xf32, #tpu.memory_space<vmem_shared>> -> memref<16x128xf32, #tpu.memory_space<vmem_shared>>
      %dma_start3A_97 = arith.constant 0 : i32
      %dma_start3A_98 = tpu.memref_slice %arg13[%add3A_56, %dma_start3A_97] : memref<10240x128xf32, #tpu.memory_space<vmem_shared>> -> memref<16x128xf32, #tpu.memory_space<vmem_shared>>
      tpu.enqueue_dma source(%arg10 : memref<16x128xf32, #tpu.memory_space<vmem>>) target(%dma_start3A_98 : memref<16x128xf32, #tpu.memory_space<vmem_shared>>) target_semaphore(%run_scoped3A : memref<!tpu.dma_semaphore, #tpu.memory_space<semaphore_mem>>)
      %dma_wait3A = arith.constant 0 : i32
      %dma_wait3A_99 = tpu.memref_slice %arg13[%add3A_56, %dma_wait3A] : memref<10240x128xf32, #tpu.memory_space<vmem_shared>> -> memref<16x128xf32, #tpu.memory_space<vmem_shared>>
      %dma_wait3A_100 = arith.constant 0 : i32
      %dma_wait3A_101 = tpu.memref_slice %arg13[%add3A_56, %dma_wait3A_100] : memref<10240x128xf32, #tpu.memory_space<vmem_shared>> -> memref<16x128xf32, #tpu.memory_space<vmem_shared>>
      tpu.wait_dma2 semaphore(%run_scoped3A : memref<!tpu.dma_semaphore, #tpu.memory_space<semaphore_mem>>) src(%arg10 : memref<16x128xf32, #tpu.memory_space<vmem>>) dst(%dma_wait3A_101 : memref<16x128xf32, #tpu.memory_space<vmem_shared>>)
      tpu.yield
    }) : () -> ()
    %add3A_57 = arith.constant 384 : i32
    %add3A_58 = arith.addi %mul3A_0, %add3A_57 : i32
    "tpu.region"() ({
      %run_scoped3A = tpu.sem_alloc : memref<!tpu.dma_semaphore, #tpu.memory_space<semaphore_mem>>
      %dma_start3A = arith.constant 0 : i32
      %dma_start3A_96 = tpu.memref_slice %arg13[%add3A_58, %dma_start3A] : memref<10240x128xf32, #tpu.memory_space<vmem_shared>> -> memref<16x128xf32, #tpu.memory_space<vmem_shared>>
      %dma_start3A_97 = arith.constant 0 : i32
      %dma_start3A_98 = tpu.memref_slice %arg13[%add3A_58, %dma_start3A_97] : memref<10240x128xf32, #tpu.memory_space<vmem_shared>> -> memref<16x128xf32, #tpu.memory_space<vmem_shared>>
      tpu.enqueue_dma source(%arg10 : memref<16x128xf32, #tpu.memory_space<vmem>>) target(%dma_start3A_98 : memref<16x128xf32, #tpu.memory_space<vmem_shared>>) target_semaphore(%run_scoped3A : memref<!tpu.dma_semaphore, #tpu.memory_space<semaphore_mem>>)
      %dma_wait3A = arith.constant 0 : i32
      %dma_wait3A_99 = tpu.memref_slice %arg13[%add3A_58, %dma_wait3A] : memref<10240x128xf32, #tpu.memory_space<vmem_shared>> -> memref<16x128xf32, #tpu.memory_space<vmem_shared>>
      %dma_wait3A_100 = arith.constant 0 : i32
      %dma_wait3A_101 = tpu.memref_slice %arg13[%add3A_58, %dma_wait3A_100] : memref<10240x128xf32, #tpu.memory_space<vmem_shared>> -> memref<16x128xf32, #tpu.memory_space<vmem_shared>>
      tpu.wait_dma2 semaphore(%run_scoped3A : memref<!tpu.dma_semaphore, #tpu.memory_space<semaphore_mem>>) src(%arg10 : memref<16x128xf32, #tpu.memory_space<vmem>>) dst(%dma_wait3A_101 : memref<16x128xf32, #tpu.memory_space<vmem_shared>>)
      tpu.yield
    }) : () -> ()
    %add3A_59 = arith.constant 400 : i32
    %add3A_60 = arith.addi %mul3A_0, %add3A_59 : i32
    "tpu.region"() ({
      %run_scoped3A = tpu.sem_alloc : memref<!tpu.dma_semaphore, #tpu.memory_space<semaphore_mem>>
      %dma_start3A = arith.constant 0 : i32
      %dma_start3A_96 = tpu.memref_slice %arg13[%add3A_60, %dma_start3A] : memref<10240x128xf32, #tpu.memory_space<vmem_shared>> -> memref<16x128xf32, #tpu.memory_space<vmem_shared>>
      %dma_start3A_97 = arith.constant 0 : i32
      %dma_start3A_98 = tpu.memref_slice %arg13[%add3A_60, %dma_start3A_97] : memref<10240x128xf32, #tpu.memory_space<vmem_shared>> -> memref<16x128xf32, #tpu.memory_space<vmem_shared>>
      tpu.enqueue_dma source(%arg10 : memref<16x128xf32, #tpu.memory_space<vmem>>) target(%dma_start3A_98 : memref<16x128xf32, #tpu.memory_space<vmem_shared>>) target_semaphore(%run_scoped3A : memref<!tpu.dma_semaphore, #tpu.memory_space<semaphore_mem>>)
      %dma_wait3A = arith.constant 0 : i32
      %dma_wait3A_99 = tpu.memref_slice %arg13[%add3A_60, %dma_wait3A] : memref<10240x128xf32, #tpu.memory_space<vmem_shared>> -> memref<16x128xf32, #tpu.memory_space<vmem_shared>>
      %dma_wait3A_100 = arith.constant 0 : i32
      %dma_wait3A_101 = tpu.memref_slice %arg13[%add3A_60, %dma_wait3A_100] : memref<10240x128xf32, #tpu.memory_space<vmem_shared>> -> memref<16x128xf32, #tpu.memory_space<vmem_shared>>
      tpu.wait_dma2 semaphore(%run_scoped3A : memref<!tpu.dma_semaphore, #tpu.memory_space<semaphore_mem>>) src(%arg10 : memref<16x128xf32, #tpu.memory_space<vmem>>) dst(%dma_wait3A_101 : memref<16x128xf32, #tpu.memory_space<vmem_shared>>)
      tpu.yield
    }) : () -> ()
    %add3A_61 = arith.constant 416 : i32
    %add3A_62 = arith.addi %mul3A_0, %add3A_61 : i32
    "tpu.region"() ({
      %run_scoped3A = tpu.sem_alloc : memref<!tpu.dma_semaphore, #tpu.memory_space<semaphore_mem>>
      %dma_start3A = arith.constant 0 : i32
      %dma_start3A_96 = tpu.memref_slice %arg13[%add3A_62, %dma_start3A] : memref<10240x128xf32, #tpu.memory_space<vmem_shared>> -> memref<16x128xf32, #tpu.memory_space<vmem_shared>>
      %dma_start3A_97 = arith.constant 0 : i32
      %dma_start3A_98 = tpu.memref_slice %arg13[%add3A_62, %dma_start3A_97] : memref<10240x128xf32, #tpu.memory_space<vmem_shared>> -> memref<16x128xf32, #tpu.memory_space<vmem_shared>>
      tpu.enqueue_dma source(%arg10 : memref<16x128xf32, #tpu.memory_space<vmem>>) target(%dma_start3A_98 : memref<16x128xf32, #tpu.memory_space<vmem_shared>>) target_semaphore(%run_scoped3A : memref<!tpu.dma_semaphore, #tpu.memory_space<semaphore_mem>>)
      %dma_wait3A = arith.constant 0 : i32
      %dma_wait3A_99 = tpu.memref_slice %arg13[%add3A_62, %dma_wait3A] : memref<10240x128xf32, #tpu.memory_space<vmem_shared>> -> memref<16x128xf32, #tpu.memory_space<vmem_shared>>
      %dma_wait3A_100 = arith.constant 0 : i32
      %dma_wait3A_101 = tpu.memref_slice %arg13[%add3A_62, %dma_wait3A_100] : memref<10240x128xf32, #tpu.memory_space<vmem_shared>> -> memref<16x128xf32, #tpu.memory_space<vmem_shared>>
      tpu.wait_dma2 semaphore(%run_scoped3A : memref<!tpu.dma_semaphore, #tpu.memory_space<semaphore_mem>>) src(%arg10 : memref<16x128xf32, #tpu.memory_space<vmem>>) dst(%dma_wait3A_101 : memref<16x128xf32, #tpu.memory_space<vmem_shared>>)
      tpu.yield
    }) : () -> ()
    %add3A_63 = arith.constant 432 : i32
    %add3A_64 = arith.addi %mul3A_0, %add3A_63 : i32
    "tpu.region"() ({
      %run_scoped3A = tpu.sem_alloc : memref<!tpu.dma_semaphore, #tpu.memory_space<semaphore_mem>>
      %dma_start3A = arith.constant 0 : i32
      %dma_start3A_96 = tpu.memref_slice %arg13[%add3A_64, %dma_start3A] : memref<10240x128xf32, #tpu.memory_space<vmem_shared>> -> memref<16x128xf32, #tpu.memory_space<vmem_shared>>
      %dma_start3A_97 = arith.constant 0 : i32
      %dma_start3A_98 = tpu.memref_slice %arg13[%add3A_64, %dma_start3A_97] : memref<10240x128xf32, #tpu.memory_space<vmem_shared>> -> memref<16x128xf32, #tpu.memory_space<vmem_shared>>
      tpu.enqueue_dma source(%arg10 : memref<16x128xf32, #tpu.memory_space<vmem>>) target(%dma_start3A_98 : memref<16x128xf32, #tpu.memory_space<vmem_shared>>) target_semaphore(%run_scoped3A : memref<!tpu.dma_semaphore, #tpu.memory_space<semaphore_mem>>)
      %dma_wait3A = arith.constant 0 : i32
      %dma_wait3A_99 = tpu.memref_slice %arg13[%add3A_64, %dma_wait3A] : memref<10240x128xf32, #tpu.memory_space<vmem_shared>> -> memref<16x128xf32, #tpu.memory_space<vmem_shared>>
      %dma_wait3A_100 = arith.constant 0 : i32
      %dma_wait3A_101 = tpu.memref_slice %arg13[%add3A_64, %dma_wait3A_100] : memref<10240x128xf32, #tpu.memory_space<vmem_shared>> -> memref<16x128xf32, #tpu.memory_space<vmem_shared>>
      tpu.wait_dma2 semaphore(%run_scoped3A : memref<!tpu.dma_semaphore, #tpu.memory_space<semaphore_mem>>) src(%arg10 : memref<16x128xf32, #tpu.memory_space<vmem>>) dst(%dma_wait3A_101 : memref<16x128xf32, #tpu.memory_space<vmem_shared>>)
      tpu.yield
    }) : () -> ()
    %add3A_65 = arith.constant 448 : i32
    %add3A_66 = arith.addi %mul3A_0, %add3A_65 : i32
    "tpu.region"() ({
      %run_scoped3A = tpu.sem_alloc : memref<!tpu.dma_semaphore, #tpu.memory_space<semaphore_mem>>
      %dma_start3A = arith.constant 0 : i32
      %dma_start3A_96 = tpu.memref_slice %arg13[%add3A_66, %dma_start3A] : memref<10240x128xf32, #tpu.memory_space<vmem_shared>> -> memref<16x128xf32, #tpu.memory_space<vmem_shared>>
      %dma_start3A_97 = arith.constant 0 : i32
      %dma_start3A_98 = tpu.memref_slice %arg13[%add3A_66, %dma_start3A_97] : memref<10240x128xf32, #tpu.memory_space<vmem_shared>> -> memref<16x128xf32, #tpu.memory_space<vmem_shared>>
      tpu.enqueue_dma source(%arg10 : memref<16x128xf32, #tpu.memory_space<vmem>>) target(%dma_start3A_98 : memref<16x128xf32, #tpu.memory_space<vmem_shared>>) target_semaphore(%run_scoped3A : memref<!tpu.dma_semaphore, #tpu.memory_space<semaphore_mem>>)
      %dma_wait3A = arith.constant 0 : i32
      %dma_wait3A_99 = tpu.memref_slice %arg13[%add3A_66, %dma_wait3A] : memref<10240x128xf32, #tpu.memory_space<vmem_shared>> -> memref<16x128xf32, #tpu.memory_space<vmem_shared>>
      %dma_wait3A_100 = arith.constant 0 : i32
      %dma_wait3A_101 = tpu.memref_slice %arg13[%add3A_66, %dma_wait3A_100] : memref<10240x128xf32, #tpu.memory_space<vmem_shared>> -> memref<16x128xf32, #tpu.memory_space<vmem_shared>>
      tpu.wait_dma2 semaphore(%run_scoped3A : memref<!tpu.dma_semaphore, #tpu.memory_space<semaphore_mem>>) src(%arg10 : memref<16x128xf32, #tpu.memory_space<vmem>>) dst(%dma_wait3A_101 : memref<16x128xf32, #tpu.memory_space<vmem_shared>>)
      tpu.yield
    }) : () -> ()
    %add3A_67 = arith.constant 464 : i32
    %add3A_68 = arith.addi %mul3A_0, %add3A_67 : i32
    "tpu.region"() ({
      %run_scoped3A = tpu.sem_alloc : memref<!tpu.dma_semaphore, #tpu.memory_space<semaphore_mem>>
      %dma_start3A = arith.constant 0 : i32
      %dma_start3A_96 = tpu.memref_slice %arg13[%add3A_68, %dma_start3A] : memref<10240x128xf32, #tpu.memory_space<vmem_shared>> -> memref<16x128xf32, #tpu.memory_space<vmem_shared>>
      %dma_start3A_97 = arith.constant 0 : i32
      %dma_start3A_98 = tpu.memref_slice %arg13[%add3A_68, %dma_start3A_97] : memref<10240x128xf32, #tpu.memory_space<vmem_shared>> -> memref<16x128xf32, #tpu.memory_space<vmem_shared>>
      tpu.enqueue_dma source(%arg10 : memref<16x128xf32, #tpu.memory_space<vmem>>) target(%dma_start3A_98 : memref<16x128xf32, #tpu.memory_space<vmem_shared>>) target_semaphore(%run_scoped3A : memref<!tpu.dma_semaphore, #tpu.memory_space<semaphore_mem>>)
      %dma_wait3A = arith.constant 0 : i32
      %dma_wait3A_99 = tpu.memref_slice %arg13[%add3A_68, %dma_wait3A] : memref<10240x128xf32, #tpu.memory_space<vmem_shared>> -> memref<16x128xf32, #tpu.memory_space<vmem_shared>>
      %dma_wait3A_100 = arith.constant 0 : i32
      %dma_wait3A_101 = tpu.memref_slice %arg13[%add3A_68, %dma_wait3A_100] : memref<10240x128xf32, #tpu.memory_space<vmem_shared>> -> memref<16x128xf32, #tpu.memory_space<vmem_shared>>
      tpu.wait_dma2 semaphore(%run_scoped3A : memref<!tpu.dma_semaphore, #tpu.memory_space<semaphore_mem>>) src(%arg10 : memref<16x128xf32, #tpu.memory_space<vmem>>) dst(%dma_wait3A_101 : memref<16x128xf32, #tpu.memory_space<vmem_shared>>)
      tpu.yield
    }) : () -> ()
    %add3A_69 = arith.constant 480 : i32
    %add3A_70 = arith.addi %mul3A_0, %add3A_69 : i32
    "tpu.region"() ({
      %run_scoped3A = tpu.sem_alloc : memref<!tpu.dma_semaphore, #tpu.memory_space<semaphore_mem>>
      %dma_start3A = arith.constant 0 : i32
      %dma_start3A_96 = tpu.memref_slice %arg13[%add3A_70, %dma_start3A] : memref<10240x128xf32, #tpu.memory_space<vmem_shared>> -> memref<16x128xf32, #tpu.memory_space<vmem_shared>>
      %dma_start3A_97 = arith.constant 0 : i32
      %dma_start3A_98 = tpu.memref_slice %arg13[%add3A_70, %dma_start3A_97] : memref<10240x128xf32, #tpu.memory_space<vmem_shared>> -> memref<16x128xf32, #tpu.memory_space<vmem_shared>>
      tpu.enqueue_dma source(%arg10 : memref<16x128xf32, #tpu.memory_space<vmem>>) target(%dma_start3A_98 : memref<16x128xf32, #tpu.memory_space<vmem_shared>>) target_semaphore(%run_scoped3A : memref<!tpu.dma_semaphore, #tpu.memory_space<semaphore_mem>>)
      %dma_wait3A = arith.constant 0 : i32
      %dma_wait3A_99 = tpu.memref_slice %arg13[%add3A_70, %dma_wait3A] : memref<10240x128xf32, #tpu.memory_space<vmem_shared>> -> memref<16x128xf32, #tpu.memory_space<vmem_shared>>
      %dma_wait3A_100 = arith.constant 0 : i32
      %dma_wait3A_101 = tpu.memref_slice %arg13[%add3A_70, %dma_wait3A_100] : memref<10240x128xf32, #tpu.memory_space<vmem_shared>> -> memref<16x128xf32, #tpu.memory_space<vmem_shared>>
      tpu.wait_dma2 semaphore(%run_scoped3A : memref<!tpu.dma_semaphore, #tpu.memory_space<semaphore_mem>>) src(%arg10 : memref<16x128xf32, #tpu.memory_space<vmem>>) dst(%dma_wait3A_101 : memref<16x128xf32, #tpu.memory_space<vmem_shared>>)
      tpu.yield
    }) : () -> ()
    %add3A_71 = arith.constant 496 : i32
    %add3A_72 = arith.addi %mul3A_0, %add3A_71 : i32
    "tpu.region"() ({
      %run_scoped3A = tpu.sem_alloc : memref<!tpu.dma_semaphore, #tpu.memory_space<semaphore_mem>>
      %dma_start3A = arith.constant 0 : i32
      %dma_start3A_96 = tpu.memref_slice %arg13[%add3A_72, %dma_start3A] : memref<10240x128xf32, #tpu.memory_space<vmem_shared>> -> memref<16x128xf32, #tpu.memory_space<vmem_shared>>
      %dma_start3A_97 = arith.constant 0 : i32
      %dma_start3A_98 = tpu.memref_slice %arg13[%add3A_72, %dma_start3A_97] : memref<10240x128xf32, #tpu.memory_space<vmem_shared>> -> memref<16x128xf32, #tpu.memory_space<vmem_shared>>
      tpu.enqueue_dma source(%arg10 : memref<16x128xf32, #tpu.memory_space<vmem>>) target(%dma_start3A_98 : memref<16x128xf32, #tpu.memory_space<vmem_shared>>) target_semaphore(%run_scoped3A : memref<!tpu.dma_semaphore, #tpu.memory_space<semaphore_mem>>)
      %dma_wait3A = arith.constant 0 : i32
      %dma_wait3A_99 = tpu.memref_slice %arg13[%add3A_72, %dma_wait3A] : memref<10240x128xf32, #tpu.memory_space<vmem_shared>> -> memref<16x128xf32, #tpu.memory_space<vmem_shared>>
      %dma_wait3A_100 = arith.constant 0 : i32
      %dma_wait3A_101 = tpu.memref_slice %arg13[%add3A_72, %dma_wait3A_100] : memref<10240x128xf32, #tpu.memory_space<vmem_shared>> -> memref<16x128xf32, #tpu.memory_space<vmem_shared>>
      tpu.wait_dma2 semaphore(%run_scoped3A : memref<!tpu.dma_semaphore, #tpu.memory_space<semaphore_mem>>) src(%arg10 : memref<16x128xf32, #tpu.memory_space<vmem>>) dst(%dma_wait3A_101 : memref<16x128xf32, #tpu.memory_space<vmem_shared>>)
      tpu.yield
    }) : () -> ()
    %add3A_73 = arith.constant 512 : i32
    %add3A_74 = arith.addi %mul3A_0, %add3A_73 : i32
    "tpu.region"() ({
      %run_scoped3A = tpu.sem_alloc : memref<!tpu.dma_semaphore, #tpu.memory_space<semaphore_mem>>
      %dma_start3A = arith.constant 0 : i32
      %dma_start3A_96 = tpu.memref_slice %arg13[%add3A_74, %dma_start3A] : memref<10240x128xf32, #tpu.memory_space<vmem_shared>> -> memref<16x128xf32, #tpu.memory_space<vmem_shared>>
      %dma_start3A_97 = arith.constant 0 : i32
      %dma_start3A_98 = tpu.memref_slice %arg13[%add3A_74, %dma_start3A_97] : memref<10240x128xf32, #tpu.memory_space<vmem_shared>> -> memref<16x128xf32, #tpu.memory_space<vmem_shared>>
      tpu.enqueue_dma source(%arg10 : memref<16x128xf32, #tpu.memory_space<vmem>>) target(%dma_start3A_98 : memref<16x128xf32, #tpu.memory_space<vmem_shared>>) target_semaphore(%run_scoped3A : memref<!tpu.dma_semaphore, #tpu.memory_space<semaphore_mem>>)
      %dma_wait3A = arith.constant 0 : i32
      %dma_wait3A_99 = tpu.memref_slice %arg13[%add3A_74, %dma_wait3A] : memref<10240x128xf32, #tpu.memory_space<vmem_shared>> -> memref<16x128xf32, #tpu.memory_space<vmem_shared>>
      %dma_wait3A_100 = arith.constant 0 : i32
      %dma_wait3A_101 = tpu.memref_slice %arg13[%add3A_74, %dma_wait3A_100] : memref<10240x128xf32, #tpu.memory_space<vmem_shared>> -> memref<16x128xf32, #tpu.memory_space<vmem_shared>>
      tpu.wait_dma2 semaphore(%run_scoped3A : memref<!tpu.dma_semaphore, #tpu.memory_space<semaphore_mem>>) src(%arg10 : memref<16x128xf32, #tpu.memory_space<vmem>>) dst(%dma_wait3A_101 : memref<16x128xf32, #tpu.memory_space<vmem_shared>>)
      tpu.yield
    }) : () -> ()
    %add3A_75 = arith.constant 528 : i32
    %add3A_76 = arith.addi %mul3A_0, %add3A_75 : i32
    "tpu.region"() ({
      %run_scoped3A = tpu.sem_alloc : memref<!tpu.dma_semaphore, #tpu.memory_space<semaphore_mem>>
      %dma_start3A = arith.constant 0 : i32
      %dma_start3A_96 = tpu.memref_slice %arg13[%add3A_76, %dma_start3A] : memref<10240x128xf32, #tpu.memory_space<vmem_shared>> -> memref<16x128xf32, #tpu.memory_space<vmem_shared>>
      %dma_start3A_97 = arith.constant 0 : i32
      %dma_start3A_98 = tpu.memref_slice %arg13[%add3A_76, %dma_start3A_97] : memref<10240x128xf32, #tpu.memory_space<vmem_shared>> -> memref<16x128xf32, #tpu.memory_space<vmem_shared>>
      tpu.enqueue_dma source(%arg10 : memref<16x128xf32, #tpu.memory_space<vmem>>) target(%dma_start3A_98 : memref<16x128xf32, #tpu.memory_space<vmem_shared>>) target_semaphore(%run_scoped3A : memref<!tpu.dma_semaphore, #tpu.memory_space<semaphore_mem>>)
      %dma_wait3A = arith.constant 0 : i32
      %dma_wait3A_99 = tpu.memref_slice %arg13[%add3A_76, %dma_wait3A] : memref<10240x128xf32, #tpu.memory_space<vmem_shared>> -> memref<16x128xf32, #tpu.memory_space<vmem_shared>>
      %dma_wait3A_100 = arith.constant 0 : i32
      %dma_wait3A_101 = tpu.memref_slice %arg13[%add3A_76, %dma_wait3A_100] : memref<10240x128xf32, #tpu.memory_space<vmem_shared>> -> memref<16x128xf32, #tpu.memory_space<vmem_shared>>
      tpu.wait_dma2 semaphore(%run_scoped3A : memref<!tpu.dma_semaphore, #tpu.memory_space<semaphore_mem>>) src(%arg10 : memref<16x128xf32, #tpu.memory_space<vmem>>) dst(%dma_wait3A_101 : memref<16x128xf32, #tpu.memory_space<vmem_shared>>)
      tpu.yield
    }) : () -> ()
    %add3A_77 = arith.constant 544 : i32
    %add3A_78 = arith.addi %mul3A_0, %add3A_77 : i32
    "tpu.region"() ({
      %run_scoped3A = tpu.sem_alloc : memref<!tpu.dma_semaphore, #tpu.memory_space<semaphore_mem>>
      %dma_start3A = arith.constant 0 : i32
      %dma_start3A_96 = tpu.memref_slice %arg13[%add3A_78, %dma_start3A] : memref<10240x128xf32, #tpu.memory_space<vmem_shared>> -> memref<16x128xf32, #tpu.memory_space<vmem_shared>>
      %dma_start3A_97 = arith.constant 0 : i32
      %dma_start3A_98 = tpu.memref_slice %arg13[%add3A_78, %dma_start3A_97] : memref<10240x128xf32, #tpu.memory_space<vmem_shared>> -> memref<16x128xf32, #tpu.memory_space<vmem_shared>>
      tpu.enqueue_dma source(%arg10 : memref<16x128xf32, #tpu.memory_space<vmem>>) target(%dma_start3A_98 : memref<16x128xf32, #tpu.memory_space<vmem_shared>>) target_semaphore(%run_scoped3A : memref<!tpu.dma_semaphore, #tpu.memory_space<semaphore_mem>>)
      %dma_wait3A = arith.constant 0 : i32
      %dma_wait3A_99 = tpu.memref_slice %arg13[%add3A_78, %dma_wait3A] : memref<10240x128xf32, #tpu.memory_space<vmem_shared>> -> memref<16x128xf32, #tpu.memory_space<vmem_shared>>
      %dma_wait3A_100 = arith.constant 0 : i32
      %dma_wait3A_101 = tpu.memref_slice %arg13[%add3A_78, %dma_wait3A_100] : memref<10240x128xf32, #tpu.memory_space<vmem_shared>> -> memref<16x128xf32, #tpu.memory_space<vmem_shared>>
      tpu.wait_dma2 semaphore(%run_scoped3A : memref<!tpu.dma_semaphore, #tpu.memory_space<semaphore_mem>>) src(%arg10 : memref<16x128xf32, #tpu.memory_space<vmem>>) dst(%dma_wait3A_101 : memref<16x128xf32, #tpu.memory_space<vmem_shared>>)
      tpu.yield
    }) : () -> ()
    %add3A_79 = arith.constant 560 : i32
    %add3A_80 = arith.addi %mul3A_0, %add3A_79 : i32
    "tpu.region"() ({
      %run_scoped3A = tpu.sem_alloc : memref<!tpu.dma_semaphore, #tpu.memory_space<semaphore_mem>>
      %dma_start3A = arith.constant 0 : i32
      %dma_start3A_96 = tpu.memref_slice %arg13[%add3A_80, %dma_start3A] : memref<10240x128xf32, #tpu.memory_space<vmem_shared>> -> memref<16x128xf32, #tpu.memory_space<vmem_shared>>
      %dma_start3A_97 = arith.constant 0 : i32
      %dma_start3A_98 = tpu.memref_slice %arg13[%add3A_80, %dma_start3A_97] : memref<10240x128xf32, #tpu.memory_space<vmem_shared>> -> memref<16x128xf32, #tpu.memory_space<vmem_shared>>
      tpu.enqueue_dma source(%arg10 : memref<16x128xf32, #tpu.memory_space<vmem>>) target(%dma_start3A_98 : memref<16x128xf32, #tpu.memory_space<vmem_shared>>) target_semaphore(%run_scoped3A : memref<!tpu.dma_semaphore, #tpu.memory_space<semaphore_mem>>)
      %dma_wait3A = arith.constant 0 : i32
      %dma_wait3A_99 = tpu.memref_slice %arg13[%add3A_80, %dma_wait3A] : memref<10240x128xf32, #tpu.memory_space<vmem_shared>> -> memref<16x128xf32, #tpu.memory_space<vmem_shared>>
      %dma_wait3A_100 = arith.constant 0 : i32
      %dma_wait3A_101 = tpu.memref_slice %arg13[%add3A_80, %dma_wait3A_100] : memref<10240x128xf32, #tpu.memory_space<vmem_shared>> -> memref<16x128xf32, #tpu.memory_space<vmem_shared>>
      tpu.wait_dma2 semaphore(%run_scoped3A : memref<!tpu.dma_semaphore, #tpu.memory_space<semaphore_mem>>) src(%arg10 : memref<16x128xf32, #tpu.memory_space<vmem>>) dst(%dma_wait3A_101 : memref<16x128xf32, #tpu.memory_space<vmem_shared>>)
      tpu.yield
    }) : () -> ()
    %add3A_81 = arith.constant 576 : i32
    %add3A_82 = arith.addi %mul3A_0, %add3A_81 : i32
    "tpu.region"() ({
      %run_scoped3A = tpu.sem_alloc : memref<!tpu.dma_semaphore, #tpu.memory_space<semaphore_mem>>
      %dma_start3A = arith.constant 0 : i32
      %dma_start3A_96 = tpu.memref_slice %arg13[%add3A_82, %dma_start3A] : memref<10240x128xf32, #tpu.memory_space<vmem_shared>> -> memref<16x128xf32, #tpu.memory_space<vmem_shared>>
      %dma_start3A_97 = arith.constant 0 : i32
      %dma_start3A_98 = tpu.memref_slice %arg13[%add3A_82, %dma_start3A_97] : memref<10240x128xf32, #tpu.memory_space<vmem_shared>> -> memref<16x128xf32, #tpu.memory_space<vmem_shared>>
      tpu.enqueue_dma source(%arg10 : memref<16x128xf32, #tpu.memory_space<vmem>>) target(%dma_start3A_98 : memref<16x128xf32, #tpu.memory_space<vmem_shared>>) target_semaphore(%run_scoped3A : memref<!tpu.dma_semaphore, #tpu.memory_space<semaphore_mem>>)
      %dma_wait3A = arith.constant 0 : i32
      %dma_wait3A_99 = tpu.memref_slice %arg13[%add3A_82, %dma_wait3A] : memref<10240x128xf32, #tpu.memory_space<vmem_shared>> -> memref<16x128xf32, #tpu.memory_space<vmem_shared>>
      %dma_wait3A_100 = arith.constant 0 : i32
      %dma_wait3A_101 = tpu.memref_slice %arg13[%add3A_82, %dma_wait3A_100] : memref<10240x128xf32, #tpu.memory_space<vmem_shared>> -> memref<16x128xf32, #tpu.memory_space<vmem_shared>>
      tpu.wait_dma2 semaphore(%run_scoped3A : memref<!tpu.dma_semaphore, #tpu.memory_space<semaphore_mem>>) src(%arg10 : memref<16x128xf32, #tpu.memory_space<vmem>>) dst(%dma_wait3A_101 : memref<16x128xf32, #tpu.memory_space<vmem_shared>>)
      tpu.yield
    }) : () -> ()
    %add3A_83 = arith.constant 592 : i32
    %add3A_84 = arith.addi %mul3A_0, %add3A_83 : i32
    "tpu.region"() ({
      %run_scoped3A = tpu.sem_alloc : memref<!tpu.dma_semaphore, #tpu.memory_space<semaphore_mem>>
      %dma_start3A = arith.constant 0 : i32
      %dma_start3A_96 = tpu.memref_slice %arg13[%add3A_84, %dma_start3A] : memref<10240x128xf32, #tpu.memory_space<vmem_shared>> -> memref<16x128xf32, #tpu.memory_space<vmem_shared>>
      %dma_start3A_97 = arith.constant 0 : i32
      %dma_start3A_98 = tpu.memref_slice %arg13[%add3A_84, %dma_start3A_97] : memref<10240x128xf32, #tpu.memory_space<vmem_shared>> -> memref<16x128xf32, #tpu.memory_space<vmem_shared>>
      tpu.enqueue_dma source(%arg10 : memref<16x128xf32, #tpu.memory_space<vmem>>) target(%dma_start3A_98 : memref<16x128xf32, #tpu.memory_space<vmem_shared>>) target_semaphore(%run_scoped3A : memref<!tpu.dma_semaphore, #tpu.memory_space<semaphore_mem>>)
      %dma_wait3A = arith.constant 0 : i32
      %dma_wait3A_99 = tpu.memref_slice %arg13[%add3A_84, %dma_wait3A] : memref<10240x128xf32, #tpu.memory_space<vmem_shared>> -> memref<16x128xf32, #tpu.memory_space<vmem_shared>>
      %dma_wait3A_100 = arith.constant 0 : i32
      %dma_wait3A_101 = tpu.memref_slice %arg13[%add3A_84, %dma_wait3A_100] : memref<10240x128xf32, #tpu.memory_space<vmem_shared>> -> memref<16x128xf32, #tpu.memory_space<vmem_shared>>
      tpu.wait_dma2 semaphore(%run_scoped3A : memref<!tpu.dma_semaphore, #tpu.memory_space<semaphore_mem>>) src(%arg10 : memref<16x128xf32, #tpu.memory_space<vmem>>) dst(%dma_wait3A_101 : memref<16x128xf32, #tpu.memory_space<vmem_shared>>)
      tpu.yield
    }) : () -> ()
    %add3A_85 = arith.constant 608 : i32
    %add3A_86 = arith.addi %mul3A_0, %add3A_85 : i32
    "tpu.region"() ({
      %run_scoped3A = tpu.sem_alloc : memref<!tpu.dma_semaphore, #tpu.memory_space<semaphore_mem>>
      %dma_start3A = arith.constant 0 : i32
      %dma_start3A_96 = tpu.memref_slice %arg13[%add3A_86, %dma_start3A] : memref<10240x128xf32, #tpu.memory_space<vmem_shared>> -> memref<16x128xf32, #tpu.memory_space<vmem_shared>>
      %dma_start3A_97 = arith.constant 0 : i32
      %dma_start3A_98 = tpu.memref_slice %arg13[%add3A_86, %dma_start3A_97] : memref<10240x128xf32, #tpu.memory_space<vmem_shared>> -> memref<16x128xf32, #tpu.memory_space<vmem_shared>>
      tpu.enqueue_dma source(%arg10 : memref<16x128xf32, #tpu.memory_space<vmem>>) target(%dma_start3A_98 : memref<16x128xf32, #tpu.memory_space<vmem_shared>>) target_semaphore(%run_scoped3A : memref<!tpu.dma_semaphore, #tpu.memory_space<semaphore_mem>>)
      %dma_wait3A = arith.constant 0 : i32
      %dma_wait3A_99 = tpu.memref_slice %arg13[%add3A_86, %dma_wait3A] : memref<10240x128xf32, #tpu.memory_space<vmem_shared>> -> memref<16x128xf32, #tpu.memory_space<vmem_shared>>
      %dma_wait3A_100 = arith.constant 0 : i32
      %dma_wait3A_101 = tpu.memref_slice %arg13[%add3A_86, %dma_wait3A_100] : memref<10240x128xf32, #tpu.memory_space<vmem_shared>> -> memref<16x128xf32, #tpu.memory_space<vmem_shared>>
      tpu.wait_dma2 semaphore(%run_scoped3A : memref<!tpu.dma_semaphore, #tpu.memory_space<semaphore_mem>>) src(%arg10 : memref<16x128xf32, #tpu.memory_space<vmem>>) dst(%dma_wait3A_101 : memref<16x128xf32, #tpu.memory_space<vmem_shared>>)
      tpu.yield
    }) : () -> ()
    %add3A_87 = arith.constant 624 : i32
    %add3A_88 = arith.addi %mul3A_0, %add3A_87 : i32
    "tpu.region"() ({
      %run_scoped3A = tpu.sem_alloc : memref<!tpu.dma_semaphore, #tpu.memory_space<semaphore_mem>>
      %dma_start3A = arith.constant 0 : i32
      %dma_start3A_96 = tpu.memref_slice %arg13[%add3A_88, %dma_start3A] : memref<10240x128xf32, #tpu.memory_space<vmem_shared>> -> memref<16x128xf32, #tpu.memory_space<vmem_shared>>
      %dma_start3A_97 = arith.constant 0 : i32
      %dma_start3A_98 = tpu.memref_slice %arg13[%add3A_88, %dma_start3A_97] : memref<10240x128xf32, #tpu.memory_space<vmem_shared>> -> memref<16x128xf32, #tpu.memory_space<vmem_shared>>
      tpu.enqueue_dma source(%arg10 : memref<16x128xf32, #tpu.memory_space<vmem>>) target(%dma_start3A_98 : memref<16x128xf32, #tpu.memory_space<vmem_shared>>) target_semaphore(%run_scoped3A : memref<!tpu.dma_semaphore, #tpu.memory_space<semaphore_mem>>)
      %dma_wait3A = arith.constant 0 : i32
      %dma_wait3A_99 = tpu.memref_slice %arg13[%add3A_88, %dma_wait3A] : memref<10240x128xf32, #tpu.memory_space<vmem_shared>> -> memref<16x128xf32, #tpu.memory_space<vmem_shared>>
      %dma_wait3A_100 = arith.constant 0 : i32
      %dma_wait3A_101 = tpu.memref_slice %arg13[%add3A_88, %dma_wait3A_100] : memref<10240x128xf32, #tpu.memory_space<vmem_shared>> -> memref<16x128xf32, #tpu.memory_space<vmem_shared>>
      tpu.wait_dma2 semaphore(%run_scoped3A : memref<!tpu.dma_semaphore, #tpu.memory_space<semaphore_mem>>) src(%arg10 : memref<16x128xf32, #tpu.memory_space<vmem>>) dst(%dma_wait3A_101 : memref<16x128xf32, #tpu.memory_space<vmem_shared>>)
      tpu.yield
    }) : () -> ()
    %barrier3A = arith.constant 0 : index
    tpu.barrier barrier_id(%barrier3A)
    %eq3A = arith.constant 0 : i32
    %eq3A_89 = arith.cmpi eq, %arg0, %eq3A : i32
    %convert_element_type3A = arith.extui %eq3A_89 : i1 to i32
    %cond3A = arith.constant 0 : i32
    %cond3A_90 = arith.cmpi ne, %convert_element_type3A, %cond3A : i32
    scf.if %cond3A_90 {
      "tpu.region"() ({
        %run_scoped3A = tpu.sem_alloc : memref<!tpu.dma_semaphore, #tpu.memory_space<semaphore_mem>>
        %dma_start3A_157 = arith.constant 0 : i32
        %dma_start3A_158 = arith.constant 0 : i32
        %dma_start3A_159 = tpu.memref_slice %arg3[%add3A, %dma_start3A_157, %dma_start3A_158] : memref<32x80x128xi32, #tpu.memory_space<hbm>> -> memref<1x40x128xi32, #tpu.memory_space<hbm>>
        %dma_start3A_160 = tpu.memref_squeeze %dma_start3A_159 : memref<1x40x128xi32, #tpu.memory_space<hbm>> -> memref<40x128xi32, #tpu.memory_space<hbm>>
        %dma_start3A_161 = arith.constant 0 : i32
        %dma_start3A_162 = arith.constant 0 : i32
        %dma_start3A_163 = tpu.memref_slice %arg3[%add3A, %dma_start3A_161, %dma_start3A_162] : memref<32x80x128xi32, #tpu.memory_space<hbm>> -> memref<1x40x128xi32, #tpu.memory_space<hbm>>
        %dma_start3A_164 = tpu.memref_squeeze %dma_start3A_163 : memref<1x40x128xi32, #tpu.memory_space<hbm>> -> memref<40x128xi32, #tpu.memory_space<hbm>>
        tpu.enqueue_dma source(%dma_start3A_164 : memref<40x128xi32, #tpu.memory_space<hbm>>) target(%arg7 : memref<40x128xi32, #tpu.memory_space<vmem>>) target_semaphore(%run_scoped3A : memref<!tpu.dma_semaphore, #tpu.memory_space<semaphore_mem>>)
        %dma_wait3A_165 = arith.constant 0 : i32
        %dma_wait3A_166 = arith.constant 0 : i32
        %dma_wait3A_167 = tpu.memref_slice %arg3[%add3A, %dma_wait3A_165, %dma_wait3A_166] : memref<32x80x128xi32, #tpu.memory_space<hbm>> -> memref<1x40x128xi32, #tpu.memory_space<hbm>>
        %dma_wait3A_168 = tpu.memref_squeeze %dma_wait3A_167 : memref<1x40x128xi32, #tpu.memory_space<hbm>> -> memref<40x128xi32, #tpu.memory_space<hbm>>
        %dma_wait3A_169 = arith.constant 0 : i32
        %dma_wait3A_170 = arith.constant 0 : i32
        %dma_wait3A_171 = tpu.memref_slice %arg3[%add3A, %dma_wait3A_169, %dma_wait3A_170] : memref<32x80x128xi32, #tpu.memory_space<hbm>> -> memref<1x40x128xi32, #tpu.memory_space<hbm>>
        %dma_wait3A_172 = tpu.memref_squeeze %dma_wait3A_171 : memref<1x40x128xi32, #tpu.memory_space<hbm>> -> memref<40x128xi32, #tpu.memory_space<hbm>>
        tpu.wait_dma2 semaphore(%run_scoped3A : memref<!tpu.dma_semaphore, #tpu.memory_space<semaphore_mem>>) src(%dma_wait3A_172 : memref<40x128xi32, #tpu.memory_space<hbm>>) dst(%arg7 : memref<40x128xi32, #tpu.memory_space<vmem>>)
        tpu.yield
      }) : () -> ()
      "tpu.region"() ({
        %run_scoped3A = tpu.sem_alloc : memref<!tpu.dma_semaphore, #tpu.memory_space<semaphore_mem>>
        %dma_start3A_157 = arith.constant 0 : i32
        %dma_start3A_158 = arith.constant 0 : i32
        %dma_start3A_159 = tpu.memref_slice %arg4[%add3A, %dma_start3A_157, %dma_start3A_158] : memref<32x80x128xi32, #tpu.memory_space<hbm>> -> memref<1x40x128xi32, #tpu.memory_space<hbm>>
        %dma_start3A_160 = tpu.memref_squeeze %dma_start3A_159 : memref<1x40x128xi32, #tpu.memory_space<hbm>> -> memref<40x128xi32, #tpu.memory_space<hbm>>
        %dma_start3A_161 = arith.constant 0 : i32
        %dma_start3A_162 = arith.constant 0 : i32
        %dma_start3A_163 = tpu.memref_slice %arg4[%add3A, %dma_start3A_161, %dma_start3A_162] : memref<32x80x128xi32, #tpu.memory_space<hbm>> -> memref<1x40x128xi32, #tpu.memory_space<hbm>>
        %dma_start3A_164 = tpu.memref_squeeze %dma_start3A_163 : memref<1x40x128xi32, #tpu.memory_space<hbm>> -> memref<40x128xi32, #tpu.memory_space<hbm>>
        tpu.enqueue_dma source(%dma_start3A_164 : memref<40x128xi32, #tpu.memory_space<hbm>>) target(%arg8 : memref<40x128xi32, #tpu.memory_space<vmem>>) target_semaphore(%run_scoped3A : memref<!tpu.dma_semaphore, #tpu.memory_space<semaphore_mem>>)
        %dma_wait3A_165 = arith.constant 0 : i32
        %dma_wait3A_166 = arith.constant 0 : i32
        %dma_wait3A_167 = tpu.memref_slice %arg4[%add3A, %dma_wait3A_165, %dma_wait3A_166] : memref<32x80x128xi32, #tpu.memory_space<hbm>> -> memref<1x40x128xi32, #tpu.memory_space<hbm>>
        %dma_wait3A_168 = tpu.memref_squeeze %dma_wait3A_167 : memref<1x40x128xi32, #tpu.memory_space<hbm>> -> memref<40x128xi32, #tpu.memory_space<hbm>>
        %dma_wait3A_169 = arith.constant 0 : i32
        %dma_wait3A_170 = arith.constant 0 : i32
        %dma_wait3A_171 = tpu.memref_slice %arg4[%add3A, %dma_wait3A_169, %dma_wait3A_170] : memref<32x80x128xi32, #tpu.memory_space<hbm>> -> memref<1x40x128xi32, #tpu.memory_space<hbm>>
        %dma_wait3A_172 = tpu.memref_squeeze %dma_wait3A_171 : memref<1x40x128xi32, #tpu.memory_space<hbm>> -> memref<40x128xi32, #tpu.memory_space<hbm>>
        tpu.wait_dma2 semaphore(%run_scoped3A : memref<!tpu.dma_semaphore, #tpu.memory_space<semaphore_mem>>) src(%dma_wait3A_172 : memref<40x128xi32, #tpu.memory_space<hbm>>) dst(%arg8 : memref<40x128xi32, #tpu.memory_space<vmem>>)
        tpu.yield
      }) : () -> ()
      %dma_start3A = arith.constant 0 : i32
      %dma_start3A_96 = arith.constant 0 : i32
      %dma_start3A_97 = arith.constant 0 : i32
      %dma_start3A_98 = arith.constant 0 : i32
      %dma_start3A_99 = tpu.memref_slice %arg9[%dma_start3A_96, %dma_start3A_97, %dma_start3A_98] : memref<2x128x128xf32, #tpu.memory_space<vmem>> -> memref<1x128x128xf32, #tpu.memory_space<vmem>>
      %dma_start3A_100 = tpu.memref_squeeze %dma_start3A_99 : memref<1x128x128xf32, #tpu.memory_space<vmem>> -> memref<128x128xf32, #tpu.memory_space<vmem>>
      %dma_start3A_101 = arith.constant 0 : i32
      %dma_start3A_102 = tpu.memref_slice %arg7[%dma_start3A, %dma_start3A_101] : memref<40x128xi32, #tpu.memory_space<vmem>> -> memref<1x128xi32, #tpu.memory_space<vmem>>
      %dma_start3A_103 = tpu.memref_squeeze %dma_start3A_102 : memref<1x128xi32, #tpu.memory_space<vmem>> -> memref<128xi32, #tpu.memory_space<vmem>>
      %dma_start3A_104 = arith.constant 0 : i32
      %dma_start3A_105 = arith.constant 0 : i32
      %dma_start3A_106 = tpu.memref_slice %arg2[%dma_start3A_104, %dma_start3A_105] : memref<10240x128xf32, #tpu.memory_space<hbm>> -> memref<10240x128xf32, #tpu.memory_space<hbm>>
      tpu.enqueue_indirect_dma source(%dma_start3A_106 : memref<10240x128xf32, #tpu.memory_space<hbm>>) target(%dma_start3A_100 : memref<128x128xf32, #tpu.memory_space<vmem>>) offsets(%dma_start3A_103 : memref<128xi32, #tpu.memory_space<vmem>>) semaphore(%arg11 : memref<!tpu.dma_semaphore, #tpu.memory_space<semaphore_mem>>)
      %scan3A_107 = arith.constant 0 : i32
      %scan3A_108 = arith.constant 0 : i32
      %scan3A_109 = arith.constant 40 : i32
      %scan3A_110 = arith.addi %scan3A_108, %scan3A_109 : i32
      %scan3A_111 = arith.constant 1 : i32
      %scan3A_112 = scf.for %scan3A_157 = %scan3A_108 to %scan3A_110 step %scan3A_111 iter_args(%scan3A_158 = %scan3A_107) -> (i32)  : i32 {
        %jit3A = arith.constant 2 : i32
        %eq3A_159 = arith.constant 0 : i32
        %eq3A_160 = arith.cmpi eq, %jit3A, %eq3A_159 : i32
        %jit3A_161 = arith.constant 1 : i32
        %select_n3A = arith.select %eq3A_160, %jit3A_161, %jit3A : i32
        %rem3A = arith.remsi %scan3A_157, %select_n3A : i32
        %ne3A = arith.constant 0 : i32
        %ne3A_162 = arith.cmpi ne, %rem3A, %ne3A : i32
        %lt3A = arith.constant 0 : i32
        %lt3A_163 = arith.cmpi slt, %rem3A, %lt3A : i32
        %lt3A_164 = arith.constant 0 : i32
        %lt3A_165 = arith.cmpi slt, %select_n3A, %lt3A_164 : i32
        %ne3A_166 = arith.xori %lt3A_163, %lt3A_165 : i1
        %and3A = arith.andi %ne3A_166, %ne3A_162 : i1
        %add3A_167 = arith.addi %rem3A, %select_n3A : i32
        %select_n3A_168 = arith.select %and3A, %add3A_167, %rem3A : i32
        %add3A_169 = arith.constant 1 : i32
        %add3A_170 = arith.addi %scan3A_157, %add3A_169 : i32
        %jit3A_171 = arith.constant 2 : i32
        %eq3A_172 = arith.constant 0 : i32
        %eq3A_173 = arith.cmpi eq, %jit3A_171, %eq3A_172 : i32
        %jit3A_174 = arith.constant 1 : i32
        %select_n3A_175 = arith.select %eq3A_173, %jit3A_174, %jit3A_171 : i32
        %rem3A_176 = arith.remsi %add3A_170, %select_n3A_175 : i32
        %ne3A_177 = arith.constant 0 : i32
        %ne3A_178 = arith.cmpi ne, %rem3A_176, %ne3A_177 : i32
        %lt3A_179 = arith.constant 0 : i32
        %lt3A_180 = arith.cmpi slt, %rem3A_176, %lt3A_179 : i32
        %lt3A_181 = arith.constant 0 : i32
        %lt3A_182 = arith.cmpi slt, %select_n3A_175, %lt3A_181 : i32
        %ne3A_183 = arith.xori %lt3A_180, %lt3A_182 : i1
        %and3A_184 = arith.andi %ne3A_183, %ne3A_178 : i1
        %add3A_185 = arith.addi %rem3A_176, %select_n3A_175 : i32
        %select_n3A_186 = arith.select %and3A_184, %add3A_185, %rem3A_176 : i32
        %dma_wait3A_187 = arith.constant 0 : i32
        %dma_wait3A_188 = arith.constant 0 : i32
        %dma_wait3A_189 = tpu.memref_slice %arg9[%select_n3A_168, %dma_wait3A_187, %dma_wait3A_188] : memref<2x128x128xf32, #tpu.memory_space<vmem>> -> memref<1x128x128xf32, #tpu.memory_space<vmem>>
        %dma_wait3A_190 = tpu.memref_squeeze %dma_wait3A_189 : memref<1x128x128xf32, #tpu.memory_space<vmem>> -> memref<128x128xf32, #tpu.memory_space<vmem>>
        %dma_wait3A_191 = arith.constant 0 : i32
        %dma_wait3A_192 = tpu.memref_slice %arg7[%scan3A_157, %dma_wait3A_191] : memref<40x128xi32, #tpu.memory_space<vmem>> -> memref<1x128xi32, #tpu.memory_space<vmem>>
        %dma_wait3A_193 = tpu.memref_squeeze %dma_wait3A_192 : memref<1x128xi32, #tpu.memory_space<vmem>> -> memref<128xi32, #tpu.memory_space<vmem>>
        %dma_wait3A_194 = arith.constant 0 : i32
        %dma_wait3A_195 = arith.constant 0 : i32
        %dma_wait3A_196 = tpu.memref_slice %arg2[%dma_wait3A_194, %dma_wait3A_195] : memref<10240x128xf32, #tpu.memory_space<hbm>> -> memref<10240x128xf32, #tpu.memory_space<hbm>>
        tpu.wait_indirect_dma semaphore(%arg11 : memref<!tpu.dma_semaphore, #tpu.memory_space<semaphore_mem>>) src(%dma_wait3A_196 : memref<10240x128xf32, #tpu.memory_space<hbm>>) dst(%dma_wait3A_190 : memref<128x128xf32, #tpu.memory_space<vmem>>)
        %dma_start3A_197 = arith.constant 0 : i32
        %dma_start3A_198 = arith.constant 0 : i32
        %dma_start3A_199 = tpu.memref_slice %arg9[%select_n3A_168, %dma_start3A_197, %dma_start3A_198] : memref<2x128x128xf32, #tpu.memory_space<vmem>> -> memref<1x128x128xf32, #tpu.memory_space<vmem>>
        %dma_start3A_200 = tpu.memref_squeeze %dma_start3A_199 : memref<1x128x128xf32, #tpu.memory_space<vmem>> -> memref<128x128xf32, #tpu.memory_space<vmem>>
        %dma_start3A_201 = arith.constant 0 : i32
        %dma_start3A_202 = tpu.memref_slice %arg8[%scan3A_157, %dma_start3A_201] : memref<40x128xi32, #tpu.memory_space<vmem>> -> memref<1x128xi32, #tpu.memory_space<vmem>>
        %dma_start3A_203 = tpu.memref_squeeze %dma_start3A_202 : memref<1x128xi32, #tpu.memory_space<vmem>> -> memref<128xi32, #tpu.memory_space<vmem>>
        %dma_start3A_204 = arith.constant 0 : i32
        %dma_start3A_205 = arith.constant 0 : i32
        %dma_start3A_206 = tpu.memref_slice %arg13[%dma_start3A_204, %dma_start3A_205] : memref<10240x128xf32, #tpu.memory_space<vmem_shared>> -> memref<10240x128xf32, #tpu.memory_space<vmem_shared>>
        tpu.enqueue_indirect_dma source(%dma_start3A_200 : memref<128x128xf32, #tpu.memory_space<vmem>>) target(%dma_start3A_206 : memref<10240x128xf32, #tpu.memory_space<vmem_shared>>) offsets(%dma_start3A_203 : memref<128xi32, #tpu.memory_space<vmem>>) semaphore(%arg12 : memref<!tpu.dma_semaphore, #tpu.memory_space<semaphore_mem>>) {add = true}
        %ge3A = arith.constant 1 : i32
        %ge3A_207 = arith.cmpi sge, %scan3A_157, %ge3A : i32
        %convert_element_type3A_208 = arith.extui %ge3A_207 : i1 to i32
        %cond3A_209 = arith.constant 0 : i32
        %cond3A_210 = arith.cmpi ne, %convert_element_type3A_208, %cond3A_209 : i32
        scf.if %cond3A_210 {
          %sub3A = arith.constant 1 : i32
          %sub3A_219 = arith.subi %scan3A_157, %sub3A : i32
          %dma_wait3A_220 = arith.constant 0 : i32
          %dma_wait3A_221 = arith.constant 0 : i32
          %dma_wait3A_222 = tpu.memref_slice %arg9[%select_n3A_186, %dma_wait3A_220, %dma_wait3A_221] : memref<2x128x128xf32, #tpu.memory_space<vmem>> -> memref<1x128x128xf32, #tpu.memory_space<vmem>>
          %dma_wait3A_223 = tpu.memref_squeeze %dma_wait3A_222 : memref<1x128x128xf32, #tpu.memory_space<vmem>> -> memref<128x128xf32, #tpu.memory_space<vmem>>
          %dma_wait3A_224 = arith.constant 0 : i32
          %dma_wait3A_225 = tpu.memref_slice %arg8[%sub3A_219, %dma_wait3A_224] : memref<40x128xi32, #tpu.memory_space<vmem>> -> memref<1x128xi32, #tpu.memory_space<vmem>>
          %dma_wait3A_226 = tpu.memref_squeeze %dma_wait3A_225 : memref<1x128xi32, #tpu.memory_space<vmem>> -> memref<128xi32, #tpu.memory_space<vmem>>
          %dma_wait3A_227 = arith.constant 0 : i32
          %dma_wait3A_228 = arith.constant 0 : i32
          %dma_wait3A_229 = tpu.memref_slice %arg13[%dma_wait3A_227, %dma_wait3A_228] : memref<10240x128xf32, #tpu.memory_space<vmem_shared>> -> memref<10240x128xf32, #tpu.memory_space<vmem_shared>>
          tpu.wait_indirect_dma semaphore(%arg12 : memref<!tpu.dma_semaphore, #tpu.memory_space<semaphore_mem>>) src(%dma_wait3A_223 : memref<128x128xf32, #tpu.memory_space<vmem>>) dst(%dma_wait3A_229 : memref<10240x128xf32, #tpu.memory_space<vmem_shared>>)
        } else {
        }
        %add3A_211 = arith.constant 1 : i32
        %add3A_212 = arith.addi %scan3A_157, %add3A_211 : i32
        %lt3A_213 = arith.constant 40 : i32
        %lt3A_214 = arith.cmpi slt, %add3A_212, %lt3A_213 : i32
        %convert_element_type3A_215 = arith.extui %lt3A_214 : i1 to i32
        %cond3A_216 = arith.constant 0 : i32
        %cond3A_217 = arith.cmpi ne, %convert_element_type3A_215, %cond3A_216 : i32
        scf.if %cond3A_217 {
          %add3A_219 = arith.constant 1 : i32
          %add3A_220 = arith.addi %scan3A_157, %add3A_219 : i32
          %dma_start3A_221 = arith.constant 0 : i32
          %dma_start3A_222 = arith.constant 0 : i32
          %dma_start3A_223 = tpu.memref_slice %arg9[%select_n3A_186, %dma_start3A_221, %dma_start3A_222] : memref<2x128x128xf32, #tpu.memory_space<vmem>> -> memref<1x128x128xf32, #tpu.memory_space<vmem>>
          %dma_start3A_224 = tpu.memref_squeeze %dma_start3A_223 : memref<1x128x128xf32, #tpu.memory_space<vmem>> -> memref<128x128xf32, #tpu.memory_space<vmem>>
          %dma_start3A_225 = arith.constant 0 : i32
          %dma_start3A_226 = tpu.memref_slice %arg7[%add3A_220, %dma_start3A_225] : memref<40x128xi32, #tpu.memory_space<vmem>> -> memref<1x128xi32, #tpu.memory_space<vmem>>
          %dma_start3A_227 = tpu.memref_squeeze %dma_start3A_226 : memref<1x128xi32, #tpu.memory_space<vmem>> -> memref<128xi32, #tpu.memory_space<vmem>>
          %dma_start3A_228 = arith.constant 0 : i32
          %dma_start3A_229 = arith.constant 0 : i32
          %dma_start3A_230 = tpu.memref_slice %arg2[%dma_start3A_228, %dma_start3A_229] : memref<10240x128xf32, #tpu.memory_space<hbm>> -> memref<10240x128xf32, #tpu.memory_space<hbm>>
          tpu.enqueue_indirect_dma source(%dma_start3A_230 : memref<10240x128xf32, #tpu.memory_space<hbm>>) target(%dma_start3A_224 : memref<128x128xf32, #tpu.memory_space<vmem>>) offsets(%dma_start3A_227 : memref<128xi32, #tpu.memory_space<vmem>>) semaphore(%arg11 : memref<!tpu.dma_semaphore, #tpu.memory_space<semaphore_mem>>)
        } else {
        }
        %scan3A_218 = arith.constant 0 : i32
        scf.yield %scan3A_218 : i32
      }
      %scan3A_113 = arith.constant 40 : i32
      %dma_wait3A = arith.constant 1 : i32
      %dma_wait3A_114 = arith.constant 39 : i32
      %dma_wait3A_115 = arith.constant 0 : i32
      %dma_wait3A_116 = arith.constant 0 : i32
      %dma_wait3A_117 = tpu.memref_slice %arg9[%dma_wait3A, %dma_wait3A_115, %dma_wait3A_116] : memref<2x128x128xf32, #tpu.memory_space<vmem>> -> memref<1x128x128xf32, #tpu.memory_space<vmem>>
      %dma_wait3A_118 = tpu.memref_squeeze %dma_wait3A_117 : memref<1x128x128xf32, #tpu.memory_space<vmem>> -> memref<128x128xf32, #tpu.memory_space<vmem>>
      %dma_wait3A_119 = arith.constant 0 : i32
      %dma_wait3A_120 = tpu.memref_slice %arg8[%dma_wait3A_114, %dma_wait3A_119] : memref<40x128xi32, #tpu.memory_space<vmem>> -> memref<1x128xi32, #tpu.memory_space<vmem>>
      %dma_wait3A_121 = tpu.memref_squeeze %dma_wait3A_120 : memref<1x128xi32, #tpu.memory_space<vmem>> -> memref<128xi32, #tpu.memory_space<vmem>>
      %dma_wait3A_122 = arith.constant 0 : i32
      %dma_wait3A_123 = arith.constant 0 : i32
      %dma_wait3A_124 = tpu.memref_slice %arg13[%dma_wait3A_122, %dma_wait3A_123] : memref<10240x128xf32, #tpu.memory_space<vmem_shared>> -> memref<10240x128xf32, #tpu.memory_space<vmem_shared>>
      tpu.wait_indirect_dma semaphore(%arg12 : memref<!tpu.dma_semaphore, #tpu.memory_space<semaphore_mem>>) src(%dma_wait3A_118 : memref<128x128xf32, #tpu.memory_space<vmem>>) dst(%dma_wait3A_124 : memref<10240x128xf32, #tpu.memory_space<vmem_shared>>)
      "tpu.region"() ({
        %run_scoped3A = tpu.sem_alloc : memref<!tpu.dma_semaphore, #tpu.memory_space<semaphore_mem>>
        %dma_start3A_157 = arith.constant 40 : i32
        %dma_start3A_158 = arith.constant 0 : i32
        %dma_start3A_159 = tpu.memref_slice %arg3[%add3A, %dma_start3A_157, %dma_start3A_158] : memref<32x80x128xi32, #tpu.memory_space<hbm>> -> memref<1x40x128xi32, #tpu.memory_space<hbm>>
        %dma_start3A_160 = tpu.memref_squeeze %dma_start3A_159 : memref<1x40x128xi32, #tpu.memory_space<hbm>> -> memref<40x128xi32, #tpu.memory_space<hbm>>
        %dma_start3A_161 = arith.constant 40 : i32
        %dma_start3A_162 = arith.constant 0 : i32
        %dma_start3A_163 = tpu.memref_slice %arg3[%add3A, %dma_start3A_161, %dma_start3A_162] : memref<32x80x128xi32, #tpu.memory_space<hbm>> -> memref<1x40x128xi32, #tpu.memory_space<hbm>>
        %dma_start3A_164 = tpu.memref_squeeze %dma_start3A_163 : memref<1x40x128xi32, #tpu.memory_space<hbm>> -> memref<40x128xi32, #tpu.memory_space<hbm>>
        tpu.enqueue_dma source(%dma_start3A_164 : memref<40x128xi32, #tpu.memory_space<hbm>>) target(%arg7 : memref<40x128xi32, #tpu.memory_space<vmem>>) target_semaphore(%run_scoped3A : memref<!tpu.dma_semaphore, #tpu.memory_space<semaphore_mem>>)
        %dma_wait3A_165 = arith.constant 40 : i32
        %dma_wait3A_166 = arith.constant 0 : i32
        %dma_wait3A_167 = tpu.memref_slice %arg3[%add3A, %dma_wait3A_165, %dma_wait3A_166] : memref<32x80x128xi32, #tpu.memory_space<hbm>> -> memref<1x40x128xi32, #tpu.memory_space<hbm>>
        %dma_wait3A_168 = tpu.memref_squeeze %dma_wait3A_167 : memref<1x40x128xi32, #tpu.memory_space<hbm>> -> memref<40x128xi32, #tpu.memory_space<hbm>>
        %dma_wait3A_169 = arith.constant 40 : i32
        %dma_wait3A_170 = arith.constant 0 : i32
        %dma_wait3A_171 = tpu.memref_slice %arg3[%add3A, %dma_wait3A_169, %dma_wait3A_170] : memref<32x80x128xi32, #tpu.memory_space<hbm>> -> memref<1x40x128xi32, #tpu.memory_space<hbm>>
        %dma_wait3A_172 = tpu.memref_squeeze %dma_wait3A_171 : memref<1x40x128xi32, #tpu.memory_space<hbm>> -> memref<40x128xi32, #tpu.memory_space<hbm>>
        tpu.wait_dma2 semaphore(%run_scoped3A : memref<!tpu.dma_semaphore, #tpu.memory_space<semaphore_mem>>) src(%dma_wait3A_172 : memref<40x128xi32, #tpu.memory_space<hbm>>) dst(%arg7 : memref<40x128xi32, #tpu.memory_space<vmem>>)
        tpu.yield
      }) : () -> ()
      "tpu.region"() ({
        %run_scoped3A = tpu.sem_alloc : memref<!tpu.dma_semaphore, #tpu.memory_space<semaphore_mem>>
        %dma_start3A_157 = arith.constant 40 : i32
        %dma_start3A_158 = arith.constant 0 : i32
        %dma_start3A_159 = tpu.memref_slice %arg4[%add3A, %dma_start3A_157, %dma_start3A_158] : memref<32x80x128xi32, #tpu.memory_space<hbm>> -> memref<1x40x128xi32, #tpu.memory_space<hbm>>
        %dma_start3A_160 = tpu.memref_squeeze %dma_start3A_159 : memref<1x40x128xi32, #tpu.memory_space<hbm>> -> memref<40x128xi32, #tpu.memory_space<hbm>>
        %dma_start3A_161 = arith.constant 40 : i32
        %dma_start3A_162 = arith.constant 0 : i32
        %dma_start3A_163 = tpu.memref_slice %arg4[%add3A, %dma_start3A_161, %dma_start3A_162] : memref<32x80x128xi32, #tpu.memory_space<hbm>> -> memref<1x40x128xi32, #tpu.memory_space<hbm>>
        %dma_start3A_164 = tpu.memref_squeeze %dma_start3A_163 : memref<1x40x128xi32, #tpu.memory_space<hbm>> -> memref<40x128xi32, #tpu.memory_space<hbm>>
        tpu.enqueue_dma source(%dma_start3A_164 : memref<40x128xi32, #tpu.memory_space<hbm>>) target(%arg8 : memref<40x128xi32, #tpu.memory_space<vmem>>) target_semaphore(%run_scoped3A : memref<!tpu.dma_semaphore, #tpu.memory_space<semaphore_mem>>)
        %dma_wait3A_165 = arith.constant 40 : i32
        %dma_wait3A_166 = arith.constant 0 : i32
        %dma_wait3A_167 = tpu.memref_slice %arg4[%add3A, %dma_wait3A_165, %dma_wait3A_166] : memref<32x80x128xi32, #tpu.memory_space<hbm>> -> memref<1x40x128xi32, #tpu.memory_space<hbm>>
        %dma_wait3A_168 = tpu.memref_squeeze %dma_wait3A_167 : memref<1x40x128xi32, #tpu.memory_space<hbm>> -> memref<40x128xi32, #tpu.memory_space<hbm>>
        %dma_wait3A_169 = arith.constant 40 : i32
        %dma_wait3A_170 = arith.constant 0 : i32
        %dma_wait3A_171 = tpu.memref_slice %arg4[%add3A, %dma_wait3A_169, %dma_wait3A_170] : memref<32x80x128xi32, #tpu.memory_space<hbm>> -> memref<1x40x128xi32, #tpu.memory_space<hbm>>
        %dma_wait3A_172 = tpu.memref_squeeze %dma_wait3A_171 : memref<1x40x128xi32, #tpu.memory_space<hbm>> -> memref<40x128xi32, #tpu.memory_space<hbm>>
        tpu.wait_dma2 semaphore(%run_scoped3A : memref<!tpu.dma_semaphore, #tpu.memory_space<semaphore_mem>>) src(%dma_wait3A_172 : memref<40x128xi32, #tpu.memory_space<hbm>>) dst(%arg8 : memref<40x128xi32, #tpu.memory_space<vmem>>)
        tpu.yield
      }) : () -> ()
      %dma_start3A_125 = arith.constant 0 : i32
      %dma_start3A_126 = arith.constant 0 : i32
      %dma_start3A_127 = arith.constant 0 : i32
      %dma_start3A_128 = arith.constant 0 : i32
      %dma_start3A_129 = tpu.memref_slice %arg9[%dma_start3A_126, %dma_start3A_127, %dma_start3A_128] : memref<2x128x128xf32, #tpu.memory_space<vmem>> -> memref<1x128x128xf32, #tpu.memory_space<vmem>>
      %dma_start3A_130 = tpu.memref_squeeze %dma_start3A_129 : memref<1x128x128xf32, #tpu.memory_space<vmem>> -> memref<128x128xf32, #tpu.memory_space<vmem>>
      %dma_start3A_131 = arith.constant 0 : i32
      %dma_start3A_132 = tpu.memref_slice %arg7[%dma_start3A_125, %dma_start3A_131] : memref<40x128xi32, #tpu.memory_space<vmem>> -> memref<1x128xi32, #tpu.memory_space<vmem>>
      %dma_start3A_133 = tpu.memref_squeeze %dma_start3A_132 : memref<1x128xi32, #tpu.memory_space<vmem>> -> memref<128xi32, #tpu.memory_space<vmem>>
      %dma_start3A_134 = arith.constant 0 : i32
      %dma_start3A_135 = arith.constant 0 : i32
      %dma_start3A_136 = tpu.memref_slice %arg2[%dma_start3A_134, %dma_start3A_135] : memref<10240x128xf32, #tpu.memory_space<hbm>> -> memref<10240x128xf32, #tpu.memory_space<hbm>>
      tpu.enqueue_indirect_dma source(%dma_start3A_136 : memref<10240x128xf32, #tpu.memory_space<hbm>>) target(%dma_start3A_130 : memref<128x128xf32, #tpu.memory_space<vmem>>) offsets(%dma_start3A_133 : memref<128xi32, #tpu.memory_space<vmem>>) semaphore(%arg11 : memref<!tpu.dma_semaphore, #tpu.memory_space<semaphore_mem>>)
      %scan3A_137 = arith.constant 0 : i32
      %scan3A_138 = arith.constant 0 : i32
      %scan3A_139 = arith.constant 40 : i32
      %scan3A_140 = arith.addi %scan3A_138, %scan3A_139 : i32
      %scan3A_141 = arith.constant 1 : i32
      %scan3A_142 = scf.for %scan3A_157 = %scan3A_138 to %scan3A_140 step %scan3A_141 iter_args(%scan3A_158 = %scan3A_137) -> (i32)  : i32 {
        %jit3A = arith.constant 2 : i32
        %eq3A_159 = arith.constant 0 : i32
        %eq3A_160 = arith.cmpi eq, %jit3A, %eq3A_159 : i32
        %jit3A_161 = arith.constant 1 : i32
        %select_n3A = arith.select %eq3A_160, %jit3A_161, %jit3A : i32
        %rem3A = arith.remsi %scan3A_157, %select_n3A : i32
        %ne3A = arith.constant 0 : i32
        %ne3A_162 = arith.cmpi ne, %rem3A, %ne3A : i32
        %lt3A = arith.constant 0 : i32
        %lt3A_163 = arith.cmpi slt, %rem3A, %lt3A : i32
        %lt3A_164 = arith.constant 0 : i32
        %lt3A_165 = arith.cmpi slt, %select_n3A, %lt3A_164 : i32
        %ne3A_166 = arith.xori %lt3A_163, %lt3A_165 : i1
        %and3A = arith.andi %ne3A_166, %ne3A_162 : i1
        %add3A_167 = arith.addi %rem3A, %select_n3A : i32
        %select_n3A_168 = arith.select %and3A, %add3A_167, %rem3A : i32
        %add3A_169 = arith.constant 1 : i32
        %add3A_170 = arith.addi %scan3A_157, %add3A_169 : i32
        %jit3A_171 = arith.constant 2 : i32
        %eq3A_172 = arith.constant 0 : i32
        %eq3A_173 = arith.cmpi eq, %jit3A_171, %eq3A_172 : i32
        %jit3A_174 = arith.constant 1 : i32
        %select_n3A_175 = arith.select %eq3A_173, %jit3A_174, %jit3A_171 : i32
        %rem3A_176 = arith.remsi %add3A_170, %select_n3A_175 : i32
        %ne3A_177 = arith.constant 0 : i32
        %ne3A_178 = arith.cmpi ne, %rem3A_176, %ne3A_177 : i32
        %lt3A_179 = arith.constant 0 : i32
        %lt3A_180 = arith.cmpi slt, %rem3A_176, %lt3A_179 : i32
        %lt3A_181 = arith.constant 0 : i32
        %lt3A_182 = arith.cmpi slt, %select_n3A_175, %lt3A_181 : i32
        %ne3A_183 = arith.xori %lt3A_180, %lt3A_182 : i1
        %and3A_184 = arith.andi %ne3A_183, %ne3A_178 : i1
        %add3A_185 = arith.addi %rem3A_176, %select_n3A_175 : i32
        %select_n3A_186 = arith.select %and3A_184, %add3A_185, %rem3A_176 : i32
        %dma_wait3A_187 = arith.constant 0 : i32
        %dma_wait3A_188 = arith.constant 0 : i32
        %dma_wait3A_189 = tpu.memref_slice %arg9[%select_n3A_168, %dma_wait3A_187, %dma_wait3A_188] : memref<2x128x128xf32, #tpu.memory_space<vmem>> -> memref<1x128x128xf32, #tpu.memory_space<vmem>>
        %dma_wait3A_190 = tpu.memref_squeeze %dma_wait3A_189 : memref<1x128x128xf32, #tpu.memory_space<vmem>> -> memref<128x128xf32, #tpu.memory_space<vmem>>
        %dma_wait3A_191 = arith.constant 0 : i32
        %dma_wait3A_192 = tpu.memref_slice %arg7[%scan3A_157, %dma_wait3A_191] : memref<40x128xi32, #tpu.memory_space<vmem>> -> memref<1x128xi32, #tpu.memory_space<vmem>>
        %dma_wait3A_193 = tpu.memref_squeeze %dma_wait3A_192 : memref<1x128xi32, #tpu.memory_space<vmem>> -> memref<128xi32, #tpu.memory_space<vmem>>
        %dma_wait3A_194 = arith.constant 0 : i32
        %dma_wait3A_195 = arith.constant 0 : i32
        %dma_wait3A_196 = tpu.memref_slice %arg2[%dma_wait3A_194, %dma_wait3A_195] : memref<10240x128xf32, #tpu.memory_space<hbm>> -> memref<10240x128xf32, #tpu.memory_space<hbm>>
        tpu.wait_indirect_dma semaphore(%arg11 : memref<!tpu.dma_semaphore, #tpu.memory_space<semaphore_mem>>) src(%dma_wait3A_196 : memref<10240x128xf32, #tpu.memory_space<hbm>>) dst(%dma_wait3A_190 : memref<128x128xf32, #tpu.memory_space<vmem>>)
        %dma_start3A_197 = arith.constant 0 : i32
        %dma_start3A_198 = arith.constant 0 : i32
        %dma_start3A_199 = tpu.memref_slice %arg9[%select_n3A_168, %dma_start3A_197, %dma_start3A_198] : memref<2x128x128xf32, #tpu.memory_space<vmem>> -> memref<1x128x128xf32, #tpu.memory_space<vmem>>
        %dma_start3A_200 = tpu.memref_squeeze %dma_start3A_199 : memref<1x128x128xf32, #tpu.memory_space<vmem>> -> memref<128x128xf32, #tpu.memory_space<vmem>>
        %dma_start3A_201 = arith.constant 0 : i32
        %dma_start3A_202 = tpu.memref_slice %arg8[%scan3A_157, %dma_start3A_201] : memref<40x128xi32, #tpu.memory_space<vmem>> -> memref<1x128xi32, #tpu.memory_space<vmem>>
        %dma_start3A_203 = tpu.memref_squeeze %dma_start3A_202 : memref<1x128xi32, #tpu.memory_space<vmem>> -> memref<128xi32, #tpu.memory_space<vmem>>
        %dma_start3A_204 = arith.constant 0 : i32
        %dma_start3A_205 = arith.constant 0 : i32
        %dma_start3A_206 = tpu.memref_slice %arg13[%dma_start3A_204, %dma_start3A_205] : memref<10240x128xf32, #tpu.memory_space<vmem_shared>> -> memref<10240x128xf32, #tpu.memory_space<vmem_shared>>
        tpu.enqueue_indirect_dma source(%dma_start3A_200 : memref<128x128xf32, #tpu.memory_space<vmem>>) target(%dma_start3A_206 : memref<10240x128xf32, #tpu.memory_space<vmem_shared>>) offsets(%dma_start3A_203 : memref<128xi32, #tpu.memory_space<vmem>>) semaphore(%arg12 : memref<!tpu.dma_semaphore, #tpu.memory_space<semaphore_mem>>) {add = true}
        %ge3A = arith.constant 1 : i32
        %ge3A_207 = arith.cmpi sge, %scan3A_157, %ge3A : i32
        %convert_element_type3A_208 = arith.extui %ge3A_207 : i1 to i32
        %cond3A_209 = arith.constant 0 : i32
        %cond3A_210 = arith.cmpi ne, %convert_element_type3A_208, %cond3A_209 : i32
        scf.if %cond3A_210 {
          %sub3A = arith.constant 1 : i32
          %sub3A_219 = arith.subi %scan3A_157, %sub3A : i32
          %dma_wait3A_220 = arith.constant 0 : i32
          %dma_wait3A_221 = arith.constant 0 : i32
          %dma_wait3A_222 = tpu.memref_slice %arg9[%select_n3A_186, %dma_wait3A_220, %dma_wait3A_221] : memref<2x128x128xf32, #tpu.memory_space<vmem>> -> memref<1x128x128xf32, #tpu.memory_space<vmem>>
          %dma_wait3A_223 = tpu.memref_squeeze %dma_wait3A_222 : memref<1x128x128xf32, #tpu.memory_space<vmem>> -> memref<128x128xf32, #tpu.memory_space<vmem>>
          %dma_wait3A_224 = arith.constant 0 : i32
          %dma_wait3A_225 = tpu.memref_slice %arg8[%sub3A_219, %dma_wait3A_224] : memref<40x128xi32, #tpu.memory_space<vmem>> -> memref<1x128xi32, #tpu.memory_space<vmem>>
          %dma_wait3A_226 = tpu.memref_squeeze %dma_wait3A_225 : memref<1x128xi32, #tpu.memory_space<vmem>> -> memref<128xi32, #tpu.memory_space<vmem>>
          %dma_wait3A_227 = arith.constant 0 : i32
          %dma_wait3A_228 = arith.constant 0 : i32
          %dma_wait3A_229 = tpu.memref_slice %arg13[%dma_wait3A_227, %dma_wait3A_228] : memref<10240x128xf32, #tpu.memory_space<vmem_shared>> -> memref<10240x128xf32, #tpu.memory_space<vmem_shared>>
          tpu.wait_indirect_dma semaphore(%arg12 : memref<!tpu.dma_semaphore, #tpu.memory_space<semaphore_mem>>) src(%dma_wait3A_223 : memref<128x128xf32, #tpu.memory_space<vmem>>) dst(%dma_wait3A_229 : memref<10240x128xf32, #tpu.memory_space<vmem_shared>>)
        } else {
        }
        %add3A_211 = arith.constant 1 : i32
        %add3A_212 = arith.addi %scan3A_157, %add3A_211 : i32
        %lt3A_213 = arith.constant 40 : i32
        %lt3A_214 = arith.cmpi slt, %add3A_212, %lt3A_213 : i32
        %convert_element_type3A_215 = arith.extui %lt3A_214 : i1 to i32
        %cond3A_216 = arith.constant 0 : i32
        %cond3A_217 = arith.cmpi ne, %convert_element_type3A_215, %cond3A_216 : i32
        scf.if %cond3A_217 {
          %add3A_219 = arith.constant 1 : i32
          %add3A_220 = arith.addi %scan3A_157, %add3A_219 : i32
          %dma_start3A_221 = arith.constant 0 : i32
          %dma_start3A_222 = arith.constant 0 : i32
          %dma_start3A_223 = tpu.memref_slice %arg9[%select_n3A_186, %dma_start3A_221, %dma_start3A_222] : memref<2x128x128xf32, #tpu.memory_space<vmem>> -> memref<1x128x128xf32, #tpu.memory_space<vmem>>
          %dma_start3A_224 = tpu.memref_squeeze %dma_start3A_223 : memref<1x128x128xf32, #tpu.memory_space<vmem>> -> memref<128x128xf32, #tpu.memory_space<vmem>>
          %dma_start3A_225 = arith.constant 0 : i32
          %dma_start3A_226 = tpu.memref_slice %arg7[%add3A_220, %dma_start3A_225] : memref<40x128xi32, #tpu.memory_space<vmem>> -> memref<1x128xi32, #tpu.memory_space<vmem>>
          %dma_start3A_227 = tpu.memref_squeeze %dma_start3A_226 : memref<1x128xi32, #tpu.memory_space<vmem>> -> memref<128xi32, #tpu.memory_space<vmem>>
          %dma_start3A_228 = arith.constant 0 : i32
          %dma_start3A_229 = arith.constant 0 : i32
          %dma_start3A_230 = tpu.memref_slice %arg2[%dma_start3A_228, %dma_start3A_229] : memref<10240x128xf32, #tpu.memory_space<hbm>> -> memref<10240x128xf32, #tpu.memory_space<hbm>>
          tpu.enqueue_indirect_dma source(%dma_start3A_230 : memref<10240x128xf32, #tpu.memory_space<hbm>>) target(%dma_start3A_224 : memref<128x128xf32, #tpu.memory_space<vmem>>) offsets(%dma_start3A_227 : memref<128xi32, #tpu.memory_space<vmem>>) semaphore(%arg11 : memref<!tpu.dma_semaphore, #tpu.memory_space<semaphore_mem>>)
        } else {
        }
        %scan3A_218 = arith.constant 0 : i32
        scf.yield %scan3A_218 : i32
      }
      %scan3A_143 = arith.constant 40 : i32
      %dma_wait3A_144 = arith.constant 1 : i32
      %dma_wait3A_145 = arith.constant 39 : i32
      %dma_wait3A_146 = arith.constant 0 : i32
      %dma_wait3A_147 = arith.constant 0 : i32
      %dma_wait3A_148 = tpu.memref_slice %arg9[%dma_wait3A_144, %dma_wait3A_146, %dma_wait3A_147] : memref<2x128x128xf32, #tpu.memory_space<vmem>> -> memref<1x128x128xf32, #tpu.memory_space<vmem>>
      %dma_wait3A_149 = tpu.memref_squeeze %dma_wait3A_148 : memref<1x128x128xf32, #tpu.memory_space<vmem>> -> memref<128x128xf32, #tpu.memory_space<vmem>>
      %dma_wait3A_150 = arith.constant 0 : i32
      %dma_wait3A_151 = tpu.memref_slice %arg8[%dma_wait3A_145, %dma_wait3A_150] : memref<40x128xi32, #tpu.memory_space<vmem>> -> memref<1x128xi32, #tpu.memory_space<vmem>>
      %dma_wait3A_152 = tpu.memref_squeeze %dma_wait3A_151 : memref<1x128xi32, #tpu.memory_space<vmem>> -> memref<128xi32, #tpu.memory_space<vmem>>
      %dma_wait3A_153 = arith.constant 0 : i32
      %dma_wait3A_154 = arith.constant 0 : i32
      %dma_wait3A_155 = tpu.memref_slice %arg13[%dma_wait3A_153, %dma_wait3A_154] : memref<10240x128xf32, #tpu.memory_space<vmem_shared>> -> memref<10240x128xf32, #tpu.memory_space<vmem_shared>>
      tpu.wait_indirect_dma semaphore(%arg12 : memref<!tpu.dma_semaphore, #tpu.memory_space<semaphore_mem>>) src(%dma_wait3A_149 : memref<128x128xf32, #tpu.memory_space<vmem>>) dst(%dma_wait3A_155 : memref<10240x128xf32, #tpu.memory_space<vmem_shared>>)
      %barrier3A_156 = arith.constant 0 : index
      tpu.barrier barrier_id(%barrier3A_156)
      "tpu.region"() ({
        %run_scoped3A = tpu.sem_alloc : memref<!tpu.dma_semaphore, #tpu.memory_space<semaphore_mem>>
        %dma_start3A_157 = arith.constant 0 : i32
        %dma_start3A_158 = tpu.memref_slice %arg5[%mul3A_0, %dma_start3A_157] : memref<10240x128xf32, #tpu.memory_space<hbm>> -> memref<640x128xf32, #tpu.memory_space<hbm>>
        %dma_start3A_159 = arith.constant 0 : i32
        %dma_start3A_160 = tpu.memref_slice %arg13[%mul3A_0, %dma_start3A_159] : memref<10240x128xf32, #tpu.memory_space<vmem_shared>> -> memref<640x128xf32, #tpu.memory_space<vmem_shared>>
        tpu.enqueue_dma source(%dma_start3A_160 : memref<640x128xf32, #tpu.memory_space<vmem_shared>>) target(%dma_start3A_158 : memref<640x128xf32, #tpu.memory_space<hbm>>) target_semaphore(%run_scoped3A : memref<!tpu.dma_semaphore, #tpu.memory_space<semaphore_mem>>)
        %dma_wait3A_161 = arith.constant 0 : i32
        %dma_wait3A_162 = tpu.memref_slice %arg5[%mul3A_0, %dma_wait3A_161] : memref<10240x128xf32, #tpu.memory_space<hbm>> -> memref<640x128xf32, #tpu.memory_space<hbm>>
        %dma_wait3A_163 = arith.constant 0 : i32
        %dma_wait3A_164 = tpu.memref_slice %arg13[%mul3A_0, %dma_wait3A_163] : memref<10240x128xf32, #tpu.memory_space<vmem_shared>> -> memref<640x128xf32, #tpu.memory_space<vmem_shared>>
        tpu.wait_dma2 semaphore(%run_scoped3A : memref<!tpu.dma_semaphore, #tpu.memory_space<semaphore_mem>>) src(%dma_wait3A_164 : memref<640x128xf32, #tpu.memory_space<vmem_shared>>) dst(%dma_wait3A_162 : memref<640x128xf32, #tpu.memory_space<hbm>>)
        tpu.yield
      }) : () -> ()
    } else {
    }
    %eq3A_91 = arith.constant 1 : i32
    %eq3A_92 = arith.cmpi eq, %arg0, %eq3A_91 : i32
    %convert_element_type3A_93 = arith.extui %eq3A_92 : i1 to i32
    %cond3A_94 = arith.constant 0 : i32
    %cond3A_95 = arith.cmpi ne, %convert_element_type3A_93, %cond3A_94 : i32
    scf.if %cond3A_95 {
      "tpu.region"() ({
        %run_scoped3A = tpu.sem_alloc : memref<!tpu.dma_semaphore, #tpu.memory_space<semaphore_mem>>
        %dma_start3A_157 = arith.constant 0 : i32
        %dma_start3A_158 = arith.constant 0 : i32
        %dma_start3A_159 = tpu.memref_slice %arg3[%add3A, %dma_start3A_157, %dma_start3A_158] : memref<32x80x128xi32, #tpu.memory_space<hbm>> -> memref<1x40x128xi32, #tpu.memory_space<hbm>>
        %dma_start3A_160 = tpu.memref_squeeze %dma_start3A_159 : memref<1x40x128xi32, #tpu.memory_space<hbm>> -> memref<40x128xi32, #tpu.memory_space<hbm>>
        %dma_start3A_161 = arith.constant 0 : i32
        %dma_start3A_162 = arith.constant 0 : i32
        %dma_start3A_163 = tpu.memref_slice %arg3[%add3A, %dma_start3A_161, %dma_start3A_162] : memref<32x80x128xi32, #tpu.memory_space<hbm>> -> memref<1x40x128xi32, #tpu.memory_space<hbm>>
        %dma_start3A_164 = tpu.memref_squeeze %dma_start3A_163 : memref<1x40x128xi32, #tpu.memory_space<hbm>> -> memref<40x128xi32, #tpu.memory_space<hbm>>
        tpu.enqueue_dma source(%dma_start3A_164 : memref<40x128xi32, #tpu.memory_space<hbm>>) target(%arg7 : memref<40x128xi32, #tpu.memory_space<vmem>>) target_semaphore(%run_scoped3A : memref<!tpu.dma_semaphore, #tpu.memory_space<semaphore_mem>>)
        %dma_wait3A_165 = arith.constant 0 : i32
        %dma_wait3A_166 = arith.constant 0 : i32
        %dma_wait3A_167 = tpu.memref_slice %arg3[%add3A, %dma_wait3A_165, %dma_wait3A_166] : memref<32x80x128xi32, #tpu.memory_space<hbm>> -> memref<1x40x128xi32, #tpu.memory_space<hbm>>
        %dma_wait3A_168 = tpu.memref_squeeze %dma_wait3A_167 : memref<1x40x128xi32, #tpu.memory_space<hbm>> -> memref<40x128xi32, #tpu.memory_space<hbm>>
        %dma_wait3A_169 = arith.constant 0 : i32
        %dma_wait3A_170 = arith.constant 0 : i32
        %dma_wait3A_171 = tpu.memref_slice %arg3[%add3A, %dma_wait3A_169, %dma_wait3A_170] : memref<32x80x128xi32, #tpu.memory_space<hbm>> -> memref<1x40x128xi32, #tpu.memory_space<hbm>>
        %dma_wait3A_172 = tpu.memref_squeeze %dma_wait3A_171 : memref<1x40x128xi32, #tpu.memory_space<hbm>> -> memref<40x128xi32, #tpu.memory_space<hbm>>
        tpu.wait_dma2 semaphore(%run_scoped3A : memref<!tpu.dma_semaphore, #tpu.memory_space<semaphore_mem>>) src(%dma_wait3A_172 : memref<40x128xi32, #tpu.memory_space<hbm>>) dst(%arg7 : memref<40x128xi32, #tpu.memory_space<vmem>>)
        tpu.yield
      }) : () -> ()
      "tpu.region"() ({
        %run_scoped3A = tpu.sem_alloc : memref<!tpu.dma_semaphore, #tpu.memory_space<semaphore_mem>>
        %dma_start3A_157 = arith.constant 0 : i32
        %dma_start3A_158 = arith.constant 0 : i32
        %dma_start3A_159 = tpu.memref_slice %arg4[%add3A, %dma_start3A_157, %dma_start3A_158] : memref<32x80x128xi32, #tpu.memory_space<hbm>> -> memref<1x40x128xi32, #tpu.memory_space<hbm>>
        %dma_start3A_160 = tpu.memref_squeeze %dma_start3A_159 : memref<1x40x128xi32, #tpu.memory_space<hbm>> -> memref<40x128xi32, #tpu.memory_space<hbm>>
        %dma_start3A_161 = arith.constant 0 : i32
        %dma_start3A_162 = arith.constant 0 : i32
        %dma_start3A_163 = tpu.memref_slice %arg4[%add3A, %dma_start3A_161, %dma_start3A_162] : memref<32x80x128xi32, #tpu.memory_space<hbm>> -> memref<1x40x128xi32, #tpu.memory_space<hbm>>
        %dma_start3A_164 = tpu.memref_squeeze %dma_start3A_163 : memref<1x40x128xi32, #tpu.memory_space<hbm>> -> memref<40x128xi32, #tpu.memory_space<hbm>>
        tpu.enqueue_dma source(%dma_start3A_164 : memref<40x128xi32, #tpu.memory_space<hbm>>) target(%arg8 : memref<40x128xi32, #tpu.memory_space<vmem>>) target_semaphore(%run_scoped3A : memref<!tpu.dma_semaphore, #tpu.memory_space<semaphore_mem>>)
        %dma_wait3A_165 = arith.constant 0 : i32
        %dma_wait3A_166 = arith.constant 0 : i32
        %dma_wait3A_167 = tpu.memref_slice %arg4[%add3A, %dma_wait3A_165, %dma_wait3A_166] : memref<32x80x128xi32, #tpu.memory_space<hbm>> -> memref<1x40x128xi32, #tpu.memory_space<hbm>>
        %dma_wait3A_168 = tpu.memref_squeeze %dma_wait3A_167 : memref<1x40x128xi32, #tpu.memory_space<hbm>> -> memref<40x128xi32, #tpu.memory_space<hbm>>
        %dma_wait3A_169 = arith.constant 0 : i32
        %dma_wait3A_170 = arith.constant 0 : i32
        %dma_wait3A_171 = tpu.memref_slice %arg4[%add3A, %dma_wait3A_169, %dma_wait3A_170] : memref<32x80x128xi32, #tpu.memory_space<hbm>> -> memref<1x40x128xi32, #tpu.memory_space<hbm>>
        %dma_wait3A_172 = tpu.memref_squeeze %dma_wait3A_171 : memref<1x40x128xi32, #tpu.memory_space<hbm>> -> memref<40x128xi32, #tpu.memory_space<hbm>>
        tpu.wait_dma2 semaphore(%run_scoped3A : memref<!tpu.dma_semaphore, #tpu.memory_space<semaphore_mem>>) src(%dma_wait3A_172 : memref<40x128xi32, #tpu.memory_space<hbm>>) dst(%arg8 : memref<40x128xi32, #tpu.memory_space<vmem>>)
        tpu.yield
      }) : () -> ()
      %dma_start3A = arith.constant 0 : i32
      %dma_start3A_96 = arith.constant 0 : i32
      %dma_start3A_97 = arith.constant 0 : i32
      %dma_start3A_98 = arith.constant 0 : i32
      %dma_start3A_99 = tpu.memref_slice %arg9[%dma_start3A_96, %dma_start3A_97, %dma_start3A_98] : memref<2x128x128xf32, #tpu.memory_space<vmem>> -> memref<1x128x128xf32, #tpu.memory_space<vmem>>
      %dma_start3A_100 = tpu.memref_squeeze %dma_start3A_99 : memref<1x128x128xf32, #tpu.memory_space<vmem>> -> memref<128x128xf32, #tpu.memory_space<vmem>>
      %dma_start3A_101 = arith.constant 0 : i32
      %dma_start3A_102 = tpu.memref_slice %arg7[%dma_start3A, %dma_start3A_101] : memref<40x128xi32, #tpu.memory_space<vmem>> -> memref<1x128xi32, #tpu.memory_space<vmem>>
      %dma_start3A_103 = tpu.memref_squeeze %dma_start3A_102 : memref<1x128xi32, #tpu.memory_space<vmem>> -> memref<128xi32, #tpu.memory_space<vmem>>
      %dma_start3A_104 = arith.constant 0 : i32
      %dma_start3A_105 = arith.constant 0 : i32
      %dma_start3A_106 = tpu.memref_slice %arg2[%dma_start3A_104, %dma_start3A_105] : memref<10240x128xf32, #tpu.memory_space<hbm>> -> memref<10240x128xf32, #tpu.memory_space<hbm>>
      tpu.enqueue_indirect_dma source(%dma_start3A_106 : memref<10240x128xf32, #tpu.memory_space<hbm>>) target(%dma_start3A_100 : memref<128x128xf32, #tpu.memory_space<vmem>>) offsets(%dma_start3A_103 : memref<128xi32, #tpu.memory_space<vmem>>) semaphore(%arg11 : memref<!tpu.dma_semaphore, #tpu.memory_space<semaphore_mem>>)
      %scan3A_107 = arith.constant 0 : i32
      %scan3A_108 = arith.constant 0 : i32
      %scan3A_109 = arith.constant 40 : i32
      %scan3A_110 = arith.addi %scan3A_108, %scan3A_109 : i32
      %scan3A_111 = arith.constant 1 : i32
      %scan3A_112 = scf.for %scan3A_157 = %scan3A_108 to %scan3A_110 step %scan3A_111 iter_args(%scan3A_158 = %scan3A_107) -> (i32)  : i32 {
        %jit3A = arith.constant 2 : i32
        %eq3A_159 = arith.constant 0 : i32
        %eq3A_160 = arith.cmpi eq, %jit3A, %eq3A_159 : i32
        %jit3A_161 = arith.constant 1 : i32
        %select_n3A = arith.select %eq3A_160, %jit3A_161, %jit3A : i32
        %rem3A = arith.remsi %scan3A_157, %select_n3A : i32
        %ne3A = arith.constant 0 : i32
        %ne3A_162 = arith.cmpi ne, %rem3A, %ne3A : i32
        %lt3A = arith.constant 0 : i32
        %lt3A_163 = arith.cmpi slt, %rem3A, %lt3A : i32
        %lt3A_164 = arith.constant 0 : i32
        %lt3A_165 = arith.cmpi slt, %select_n3A, %lt3A_164 : i32
        %ne3A_166 = arith.xori %lt3A_163, %lt3A_165 : i1
        %and3A = arith.andi %ne3A_166, %ne3A_162 : i1
        %add3A_167 = arith.addi %rem3A, %select_n3A : i32
        %select_n3A_168 = arith.select %and3A, %add3A_167, %rem3A : i32
        %add3A_169 = arith.constant 1 : i32
        %add3A_170 = arith.addi %scan3A_157, %add3A_169 : i32
        %jit3A_171 = arith.constant 2 : i32
        %eq3A_172 = arith.constant 0 : i32
        %eq3A_173 = arith.cmpi eq, %jit3A_171, %eq3A_172 : i32
        %jit3A_174 = arith.constant 1 : i32
        %select_n3A_175 = arith.select %eq3A_173, %jit3A_174, %jit3A_171 : i32
        %rem3A_176 = arith.remsi %add3A_170, %select_n3A_175 : i32
        %ne3A_177 = arith.constant 0 : i32
        %ne3A_178 = arith.cmpi ne, %rem3A_176, %ne3A_177 : i32
        %lt3A_179 = arith.constant 0 : i32
        %lt3A_180 = arith.cmpi slt, %rem3A_176, %lt3A_179 : i32
        %lt3A_181 = arith.constant 0 : i32
        %lt3A_182 = arith.cmpi slt, %select_n3A_175, %lt3A_181 : i32
        %ne3A_183 = arith.xori %lt3A_180, %lt3A_182 : i1
        %and3A_184 = arith.andi %ne3A_183, %ne3A_178 : i1
        %add3A_185 = arith.addi %rem3A_176, %select_n3A_175 : i32
        %select_n3A_186 = arith.select %and3A_184, %add3A_185, %rem3A_176 : i32
        %dma_wait3A_187 = arith.constant 0 : i32
        %dma_wait3A_188 = arith.constant 0 : i32
        %dma_wait3A_189 = tpu.memref_slice %arg9[%select_n3A_168, %dma_wait3A_187, %dma_wait3A_188] : memref<2x128x128xf32, #tpu.memory_space<vmem>> -> memref<1x128x128xf32, #tpu.memory_space<vmem>>
        %dma_wait3A_190 = tpu.memref_squeeze %dma_wait3A_189 : memref<1x128x128xf32, #tpu.memory_space<vmem>> -> memref<128x128xf32, #tpu.memory_space<vmem>>
        %dma_wait3A_191 = arith.constant 0 : i32
        %dma_wait3A_192 = tpu.memref_slice %arg7[%scan3A_157, %dma_wait3A_191] : memref<40x128xi32, #tpu.memory_space<vmem>> -> memref<1x128xi32, #tpu.memory_space<vmem>>
        %dma_wait3A_193 = tpu.memref_squeeze %dma_wait3A_192 : memref<1x128xi32, #tpu.memory_space<vmem>> -> memref<128xi32, #tpu.memory_space<vmem>>
        %dma_wait3A_194 = arith.constant 0 : i32
        %dma_wait3A_195 = arith.constant 0 : i32
        %dma_wait3A_196 = tpu.memref_slice %arg2[%dma_wait3A_194, %dma_wait3A_195] : memref<10240x128xf32, #tpu.memory_space<hbm>> -> memref<10240x128xf32, #tpu.memory_space<hbm>>
        tpu.wait_indirect_dma semaphore(%arg11 : memref<!tpu.dma_semaphore, #tpu.memory_space<semaphore_mem>>) src(%dma_wait3A_196 : memref<10240x128xf32, #tpu.memory_space<hbm>>) dst(%dma_wait3A_190 : memref<128x128xf32, #tpu.memory_space<vmem>>)
        %dma_start3A_197 = arith.constant 0 : i32
        %dma_start3A_198 = arith.constant 0 : i32
        %dma_start3A_199 = tpu.memref_slice %arg9[%select_n3A_168, %dma_start3A_197, %dma_start3A_198] : memref<2x128x128xf32, #tpu.memory_space<vmem>> -> memref<1x128x128xf32, #tpu.memory_space<vmem>>
        %dma_start3A_200 = tpu.memref_squeeze %dma_start3A_199 : memref<1x128x128xf32, #tpu.memory_space<vmem>> -> memref<128x128xf32, #tpu.memory_space<vmem>>
        %dma_start3A_201 = arith.constant 0 : i32
        %dma_start3A_202 = tpu.memref_slice %arg8[%scan3A_157, %dma_start3A_201] : memref<40x128xi32, #tpu.memory_space<vmem>> -> memref<1x128xi32, #tpu.memory_space<vmem>>
        %dma_start3A_203 = tpu.memref_squeeze %dma_start3A_202 : memref<1x128xi32, #tpu.memory_space<vmem>> -> memref<128xi32, #tpu.memory_space<vmem>>
        %dma_start3A_204 = arith.constant 0 : i32
        %dma_start3A_205 = arith.constant 0 : i32
        %dma_start3A_206 = tpu.memref_slice %arg13[%dma_start3A_204, %dma_start3A_205] : memref<10240x128xf32, #tpu.memory_space<vmem_shared>> -> memref<10240x128xf32, #tpu.memory_space<vmem_shared>>
        tpu.enqueue_indirect_dma source(%dma_start3A_200 : memref<128x128xf32, #tpu.memory_space<vmem>>) target(%dma_start3A_206 : memref<10240x128xf32, #tpu.memory_space<vmem_shared>>) offsets(%dma_start3A_203 : memref<128xi32, #tpu.memory_space<vmem>>) semaphore(%arg12 : memref<!tpu.dma_semaphore, #tpu.memory_space<semaphore_mem>>) {add = true}
        %ge3A = arith.constant 1 : i32
        %ge3A_207 = arith.cmpi sge, %scan3A_157, %ge3A : i32
        %convert_element_type3A_208 = arith.extui %ge3A_207 : i1 to i32
        %cond3A_209 = arith.constant 0 : i32
        %cond3A_210 = arith.cmpi ne, %convert_element_type3A_208, %cond3A_209 : i32
        scf.if %cond3A_210 {
          %sub3A = arith.constant 1 : i32
          %sub3A_219 = arith.subi %scan3A_157, %sub3A : i32
          %dma_wait3A_220 = arith.constant 0 : i32
          %dma_wait3A_221 = arith.constant 0 : i32
          %dma_wait3A_222 = tpu.memref_slice %arg9[%select_n3A_186, %dma_wait3A_220, %dma_wait3A_221] : memref<2x128x128xf32, #tpu.memory_space<vmem>> -> memref<1x128x128xf32, #tpu.memory_space<vmem>>
          %dma_wait3A_223 = tpu.memref_squeeze %dma_wait3A_222 : memref<1x128x128xf32, #tpu.memory_space<vmem>> -> memref<128x128xf32, #tpu.memory_space<vmem>>
          %dma_wait3A_224 = arith.constant 0 : i32
          %dma_wait3A_225 = tpu.memref_slice %arg8[%sub3A_219, %dma_wait3A_224] : memref<40x128xi32, #tpu.memory_space<vmem>> -> memref<1x128xi32, #tpu.memory_space<vmem>>
          %dma_wait3A_226 = tpu.memref_squeeze %dma_wait3A_225 : memref<1x128xi32, #tpu.memory_space<vmem>> -> memref<128xi32, #tpu.memory_space<vmem>>
          %dma_wait3A_227 = arith.constant 0 : i32
          %dma_wait3A_228 = arith.constant 0 : i32
          %dma_wait3A_229 = tpu.memref_slice %arg13[%dma_wait3A_227, %dma_wait3A_228] : memref<10240x128xf32, #tpu.memory_space<vmem_shared>> -> memref<10240x128xf32, #tpu.memory_space<vmem_shared>>
          tpu.wait_indirect_dma semaphore(%arg12 : memref<!tpu.dma_semaphore, #tpu.memory_space<semaphore_mem>>) src(%dma_wait3A_223 : memref<128x128xf32, #tpu.memory_space<vmem>>) dst(%dma_wait3A_229 : memref<10240x128xf32, #tpu.memory_space<vmem_shared>>)
        } else {
        }
        %add3A_211 = arith.constant 1 : i32
        %add3A_212 = arith.addi %scan3A_157, %add3A_211 : i32
        %lt3A_213 = arith.constant 40 : i32
        %lt3A_214 = arith.cmpi slt, %add3A_212, %lt3A_213 : i32
        %convert_element_type3A_215 = arith.extui %lt3A_214 : i1 to i32
        %cond3A_216 = arith.constant 0 : i32
        %cond3A_217 = arith.cmpi ne, %convert_element_type3A_215, %cond3A_216 : i32
        scf.if %cond3A_217 {
          %add3A_219 = arith.constant 1 : i32
          %add3A_220 = arith.addi %scan3A_157, %add3A_219 : i32
          %dma_start3A_221 = arith.constant 0 : i32
          %dma_start3A_222 = arith.constant 0 : i32
          %dma_start3A_223 = tpu.memref_slice %arg9[%select_n3A_186, %dma_start3A_221, %dma_start3A_222] : memref<2x128x128xf32, #tpu.memory_space<vmem>> -> memref<1x128x128xf32, #tpu.memory_space<vmem>>
          %dma_start3A_224 = tpu.memref_squeeze %dma_start3A_223 : memref<1x128x128xf32, #tpu.memory_space<vmem>> -> memref<128x128xf32, #tpu.memory_space<vmem>>
          %dma_start3A_225 = arith.constant 0 : i32
          %dma_start3A_226 = tpu.memref_slice %arg7[%add3A_220, %dma_start3A_225] : memref<40x128xi32, #tpu.memory_space<vmem>> -> memref<1x128xi32, #tpu.memory_space<vmem>>
          %dma_start3A_227 = tpu.memref_squeeze %dma_start3A_226 : memref<1x128xi32, #tpu.memory_space<vmem>> -> memref<128xi32, #tpu.memory_space<vmem>>
          %dma_start3A_228 = arith.constant 0 : i32
          %dma_start3A_229 = arith.constant 0 : i32
          %dma_start3A_230 = tpu.memref_slice %arg2[%dma_start3A_228, %dma_start3A_229] : memref<10240x128xf32, #tpu.memory_space<hbm>> -> memref<10240x128xf32, #tpu.memory_space<hbm>>
          tpu.enqueue_indirect_dma source(%dma_start3A_230 : memref<10240x128xf32, #tpu.memory_space<hbm>>) target(%dma_start3A_224 : memref<128x128xf32, #tpu.memory_space<vmem>>) offsets(%dma_start3A_227 : memref<128xi32, #tpu.memory_space<vmem>>) semaphore(%arg11 : memref<!tpu.dma_semaphore, #tpu.memory_space<semaphore_mem>>)
        } else {
        }
        %scan3A_218 = arith.constant 0 : i32
        scf.yield %scan3A_218 : i32
      }
      %scan3A_113 = arith.constant 40 : i32
      %dma_wait3A = arith.constant 1 : i32
      %dma_wait3A_114 = arith.constant 39 : i32
      %dma_wait3A_115 = arith.constant 0 : i32
      %dma_wait3A_116 = arith.constant 0 : i32
      %dma_wait3A_117 = tpu.memref_slice %arg9[%dma_wait3A, %dma_wait3A_115, %dma_wait3A_116] : memref<2x128x128xf32, #tpu.memory_space<vmem>> -> memref<1x128x128xf32, #tpu.memory_space<vmem>>
      %dma_wait3A_118 = tpu.memref_squeeze %dma_wait3A_117 : memref<1x128x128xf32, #tpu.memory_space<vmem>> -> memref<128x128xf32, #tpu.memory_space<vmem>>
      %dma_wait3A_119 = arith.constant 0 : i32
      %dma_wait3A_120 = tpu.memref_slice %arg8[%dma_wait3A_114, %dma_wait3A_119] : memref<40x128xi32, #tpu.memory_space<vmem>> -> memref<1x128xi32, #tpu.memory_space<vmem>>
      %dma_wait3A_121 = tpu.memref_squeeze %dma_wait3A_120 : memref<1x128xi32, #tpu.memory_space<vmem>> -> memref<128xi32, #tpu.memory_space<vmem>>
      %dma_wait3A_122 = arith.constant 0 : i32
      %dma_wait3A_123 = arith.constant 0 : i32
      %dma_wait3A_124 = tpu.memref_slice %arg13[%dma_wait3A_122, %dma_wait3A_123] : memref<10240x128xf32, #tpu.memory_space<vmem_shared>> -> memref<10240x128xf32, #tpu.memory_space<vmem_shared>>
      tpu.wait_indirect_dma semaphore(%arg12 : memref<!tpu.dma_semaphore, #tpu.memory_space<semaphore_mem>>) src(%dma_wait3A_118 : memref<128x128xf32, #tpu.memory_space<vmem>>) dst(%dma_wait3A_124 : memref<10240x128xf32, #tpu.memory_space<vmem_shared>>)
      "tpu.region"() ({
        %run_scoped3A = tpu.sem_alloc : memref<!tpu.dma_semaphore, #tpu.memory_space<semaphore_mem>>
        %dma_start3A_157 = arith.constant 40 : i32
        %dma_start3A_158 = arith.constant 0 : i32
        %dma_start3A_159 = tpu.memref_slice %arg3[%add3A, %dma_start3A_157, %dma_start3A_158] : memref<32x80x128xi32, #tpu.memory_space<hbm>> -> memref<1x40x128xi32, #tpu.memory_space<hbm>>
        %dma_start3A_160 = tpu.memref_squeeze %dma_start3A_159 : memref<1x40x128xi32, #tpu.memory_space<hbm>> -> memref<40x128xi32, #tpu.memory_space<hbm>>
        %dma_start3A_161 = arith.constant 40 : i32
        %dma_start3A_162 = arith.constant 0 : i32
        %dma_start3A_163 = tpu.memref_slice %arg3[%add3A, %dma_start3A_161, %dma_start3A_162] : memref<32x80x128xi32, #tpu.memory_space<hbm>> -> memref<1x40x128xi32, #tpu.memory_space<hbm>>
        %dma_start3A_164 = tpu.memref_squeeze %dma_start3A_163 : memref<1x40x128xi32, #tpu.memory_space<hbm>> -> memref<40x128xi32, #tpu.memory_space<hbm>>
        tpu.enqueue_dma source(%dma_start3A_164 : memref<40x128xi32, #tpu.memory_space<hbm>>) target(%arg7 : memref<40x128xi32, #tpu.memory_space<vmem>>) target_semaphore(%run_scoped3A : memref<!tpu.dma_semaphore, #tpu.memory_space<semaphore_mem>>)
        %dma_wait3A_165 = arith.constant 40 : i32
        %dma_wait3A_166 = arith.constant 0 : i32
        %dma_wait3A_167 = tpu.memref_slice %arg3[%add3A, %dma_wait3A_165, %dma_wait3A_166] : memref<32x80x128xi32, #tpu.memory_space<hbm>> -> memref<1x40x128xi32, #tpu.memory_space<hbm>>
        %dma_wait3A_168 = tpu.memref_squeeze %dma_wait3A_167 : memref<1x40x128xi32, #tpu.memory_space<hbm>> -> memref<40x128xi32, #tpu.memory_space<hbm>>
        %dma_wait3A_169 = arith.constant 40 : i32
        %dma_wait3A_170 = arith.constant 0 : i32
        %dma_wait3A_171 = tpu.memref_slice %arg3[%add3A, %dma_wait3A_169, %dma_wait3A_170] : memref<32x80x128xi32, #tpu.memory_space<hbm>> -> memref<1x40x128xi32, #tpu.memory_space<hbm>>
        %dma_wait3A_172 = tpu.memref_squeeze %dma_wait3A_171 : memref<1x40x128xi32, #tpu.memory_space<hbm>> -> memref<40x128xi32, #tpu.memory_space<hbm>>
        tpu.wait_dma2 semaphore(%run_scoped3A : memref<!tpu.dma_semaphore, #tpu.memory_space<semaphore_mem>>) src(%dma_wait3A_172 : memref<40x128xi32, #tpu.memory_space<hbm>>) dst(%arg7 : memref<40x128xi32, #tpu.memory_space<vmem>>)
        tpu.yield
      }) : () -> ()
      "tpu.region"() ({
        %run_scoped3A = tpu.sem_alloc : memref<!tpu.dma_semaphore, #tpu.memory_space<semaphore_mem>>
        %dma_start3A_157 = arith.constant 40 : i32
        %dma_start3A_158 = arith.constant 0 : i32
        %dma_start3A_159 = tpu.memref_slice %arg4[%add3A, %dma_start3A_157, %dma_start3A_158] : memref<32x80x128xi32, #tpu.memory_space<hbm>> -> memref<1x40x128xi32, #tpu.memory_space<hbm>>
        %dma_start3A_160 = tpu.memref_squeeze %dma_start3A_159 : memref<1x40x128xi32, #tpu.memory_space<hbm>> -> memref<40x128xi32, #tpu.memory_space<hbm>>
        %dma_start3A_161 = arith.constant 40 : i32
        %dma_start3A_162 = arith.constant 0 : i32
        %dma_start3A_163 = tpu.memref_slice %arg4[%add3A, %dma_start3A_161, %dma_start3A_162] : memref<32x80x128xi32, #tpu.memory_space<hbm>> -> memref<1x40x128xi32, #tpu.memory_space<hbm>>
        %dma_start3A_164 = tpu.memref_squeeze %dma_start3A_163 : memref<1x40x128xi32, #tpu.memory_space<hbm>> -> memref<40x128xi32, #tpu.memory_space<hbm>>
        tpu.enqueue_dma source(%dma_start3A_164 : memref<40x128xi32, #tpu.memory_space<hbm>>) target(%arg8 : memref<40x128xi32, #tpu.memory_space<vmem>>) target_semaphore(%run_scoped3A : memref<!tpu.dma_semaphore, #tpu.memory_space<semaphore_mem>>)
        %dma_wait3A_165 = arith.constant 40 : i32
        %dma_wait3A_166 = arith.constant 0 : i32
        %dma_wait3A_167 = tpu.memref_slice %arg4[%add3A, %dma_wait3A_165, %dma_wait3A_166] : memref<32x80x128xi32, #tpu.memory_space<hbm>> -> memref<1x40x128xi32, #tpu.memory_space<hbm>>
        %dma_wait3A_168 = tpu.memref_squeeze %dma_wait3A_167 : memref<1x40x128xi32, #tpu.memory_space<hbm>> -> memref<40x128xi32, #tpu.memory_space<hbm>>
        %dma_wait3A_169 = arith.constant 40 : i32
        %dma_wait3A_170 = arith.constant 0 : i32
        %dma_wait3A_171 = tpu.memref_slice %arg4[%add3A, %dma_wait3A_169, %dma_wait3A_170] : memref<32x80x128xi32, #tpu.memory_space<hbm>> -> memref<1x40x128xi32, #tpu.memory_space<hbm>>
        %dma_wait3A_172 = tpu.memref_squeeze %dma_wait3A_171 : memref<1x40x128xi32, #tpu.memory_space<hbm>> -> memref<40x128xi32, #tpu.memory_space<hbm>>
        tpu.wait_dma2 semaphore(%run_scoped3A : memref<!tpu.dma_semaphore, #tpu.memory_space<semaphore_mem>>) src(%dma_wait3A_172 : memref<40x128xi32, #tpu.memory_space<hbm>>) dst(%arg8 : memref<40x128xi32, #tpu.memory_space<vmem>>)
        tpu.yield
      }) : () -> ()
      %dma_start3A_125 = arith.constant 0 : i32
      %dma_start3A_126 = arith.constant 0 : i32
      %dma_start3A_127 = arith.constant 0 : i32
      %dma_start3A_128 = arith.constant 0 : i32
      %dma_start3A_129 = tpu.memref_slice %arg9[%dma_start3A_126, %dma_start3A_127, %dma_start3A_128] : memref<2x128x128xf32, #tpu.memory_space<vmem>> -> memref<1x128x128xf32, #tpu.memory_space<vmem>>
      %dma_start3A_130 = tpu.memref_squeeze %dma_start3A_129 : memref<1x128x128xf32, #tpu.memory_space<vmem>> -> memref<128x128xf32, #tpu.memory_space<vmem>>
      %dma_start3A_131 = arith.constant 0 : i32
      %dma_start3A_132 = tpu.memref_slice %arg7[%dma_start3A_125, %dma_start3A_131] : memref<40x128xi32, #tpu.memory_space<vmem>> -> memref<1x128xi32, #tpu.memory_space<vmem>>
      %dma_start3A_133 = tpu.memref_squeeze %dma_start3A_132 : memref<1x128xi32, #tpu.memory_space<vmem>> -> memref<128xi32, #tpu.memory_space<vmem>>
      %dma_start3A_134 = arith.constant 0 : i32
      %dma_start3A_135 = arith.constant 0 : i32
      %dma_start3A_136 = tpu.memref_slice %arg2[%dma_start3A_134, %dma_start3A_135] : memref<10240x128xf32, #tpu.memory_space<hbm>> -> memref<10240x128xf32, #tpu.memory_space<hbm>>
      tpu.enqueue_indirect_dma source(%dma_start3A_136 : memref<10240x128xf32, #tpu.memory_space<hbm>>) target(%dma_start3A_130 : memref<128x128xf32, #tpu.memory_space<vmem>>) offsets(%dma_start3A_133 : memref<128xi32, #tpu.memory_space<vmem>>) semaphore(%arg11 : memref<!tpu.dma_semaphore, #tpu.memory_space<semaphore_mem>>)
      %scan3A_137 = arith.constant 0 : i32
      %scan3A_138 = arith.constant 0 : i32
      %scan3A_139 = arith.constant 40 : i32
      %scan3A_140 = arith.addi %scan3A_138, %scan3A_139 : i32
      %scan3A_141 = arith.constant 1 : i32
      %scan3A_142 = scf.for %scan3A_157 = %scan3A_138 to %scan3A_140 step %scan3A_141 iter_args(%scan3A_158 = %scan3A_137) -> (i32)  : i32 {
        %jit3A = arith.constant 2 : i32
        %eq3A_159 = arith.constant 0 : i32
        %eq3A_160 = arith.cmpi eq, %jit3A, %eq3A_159 : i32
        %jit3A_161 = arith.constant 1 : i32
        %select_n3A = arith.select %eq3A_160, %jit3A_161, %jit3A : i32
        %rem3A = arith.remsi %scan3A_157, %select_n3A : i32
        %ne3A = arith.constant 0 : i32
        %ne3A_162 = arith.cmpi ne, %rem3A, %ne3A : i32
        %lt3A = arith.constant 0 : i32
        %lt3A_163 = arith.cmpi slt, %rem3A, %lt3A : i32
        %lt3A_164 = arith.constant 0 : i32
        %lt3A_165 = arith.cmpi slt, %select_n3A, %lt3A_164 : i32
        %ne3A_166 = arith.xori %lt3A_163, %lt3A_165 : i1
        %and3A = arith.andi %ne3A_166, %ne3A_162 : i1
        %add3A_167 = arith.addi %rem3A, %select_n3A : i32
        %select_n3A_168 = arith.select %and3A, %add3A_167, %rem3A : i32
        %add3A_169 = arith.constant 1 : i32
        %add3A_170 = arith.addi %scan3A_157, %add3A_169 : i32
        %jit3A_171 = arith.constant 2 : i32
        %eq3A_172 = arith.constant 0 : i32
        %eq3A_173 = arith.cmpi eq, %jit3A_171, %eq3A_172 : i32
        %jit3A_174 = arith.constant 1 : i32
        %select_n3A_175 = arith.select %eq3A_173, %jit3A_174, %jit3A_171 : i32
        %rem3A_176 = arith.remsi %add3A_170, %select_n3A_175 : i32
        %ne3A_177 = arith.constant 0 : i32
        %ne3A_178 = arith.cmpi ne, %rem3A_176, %ne3A_177 : i32
        %lt3A_179 = arith.constant 0 : i32
        %lt3A_180 = arith.cmpi slt, %rem3A_176, %lt3A_179 : i32
        %lt3A_181 = arith.constant 0 : i32
        %lt3A_182 = arith.cmpi slt, %select_n3A_175, %lt3A_181 : i32
        %ne3A_183 = arith.xori %lt3A_180, %lt3A_182 : i1
        %and3A_184 = arith.andi %ne3A_183, %ne3A_178 : i1
        %add3A_185 = arith.addi %rem3A_176, %select_n3A_175 : i32
        %select_n3A_186 = arith.select %and3A_184, %add3A_185, %rem3A_176 : i32
        %dma_wait3A_187 = arith.constant 0 : i32
        %dma_wait3A_188 = arith.constant 0 : i32
        %dma_wait3A_189 = tpu.memref_slice %arg9[%select_n3A_168, %dma_wait3A_187, %dma_wait3A_188] : memref<2x128x128xf32, #tpu.memory_space<vmem>> -> memref<1x128x128xf32, #tpu.memory_space<vmem>>
        %dma_wait3A_190 = tpu.memref_squeeze %dma_wait3A_189 : memref<1x128x128xf32, #tpu.memory_space<vmem>> -> memref<128x128xf32, #tpu.memory_space<vmem>>
        %dma_wait3A_191 = arith.constant 0 : i32
        %dma_wait3A_192 = tpu.memref_slice %arg7[%scan3A_157, %dma_wait3A_191] : memref<40x128xi32, #tpu.memory_space<vmem>> -> memref<1x128xi32, #tpu.memory_space<vmem>>
        %dma_wait3A_193 = tpu.memref_squeeze %dma_wait3A_192 : memref<1x128xi32, #tpu.memory_space<vmem>> -> memref<128xi32, #tpu.memory_space<vmem>>
        %dma_wait3A_194 = arith.constant 0 : i32
        %dma_wait3A_195 = arith.constant 0 : i32
        %dma_wait3A_196 = tpu.memref_slice %arg2[%dma_wait3A_194, %dma_wait3A_195] : memref<10240x128xf32, #tpu.memory_space<hbm>> -> memref<10240x128xf32, #tpu.memory_space<hbm>>
        tpu.wait_indirect_dma semaphore(%arg11 : memref<!tpu.dma_semaphore, #tpu.memory_space<semaphore_mem>>) src(%dma_wait3A_196 : memref<10240x128xf32, #tpu.memory_space<hbm>>) dst(%dma_wait3A_190 : memref<128x128xf32, #tpu.memory_space<vmem>>)
        %dma_start3A_197 = arith.constant 0 : i32
        %dma_start3A_198 = arith.constant 0 : i32
        %dma_start3A_199 = tpu.memref_slice %arg9[%select_n3A_168, %dma_start3A_197, %dma_start3A_198] : memref<2x128x128xf32, #tpu.memory_space<vmem>> -> memref<1x128x128xf32, #tpu.memory_space<vmem>>
        %dma_start3A_200 = tpu.memref_squeeze %dma_start3A_199 : memref<1x128x128xf32, #tpu.memory_space<vmem>> -> memref<128x128xf32, #tpu.memory_space<vmem>>
        %dma_start3A_201 = arith.constant 0 : i32
        %dma_start3A_202 = tpu.memref_slice %arg8[%scan3A_157, %dma_start3A_201] : memref<40x128xi32, #tpu.memory_space<vmem>> -> memref<1x128xi32, #tpu.memory_space<vmem>>
        %dma_start3A_203 = tpu.memref_squeeze %dma_start3A_202 : memref<1x128xi32, #tpu.memory_space<vmem>> -> memref<128xi32, #tpu.memory_space<vmem>>
        %dma_start3A_204 = arith.constant 0 : i32
        %dma_start3A_205 = arith.constant 0 : i32
        %dma_start3A_206 = tpu.memref_slice %arg13[%dma_start3A_204, %dma_start3A_205] : memref<10240x128xf32, #tpu.memory_space<vmem_shared>> -> memref<10240x128xf32, #tpu.memory_space<vmem_shared>>
        tpu.enqueue_indirect_dma source(%dma_start3A_200 : memref<128x128xf32, #tpu.memory_space<vmem>>) target(%dma_start3A_206 : memref<10240x128xf32, #tpu.memory_space<vmem_shared>>) offsets(%dma_start3A_203 : memref<128xi32, #tpu.memory_space<vmem>>) semaphore(%arg12 : memref<!tpu.dma_semaphore, #tpu.memory_space<semaphore_mem>>) {add = true}
        %ge3A = arith.constant 1 : i32
        %ge3A_207 = arith.cmpi sge, %scan3A_157, %ge3A : i32
        %convert_element_type3A_208 = arith.extui %ge3A_207 : i1 to i32
        %cond3A_209 = arith.constant 0 : i32
        %cond3A_210 = arith.cmpi ne, %convert_element_type3A_208, %cond3A_209 : i32
        scf.if %cond3A_210 {
          %sub3A = arith.constant 1 : i32
          %sub3A_219 = arith.subi %scan3A_157, %sub3A : i32
          %dma_wait3A_220 = arith.constant 0 : i32
          %dma_wait3A_221 = arith.constant 0 : i32
          %dma_wait3A_222 = tpu.memref_slice %arg9[%select_n3A_186, %dma_wait3A_220, %dma_wait3A_221] : memref<2x128x128xf32, #tpu.memory_space<vmem>> -> memref<1x128x128xf32, #tpu.memory_space<vmem>>
          %dma_wait3A_223 = tpu.memref_squeeze %dma_wait3A_222 : memref<1x128x128xf32, #tpu.memory_space<vmem>> -> memref<128x128xf32, #tpu.memory_space<vmem>>
          %dma_wait3A_224 = arith.constant 0 : i32
          %dma_wait3A_225 = tpu.memref_slice %arg8[%sub3A_219, %dma_wait3A_224] : memref<40x128xi32, #tpu.memory_space<vmem>> -> memref<1x128xi32, #tpu.memory_space<vmem>>
          %dma_wait3A_226 = tpu.memref_squeeze %dma_wait3A_225 : memref<1x128xi32, #tpu.memory_space<vmem>> -> memref<128xi32, #tpu.memory_space<vmem>>
          %dma_wait3A_227 = arith.constant 0 : i32
          %dma_wait3A_228 = arith.constant 0 : i32
          %dma_wait3A_229 = tpu.memref_slice %arg13[%dma_wait3A_227, %dma_wait3A_228] : memref<10240x128xf32, #tpu.memory_space<vmem_shared>> -> memref<10240x128xf32, #tpu.memory_space<vmem_shared>>
          tpu.wait_indirect_dma semaphore(%arg12 : memref<!tpu.dma_semaphore, #tpu.memory_space<semaphore_mem>>) src(%dma_wait3A_223 : memref<128x128xf32, #tpu.memory_space<vmem>>) dst(%dma_wait3A_229 : memref<10240x128xf32, #tpu.memory_space<vmem_shared>>)
        } else {
        }
        %add3A_211 = arith.constant 1 : i32
        %add3A_212 = arith.addi %scan3A_157, %add3A_211 : i32
        %lt3A_213 = arith.constant 40 : i32
        %lt3A_214 = arith.cmpi slt, %add3A_212, %lt3A_213 : i32
        %convert_element_type3A_215 = arith.extui %lt3A_214 : i1 to i32
        %cond3A_216 = arith.constant 0 : i32
        %cond3A_217 = arith.cmpi ne, %convert_element_type3A_215, %cond3A_216 : i32
        scf.if %cond3A_217 {
          %add3A_219 = arith.constant 1 : i32
          %add3A_220 = arith.addi %scan3A_157, %add3A_219 : i32
          %dma_start3A_221 = arith.constant 0 : i32
          %dma_start3A_222 = arith.constant 0 : i32
          %dma_start3A_223 = tpu.memref_slice %arg9[%select_n3A_186, %dma_start3A_221, %dma_start3A_222] : memref<2x128x128xf32, #tpu.memory_space<vmem>> -> memref<1x128x128xf32, #tpu.memory_space<vmem>>
          %dma_start3A_224 = tpu.memref_squeeze %dma_start3A_223 : memref<1x128x128xf32, #tpu.memory_space<vmem>> -> memref<128x128xf32, #tpu.memory_space<vmem>>
          %dma_start3A_225 = arith.constant 0 : i32
          %dma_start3A_226 = tpu.memref_slice %arg7[%add3A_220, %dma_start3A_225] : memref<40x128xi32, #tpu.memory_space<vmem>> -> memref<1x128xi32, #tpu.memory_space<vmem>>
          %dma_start3A_227 = tpu.memref_squeeze %dma_start3A_226 : memref<1x128xi32, #tpu.memory_space<vmem>> -> memref<128xi32, #tpu.memory_space<vmem>>
          %dma_start3A_228 = arith.constant 0 : i32
          %dma_start3A_229 = arith.constant 0 : i32
          %dma_start3A_230 = tpu.memref_slice %arg2[%dma_start3A_228, %dma_start3A_229] : memref<10240x128xf32, #tpu.memory_space<hbm>> -> memref<10240x128xf32, #tpu.memory_space<hbm>>
          tpu.enqueue_indirect_dma source(%dma_start3A_230 : memref<10240x128xf32, #tpu.memory_space<hbm>>) target(%dma_start3A_224 : memref<128x128xf32, #tpu.memory_space<vmem>>) offsets(%dma_start3A_227 : memref<128xi32, #tpu.memory_space<vmem>>) semaphore(%arg11 : memref<!tpu.dma_semaphore, #tpu.memory_space<semaphore_mem>>)
        } else {
        }
        %scan3A_218 = arith.constant 0 : i32
        scf.yield %scan3A_218 : i32
      }
      %scan3A_143 = arith.constant 40 : i32
      %dma_wait3A_144 = arith.constant 1 : i32
      %dma_wait3A_145 = arith.constant 39 : i32
      %dma_wait3A_146 = arith.constant 0 : i32
      %dma_wait3A_147 = arith.constant 0 : i32
      %dma_wait3A_148 = tpu.memref_slice %arg9[%dma_wait3A_144, %dma_wait3A_146, %dma_wait3A_147] : memref<2x128x128xf32, #tpu.memory_space<vmem>> -> memref<1x128x128xf32, #tpu.memory_space<vmem>>
      %dma_wait3A_149 = tpu.memref_squeeze %dma_wait3A_148 : memref<1x128x128xf32, #tpu.memory_space<vmem>> -> memref<128x128xf32, #tpu.memory_space<vmem>>
      %dma_wait3A_150 = arith.constant 0 : i32
      %dma_wait3A_151 = tpu.memref_slice %arg8[%dma_wait3A_145, %dma_wait3A_150] : memref<40x128xi32, #tpu.memory_space<vmem>> -> memref<1x128xi32, #tpu.memory_space<vmem>>
      %dma_wait3A_152 = tpu.memref_squeeze %dma_wait3A_151 : memref<1x128xi32, #tpu.memory_space<vmem>> -> memref<128xi32, #tpu.memory_space<vmem>>
      %dma_wait3A_153 = arith.constant 0 : i32
      %dma_wait3A_154 = arith.constant 0 : i32
      %dma_wait3A_155 = tpu.memref_slice %arg13[%dma_wait3A_153, %dma_wait3A_154] : memref<10240x128xf32, #tpu.memory_space<vmem_shared>> -> memref<10240x128xf32, #tpu.memory_space<vmem_shared>>
      tpu.wait_indirect_dma semaphore(%arg12 : memref<!tpu.dma_semaphore, #tpu.memory_space<semaphore_mem>>) src(%dma_wait3A_149 : memref<128x128xf32, #tpu.memory_space<vmem>>) dst(%dma_wait3A_155 : memref<10240x128xf32, #tpu.memory_space<vmem_shared>>)
      %barrier3A_156 = arith.constant 0 : index
      tpu.barrier barrier_id(%barrier3A_156)
      "tpu.region"() ({
        %run_scoped3A = tpu.sem_alloc : memref<!tpu.dma_semaphore, #tpu.memory_space<semaphore_mem>>
        %dma_start3A_157 = arith.constant 0 : i32
        %dma_start3A_158 = tpu.memref_slice %arg6[%mul3A_0, %dma_start3A_157] : memref<10240x128xf32, #tpu.memory_space<hbm>> -> memref<640x128xf32, #tpu.memory_space<hbm>>
        %dma_start3A_159 = arith.constant 0 : i32
        %dma_start3A_160 = tpu.memref_slice %arg13[%mul3A_0, %dma_start3A_159] : memref<10240x128xf32, #tpu.memory_space<vmem_shared>> -> memref<640x128xf32, #tpu.memory_space<vmem_shared>>
        tpu.enqueue_dma source(%dma_start3A_160 : memref<640x128xf32, #tpu.memory_space<vmem_shared>>) target(%dma_start3A_158 : memref<640x128xf32, #tpu.memory_space<hbm>>) target_semaphore(%run_scoped3A : memref<!tpu.dma_semaphore, #tpu.memory_space<semaphore_mem>>)
        %dma_wait3A_161 = arith.constant 0 : i32
        %dma_wait3A_162 = tpu.memref_slice %arg6[%mul3A_0, %dma_wait3A_161] : memref<10240x128xf32, #tpu.memory_space<hbm>> -> memref<640x128xf32, #tpu.memory_space<hbm>>
        %dma_wait3A_163 = arith.constant 0 : i32
        %dma_wait3A_164 = tpu.memref_slice %arg13[%mul3A_0, %dma_wait3A_163] : memref<10240x128xf32, #tpu.memory_space<vmem_shared>> -> memref<640x128xf32, #tpu.memory_space<vmem_shared>>
        tpu.wait_dma2 semaphore(%run_scoped3A : memref<!tpu.dma_semaphore, #tpu.memory_space<semaphore_mem>>) src(%dma_wait3A_164 : memref<640x128xf32, #tpu.memory_space<vmem_shared>>) dst(%dma_wait3A_162 : memref<640x128xf32, #tpu.memory_space<hbm>>)
        tpu.yield
      }) : () -> ()
    } else {
    }
    return
  }
}

#map = affine_map<(d0, d1) -> (0, 0, 0)>
#map1 = affine_map<(d0, d1) -> (0, 0)>
module attributes {stable_mosaic.version = 14 : i64} {
  func.func @deg_kernel(%arg0: i32, %arg1: i32, %arg2: memref<32x80x128xi32, #tpu.memory_space<hbm>>, %arg3: memref<32x10240xf32, #tpu.memory_space<hbm>>, %arg4: memref<80x128xi32, #tpu.memory_space<vmem>>, %arg5: memref<10240xf32, #tpu.memory_space<vmem>>) attributes {dimension_semantics = [#tpu.dimension_semantics<core_parallel>, #tpu.dimension_semantics<subcore_parallel>], iteration_bounds = array<i64: 2, 16>, scalar_prefetch = 0 : i64, scratch_operands = 2 : i64, tpu.core_type = #tpu.core_type<sc_vector_subcore>, window_params = [{transform_indices = #map}, {transform_indices = #map1}]} {
    %mul3A = arith.constant 16 : i32
    %mul3A_0 = arith.muli %arg0, %mul3A : i32
    %add3A = arith.addi %mul3A_0, %arg1 : i32
    %scan3A = arith.constant 0 : i32
    %scan3A_1 = arith.constant 0 : i32
    %scan3A_2 = arith.constant 640 : i32
    %scan3A_3 = arith.addi %scan3A_1, %scan3A_2 : i32
    %scan3A_4 = arith.constant 1 : i32
    %scan3A_5 = scf.for %scan3A_15 = %scan3A_1 to %scan3A_3 step %scan3A_4 iter_args(%scan3A_16 = %scan3A) -> (i32)  : i32 {
      %broadcast_in_dim3A_17 = arith.constant 0.000000e+00 : f32
      %broadcast_in_dim3A_18 = vector.broadcast %broadcast_in_dim3A_17 : f32 to vector<16xf32>
      %mul3A_19 = arith.constant 16 : i32
      %mul3A_20 = arith.muli %scan3A_15, %mul3A_19 : i32
      %swap3A = arith.index_cast %mul3A_20 : i32 to index
      %swap3A_21 = tpu.vector_load %arg5[%swap3A] {strides = array<i32>} : memref<10240xf32, #tpu.memory_space<vmem>>, vector<16xf32>,
      tpu.vector_store %arg5[%swap3A], %broadcast_in_dim3A_18 {strides = array<i32>} : memref<10240xf32, #tpu.memory_space<vmem>>, vector<16xf32>,
      %scan3A_22 = arith.constant 0 : i32
      scf.yield %scan3A_22 : i32
    }
    %scan3A_6 = arith.constant 640 : i32
    "tpu.region"() ({
      %run_scoped3A = tpu.sem_alloc : memref<!tpu.dma_semaphore, #tpu.memory_space<semaphore_mem>>
      %dma_start3A = arith.constant 0 : i32
      %dma_start3A_15 = arith.constant 0 : i32
      %dma_start3A_16 = tpu.memref_slice %arg2[%add3A, %dma_start3A, %dma_start3A_15] : memref<32x80x128xi32, #tpu.memory_space<hbm>> -> memref<1x80x128xi32, #tpu.memory_space<hbm>>
      %dma_start3A_17 = tpu.memref_squeeze %dma_start3A_16 : memref<1x80x128xi32, #tpu.memory_space<hbm>> -> memref<80x128xi32, #tpu.memory_space<hbm>>
      %dma_start3A_18 = arith.constant 0 : i32
      %dma_start3A_19 = arith.constant 0 : i32
      %dma_start3A_20 = tpu.memref_slice %arg2[%add3A, %dma_start3A_18, %dma_start3A_19] : memref<32x80x128xi32, #tpu.memory_space<hbm>> -> memref<1x80x128xi32, #tpu.memory_space<hbm>>
      %dma_start3A_21 = tpu.memref_squeeze %dma_start3A_20 : memref<1x80x128xi32, #tpu.memory_space<hbm>> -> memref<80x128xi32, #tpu.memory_space<hbm>>
      tpu.enqueue_dma source(%dma_start3A_21 : memref<80x128xi32, #tpu.memory_space<hbm>>) target(%arg4 : memref<80x128xi32, #tpu.memory_space<vmem>>) target_semaphore(%run_scoped3A : memref<!tpu.dma_semaphore, #tpu.memory_space<semaphore_mem>>)
      %dma_wait3A = arith.constant 0 : i32
      %dma_wait3A_22 = arith.constant 0 : i32
      %dma_wait3A_23 = tpu.memref_slice %arg2[%add3A, %dma_wait3A, %dma_wait3A_22] : memref<32x80x128xi32, #tpu.memory_space<hbm>> -> memref<1x80x128xi32, #tpu.memory_space<hbm>>
      %dma_wait3A_24 = tpu.memref_squeeze %dma_wait3A_23 : memref<1x80x128xi32, #tpu.memory_space<hbm>> -> memref<80x128xi32, #tpu.memory_space<hbm>>
      %dma_wait3A_25 = arith.constant 0 : i32
      %dma_wait3A_26 = arith.constant 0 : i32
      %dma_wait3A_27 = tpu.memref_slice %arg2[%add3A, %dma_wait3A_25, %dma_wait3A_26] : memref<32x80x128xi32, #tpu.memory_space<hbm>> -> memref<1x80x128xi32, #tpu.memory_space<hbm>>
      %dma_wait3A_28 = tpu.memref_squeeze %dma_wait3A_27 : memref<1x80x128xi32, #tpu.memory_space<hbm>> -> memref<80x128xi32, #tpu.memory_space<hbm>>
      tpu.wait_dma2 semaphore(%run_scoped3A : memref<!tpu.dma_semaphore, #tpu.memory_space<semaphore_mem>>) src(%dma_wait3A_28 : memref<80x128xi32, #tpu.memory_space<hbm>>) dst(%arg4 : memref<80x128xi32, #tpu.memory_space<vmem>>)
      tpu.yield
    }) : () -> ()
    %broadcast_in_dim3A = arith.constant 1.000000e+00 : f32
    %broadcast_in_dim3A_7 = vector.broadcast %broadcast_in_dim3A : f32 to vector<16xf32>
    %scan3A_8 = arith.constant 0 : i32
    %scan3A_9 = arith.constant 0 : i32
    %scan3A_10 = arith.constant 640 : i32
    %scan3A_11 = arith.addi %scan3A_9, %scan3A_10 : i32
    %scan3A_12 = arith.constant 1 : i32
    %scan3A_13 = scf.for %scan3A_15 = %scan3A_9 to %scan3A_11 step %scan3A_12 iter_args(%scan3A_16 = %scan3A_8) -> (i32)  : i32 {
      %jit3A = arith.constant 8 : i32
      %div3A = arith.divsi %scan3A_15, %jit3A : i32
      %sign3A = arith.constant 0 : i32
      %sign3A_17 = arith.cmpi sgt, %scan3A_15, %sign3A : i32
      %sign3A_18 = arith.extui %sign3A_17 : i1 to i32
      %sign3A_19 = arith.constant 0 : i32
      %sign3A_20 = arith.cmpi slt, %scan3A_15, %sign3A_19 : i32
      %sign3A_21 = arith.extui %sign3A_20 : i1 to i32
      %sign3A_22 = arith.subi %sign3A_18, %sign3A_21 : i32
      %sign3A_23 = arith.constant 0 : i32
      %sign3A_24 = arith.cmpi sgt, %jit3A, %sign3A_23 : i32
      %sign3A_25 = arith.extui %sign3A_24 : i1 to i32
      %sign3A_26 = arith.constant 0 : i32
      %sign3A_27 = arith.cmpi slt, %jit3A, %sign3A_26 : i32
      %sign3A_28 = arith.extui %sign3A_27 : i1 to i32
      %sign3A_29 = arith.subi %sign3A_25, %sign3A_28 : i32
      %ne3A = arith.cmpi ne, %sign3A_22, %sign3A_29 : i32
      %rem3A = arith.remsi %scan3A_15, %jit3A : i32
      %ne3A_30 = arith.constant 0 : i32
      %ne3A_31 = arith.cmpi ne, %rem3A, %ne3A_30 : i32
      %and3A = arith.andi %ne3A, %ne3A_31 : i1
      %sub3A = arith.constant 1 : i32
      %sub3A_32 = arith.subi %div3A, %sub3A : i32
      %select_n3A = arith.select %and3A, %sub3A_32, %div3A : i32
      %jit3A_33 = arith.constant 8 : i32
      %eq3A = arith.constant 0 : i32
      %eq3A_34 = arith.cmpi eq, %jit3A_33, %eq3A : i32
      %jit3A_35 = arith.constant 1 : i32
      %select_n3A_36 = arith.select %eq3A_34, %jit3A_35, %jit3A_33 : i32
      %rem3A_37 = arith.remsi %scan3A_15, %select_n3A_36 : i32
      %ne3A_38 = arith.constant 0 : i32
      %ne3A_39 = arith.cmpi ne, %rem3A_37, %ne3A_38 : i32
      %lt3A = arith.constant 0 : i32
      %lt3A_40 = arith.cmpi slt, %rem3A_37, %lt3A : i32
      %lt3A_41 = arith.constant 0 : i32
      %lt3A_42 = arith.cmpi slt, %select_n3A_36, %lt3A_41 : i32
      %ne3A_43 = arith.xori %lt3A_40, %lt3A_42 : i1
      %and3A_44 = arith.andi %ne3A_43, %ne3A_39 : i1
      %add3A_45 = arith.addi %rem3A_37, %select_n3A_36 : i32
      %select_n3A_46 = arith.select %and3A_44, %add3A_45, %rem3A_37 : i32
      %mul3A_47 = arith.constant 16 : i32
      %mul3A_48 = arith.muli %select_n3A_46, %mul3A_47 : i32
      %get3A = arith.index_cast %select_n3A : i32 to index
      %get3A_49 = arith.index_cast %mul3A_48 : i32 to index
      %get3A_50 = tpu.vector_load %arg4[%get3A, %get3A_49] {strides = array<i32>} : memref<80x128xi32, #tpu.memory_space<vmem>>, vector<16xi32>,
      tpu.vector_store_idx %arg5[%get3A_50], %broadcast_in_dim3A_7 {add = true} : memref<10240xf32, #tpu.memory_space<vmem>>[vector<16xi32>], vector<16xf32>,
      %scan3A_51 = arith.constant 0 : i32
      scf.yield %scan3A_51 : i32
    }
    %scan3A_14 = arith.constant 640 : i32
    "tpu.region"() ({
      %run_scoped3A = tpu.sem_alloc : memref<!tpu.dma_semaphore, #tpu.memory_space<semaphore_mem>>
      %dma_start3A = arith.constant 0 : i32
      %dma_start3A_15 = tpu.memref_slice %arg3[%add3A, %dma_start3A] : memref<32x10240xf32, #tpu.memory_space<hbm>> -> memref<1x10240xf32, #tpu.memory_space<hbm>>
      %dma_start3A_16 = tpu.memref_squeeze %dma_start3A_15 : memref<1x10240xf32, #tpu.memory_space<hbm>> -> memref<10240xf32, #tpu.memory_space<hbm>>
      %dma_start3A_17 = arith.constant 0 : i32
      %dma_start3A_18 = tpu.memref_slice %arg3[%add3A, %dma_start3A_17] : memref<32x10240xf32, #tpu.memory_space<hbm>> -> memref<1x10240xf32, #tpu.memory_space<hbm>>
      %dma_start3A_19 = tpu.memref_squeeze %dma_start3A_18 : memref<1x10240xf32, #tpu.memory_space<hbm>> -> memref<10240xf32, #tpu.memory_space<hbm>>
      tpu.enqueue_dma source(%arg5 : memref<10240xf32, #tpu.memory_space<vmem>>) target(%dma_start3A_19 : memref<10240xf32, #tpu.memory_space<hbm>>) target_semaphore(%run_scoped3A : memref<!tpu.dma_semaphore, #tpu.memory_space<semaphore_mem>>)
      %dma_wait3A = arith.constant 0 : i32
      %dma_wait3A_20 = tpu.memref_slice %arg3[%add3A, %dma_wait3A] : memref<32x10240xf32, #tpu.memory_space<hbm>> -> memref<1x10240xf32, #tpu.memory_space<hbm>>
      %dma_wait3A_21 = tpu.memref_squeeze %dma_wait3A_20 : memref<1x10240xf32, #tpu.memory_space<hbm>> -> memref<10240xf32, #tpu.memory_space<hbm>>
      %dma_wait3A_22 = arith.constant 0 : i32
      %dma_wait3A_23 = tpu.memref_slice %arg3[%add3A, %dma_wait3A_22] : memref<32x10240xf32, #tpu.memory_space<hbm>> -> memref<1x10240xf32, #tpu.memory_space<hbm>>
      %dma_wait3A_24 = tpu.memref_squeeze %dma_wait3A_23 : memref<1x10240xf32, #tpu.memory_space<hbm>> -> memref<10240xf32, #tpu.memory_space<hbm>>
      tpu.wait_dma2 semaphore(%run_scoped3A : memref<!tpu.dma_semaphore, #tpu.memory_space<semaphore_mem>>) src(%arg5 : memref<10240xf32, #tpu.memory_space<vmem>>) dst(%dma_wait3A_24 : memref<10240xf32, #tpu.memory_space<hbm>>)
      tpu.yield
    }) : () -> ()
    return
  }
}

module attributes {stable_mosaic.version = 14 : i64} {
  func.func @_mm_body(%arg0: i32, %arg1: memref<640x128xf32, #tpu.memory_space<vmem>>, %arg2: memref<128x256xf32, #tpu.memory_space<vmem>>, %arg3: memref<640x256xf32, #tpu.memory_space<vmem>>) attributes {dimension_semantics = [#tpu.dimension_semantics<arbitrary>], iteration_bounds = array<i64: 16>, scalar_prefetch = 0 : i64, scratch_operands = 0 : i64, tpu.core_type = #tpu.core_type<tc>, window_params = [{transform_indices = @transform_0, window_bounds = array<i64: 640, 128>}, {pipeline_mode = #tpu.pipeline_mode<synchronous>, transform_indices = @transform_1, window_bounds = array<i64: 128, 256>}, {transform_indices = @transform_2, window_bounds = array<i64: 640, 256>}]} {
    %get3A = arith.constant 0 : index
    %get3A_0 = arith.constant 0 : index
    %get3A_1 = vector.load %arg1[%get3A, %get3A_0] : memref<640x128xf32, #tpu.memory_space<vmem>>, vector<640x128xf32>
    %get3A_2 = arith.constant 0 : index
    %get3A_3 = arith.constant 0 : index
    %get3A_4 = vector.load %arg2[%get3A_2, %get3A_3] : memref<128x256xf32, #tpu.memory_space<vmem>>, vector<128x256xf32>
    %dot_general3A = arith.constant dense<0.000000e+00> : vector<640x256xf32>
    %dot_general3A_5 = tpu.matmul %get3A_1, %get3A_4, %dot_general3A {dimension_numbers = #tpu.dot_dimension_numbers<[1], [0], [0], [1], [0, 0, 1, 1], [], []>, transpose_lhs_hint = false} : vector<640x128xf32>, vector<128x256xf32>, vector<640x256xf32> -> vector<640x256xf32>
    %swap3A = arith.constant 0 : index
    %swap3A_6 = arith.constant 0 : index
    %swap3A_7 = vector.load %arg3[%swap3A, %swap3A_6] : memref<640x256xf32, #tpu.memory_space<vmem>>, vector<640x256xf32>
    tpu.vector_store %arg3[%swap3A, %swap3A_6], %dot_general3A_5 {strides = array<i32>} : memref<640x256xf32, #tpu.memory_space<vmem>>, vector<640x256xf32>,
    return
  }
  func.func @transform_0(%arg0: i32) -> (i32, i32) {
    %c0_i32 = arith.constant 0 : i32
    %c0_i32_0 = arith.constant 0 : i32
    return %arg0, %c0_i32 : i32, i32
  }
  func.func @transform_1(%arg0: i32) -> (i32, i32) {
    %c0_i32 = arith.constant 0 : i32
    %c0_i32_0 = arith.constant 0 : i32
    %c0_i32_1 = arith.constant 0 : i32
    return %c0_i32, %c0_i32_0 : i32, i32
  }
  func.func @transform_2(%arg0: i32) -> (i32, i32) {
    %c0_i32 = arith.constant 0 : i32
    %c0_i32_0 = arith.constant 0 : i32
    return %arg0, %c0_i32 : i32, i32
  }
}

module attributes {stable_mosaic.version = 14 : i64} {
  func.func @_scale_body(%arg0: i32, %arg1: memref<640x256xf32, #tpu.memory_space<vmem>>, %arg2: memref<32x640xf32, #tpu.memory_space<vmem>>, %arg3: memref<640x128xf32, #tpu.memory_space<vmem>>, %arg4: memref<640x128xf32, #tpu.memory_space<vmem>>, %arg5: memref<640x1xf32, #tpu.memory_space<vmem>>) attributes {dimension_semantics = [#tpu.dimension_semantics<arbitrary>], iteration_bounds = array<i64: 16>, scalar_prefetch = 0 : i64, scratch_operands = 0 : i64, tpu.core_type = #tpu.core_type<tc>, window_params = [{transform_indices = @transform_0, window_bounds = array<i64: 640, 256>}, {transform_indices = @transform_1, window_bounds = array<i64: 32, 640>}, {transform_indices = @transform_2, window_bounds = array<i64: 640, 128>}, {transform_indices = @transform_3, window_bounds = array<i64: 640, 128>}, {transform_indices = @transform_4, window_bounds = array<i64: 640, 1>}]} {
    %get3A = arith.constant 0 : index
    %get3A_0 = arith.constant 0 : index
    %get3A_1 = vector.load %arg2[%get3A, %get3A_0] : memref<32x640xf32, #tpu.memory_space<vmem>>, vector<32x640xf32>
    %broadcast_in_dim3A = arith.constant 1.000000e+00 : f32
    %broadcast_in_dim3A_2 = vector.broadcast %broadcast_in_dim3A : f32 to vector<32x1xf32>
    %dot_general3A = arith.constant dense<0.000000e+00> : vector<640x1xf32>
    %dot_general3A_3 = tpu.matmul %get3A_1, %broadcast_in_dim3A_2, %dot_general3A {dimension_numbers = #tpu.dot_dimension_numbers<[0], [0], [1], [1], [0, 1, 1, 1], [], []>, transpose_lhs_hint = false} : vector<32x640xf32>, vector<32x1xf32>, vector<640x1xf32> -> vector<640x1xf32>
    %add3A = arith.constant 1.000000e+00 : f32
    %add3A_4 = vector.broadcast %add3A : f32 to vector<640x1xf32>
    %add3A_5 = arith.addf %add3A_4, %dot_general3A_3 : vector<640x1xf32>
    %rsqrt3A = math.rsqrt %add3A_5 : vector<640x1xf32>
    %get3A_6 = arith.constant 0 : index
    %get3A_7 = arith.constant 0 : index
    %get3A_8 = vector.load %arg1[%get3A_6, %get3A_7] : memref<640x256xf32, #tpu.memory_space<vmem>>, vector<640x256xf32>
    %mul3A = vector.broadcast %rsqrt3A : vector<640x1xf32> to vector<640x256xf32>
    %mul3A_9 = arith.mulf %get3A_8, %mul3A : vector<640x256xf32>
    %slice3A = vector.extract_strided_slice %mul3A_9 {offsets = [0, 0], sizes = [640, 128], strides = [1, 1]} : vector<640x256xf32> to vector<640x128xf32>
    %swap3A = arith.constant 0 : index
    %swap3A_10 = arith.constant 0 : index
    %swap3A_11 = vector.load %arg3[%swap3A, %swap3A_10] : memref<640x128xf32, #tpu.memory_space<vmem>>, vector<640x128xf32>
    tpu.vector_store %arg3[%swap3A, %swap3A_10], %slice3A {strides = array<i32>} : memref<640x128xf32, #tpu.memory_space<vmem>>, vector<640x128xf32>,
    %slice3A_12 = vector.extract_strided_slice %mul3A_9 {offsets = [0, 128], sizes = [640, 128], strides = [1, 1]} : vector<640x256xf32> to vector<640x128xf32>
    %swap3A_13 = arith.constant 0 : index
    %swap3A_14 = arith.constant 0 : index
    %swap3A_15 = vector.load %arg4[%swap3A_13, %swap3A_14] : memref<640x128xf32, #tpu.memory_space<vmem>>, vector<640x128xf32>
    tpu.vector_store %arg4[%swap3A_13, %swap3A_14], %slice3A_12 {strides = array<i32>} : memref<640x128xf32, #tpu.memory_space<vmem>>, vector<640x128xf32>,
    %swap3A_16 = arith.constant 0 : index
    %swap3A_17 = arith.constant 0 : index
    %swap3A_18 = vector.load %arg5[%swap3A_16, %swap3A_17] : memref<640x1xf32, #tpu.memory_space<vmem>>, vector<640x1xf32>
    tpu.vector_store %arg5[%swap3A_16, %swap3A_17], %rsqrt3A {strides = array<i32>} : memref<640x1xf32, #tpu.memory_space<vmem>>, vector<640x1xf32>,
    return
  }
  func.func @transform_0(%arg0: i32) -> (i32, i32) {
    %c0_i32 = arith.constant 0 : i32
    %c0_i32_0 = arith.constant 0 : i32
    return %arg0, %c0_i32 : i32, i32
  }
  func.func @transform_1(%arg0: i32) -> (i32, i32) {
    %c0_i32 = arith.constant 0 : i32
    %c0_i32_0 = arith.constant 0 : i32
    return %c0_i32, %arg0 : i32, i32
  }
  func.func @transform_2(%arg0: i32) -> (i32, i32) {
    %c0_i32 = arith.constant 0 : i32
    %c0_i32_0 = arith.constant 0 : i32
    return %arg0, %c0_i32 : i32, i32
  }
  func.func @transform_3(%arg0: i32) -> (i32, i32) {
    %c0_i32 = arith.constant 0 : i32
    %c0_i32_0 = arith.constant 0 : i32
    return %arg0, %c0_i32 : i32, i32
  }
  func.func @transform_4(%arg0: i32) -> (i32, i32) {
    %c0_i32 = arith.constant 0 : i32
    %c0_i32_0 = arith.constant 0 : i32
    return %arg0, %c0_i32 : i32, i32
  }
}

module attributes {stable_mosaic.version = 14 : i64} {
  func.func @_mid_body(%arg0: i32, %arg1: memref<640x128xf32, #tpu.memory_space<vmem>>, %arg2: memref<640x128xf32, #tpu.memory_space<vmem>>, %arg3: memref<640x128xf32, #tpu.memory_space<vmem>>, %arg4: memref<640x128xf32, #tpu.memory_space<vmem>>, %arg5: memref<640x1xf32, #tpu.memory_space<vmem>>, %arg6: memref<1x256xf32, #tpu.memory_space<vmem>>, %arg7: memref<1x256xf32, #tpu.memory_space<vmem>>, %arg8: memref<1x256xf32, #tpu.memory_space<vmem>>, %arg9: memref<256x128xf32, #tpu.memory_space<vmem>>, %arg10: memref<640x128xf32, #tpu.memory_space<vmem>>) attributes {dimension_semantics = [#tpu.dimension_semantics<arbitrary>], iteration_bounds = array<i64: 16>, scalar_prefetch = 0 : i64, scratch_operands = 0 : i64, tpu.core_type = #tpu.core_type<tc>, window_params = [{transform_indices = @transform_0, window_bounds = array<i64: 640, 128>}, {transform_indices = @transform_1, window_bounds = array<i64: 640, 128>}, {transform_indices = @transform_2, window_bounds = array<i64: 640, 128>}, {transform_indices = @transform_3, window_bounds = array<i64: 640, 128>}, {transform_indices = @transform_4, window_bounds = array<i64: 640, 1>}, {pipeline_mode = #tpu.pipeline_mode<synchronous>, transform_indices = @transform_5, window_bounds = array<i64: 1, 256>}, {pipeline_mode = #tpu.pipeline_mode<synchronous>, transform_indices = @transform_6, window_bounds = array<i64: 1, 256>}, {pipeline_mode = #tpu.pipeline_mode<synchronous>, transform_indices = @transform_7, window_bounds = array<i64: 1, 256>}, {pipeline_mode = #tpu.pipeline_mode<synchronous>, transform_indices = @transform_8, window_bounds = array<i64: 256, 128>}, {transform_indices = @transform_9, window_bounds = array<i64: 640, 128>}]} {
    %get3A = arith.constant 0 : index
    %get3A_0 = arith.constant 0 : index
    %get3A_1 = vector.load %arg5[%get3A, %get3A_0] : memref<640x1xf32, #tpu.memory_space<vmem>>, vector<640x1xf32>
    %get3A_2 = arith.constant 0 : index
    %get3A_3 = arith.constant 0 : index
    %get3A_4 = vector.load %arg1[%get3A_2, %get3A_3] : memref<640x128xf32, #tpu.memory_space<vmem>>, vector<640x128xf32>
    %get3A_5 = arith.constant 0 : index
    %get3A_6 = arith.constant 0 : index
    %get3A_7 = vector.load %arg3[%get3A_5, %get3A_6] : memref<640x128xf32, #tpu.memory_space<vmem>>, vector<640x128xf32>
    %add3A = arith.addf %get3A_4, %get3A_7 : vector<640x128xf32>
    %get3A_8 = arith.constant 0 : index
    %get3A_9 = arith.constant 0 : index
    %get3A_10 = vector.load %arg2[%get3A_8, %get3A_9] : memref<640x128xf32, #tpu.memory_space<vmem>>, vector<640x128xf32>
    %get3A_11 = arith.constant 0 : index
    %get3A_12 = arith.constant 0 : index
    %get3A_13 = vector.load %arg4[%get3A_11, %get3A_12] : memref<640x128xf32, #tpu.memory_space<vmem>>, vector<640x128xf32>
    %add3A_14 = arith.addf %get3A_10, %get3A_13 : vector<640x128xf32>
    %concatenate3A = tpu.concatenate %add3A, %add3A_14 in 1 : vector<640x128xf32>, vector<640x128xf32> -> vector<640x256xf32>
    %mul3A = vector.broadcast %get3A_1 : vector<640x1xf32> to vector<640x256xf32>
    %mul3A_15 = arith.mulf %concatenate3A, %mul3A : vector<640x256xf32>
    %get3A_16 = arith.constant 0 : index
    %get3A_17 = arith.constant 0 : index
    %get3A_18 = vector.load %arg6[%get3A_16, %get3A_17] : memref<1x256xf32, #tpu.memory_space<vmem>>, vector<1x256xf32>
    %add3A_19 = vector.broadcast %get3A_18 : vector<1x256xf32> to vector<640x256xf32>
    %add3A_20 = arith.addf %mul3A_15, %add3A_19 : vector<640x256xf32>
    %get3A_21 = arith.constant 0 : index
    %get3A_22 = arith.constant 0 : index
    %get3A_23 = vector.load %arg7[%get3A_21, %get3A_22] : memref<1x256xf32, #tpu.memory_space<vmem>>, vector<1x256xf32>
    %get3A_24 = arith.constant 0 : index
    %get3A_25 = arith.constant 0 : index
    %get3A_26 = vector.load %arg8[%get3A_24, %get3A_25] : memref<1x256xf32, #tpu.memory_space<vmem>>, vector<1x256xf32>
    %reduce_sum3A = arith.constant dense<0.000000e+00> : vector<640xf32>
    %reduce_sum3A_27 = vector.multi_reduction <add>, %add3A_20, %reduce_sum3A [1] : vector<640x256xf32> to vector<640xf32>
    %broadcast_in_dim3A = vector.shape_cast %reduce_sum3A_27 : vector<640xf32> to vector<640x1xf32>
    %div3A = arith.constant 2.560000e+02 : f32
    %div3A_28 = vector.broadcast %div3A : f32 to vector<640x1xf32>
    %div3A_29 = arith.divf %broadcast_in_dim3A, %div3A_28 : vector<640x1xf32>
    %sub3A = vector.broadcast %div3A_29 : vector<640x1xf32> to vector<640x256xf32>
    %sub3A_30 = arith.subf %add3A_20, %sub3A : vector<640x256xf32>
    %integer_pow3A = arith.mulf %sub3A_30, %sub3A_30 : vector<640x256xf32>
    %reduce_sum3A_31 = arith.constant dense<0.000000e+00> : vector<640xf32>
    %reduce_sum3A_32 = vector.multi_reduction <add>, %integer_pow3A, %reduce_sum3A_31 [1] : vector<640x256xf32> to vector<640xf32>
    %broadcast_in_dim3A_33 = vector.shape_cast %reduce_sum3A_32 : vector<640xf32> to vector<640x1xf32>
    %div3A_34 = arith.constant 2.560000e+02 : f32
    %div3A_35 = vector.broadcast %div3A_34 : f32 to vector<640x1xf32>
    %div3A_36 = arith.divf %broadcast_in_dim3A_33, %div3A_35 : vector<640x1xf32>
    %sub3A_37 = vector.broadcast %div3A_29 : vector<640x1xf32> to vector<640x256xf32>
    %sub3A_38 = arith.subf %add3A_20, %sub3A_37 : vector<640x256xf32>
    %add3A_39 = arith.constant 9.99999974E-6 : f32
    %add3A_40 = vector.broadcast %add3A_39 : f32 to vector<640x1xf32>
    %add3A_41 = arith.addf %div3A_36, %add3A_40 : vector<640x1xf32>
    %rsqrt3A = math.rsqrt %add3A_41 : vector<640x1xf32>
    %mul3A_42 = vector.broadcast %rsqrt3A : vector<640x1xf32> to vector<640x256xf32>
    %mul3A_43 = arith.mulf %sub3A_38, %mul3A_42 : vector<640x256xf32>
    %mul3A_44 = vector.broadcast %get3A_23 : vector<1x256xf32> to vector<640x256xf32>
    %mul3A_45 = arith.mulf %mul3A_43, %mul3A_44 : vector<640x256xf32>
    %add3A_46 = vector.broadcast %get3A_26 : vector<1x256xf32> to vector<640x256xf32>
    %add3A_47 = arith.addf %mul3A_45, %add3A_46 : vector<640x256xf32>
    %max3A = arith.constant 0.000000e+00 : f32
    %max3A_48 = vector.broadcast %max3A : f32 to vector<640x256xf32>
    %max3A_49 = arith.maximumf %add3A_47, %max3A_48 : vector<640x256xf32>
    %get3A_50 = arith.constant 0 : index
    %get3A_51 = arith.constant 0 : index
    %get3A_52 = vector.load %arg9[%get3A_50, %get3A_51] : memref<256x128xf32, #tpu.memory_space<vmem>>, vector<256x128xf32>
    %dot_general3A = arith.constant dense<0.000000e+00> : vector<640x128xf32>
    %dot_general3A_53 = tpu.matmul %max3A_49, %get3A_52, %dot_general3A {dimension_numbers = #tpu.dot_dimension_numbers<[1], [0], [0], [1], [0, 0, 1, 1], [], []>, transpose_lhs_hint = false} : vector<640x256xf32>, vector<256x128xf32>, vector<640x128xf32> -> vector<640x128xf32>
    %mul3A_54 = vector.broadcast %get3A_1 : vector<640x1xf32> to vector<640x128xf32>
    %mul3A_55 = arith.mulf %dot_general3A_53, %mul3A_54 : vector<640x128xf32>
    %swap3A = arith.constant 0 : index
    %swap3A_56 = arith.constant 0 : index
    %swap3A_57 = vector.load %arg10[%swap3A, %swap3A_56] : memref<640x128xf32, #tpu.memory_space<vmem>>, vector<640x128xf32>
    tpu.vector_store %arg10[%swap3A, %swap3A_56], %mul3A_55 {strides = array<i32>} : memref<640x128xf32, #tpu.memory_space<vmem>>, vector<640x128xf32>,
    return
  }
  func.func @transform_0(%arg0: i32) -> (i32, i32) {
    %c0_i32 = arith.constant 0 : i32
    %c0_i32_0 = arith.constant 0 : i32
    return %arg0, %c0_i32 : i32, i32
  }
  func.func @transform_1(%arg0: i32) -> (i32, i32) {
    %c0_i32 = arith.constant 0 : i32
    %c0_i32_0 = arith.constant 0 : i32
    return %arg0, %c0_i32 : i32, i32
  }
  func.func @transform_2(%arg0: i32) -> (i32, i32) {
    %c0_i32 = arith.constant 0 : i32
    %c0_i32_0 = arith.constant 0 : i32
    return %arg0, %c0_i32 : i32, i32
  }
  func.func @transform_3(%arg0: i32) -> (i32, i32) {
    %c0_i32 = arith.constant 0 : i32
    %c0_i32_0 = arith.constant 0 : i32
    return %arg0, %c0_i32 : i32, i32
  }
  func.func @transform_4(%arg0: i32) -> (i32, i32) {
    %c0_i32 = arith.constant 0 : i32
    %c0_i32_0 = arith.constant 0 : i32
    return %arg0, %c0_i32 : i32, i32
  }
  func.func @transform_5(%arg0: i32) -> (i32, i32) {
    %c0_i32 = arith.constant 0 : i32
    %c0_i32_0 = arith.constant 0 : i32
    %c0_i32_1 = arith.constant 0 : i32
    return %c0_i32, %c0_i32_0 : i32, i32
  }
  func.func @transform_6(%arg0: i32) -> (i32, i32) {
    %c0_i32 = arith.constant 0 : i32
    %c0_i32_0 = arith.constant 0 : i32
    %c0_i32_1 = arith.constant 0 : i32
    return %c0_i32, %c0_i32_0 : i32, i32
  }
  func.func @transform_7(%arg0: i32) -> (i32, i32) {
    %c0_i32 = arith.constant 0 : i32
    %c0_i32_0 = arith.constant 0 : i32
    %c0_i32_1 = arith.constant 0 : i32
    return %c0_i32, %c0_i32_0 : i32, i32
  }
  func.func @transform_8(%arg0: i32) -> (i32, i32) {
    %c0_i32 = arith.constant 0 : i32
    %c0_i32_0 = arith.constant 0 : i32
    %c0_i32_1 = arith.constant 0 : i32
    return %c0_i32, %c0_i32_0 : i32, i32
  }
  func.func @transform_9(%arg0: i32) -> (i32, i32) {
    %c0_i32 = arith.constant 0 : i32
    %c0_i32_0 = arith.constant 0 : i32
    return %arg0, %c0_i32 : i32, i32
  }
}

module attributes {stable_mosaic.version = 14 : i64} {
  func.func @_final_body(%arg0: i32, %arg1: memref<640x128xf32, #tpu.memory_space<vmem>>, %arg2: memref<640x128xf32, #tpu.memory_space<vmem>>, %arg3: memref<640x128xf32, #tpu.memory_space<vmem>>, %arg4: memref<640x1xf32, #tpu.memory_space<vmem>>, %arg5: memref<1x128xf32, #tpu.memory_space<vmem>>, %arg6: memref<1x128xf32, #tpu.memory_space<vmem>>, %arg7: memref<1x128xf32, #tpu.memory_space<vmem>>, %arg8: memref<640x128xf32, #tpu.memory_space<vmem>>) attributes {dimension_semantics = [#tpu.dimension_semantics<arbitrary>], iteration_bounds = array<i64: 16>, scalar_prefetch = 0 : i64, scratch_operands = 0 : i64, tpu.core_type = #tpu.core_type<tc>, window_params = [{transform_indices = @transform_0, window_bounds = array<i64: 640, 128>}, {transform_indices = @transform_1, window_bounds = array<i64: 640, 128>}, {transform_indices = @transform_2, window_bounds = array<i64: 640, 128>}, {transform_indices = @transform_3, window_bounds = array<i64: 640, 1>}, {pipeline_mode = #tpu.pipeline_mode<synchronous>, transform_indices = @transform_4, window_bounds = array<i64: 1, 128>}, {pipeline_mode = #tpu.pipeline_mode<synchronous>, transform_indices = @transform_5, window_bounds = array<i64: 1, 128>}, {pipeline_mode = #tpu.pipeline_mode<synchronous>, transform_indices = @transform_6, window_bounds = array<i64: 1, 128>}, {transform_indices = @transform_7, window_bounds = array<i64: 640, 128>}]} {
    %get3A = arith.constant 0 : index
    %get3A_0 = arith.constant 0 : index
    %get3A_1 = vector.load %arg1[%get3A, %get3A_0] : memref<640x128xf32, #tpu.memory_space<vmem>>, vector<640x128xf32>
    %get3A_2 = arith.constant 0 : index
    %get3A_3 = arith.constant 0 : index
    %get3A_4 = vector.load %arg2[%get3A_2, %get3A_3] : memref<640x128xf32, #tpu.memory_space<vmem>>, vector<640x128xf32>
    %add3A = arith.addf %get3A_1, %get3A_4 : vector<640x128xf32>
    %get3A_5 = arith.constant 0 : index
    %get3A_6 = arith.constant 0 : index
    %get3A_7 = vector.load %arg3[%get3A_5, %get3A_6] : memref<640x128xf32, #tpu.memory_space<vmem>>, vector<640x128xf32>
    %add3A_8 = arith.addf %add3A, %get3A_7 : vector<640x128xf32>
    %get3A_9 = arith.constant 0 : index
    %get3A_10 = arith.constant 0 : index
    %get3A_11 = vector.load %arg4[%get3A_9, %get3A_10] : memref<640x1xf32, #tpu.memory_space<vmem>>, vector<640x1xf32>
    %mul3A = vector.broadcast %get3A_11 : vector<640x1xf32> to vector<640x128xf32>
    %mul3A_12 = arith.mulf %add3A_8, %mul3A : vector<640x128xf32>
    %get3A_13 = arith.constant 0 : index
    %get3A_14 = arith.constant 0 : index
    %get3A_15 = vector.load %arg5[%get3A_13, %get3A_14] : memref<1x128xf32, #tpu.memory_space<vmem>>, vector<1x128xf32>
    %add3A_16 = vector.broadcast %get3A_15 : vector<1x128xf32> to vector<640x128xf32>
    %add3A_17 = arith.addf %mul3A_12, %add3A_16 : vector<640x128xf32>
    %get3A_18 = arith.constant 0 : index
    %get3A_19 = arith.constant 0 : index
    %get3A_20 = vector.load %arg6[%get3A_18, %get3A_19] : memref<1x128xf32, #tpu.memory_space<vmem>>, vector<1x128xf32>
    %get3A_21 = arith.constant 0 : index
    %get3A_22 = arith.constant 0 : index
    %get3A_23 = vector.load %arg7[%get3A_21, %get3A_22] : memref<1x128xf32, #tpu.memory_space<vmem>>, vector<1x128xf32>
    %reduce_sum3A = arith.constant dense<0.000000e+00> : vector<640xf32>
    %reduce_sum3A_24 = vector.multi_reduction <add>, %add3A_17, %reduce_sum3A [1] : vector<640x128xf32> to vector<640xf32>
    %broadcast_in_dim3A = vector.shape_cast %reduce_sum3A_24 : vector<640xf32> to vector<640x1xf32>
    %div3A = arith.constant 1.280000e+02 : f32
    %div3A_25 = vector.broadcast %div3A : f32 to vector<640x1xf32>
    %div3A_26 = arith.divf %broadcast_in_dim3A, %div3A_25 : vector<640x1xf32>
    %sub3A = vector.broadcast %div3A_26 : vector<640x1xf32> to vector<640x128xf32>
    %sub3A_27 = arith.subf %add3A_17, %sub3A : vector<640x128xf32>
    %integer_pow3A = arith.mulf %sub3A_27, %sub3A_27 : vector<640x128xf32>
    %reduce_sum3A_28 = arith.constant dense<0.000000e+00> : vector<640xf32>
    %reduce_sum3A_29 = vector.multi_reduction <add>, %integer_pow3A, %reduce_sum3A_28 [1] : vector<640x128xf32> to vector<640xf32>
    %broadcast_in_dim3A_30 = vector.shape_cast %reduce_sum3A_29 : vector<640xf32> to vector<640x1xf32>
    %div3A_31 = arith.constant 1.280000e+02 : f32
    %div3A_32 = vector.broadcast %div3A_31 : f32 to vector<640x1xf32>
    %div3A_33 = arith.divf %broadcast_in_dim3A_30, %div3A_32 : vector<640x1xf32>
    %sub3A_34 = vector.broadcast %div3A_26 : vector<640x1xf32> to vector<640x128xf32>
    %sub3A_35 = arith.subf %add3A_17, %sub3A_34 : vector<640x128xf32>
    %add3A_36 = arith.constant 9.99999974E-6 : f32
    %add3A_37 = vector.broadcast %add3A_36 : f32 to vector<640x1xf32>
    %add3A_38 = arith.addf %div3A_33, %add3A_37 : vector<640x1xf32>
    %rsqrt3A = math.rsqrt %add3A_38 : vector<640x1xf32>
    %mul3A_39 = vector.broadcast %rsqrt3A : vector<640x1xf32> to vector<640x128xf32>
    %mul3A_40 = arith.mulf %sub3A_35, %mul3A_39 : vector<640x128xf32>
    %mul3A_41 = vector.broadcast %get3A_20 : vector<1x128xf32> to vector<640x128xf32>
    %mul3A_42 = arith.mulf %mul3A_40, %mul3A_41 : vector<640x128xf32>
    %add3A_43 = vector.broadcast %get3A_23 : vector<1x128xf32> to vector<640x128xf32>
    %add3A_44 = arith.addf %mul3A_42, %add3A_43 : vector<640x128xf32>
    %max3A = arith.constant 0.000000e+00 : f32
    %max3A_45 = vector.broadcast %max3A : f32 to vector<640x128xf32>
    %max3A_46 = arith.maximumf %add3A_44, %max3A_45 : vector<640x128xf32>
    %swap3A = arith.constant 0 : index
    %swap3A_47 = arith.constant 0 : index
    %swap3A_48 = vector.load %arg8[%swap3A, %swap3A_47] : memref<640x128xf32, #tpu.memory_space<vmem>>, vector<640x128xf32>
    tpu.vector_store %arg8[%swap3A, %swap3A_47], %max3A_46 {strides = array<i32>} : memref<640x128xf32, #tpu.memory_space<vmem>>, vector<640x128xf32>,
    return
  }
  func.func @transform_0(%arg0: i32) -> (i32, i32) {
    %c0_i32 = arith.constant 0 : i32
    %c0_i32_0 = arith.constant 0 : i32
    return %arg0, %c0_i32 : i32, i32
  }
  func.func @transform_1(%arg0: i32) -> (i32, i32) {
    %c0_i32 = arith.constant 0 : i32
    %c0_i32_0 = arith.constant 0 : i32
    return %arg0, %c0_i32 : i32, i32
  }
  func.func @transform_2(%arg0: i32) -> (i32, i32) {
    %c0_i32 = arith.constant 0 : i32
    %c0_i32_0 = arith.constant 0 : i32
    return %arg0, %c0_i32 : i32, i32
  }
  func.func @transform_3(%arg0: i32) -> (i32, i32) {
    %c0_i32 = arith.constant 0 : i32
    %c0_i32_0 = arith.constant 0 : i32
    return %arg0, %c0_i32 : i32, i32
  }
  func.func @transform_4(%arg0: i32) -> (i32, i32) {
    %c0_i32 = arith.constant 0 : i32
    %c0_i32_0 = arith.constant 0 : i32
    %c0_i32_1 = arith.constant 0 : i32
    return %c0_i32, %c0_i32_0 : i32, i32
  }
  func.func @transform_5(%arg0: i32) -> (i32, i32) {
    %c0_i32 = arith.constant 0 : i32
    %c0_i32_0 = arith.constant 0 : i32
    %c0_i32_1 = arith.constant 0 : i32
    return %c0_i32, %c0_i32_0 : i32, i32
  }
  func.func @transform_6(%arg0: i32) -> (i32, i32) {
    %c0_i32 = arith.constant 0 : i32
    %c0_i32_0 = arith.constant 0 : i32
    %c0_i32_1 = arith.constant 0 : i32
    return %c0_i32, %c0_i32_0 : i32, i32
  }
  func.func @transform_7(%arg0: i32) -> (i32, i32) {
    %c0_i32 = arith.constant 0 : i32
    %c0_i32_0 = arith.constant 0 : i32
    return %arg0, %c0_i32 : i32, i32
  }
}

</mosaic_0001>

<sc_bundles>
// kernel: kernel.12.cloned.1.call-start
scs
__scs_entry_jumppad:
0x0: {  	(pc) =	sbr.rel $0x88, $3  }
0x1: {  	(tag) =	ssettag $0x0;
	lr =	simm.s32 $0x1  }
0x2: {  	[smem:$0x3F97] =	sst lr;
	_ =	strace $0xD0000000  }
0x3: {  	_ = 	snop  }
0x4: {  	_ = 	snop  }
0x5: {  	_ = 	snop  }
0x6: {  	_ = 	snop  }
0x7: {  	_ = 	snop  }
__scs_overlays_trampoline_lowered:
0x8: {  	[smem:$0x3FA6] =	sst s0  }
0x9: {  	[smem:$0x3FA7] =	sst s1  }
0xa: {  	[smem:$0x3FA8] =	sst s2  }
0xb: {  	[smem:$0x3FA9] =	sst s3  }
0xc: {  	[smem:$0x3FAA] =	sst s4  }
0xd: {  	[smem:$0x3FAB] =	sst s5  }
0xe: {  	[smem:$0x3FAC] =	sst s6  }
0xf: {  	[smem:$0x3FAD] =	sst s7  }
0x10: {  	[smem:$0x3FAE] =	sst s8  }
0x11: {  	[smem:$0x3FAF] =	sst s9;
	s0 =	simm.s32 @!p0 $0x0  }
0x12: {  	s1 =	sld [smem:$0x3F95];
	s0 =	simm.s32 @p0 $0x1  }
0x13: {  	[smem:$0x3FB0] =	sst s0;
	s0 =	simm.s32 @!p1 $0x0  }
0x14: {  	s2 =	sld [smem:$0x3F94];
	s0 =	simm.s32 @p1 $0x1  }
0x15: {  	[smem:$0x3FB1] =	sst s0;
	s0 =	simm.s32 @!p2 $0x0  }
0x16: {  	s3 =	sld [smem:$0x3FDB];
	s0 =	simm.s32 @p2 $0x1  }
0x17: {  	s4 =	simm.s32 $0x1BF5;
	[smem:$0x3FB3] =	sst s0  }
0x18: {  	s0 =	sld [smem:$0x3F96];
	_ =	swait.ge [sflag:s4], $0x0  }
0x19: {  	s7 =	sld [smem:$0x3F97]  }
0x1a: {  	s8 =	sadd.s32 $0xFFFFE003, lr  }
0x1b: {  	s9 =	sadd.s32 $0xFFFFFEF7, lr;
	s5 =	simm.s32 $0xFFFFFFFF;
	p2 =	slt.u32 s8, $0xFFFFF086  }
0x1c: {  	p1 =	slt.u32 s9, $0xF7A;
	s5 =	simm.s32 @!p2 $0x0  }
0x1d: {  	s5 =	simm.s32 @p1 $0x1;
	p0 =	seq.s32 s7, s2  }
0x1e: {  	s7 =	smul.u32 @!p0 $0xF7A, s2;
	p2 =	seq.s32 @!p0 s5, $0x0  }
0x1f: {  	s9 =	smul.u32 $0xF7A, s1;
	s8 =	simm.s32 @!p0 $0x1BF5;
	p2 =	por !p2, p0  }
0x20: {  	[sflag:s8] =	ssyncset.s32 @!p0 $0xFFFFF086;
	s6 =	sadd.s32 @!p0 s3, s7;
	s7 =	simm.s32 @!p0 $0x108  }
0x21: {  	s3 =	sadd.s32 s3, s9;
	s6 =	sadd.s32 @!p0 $0x88, s6;
	s7 =	simm.s32 @p2 $0x1082  }
0x22: {  	[simem:s7], [sflag:s8] =	dma.local @!p0 [hbm:s6], $0xF7A  }
0x23: {  	s9 =	sor.u32 $0xD0000000, s2;
	s6 =	simm.s32 $0x108;
	_ =	swait.ge @!p0 [sflag:s8], $0x0  }
0x24: {  	s3 =	sadd.s32 $0x88, s3;
	s6 =	simm.s32 @!p1 $0x1082;
	[sflag:s4] =	ssyncset.s32 $0xFFFFF086  }
0x25: {  	[simem:s6], [sflag:s4] =	dma.local [hbm:s3], $0xF7A  }
0x26: {  	[smem:$0x3F97] =	sst s1;
	(tag) =	ssettag s2;
	_ =	strace s9  }
0x27: {  	s1 =	sld [smem:$0x3FA7]  }
0x28: {  	s2 =	sld [smem:$0x3FA8]  }
0x29: {  	s4 =	sld [smem:$0x3FAA]  }
0x2a: {  	p0 =	seq.s32 s5, $0x0;
	s5 =	sld [smem:$0x3FAB]  }
0x2b: {  	s6 =	sld [smem:$0x3FAC]  }
0x2c: {  	s7 =	sld [smem:$0x3FAD]  }
0x2d: {  	s3 =	simm.s32 $0x108;
	s8 =	sld [smem:$0x3FAE]  }
0x2e: {  	s3 =	simm.s32 @!p0 $0x1082;
	s9 =	sld [smem:$0x3FAF]  }
0x2f: {  	lr =	sadd.s32 s0, s3;
	s0 =	sld [smem:$0x3FA6]  }
0x30: {  	s3 =	sld [smem:$0x3FA9]  }
0x31: {  	[smem:$0x3FB2] =	sst s10  }
0x32: {  	s10 =	sld [smem:$0x3FB0];
	_ =	sdelay $0x3  }
0x33: {  	p0 =	seq.s32 s10, $0x1;
	s10 =	sld [smem:$0x3FB2];
	_ =	sdelay $0x3  }
0x34: {  	[smem:$0x3FB2] =	sst s10  }
0x35: {  	s10 =	sld [smem:$0x3FB1];
	_ =	sdelay $0x3  }
0x36: {  	p1 =	seq.s32 s10, $0x1;
	s10 =	sld [smem:$0x3FB2];
	_ =	sdelay $0x3  }
0x37: {  	[smem:$0x3FB2] =	sst s10  }
0x38: {  	s10 =	sld [smem:$0x3FB3]  }
0x39: {  	_ = 	snop;
	(pc) =	sbr.ind lr, $3  }
0x3a: {  	_ = 	snop  }
0x3b: {  	_ = 	snop  }
0x3c: {  	p2 =	seq.s32 s10, $0x1;
	s10 =	sld [smem:$0x3FB2]  }
0x3d: {  	_ =	shalt  }
0x3e: {  	_ =	shalt  }
0x3f: {  	_ =	shalt  }
0x40: {  	_ =	shalt  }
0x41: {  	_ =	shalt  }
0x42: {  	_ =	shalt  }
0x43: {  	_ =	shalt  }
0x44: {  	_ =	shalt  }
0x45: {  	_ =	shalt  }
0x46: {  	_ =	shalt  }
0x47: {  	_ =	shalt  }
0x48: {  	_ =	shalt  }
0x49: {  	_ =	shalt  }
0x4a: {  	_ =	shalt  }
0x4b: {  	_ =	shalt  }
0x4c: {  	_ =	shalt  }
0x4d: {  	_ =	shalt  }
0x4e: {  	_ =	shalt  }
0x4f: {  	_ =	shalt  }
0x50: {  	_ =	shalt  }
0x51: {  	_ =	shalt  }
0x52: {  	_ =	shalt  }
0x53: {  	_ =	shalt  }
0x54: {  	_ =	shalt  }
0x55: {  	_ =	shalt  }
0x56: {  	_ =	shalt  }
0x57: {  	_ =	shalt  }
0x58: {  	_ =	shalt  }
0x59: {  	_ =	shalt  }
0x5a: {  	_ =	shalt  }
0x5b: {  	_ =	shalt  }
0x5c: {  	_ =	shalt  }
0x5d: {  	_ =	shalt  }
0x5e: {  	_ =	shalt  }
0x5f: {  	_ =	shalt  }
0x60: {  	_ =	shalt  }
0x61: {  	_ =	shalt  }
0x62: {  	_ =	shalt  }
0x63: {  	_ =	shalt  }
0x64: {  	_ =	shalt  }
0x65: {  	_ =	shalt  }
0x66: {  	_ =	shalt  }
0x67: {  	_ =	shalt  }
0x68: {  	_ =	shalt  }
0x69: {  	_ =	shalt  }
0x6a: {  	_ =	shalt  }
0x6b: {  	_ =	shalt  }
0x6c: {  	_ =	shalt  }
0x6d: {  	_ =	shalt  }
0x6e: {  	_ =	shalt  }
0x6f: {  	_ =	shalt  }
0x70: {  	_ =	shalt  }
0x71: {  	_ =	shalt  }
0x72: {  	_ =	shalt  }
0x73: {  	_ =	shalt  }
0x74: {  	_ =	shalt  }
0x75: {  	_ =	shalt  }
0x76: {  	_ =	shalt  }
0x77: {  	_ =	shalt  }
0x78: {  	_ =	shalt  }
0x79: {  	_ =	shalt  }
0x7a: {  	_ =	shalt  }
0x7b: {  	_ =	shalt  }
0x7c: {  	_ =	shalt  }
0x7d: {  	_ =	shalt  }
0x7e: {  	_ =	shalt  }
0x7f: {  	_ =	shalt  }
0x80: {  	_ =	shalt  }
0x81: {  	_ =	shalt  }
0x82: {  	_ =	shalt  }
0x83: {  	_ =	shalt  }
0x84: {  	_ =	shalt  }
0x85: {  	_ =	shalt  }
0x86: {  	_ =	shalt  }
0x87: {  	_ =	shalt  }
.Lfunc_end0:
.L_simem_size_0:
called_computation.1_lowered:
.L_overlay_start_0:
0x88: {  	s2 =	sld [smem:$0x3FD9]  }
0x89: {  	s3 =	sld [smem:$0x3FFE];
	_ =	sdelay $0x1  }
0x8a: {  	s1 =	srdreg.scid  }
0x8b: {  	s0 =	sand.u32 $0x1, s1  }
0x8c: {  	s17 =	sshll.u32 s0, $0xA;
	s2 =	sadd.s32 s3, s2  }
0x8d: {  	s2 =	sadd.s32 s2, s17  }
0x8e: {  	[smem:$0x3FBE] =	sst s2  }
0x8f: {  	_ = 	snop  }
0x90: {  	s2 =	sld [smem:$0x3FD0];
	(tm) =	ssettm $0x1  }
0x91: {  	s18 =	sld [smem:$0x3FFB];
	_ =	sdelay $0x3  }
0x92: {  	_ =	strace s18  }
0x93: {  	s3 =	sld [smem:$0x3FFC];
	_ =	sdelay $0x3  }
0x94: {  	_ =	strace s3  }
0x95: {  	s3 =	sld [smem:$0x3FFD];
	_ =	sdelay $0x3  }
0x96: {  	_ =	strace s3  }
0x97: {  	_ =	strace $0x8FFFFFFF  }
0x98: {  	s19 =	sld [smem:$0x3FDB];
	_ =	sdelay $0x1  }
0x99: {  	s4 =	simm.s32 $_scs_section_size  }
0x9a: {  	s5 =	simm.s32 $_size__tile_overlayer_lowered;
	s6 =	simm.s32 $_tile_overlayer_lowered  }
0x9b: {  	s22 =	simm.s32 $0x1BFF;
	s21 =	sshll.u32 s6, $0x1;
	s3 =	sadd.s32 s4, s19  }
0x9c: {  	s7 =	simm.s32 $0x0;
	s20 =	sshll.u32 s5, $0x1;
	s5 =	sadd.s32 s21, s3  }
0x9d: {  	[timem:s7], [sflag:s22] =	dma.local [hbm:s5], s20  }
0x9e: {  	_ =	swait.ge [sflag:s22], s20  }
0x9f: {  	s4 =	ssub.s32 $0x0, s20;
	[sflag:s22] =	ssyncset.done $0x0  }
0xa0: {  	[sflag:s22] =	ssyncadd.s32 s4;
	_ =	sdelay $0x1  }
0xa1: {  	s23 =	simm.s32 $0x1B8B  }
0xa2: {  	_ =	swait.ge [sflag:s23], $0x1  }
0xa3: {  	[sflag:s23] =	ssyncset.done $0x0  }
0xa4: {  	s25 =	simm.s32 $0x1B8E;
	s24 =	sld [smem:$0x3FFE];
	[sflag:s23] =	ssyncadd.s32 $0xFFFFFFFF  }
0xa5: {  	s26 =	simm.s32 $execute0_lowered;
	[smem:$0x3FD2] =	sst s25  }
0xa6: {  	s5 =	sshll.u32 s26, $0x1;
	_ =	strace $0x80000049;
	[dreg:$0x1] =	wrdreg $0xFFFFFFFF  }
0xa7: {  	s28 =	simm.s32 $_size_execute0_lowered;
	s3 =	sadd.s32 s3, s5;
	[dreg:$0x0] =	wrdreg $0x0  }
0xa8: {  	s5 =	sshll.u32 s28, $0x1;
	[dreg:$0x2] =	wrdreg s3  }
0xa9: {  	[dreg:$0x3] =	wrdreg s5  }
0xaa: {  	[dreg:$0x4] =	wrdreg $0xC0  }
0xab: {  	_ =	task [dreg:s7], $0x5FFFF  }
0xac: {  	[dreg:$0x1] =	wrdreg $0xFFFFFFFF  }
0xad: {  	[dreg:$0x0] =	wrdreg $0x60  }
0xae: {  	[dreg:$0x2] =	wrdreg s24  }
0xaf: {  	[dreg:$0x3] =	wrdreg s2  }
0xb0: {  	[dreg:$0x4] =	wrdreg $0xB0000  }
0xb1: {  	[dreg:$0x5] =	wrdreg $0x9  }
0xb2: {  	_ =	task.clear_ibuf [dreg:s7], $0x6FFFF;
	_ =	strace $0x90000049  }
0xb3: {  	s29 =	simm.s32 $0x9;
	_ =	strace $0x8000004B  }
0xb4: {  	_ =	swait.ge [sflag:s29], $0x1  }
0xb5: {  	[sflag:s29] =	ssyncadd.s32 $0xFFFFFFFF  }
0xb6: {  	_ =	strace $0x9000004B  }
0xb7: {  	_ =	sfence  }
0xb8: {  	s30 =	sld [smem:$0x0];
	_ =	sdelay $0x2  }
0xb9: {  	s31 =	sshll.u32 s1, $0xD;
	s1 =	sshrl.u32 s1, $0x2  }
0xba: {  	s3 =	sand.u32 $0x4000, s31;
	s1 =	sadd.s32 s1, s30  }
0xbb: {  	s0 =	sor.u32 s3, s0;
	s1 =	sshll.u32 s1, $0x11  }
0xbc: {  	s0 =	sor.u32 s1, s0  }
0xbd: {  	s0 =	sadd.s32 $0x8F2B, s0  }
0xbe: {  	[sflag:s0] =	ssyncadd.remote.s32 $0x1  }
0xbf: {  	_ =	sfence.sel $0xFFFF  }
0xc0: {  	[dreg:$0x0] =	wrdreg $0xFFFFFFFF;
	(pc) =	sbr.abs _section_cstart, $3  }
0xc1: {  	[dreg:$0x1] =	wrdreg $0xFFFFFFFF  }
0xc2: {  	_ =	task.clear_ibuf [dreg:s7], $0x2FFFF;
	_ =	strace $0x9FFFFFFF  }
0xc3: {  	(tm) =	ssettm $0x7FFFFFFF  }
tec
execute0_lowered:
.L_overlay_start_1:
0x0: {  	(tag) =	ssettag $0x1  }
0x1: {  	s0 =	rddreg [dreg:$0x0]  }
0x2: {  	s1 =	rddreg [dreg:$0x1]  }
0x3: {  	s2 =	rddreg [dreg:$0x2]  }
0x4: {  	s3 =	simm.s32 $0x0;
	s11 =	stileid.u32;
	s6 =	srdreg.scid  }
0x5: {  	[smem:$0x7FF] =	sst s3;
	s7 =	smul.u32 $0x50000, s11;
	s4 =	sadd.s32 $0x17E00, s0  }
0x6: {  	s5 =	sadd.s32 $0x3FE00, s0;
	s6 =	sand.u32 $0x1, s6;
	s8 =	sadd.s32 $0xDE00, s0  }
0x7: {  	s10 =	sadd.s32 $0x8FE00, s0;
	s0 =	sadd.s32 $0xB7E00, s0;
	s15 =	smul.u32 $0x5000, s11  }
0x8: {  	_ =	strace $0x8000004A;
	s9 =	ssub.s32 $0x2, s6;
	[dreg:$0x4] =	wrdreg s10  }
0x9: {  	[dreg:$0x5] =	wrdreg s0;
	s26 =	sshrl.u32 s9, $0x1;
	s20 =	sshrl.u32 s15, $0x3  }
0xa: {  	s7 =	sshrl.u32 s7, $0x2;
	s0 =	ssub.s32 s9, s26;
	s9 =	sadd.s32 s8, s20  }
0xb: {  	s7 =	sadd.s32 s7, s2;
	s21 =	sadd.s32 s1, s20;
	[dreg:$0xd] =	wrdreg s9  }
0xc: {  	s12 =	sadd.s32 $0x800, s7;
	[dreg:$0xe] =	wrdreg s21  }
0xd: {  	s13 =	sadd.s32 $0x1000, s7;
	[dreg:$0x6] =	wrdreg s12  }
0xe: {  	s14 =	sadd.s32 $0x1800, s7;
	[dreg:$0x7] =	wrdreg s13  }
0xf: {  	s16 =	sadd.s32 $0x2000, s7;
	[dreg:$0x8] =	wrdreg s14  }
0x10: {  	s17 =	sadd.s32 $0x2800, s7;
	[dreg:$0x9] =	wrdreg s16  }
0x11: {  	s18 =	sadd.s32 $0x3000, s7;
	[dreg:$0xa] =	wrdreg s17  }
0x12: {  	s22 =	sadd.s32 $0x280, s20;
	s19 =	sadd.s32 $0x3800, s7;
	[dreg:$0xb] =	wrdreg s18  }
0x13: {  	p0 =	seq.s32 s6, $0x1;
	s23 =	sadd.s32 s8, s22;
	[dreg:$0xc] =	wrdreg s19  }
0x14: {  	s24 =	sadd.s32 $0x500, s20;
	s9 =	sadd.s32 s1, s22;
	[dreg:$0xf] =	wrdreg s23  }
0x15: {  	s6 =	sadd.s32 $0x780, s20;
	s25 =	sadd.s32 s8, s24;
	[dreg:$0x10] =	wrdreg s9  }
0x16: {  	s8 =	sadd.s32 s8, s6;
	[dreg:$0x11] =	wrdreg s25  }
0x17: {  	s26 =	sadd.s32 $0x4000, s7;
	[dreg:$0x13] =	wrdreg s8  }
0x18: {  	s0 =	smax.u32 s0, $0x1;
	[dreg:$0x15] =	wrdreg s26  }
0x19: {  	s10 =	sadd.s32 $0x6800, s7;
	[dreg:$0x16] =	wrdreg s0  }
0x1a: {  	s15 =	sadd.s32 $0x8800, s7;
	[dreg:$0x1b] =	wrdreg s10  }
0x1b: {  	s20 =	sadd.s32 $0xB000, s7;
	[dreg:$0x1f] =	wrdreg s15  }
0x1c: {  	s21 =	sadd.s32 $0xB800, s7;
	[smem:$0x7F7] =	sst s20  }
0x1d: {  	s22 =	sadd.s32 $0xC000, s7;
	[smem:$0x7F8] =	sst s21  }
0x1e: {  	s9 =	sadd.s32 s1, s24;
	[smem:$0x7F9] =	sst s22  }
0x1f: {  	s1 =	sadd.s32 s1, s6;
	[dreg:$0x12] =	wrdreg s9  }
0x20: {  	s6 =	sadd.s32 $0x5000, s7;
	[dreg:$0x14] =	wrdreg s1  }
0x21: {  	s28 =	sadd.s32 $0x12000, s7;
	s8 =	sadd.s32 $0x5800, s7;
	[dreg:$0x18] =	wrdreg s6  }
0x22: {  	s29 =	sadd.s32 $0x12800, s7;
	s12 =	sadd.s32 $0x7000, s7;
	[dreg:$0x19] =	wrdreg s8  }
0x23: {  	s30 =	sadd.s32 $0x13000, s7;
	s13 =	sadd.s32 $0x7800, s7;
	[dreg:$0x1c] =	wrdreg s12  }
0x24: {  	s31 =	sadd.s32 $0x13800, s7;
	s14 =	sadd.s32 $0x8000, s7;
	[dreg:$0x1d] =	wrdreg s13  }
0x25: {  	s16 =	sadd.s32 $0x9000, s7;
	s17 =	sadd.s32 $0x9800, s7;
	[dreg:$0x1e] =	wrdreg s14  }
0x26: {  	s18 =	sadd.s32 $0xA000, s7;
	s19 =	sadd.s32 $0xA800, s7;
	[smem:$0x7F3] =	sst s16  }
0x27: {  	s23 =	sadd.s32 $0xC800, s7;
	s24 =	sadd.s32 $0xD000, s7;
	[smem:$0x7F4] =	sst s17  }
0x28: {  	s25 =	sadd.s32 $0xD800, s7;
	s26 =	sadd.s32 $0xE000, s7;
	[smem:$0x7F5] =	sst s18  }
0x29: {  	s20 =	sadd.s32 $0xE800, s7;
	s21 =	sadd.s32 $0xF000, s7;
	[smem:$0x7F6] =	sst s19  }
0x2a: {  	s22 =	sadd.s32 $0xF800, s7;
	s0 =	smul.u32 $0x2800, s11;
	[smem:$0x7FA] =	sst s23  }
0x2b: {  	s10 =	simm.s32 $0x2800;
	s11 =	simm.s32 $0x1;
	[smem:$0x7FB] =	sst s24  }
0x2c: {  	s1 =	sadd.s32 $0x4800, s7;
	s9 =	sadd.s32 $0x6000, s7;
	[smem:$0x7FC] =	sst s25  }
.Ltmp0:
0x2d: {  	[smem:$0x7FD] =	sst s26;
	s23 =	sadd.s32 $0x10000, s7;
	(pc) =	sbr.rel .LBB2_1-.Ltmp0, $4  }
0x2e: {  	s24 =	sadd.s32 $0x10800, s7;
	s25 =	sadd.s32 $0x11000, s7;
	s26 =	sadd.s32 $0x11800, s7  }
0x2f: {  	s6 =	simm.s32 $0xA800;
	s8 =	simm.s32 $0x3;
	s12 =	simm.s32 $0x6800  }
0x30: {  	s13 =	simm.s32 $0x2;
	s14 =	simm.s32 $0x0;
	[dreg:$0x17] =	wrdreg s1  }
0x31: {  	v0 =	vimm.f32 $0.0e+00;
	[dreg:$0x1a] =	wrdreg s9;
	s1 =	simm.s32 $0x1400;
	s9 =	simm.s32 $0x80  }
.LBB2_22:
0x32: {  	_ =	swait.ge [sflag:s13], $0x4000  }
0x33: {  	s16 =	stileid.u32;
	[sflag:s13] =	ssyncset.done $0x0  }
0x34: {  	s15 =	sadd.s32 s15, s0;
	s16 =	sshll.u32 s16, $0x6;
	[sflag:s13] =	ssyncadd.s32 $0xFFFFC000  }
0x35: {  	s17 =	sshrl.u32 s7, $0x3;
	s16 =	sor.u32 $0x1C03, s16;
	[bflag:$0x0] =	sbarrier.arrive $0xFFFF  }
0x36: {  	[hbm:s15], [sflag:s16] =	dma.local [spmem:s17], $0x2800  }
0x37: {  	_ =	swait.ge [sflag:s8], $0x2800  }
0x38: {  	s14 =	sadd.s32 $0x1, s14;
	s19 =	rddreg [dreg:$0x16]  }
0x39: {  	p1 =	sne.s32 s14, s19  }
.Ltmp1:
0x3a: {  	_ = 	snop;
	(pc) =	sbr.rel @!p1 .LBB2_23-.Ltmp1, $3  }
0x3b: {  	_ =	sdelay $0x1  }
0x3c: {  	[sflag:s8] =	ssyncset.done $0x0  }
0x3d: {  	[sflag:s8] =	ssyncadd.s32 $0xFFFFD800  }
.LBB2_1:
0x3e: {  	s15 =	sand.u32 $0x1E00, s3  }
0x3f: {  	s16 =	sand.u32 $0x70, s3;
	s17 =	sshrl.u32 s15, $0x2  }
0x40: {  	s15 =	simm.s32 $0x40;
	s17 =	sor.u32 s16, s17;
	s16 =	simm.s32 $0x0  }
.LBB2_2:
0x41: {  	p1 =	sne.s32 s15, $0x1FC0  }
0x42: {  	[tilespmem:s17+$0xA800] =	vst v0;
	s16 =	sadd.s32 $0x10, s16;
	s17 =	smov.u32 s15;
	s15 =	sadd.s32 $0x40, s15  }
.Ltmp2:
0x43: {  	(pc) =	sbr.rel @p1 .LBB2_2-.Ltmp2, $4  }
0x44: {  	_ = 	snop  }
0x45: {  	s17 =	sand.u32 $0x1E00, s17  }
0x46: {  	s18 =	sand.u32 $0x70, s16;
	s17 =	sshrl.u32 s17, $0x2  }
0x47: {  	s17 =	sor.u32 s18, s17  }
0x48: {  	[tilespmem:s17+$0xA800] =	vst v0  }
0x49: {  	[spmem:s7] =	stream.linear.scatter [tilespmem:s6], [sflag:$0x3], $0x800, $0x38;
	[tilespmem:$0x1F000] =	vst v63  }
0x4a: {  	_ =	swait.ge [sflag:s8], $0x800  }
0x4b: {  	[sflag:s8] =	ssyncset.done $0x0  }
0x4c: {  	s15 =	rddreg [dreg:$0x6];
	[sflag:s8] =	ssyncadd.s32 $0xFFFFF800  }
0x4d: {  	[spmem:s15] =	stream.linear.scatter [tilespmem:s6], [sflag:$0x3], $0x800, $0x38;
	[tilespmem:$0x1F000] =	vst v63  }
0x4e: {  	_ =	swait.ge [sflag:s8], $0x800  }
0x4f: {  	[sflag:s8] =	ssyncset.done $0x0  }
0x50: {  	s19 =	rddreg [dreg:$0x7];
	[sflag:s8] =	ssyncadd.s32 $0xFFFFF800  }
0x51: {  	[spmem:s19] =	stream.linear.scatter [tilespmem:s6], [sflag:$0x3], $0x800, $0x38;
	[tilespmem:$0x1F000] =	vst v63  }
0x52: {  	_ =	swait.ge [sflag:s8], $0x800  }
0x53: {  	[sflag:s8] =	ssyncset.done $0x0  }
0x54: {  	s16 =	rddreg [dreg:$0x8];
	[sflag:s8] =	ssyncadd.s32 $0xFFFFF800  }
0x55: {  	[spmem:s16] =	stream.linear.scatter [tilespmem:s6], [sflag:$0x3], $0x800, $0x38;
	[tilespmem:$0x1F000] =	vst v63  }
0x56: {  	_ =	swait.ge [sflag:s8], $0x800  }
0x57: {  	[sflag:s8] =	ssyncset.done $0x0  }
0x58: {  	s17 =	rddreg [dreg:$0x9];
	[sflag:s8] =	ssyncadd.s32 $0xFFFFF800  }
0x59: {  	[spmem:s17] =	stream.linear.scatter [tilespmem:s6], [sflag:$0x3], $0x800, $0x38;
	[tilespmem:$0x1F000] =	vst v63  }
0x5a: {  	_ =	swait.ge [sflag:s8], $0x800  }
0x5b: {  	[sflag:s8] =	ssyncset.done $0x0  }
0x5c: {  	s18 =	rddreg [dreg:$0xa];
	[sflag:s8] =	ssyncadd.s32 $0xFFFFF800  }
0x5d: {  	[spmem:s18] =	stream.linear.scatter [tilespmem:s6], [sflag:$0x3], $0x800, $0x38;
	[tilespmem:$0x1F000] =	vst v63  }
0x5e: {  	_ =	swait.ge [sflag:s8], $0x800  }
0x5f: {  	[sflag:s8] =	ssyncset.done $0x0  }
0x60: {  	s19 =	rddreg [dreg:$0xb];
	[sflag:s8] =	ssyncadd.s32 $0xFFFFF800  }
0x61: {  	[spmem:s19] =	stream.linear.scatter [tilespmem:s6], [sflag:$0x3], $0x800, $0x38;
	[tilespmem:$0x1F000] =	vst v63  }
0x62: {  	_ =	swait.ge [sflag:s8], $0x800  }
0x63: {  	[sflag:s8] =	ssyncset.done $0x0  }
0x64: {  	s16 =	rddreg [dreg:$0xc];
	[sflag:s8] =	ssyncadd.s32 $0xFFFFF800  }
0x65: {  	[spmem:s16] =	stream.linear.scatter [tilespmem:s6], [sflag:$0x3], $0x800, $0x38;
	[tilespmem:$0x1F000] =	vst v63  }
0x66: {  	_ =	swait.ge [sflag:s8], $0x800  }
0x67: {  	[sflag:s8] =	ssyncset.done $0x0  }
0x68: {  	s17 =	rddreg [dreg:$0x15];
	[sflag:s8] =	ssyncadd.s32 $0xFFFFF800  }
0x69: {  	[spmem:s17] =	stream.linear.scatter [tilespmem:s6], [sflag:$0x3], $0x800, $0x38;
	[tilespmem:$0x1F000] =	vst v63  }
0x6a: {  	_ =	swait.ge [sflag:s8], $0x800  }
0x6b: {  	[sflag:s8] =	ssyncset.done $0x0  }
0x6c: {  	s18 =	rddreg [dreg:$0x17];
	[sflag:s8] =	ssyncadd.s32 $0xFFFFF800  }
0x6d: {  	[spmem:s18] =	stream.linear.scatter [tilespmem:s6], [sflag:$0x3], $0x800, $0x38;
	[tilespmem:$0x1F000] =	vst v63  }
0x6e: {  	_ =	swait.ge [sflag:s8], $0x800  }
0x6f: {  	[sflag:s8] =	ssyncset.done $0x0  }
0x70: {  	s19 =	rddreg [dreg:$0x18];
	[sflag:s8] =	ssyncadd.s32 $0xFFFFF800  }
0x71: {  	[spmem:s19] =	stream.linear.scatter [tilespmem:s6], [sflag:$0x3], $0x800, $0x38;
	[tilespmem:$0x1F000] =	vst v63  }
0x72: {  	_ =	swait.ge [sflag:s8], $0x800  }
0x73: {  	[sflag:s8] =	ssyncset.done $0x0  }
0x74: {  	s16 =	rddreg [dreg:$0x19];
	[sflag:s8] =	ssyncadd.s32 $0xFFFFF800  }
0x75: {  	[spmem:s16] =	stream.linear.scatter [tilespmem:s6], [sflag:$0x3], $0x800, $0x38;
	[tilespmem:$0x1F000] =	vst v63  }
0x76: {  	_ =	swait.ge [sflag:s8], $0x800  }
0x77: {  	[sflag:s8] =	ssyncset.done $0x0  }
0x78: {  	s17 =	rddreg [dreg:$0x1a];
	[sflag:s8] =	ssyncadd.s32 $0xFFFFF800  }
0x79: {  	[spmem:s17] =	stream.linear.scatter [tilespmem:s6], [sflag:$0x3], $0x800, $0x38;
	[tilespmem:$0x1F000] =	vst v63  }
0x7a: {  	_ =	swait.ge [sflag:s8], $0x800  }
0x7b: {  	[sflag:s8] =	ssyncset.done $0x0  }
0x7c: {  	s18 =	rddreg [dreg:$0x1b];
	[sflag:s8] =	ssyncadd.s32 $0xFFFFF800  }
0x7d: {  	[spmem:s18] =	stream.linear.scatter [tilespmem:s6], [sflag:$0x3], $0x800, $0x38;
	[tilespmem:$0x1F000] =	vst v63  }
0x7e: {  	_ =	swait.ge [sflag:s8], $0x800  }
0x7f: {  	[sflag:s8] =	ssyncset.done $0x0  }
0x80: {  	s19 =	rddreg [dreg:$0x1c];
	[sflag:s8] =	ssyncadd.s32 $0xFFFFF800  }
0x81: {  	[spmem:s19] =	stream.linear.scatter [tilespmem:s6], [sflag:$0x3], $0x800, $0x38;
	[tilespmem:$0x1F000] =	vst v63  }
0x82: {  	_ =	swait.ge [sflag:s8], $0x800  }
0x83: {  	[sflag:s8] =	ssyncset.done $0x0  }
0x84: {  	s16 =	rddreg [dreg:$0x1d];
	[sflag:s8] =	ssyncadd.s32 $0xFFFFF800  }
0x85: {  	[spmem:s16] =	stream.linear.scatter [tilespmem:s6], [sflag:$0x3], $0x800, $0x38;
	[tilespmem:$0x1F000] =	vst v63  }
0x86: {  	_ =	swait.ge [sflag:s8], $0x800  }
0x87: {  	[sflag:s8] =	ssyncset.done $0x0  }
0x88: {  	s17 =	rddreg [dreg:$0x1e];
	[sflag:s8] =	ssyncadd.s32 $0xFFFFF800  }
0x89: {  	[spmem:s17] =	stream.linear.scatter [tilespmem:s6], [sflag:$0x3], $0x800, $0x38;
	[tilespmem:$0x1F000] =	vst v63  }
0x8a: {  	_ =	swait.ge [sflag:s8], $0x800  }
0x8b: {  	[sflag:s8] =	ssyncset.done $0x0  }
0x8c: {  	s18 =	rddreg [dreg:$0x1f];
	[sflag:s8] =	ssyncadd.s32 $0xFFFFF800  }
0x8d: {  	[spmem:s18] =	stream.linear.scatter [tilespmem:s6], [sflag:$0x3], $0x800, $0x38;
	[tilespmem:$0x1F000] =	vst v63  }
0x8e: {  	_ =	swait.ge [sflag:s8], $0x800  }
0x8f: {  	s19 =	sld [smem:$0x7F3]  }
0x90: {  	[sflag:s8] =	ssyncset.done $0x0  }
0x91: {  	[sflag:s8] =	ssyncadd.s32 $0xFFFFF800  }
0x92: {  	[spmem:s19] =	stream.linear.scatter [tilespmem:s6], [sflag:$0x3], $0x800, $0x38;
	[tilespmem:$0x1F000] =	vst v63  }
0x93: {  	_ =	swait.ge [sflag:s8], $0x800  }
0x94: {  	s16 =	sld [smem:$0x7F4]  }
0x95: {  	[sflag:s8] =	ssyncset.done $0x0  }
0x96: {  	[sflag:s8] =	ssyncadd.s32 $0xFFFFF800  }
0x97: {  	[spmem:s16] =	stream.linear.scatter [tilespmem:s6], [sflag:$0x3], $0x800, $0x38;
	[tilespmem:$0x1F000] =	vst v63  }
0x98: {  	_ =	swait.ge [sflag:s8], $0x800  }
0x99: {  	s17 =	sld [smem:$0x7F5]  }
0x9a: {  	[sflag:s8] =	ssyncset.done $0x0  }
0x9b: {  	[sflag:s8] =	ssyncadd.s32 $0xFFFFF800  }
0x9c: {  	[spmem:s17] =	stream.linear.scatter [tilespmem:s6], [sflag:$0x3], $0x800, $0x38;
	[tilespmem:$0x1F000] =	vst v63  }
0x9d: {  	_ =	swait.ge [sflag:s8], $0x800  }
0x9e: {  	s18 =	sld [smem:$0x7F6]  }
0x9f: {  	[sflag:s8] =	ssyncset.done $0x0  }
0xa0: {  	[sflag:s8] =	ssyncadd.s32 $0xFFFFF800  }
0xa1: {  	[spmem:s18] =	stream.linear.scatter [tilespmem:s6], [sflag:$0x3], $0x800, $0x38;
	[tilespmem:$0x1F000] =	vst v63  }
0xa2: {  	_ =	swait.ge [sflag:s8], $0x800  }
0xa3: {  	s19 =	sld [smem:$0x7F7]  }
0xa4: {  	[sflag:s8] =	ssyncset.done $0x0  }
0xa5: {  	[sflag:s8] =	ssyncadd.s32 $0xFFFFF800  }
0xa6: {  	[spmem:s19] =	stream.linear.scatter [tilespmem:s6], [sflag:$0x3], $0x800, $0x38;
	[tilespmem:$0x1F000] =	vst v63  }
0xa7: {  	_ =	swait.ge [sflag:s8], $0x800  }
0xa8: {  	s16 =	sld [smem:$0x7F8]  }
0xa9: {  	[sflag:s8] =	ssyncset.done $0x0  }
0xaa: {  	[sflag:s8] =	ssyncadd.s32 $0xFFFFF800  }
0xab: {  	[spmem:s16] =	stream.linear.scatter [tilespmem:s6], [sflag:$0x3], $0x800, $0x38;
	[tilespmem:$0x1F000] =	vst v63  }
0xac: {  	_ =	swait.ge [sflag:s8], $0x800  }
0xad: {  	s17 =	sld [smem:$0x7F9]  }
0xae: {  	[sflag:s8] =	ssyncset.done $0x0  }
0xaf: {  	[sflag:s8] =	ssyncadd.s32 $0xFFFFF800  }
0xb0: {  	[spmem:s17] =	stream.linear.scatter [tilespmem:s6], [sflag:$0x3], $0x800, $0x38;
	[tilespmem:$0x1F000] =	vst v63  }
0xb1: {  	_ =	swait.ge [sflag:s8], $0x800  }
0xb2: {  	s18 =	sld [smem:$0x7FA]  }
0xb3: {  	[sflag:s8] =	ssyncset.done $0x0  }
0xb4: {  	[sflag:s8] =	ssyncadd.s32 $0xFFFFF800  }
0xb5: {  	[spmem:s18] =	stream.linear.scatter [tilespmem:s6], [sflag:$0x3], $0x800, $0x38;
	[tilespmem:$0x1F000] =	vst v63  }
0xb6: {  	_ =	swait.ge [sflag:s8], $0x800  }
0xb7: {  	s19 =	sld [smem:$0x7FB]  }
0xb8: {  	[sflag:s8] =	ssyncset.done $0x0  }
0xb9: {  	[sflag:s8] =	ssyncadd.s32 $0xFFFFF800  }
0xba: {  	[spmem:s19] =	stream.linear.scatter [tilespmem:s6], [sflag:$0x3], $0x800, $0x38;
	[tilespmem:$0x1F000] =	vst v63  }
0xbb: {  	_ =	swait.ge [sflag:s8], $0x800  }
0xbc: {  	s16 =	sld [smem:$0x7FC]  }
0xbd: {  	[sflag:s8] =	ssyncset.done $0x0  }
0xbe: {  	[sflag:s8] =	ssyncadd.s32 $0xFFFFF800  }
0xbf: {  	[spmem:s16] =	stream.linear.scatter [tilespmem:s6], [sflag:$0x3], $0x800, $0x38;
	[tilespmem:$0x1F000] =	vst v63  }
0xc0: {  	_ =	swait.ge [sflag:s8], $0x800  }
0xc1: {  	s17 =	sld [smem:$0x7FD]  }
0xc2: {  	[sflag:s8] =	ssyncset.done $0x0  }
0xc3: {  	[sflag:s8] =	ssyncadd.s32 $0xFFFFF800  }
0xc4: {  	[spmem:s17] =	stream.linear.scatter [tilespmem:s6], [sflag:$0x3], $0x800, $0x38;
	[tilespmem:$0x1F000] =	vst v63  }
0xc5: {  	_ =	swait.ge [sflag:s8], $0x800  }
0xc6: {  	[sflag:s8] =	ssyncset.done $0x0  }
0xc7: {  	[sflag:s8] =	ssyncadd.s32 $0xFFFFF800  }
0xc8: {  	[spmem:s20] =	stream.linear.scatter [tilespmem:s6], [sflag:$0x3], $0x800, $0x38;
	[tilespmem:$0x1F000] =	vst v63  }
0xc9: {  	_ =	swait.ge [sflag:s8], $0x800  }
0xca: {  	[sflag:s8] =	ssyncset.done $0x0  }
0xcb: {  	[sflag:s8] =	ssyncadd.s32 $0xFFFFF800  }
0xcc: {  	[spmem:s21] =	stream.linear.scatter [tilespmem:s6], [sflag:$0x3], $0x800, $0x38;
	[tilespmem:$0x1F000] =	vst v63  }
0xcd: {  	_ =	swait.ge [sflag:s8], $0x800  }
0xce: {  	[sflag:s8] =	ssyncset.done $0x0  }
0xcf: {  	[sflag:s8] =	ssyncadd.s32 $0xFFFFF800  }
0xd0: {  	[spmem:s22] =	stream.linear.scatter [tilespmem:s6], [sflag:$0x3], $0x800, $0x38;
	[tilespmem:$0x1F000] =	vst v63  }
0xd1: {  	_ =	swait.ge [sflag:s8], $0x800  }
0xd2: {  	[sflag:s8] =	ssyncset.done $0x0  }
0xd3: {  	[sflag:s8] =	ssyncadd.s32 $0xFFFFF800  }
0xd4: {  	[spmem:s23] =	stream.linear.scatter [tilespmem:s6], [sflag:$0x3], $0x800, $0x38;
	[tilespmem:$0x1F000] =	vst v63  }
0xd5: {  	_ =	swait.ge [sflag:s8], $0x800  }
0xd6: {  	[sflag:s8] =	ssyncset.done $0x0  }
0xd7: {  	[sflag:s8] =	ssyncadd.s32 $0xFFFFF800  }
0xd8: {  	[spmem:s24] =	stream.linear.scatter [tilespmem:s6], [sflag:$0x3], $0x800, $0x38;
	[tilespmem:$0x1F000] =	vst v63  }
0xd9: {  	_ =	swait.ge [sflag:s8], $0x800  }
0xda: {  	[sflag:s8] =	ssyncset.done $0x0  }
0xdb: {  	[sflag:s8] =	ssyncadd.s32 $0xFFFFF800  }
0xdc: {  	[spmem:s25] =	stream.linear.scatter [tilespmem:s6], [sflag:$0x3], $0x800, $0x38;
	[tilespmem:$0x1F000] =	vst v63  }
0xdd: {  	_ =	swait.ge [sflag:s8], $0x800  }
0xde: {  	[sflag:s8] =	ssyncset.done $0x0  }
0xdf: {  	[sflag:s8] =	ssyncadd.s32 $0xFFFFF800  }
0xe0: {  	[spmem:s26] =	stream.linear.scatter [tilespmem:s6], [sflag:$0x3], $0x800, $0x38;
	[tilespmem:$0x1F000] =	vst v63  }
0xe1: {  	_ =	swait.ge [sflag:s8], $0x800  }
0xe2: {  	[sflag:s8] =	ssyncset.done $0x0  }
0xe3: {  	[sflag:s8] =	ssyncadd.s32 $0xFFFFF800  }
0xe4: {  	[spmem:s28] =	stream.linear.scatter [tilespmem:s6], [sflag:$0x3], $0x800, $0x38;
	[tilespmem:$0x1F000] =	vst v63  }
0xe5: {  	_ =	swait.ge [sflag:s8], $0x800  }
0xe6: {  	[sflag:s8] =	ssyncset.done $0x0  }
0xe7: {  	[sflag:s8] =	ssyncadd.s32 $0xFFFFF800  }
0xe8: {  	[spmem:s29] =	stream.linear.scatter [tilespmem:s6], [sflag:$0x3], $0x800, $0x38;
	[tilespmem:$0x1F000] =	vst v63  }
0xe9: {  	_ =	swait.ge [sflag:s8], $0x800  }
0xea: {  	[sflag:s8] =	ssyncset.done $0x0  }
0xeb: {  	[sflag:s8] =	ssyncadd.s32 $0xFFFFF800  }
0xec: {  	[spmem:s30] =	stream.linear.scatter [tilespmem:s6], [sflag:$0x3], $0x800, $0x38;
	[tilespmem:$0x1F000] =	vst v63  }
0xed: {  	_ =	swait.ge [sflag:s8], $0x800  }
0xee: {  	[sflag:s8] =	ssyncset.done $0x0  }
0xef: {  	[sflag:s8] =	ssyncadd.s32 $0xFFFFF800  }
0xf0: {  	[spmem:s31] =	stream.linear.scatter [tilespmem:s6], [sflag:$0x3], $0x800, $0x38;
	[tilespmem:$0x1F000] =	vst v63  }
0xf1: {  	_ =	swait.ge [sflag:s8], $0x800  }
0xf2: {  	[sflag:s8] =	ssyncset.done $0x0  }
0xf3: {  	[sflag:s8] =	ssyncadd.s32 $0xFFFFF800  }
0xf4: {  	[bflag:$0x0] =	sbarrier.arrive $0xFFFF  }
0xf5: {  	s18 =	rddreg [dreg:$0xd]  }
0xf6: {  	[tilespmem:s3], [sflag:$0x3] =	stream.linear.gather [hbm4b:s18+s3], $0x1400, $0x38;
	[tilespmem:$0x1F000] =	vst v63  }
0xf7: {  	_ =	swait.ge [sflag:s8], $0x1400  }
0xf8: {  	[sflag:s8] =	ssyncset.done $0x0  }
.Ltmp3:
0xf9: {  	s19 =	rddreg [dreg:$0xe];
	[sflag:s8] =	ssyncadd.s32 $0xFFFFEC00;
	(pc) =	sbr.rel @!p0 .LBB2_4-.Ltmp3, $4  }
0xfa: {  	[tilespmem:s1], [sflag:$0x3] =	stream.linear.gather [hbm4b:s19+s3], $0x1400, $0x38;
	[tilespmem:$0x1F000] =	vst v63  }
0xfb: {  	_ =	swait.ge [sflag:s8], $0x1400  }
0xfc: {  	[sflag:s8] =	ssyncset.done $0x0  }
0xfd: {  	[sflag:s8] =	ssyncadd.s32 $0xFFFFEC00  }
0xfe: {  	[tilespmem:s10], [sflag:$0x1] =	stream.indirect.gather [hbm4b:s5+s9], $0x80, s3, s9, $0xb8;
	[tilespmem:$0x1F000] =	vst v63  }
0xff: {  	_ =	swait.ge [sflag:s11], $0x4000  }
0x100: {  	[sflag:s11] =	ssyncset.done $0x0  }
0x101: {  	[sflag:s11] =	ssyncadd.s32 $0xFFFFC000  }
0x102: {  	[spmem:s2] =	stream.indirect.scatter.add.f32 [tilespmem:s10], [sflag:$0x2], $0x80, s1, s9, $0xb8;
	[tilespmem:$0x1F000] =	vst v63  }
0x103: {  	s15 =	simm.s32 $0x1480;
	s16 =	simm.s32 $0x8000;
	s17 =	simm.s32 $0x100  }
0x104: {  	[tilespmem:s12], [sflag:$0x1] =	stream.indirect.gather [hbm4b:s5+s9], $0x80, s9, s9, $0xb8;
	[tilespmem:$0x1F000] =	vst v63  }
.LBB2_14:
0x105: {  	s18 =	sadd.s32 $0xFFFFC000, s16;
	_ =	swait.ge [sflag:s11], $0x4000  }
0x106: {  	s18 =	sand.u32 $0x4000, s18;
	[sflag:s11] =	ssyncset.done $0x0  }
0x107: {  	p1 =	seq.s32 s16, $0xA0000;
	s18 =	sor.u32 $0x2800, s18;
	[sflag:s11] =	ssyncadd.s32 $0xFFFFC000  }
0x108: {  	[spmem:s2] =	stream.indirect.scatter.add.f32 [tilespmem:s18], [sflag:$0x2], $0x80, s15, s9, $0xb8;
	[tilespmem:$0x1F000] =	vst v63  }
0x109: {  	s18 =	sand.u32 @!p1 $0x4000, s16;
	s16 =	sadd.s32 @!p1 $0x4000, s16  }
0x10a: {  	p2 =	sne.s32 @!p1 s16, $0xA4000  }
0x10b: {  	p2 =	por p1, !p2  }
.Ltmp4:
0x10c: {  	_ =	swait.ge [sflag:s13], $0x4000;
	(pc) =	sbr.rel @!p2 .LBB2_14-.Ltmp4, $4  }
0x10d: {  	[sflag:s13] =	ssyncset.done $0x0  }
0x10e: {  	s19 =	simm.s32 @!p1 $0x80;
	s18 =	sor.u32 @!p1 $0x2800, s18;
	[sflag:s13] =	ssyncadd.s32 $0xFFFFC000  }
0x10f: {  	[tilespmem:s18], [sflag:$0x1] =	stream.indirect.gather @!p1 [hbm4b:s5+s19], $0x80, s17, s19, $0xb8;
	[tilespmem:$0x1F000] =	vst v63  }
0x110: {  	s15 =	sadd.s32 @!p1 $0x80, s15;
	s17 =	sadd.s32 @!p1 $0x80, s17  }
0x111: {  	_ =	swait.ge [sflag:s13], $0x4000  }
0x112: {  	[sflag:s13] =	ssyncset.done $0x0  }
0x113: {  	s15 =	rddreg [dreg:$0xf];
	[sflag:s13] =	ssyncadd.s32 $0xFFFFC000  }
0x114: {  	[tilespmem:s3], [sflag:$0x3] =	stream.linear.gather [hbm4b:s15+s3], $0x1400, $0x38;
	[tilespmem:$0x1F000] =	vst v63  }
0x115: {  	_ =	swait.ge [sflag:s8], $0x1400  }
0x116: {  	[sflag:s8] =	ssyncset.done $0x0  }
0x117: {  	s19 =	rddreg [dreg:$0x10];
	[sflag:s8] =	ssyncadd.s32 $0xFFFFEC00  }
0x118: {  	[tilespmem:s1], [sflag:$0x3] =	stream.linear.gather [hbm4b:s19+s3], $0x1400, $0x38;
	[tilespmem:$0x1F000] =	vst v63  }
0x119: {  	_ =	swait.ge [sflag:s8], $0x1400  }
0x11a: {  	[sflag:s8] =	ssyncset.done $0x0  }
0x11b: {  	[sflag:s8] =	ssyncadd.s32 $0xFFFFEC00  }
0x11c: {  	[tilespmem:s10], [sflag:$0x1] =	stream.indirect.gather [hbm4b:s5+s9], $0x80, s3, s9, $0xb8;
	[tilespmem:$0x1F000] =	vst v63  }
0x11d: {  	_ =	swait.ge [sflag:s11], $0x4000  }
0x11e: {  	[sflag:s11] =	ssyncset.done $0x0  }
0x11f: {  	[sflag:s11] =	ssyncadd.s32 $0xFFFFC000  }
0x120: {  	[spmem:s2] =	stream.indirect.scatter.add.f32 [tilespmem:s10], [sflag:$0x2], $0x80, s1, s9, $0xb8;
	[tilespmem:$0x1F000] =	vst v63  }
0x121: {  	s16 =	simm.s32 $0x8000;
	s17 =	simm.s32 $0x100;
	s15 =	simm.s32 $0x1480  }
0x122: {  	[tilespmem:s12], [sflag:$0x1] =	stream.indirect.gather [hbm4b:s5+s9], $0x80, s9, s9, $0xb8;
	[tilespmem:$0x1F000] =	vst v63  }
.LBB2_16:
0x123: {  	s18 =	sadd.s32 $0xFFFFC000, s16;
	_ =	swait.ge [sflag:s11], $0x4000  }
0x124: {  	s18 =	sand.u32 $0x4000, s18;
	[sflag:s11] =	ssyncset.done $0x0  }
0x125: {  	p1 =	seq.s32 s16, $0xA0000;
	s18 =	sor.u32 $0x2800, s18;
	[sflag:s11] =	ssyncadd.s32 $0xFFFFC000  }
0x126: {  	[spmem:s2] =	stream.indirect.scatter.add.f32 [tilespmem:s18], [sflag:$0x2], $0x80, s15, s9, $0xb8;
	[tilespmem:$0x1F000] =	vst v63  }
0x127: {  	s18 =	sand.u32 @!p1 $0x4000, s16;
	s16 =	sadd.s32 @!p1 $0x4000, s16  }
0x128: {  	p2 =	sne.s32 @!p1 s16, $0xA4000  }
0x129: {  	p2 =	por p1, !p2  }
.Ltmp5:
0x12a: {  	_ =	swait.ge [sflag:s13], $0x4000;
	(pc) =	sbr.rel @!p2 .LBB2_16-.Ltmp5, $4  }
0x12b: {  	[sflag:s13] =	ssyncset.done $0x0  }
0x12c: {  	s19 =	simm.s32 @!p1 $0x80;
	s18 =	sor.u32 @!p1 $0x2800, s18;
	[sflag:s13] =	ssyncadd.s32 $0xFFFFC000  }
0x12d: {  	[tilespmem:s18], [sflag:$0x1] =	stream.indirect.gather @!p1 [hbm4b:s5+s19], $0x80, s17, s19, $0xb8;
	[tilespmem:$0x1F000] =	vst v63  }
0x12e: {  	s15 =	sadd.s32 @!p1 $0x80, s15;
	s17 =	sadd.s32 @!p1 $0x80, s17  }
0x12f: {  	_ =	swait.ge [sflag:s13], $0x4000  }
0x130: {  	[sflag:s13] =	ssyncset.done $0x0  }
0x131: {  	s15 =	rddreg [dreg:$0x11];
	[sflag:s13] =	ssyncadd.s32 $0xFFFFC000  }
0x132: {  	[tilespmem:s3], [sflag:$0x3] =	stream.linear.gather [hbm4b:s15+s3], $0x1400, $0x38;
	[tilespmem:$0x1F000] =	vst v63  }
0x133: {  	_ =	swait.ge [sflag:s8], $0x1400  }
0x134: {  	[sflag:s8] =	ssyncset.done $0x0  }
0x135: {  	s19 =	rddreg [dreg:$0x12];
	[sflag:s8] =	ssyncadd.s32 $0xFFFFEC00  }
0x136: {  	[tilespmem:s1], [sflag:$0x3] =	stream.linear.gather [hbm4b:s19+s3], $0x1400, $0x38;
	[tilespmem:$0x1F000] =	vst v63  }
0x137: {  	_ =	swait.ge [sflag:s8], $0x1400  }
0x138: {  	[sflag:s8] =	ssyncset.done $0x0  }
0x139: {  	[sflag:s8] =	ssyncadd.s32 $0xFFFFEC00  }
0x13a: {  	[tilespmem:s10], [sflag:$0x1] =	stream.indirect.gather [hbm4b:s5+s9], $0x80, s3, s9, $0xb8;
	[tilespmem:$0x1F000] =	vst v63  }
0x13b: {  	_ =	swait.ge [sflag:s11], $0x4000  }
0x13c: {  	[sflag:s11] =	ssyncset.done $0x0  }
0x13d: {  	[sflag:s11] =	ssyncadd.s32 $0xFFFFC000  }
0x13e: {  	[spmem:s2] =	stream.indirect.scatter.add.f32 [tilespmem:s10], [sflag:$0x2], $0x80, s1, s9, $0xb8;
	[tilespmem:$0x1F000] =	vst v63  }
0x13f: {  	s16 =	simm.s32 $0x8000;
	s17 =	simm.s32 $0x100;
	s15 =	simm.s32 $0x1480  }
0x140: {  	[tilespmem:s12], [sflag:$0x1] =	stream.indirect.gather [hbm4b:s5+s9], $0x80, s9, s9, $0xb8;
	[tilespmem:$0x1F000] =	vst v63  }
.LBB2_18:
0x141: {  	s18 =	sadd.s32 $0xFFFFC000, s16;
	_ =	swait.ge [sflag:s11], $0x4000  }
0x142: {  	s18 =	sand.u32 $0x4000, s18;
	[sflag:s11] =	ssyncset.done $0x0  }
0x143: {  	p1 =	seq.s32 s16, $0xA0000;
	s18 =	sor.u32 $0x2800, s18;
	[sflag:s11] =	ssyncadd.s32 $0xFFFFC000  }
0x144: {  	[spmem:s2] =	stream.indirect.scatter.add.f32 [tilespmem:s18], [sflag:$0x2], $0x80, s15, s9, $0xb8;
	[tilespmem:$0x1F000] =	vst v63  }
0x145: {  	s18 =	sand.u32 @!p1 $0x4000, s16;
	s16 =	sadd.s32 @!p1 $0x4000, s16  }
0x146: {  	p2 =	sne.s32 @!p1 s16, $0xA4000  }
0x147: {  	p2 =	por p1, !p2  }
.Ltmp6:
0x148: {  	_ =	swait.ge [sflag:s13], $0x4000;
	(pc) =	sbr.rel @!p2 .LBB2_18-.Ltmp6, $4  }
0x149: {  	[sflag:s13] =	ssyncset.done $0x0  }
0x14a: {  	s19 =	simm.s32 @!p1 $0x80;
	s18 =	sor.u32 @!p1 $0x2800, s18;
	[sflag:s13] =	ssyncadd.s32 $0xFFFFC000  }
0x14b: {  	[tilespmem:s18], [sflag:$0x1] =	stream.indirect.gather @!p1 [hbm4b:s5+s19], $0x80, s17, s19, $0xb8;
	[tilespmem:$0x1F000] =	vst v63  }
0x14c: {  	s15 =	sadd.s32 @!p1 $0x80, s15;
	s17 =	sadd.s32 @!p1 $0x80, s17  }
0x14d: {  	_ =	swait.ge [sflag:s13], $0x4000  }
0x14e: {  	[sflag:s13] =	ssyncset.done $0x0  }
0x14f: {  	s15 =	rddreg [dreg:$0x13];
	[sflag:s13] =	ssyncadd.s32 $0xFFFFC000  }
0x150: {  	[tilespmem:s3], [sflag:$0x3] =	stream.linear.gather [hbm4b:s15+s3], $0x1400, $0x38;
	[tilespmem:$0x1F000] =	vst v63  }
0x151: {  	_ =	swait.ge [sflag:s8], $0x1400  }
0x152: {  	[sflag:s8] =	ssyncset.done $0x0  }
0x153: {  	s19 =	rddreg [dreg:$0x14];
	[sflag:s8] =	ssyncadd.s32 $0xFFFFEC00  }
0x154: {  	[tilespmem:s1], [sflag:$0x3] =	stream.linear.gather [hbm4b:s19+s3], $0x1400, $0x38;
	[tilespmem:$0x1F000] =	vst v63  }
0x155: {  	_ =	swait.ge [sflag:s8], $0x1400  }
0x156: {  	[sflag:s8] =	ssyncset.done $0x0  }
0x157: {  	[sflag:s8] =	ssyncadd.s32 $0xFFFFEC00  }
0x158: {  	[tilespmem:s10], [sflag:$0x1] =	stream.indirect.gather [hbm4b:s5+s9], $0x80, s3, s9, $0xb8;
	[tilespmem:$0x1F000] =	vst v63  }
0x159: {  	_ =	swait.ge [sflag:s11], $0x4000  }
0x15a: {  	[sflag:s11] =	ssyncset.done $0x0  }
0x15b: {  	[sflag:s11] =	ssyncadd.s32 $0xFFFFC000  }
0x15c: {  	[spmem:s2] =	stream.indirect.scatter.add.f32 [tilespmem:s10], [sflag:$0x2], $0x80, s1, s9, $0xb8;
	[tilespmem:$0x1F000] =	vst v63  }
0x15d: {  	s16 =	simm.s32 $0x8000;
	s17 =	simm.s32 $0x100;
	s15 =	simm.s32 $0x1480  }
0x15e: {  	[tilespmem:s12], [sflag:$0x1] =	stream.indirect.gather [hbm4b:s5+s9], $0x80, s9, s9, $0xb8;
	[tilespmem:$0x1F000] =	vst v63  }
.LBB2_20:
0x15f: {  	s18 =	sadd.s32 $0xFFFFC000, s16;
	_ =	swait.ge [sflag:s11], $0x4000  }
0x160: {  	s18 =	sand.u32 $0x4000, s18;
	[sflag:s11] =	ssyncset.done $0x0  }
0x161: {  	p1 =	seq.s32 s16, $0xA0000;
	s18 =	sor.u32 $0x2800, s18;
	[sflag:s11] =	ssyncadd.s32 $0xFFFFC000  }
0x162: {  	[spmem:s2] =	stream.indirect.scatter.add.f32 [tilespmem:s18], [sflag:$0x2], $0x80, s15, s9, $0xb8;
	[tilespmem:$0x1F000] =	vst v63  }
0x163: {  	s18 =	sand.u32 @!p1 $0x4000, s16;
	s16 =	sadd.s32 @!p1 $0x4000, s16  }
0x164: {  	p2 =	sne.s32 @!p1 s16, $0xA4000  }
0x165: {  	p2 =	por p1, !p2  }
.Ltmp7:
0x166: {  	_ =	swait.ge [sflag:s13], $0x4000;
	(pc) =	sbr.rel @!p2 .LBB2_20-.Ltmp7, $4  }
0x167: {  	[sflag:s13] =	ssyncset.done $0x0  }
0x168: {  	s19 =	simm.s32 @!p1 $0x80;
	s18 =	sor.u32 @!p1 $0x2800, s18;
	[sflag:s13] =	ssyncadd.s32 $0xFFFFC000  }
0x169: {  	[tilespmem:s18], [sflag:$0x1] =	stream.indirect.gather @!p1 [hbm4b:s5+s19], $0x80, s17, s19, $0xb8;
	[tilespmem:$0x1F000] =	vst v63  }
0x16a: {  	s15 =	sadd.s32 @!p1 $0x80, s15;
	s17 =	sadd.s32 @!p1 $0x80, s17  }
.Ltmp8:
0x16b: {  	(pc) =	sbr.rel .LBB2_22-.Ltmp8, $3  }
0x16c: {  	_ =	sdelay $0x1  }
0x16d: {  	s15 =	rddreg [dreg:$0x5]  }
0x16e: {  	s15 =	smov.u32 @p1 s15  }
.LBB2_4:
0x16f: {  	[tilespmem:s10], [sflag:$0x1] =	stream.indirect.gather [hbm4b:s4+s9], $0x80, s3, s9, $0xb8;
	[tilespmem:$0x1F000] =	vst v63  }
0x170: {  	_ =	swait.ge [sflag:s11], $0x4000  }
0x171: {  	[sflag:s11] =	ssyncset.done $0x0  }
0x172: {  	[sflag:s11] =	ssyncadd.s32 $0xFFFFC000  }
0x173: {  	[spmem:s2] =	stream.indirect.scatter.add.f32 [tilespmem:s10], [sflag:$0x2], $0x80, s1, s9, $0xb8;
	[tilespmem:$0x1F000] =	vst v63  }
0x174: {  	s15 =	simm.s32 $0x1480;
	s16 =	simm.s32 $0x8000;
	s17 =	simm.s32 $0x100  }
0x175: {  	[tilespmem:s12], [sflag:$0x1] =	stream.indirect.gather [hbm4b:s4+s9], $0x80, s9, s9, $0xb8;
	[tilespmem:$0x1F000] =	vst v63  }
.LBB2_5:
0x176: {  	s18 =	sadd.s32 $0xFFFFC000, s16;
	_ =	swait.ge [sflag:s11], $0x4000  }
0x177: {  	s18 =	sand.u32 $0x4000, s18;
	[sflag:s11] =	ssyncset.done $0x0  }
0x178: {  	p1 =	seq.s32 s16, $0xA0000;
	s18 =	sor.u32 $0x2800, s18;
	[sflag:s11] =	ssyncadd.s32 $0xFFFFC000  }
0x179: {  	[spmem:s2] =	stream.indirect.scatter.add.f32 [tilespmem:s18], [sflag:$0x2], $0x80, s15, s9, $0xb8;
	[tilespmem:$0x1F000] =	vst v63  }
0x17a: {  	s18 =	sand.u32 @!p1 $0x4000, s16;
	s16 =	sadd.s32 @!p1 $0x4000, s16  }
0x17b: {  	p2 =	sne.s32 @!p1 s16, $0xA4000  }
0x17c: {  	p2 =	por p1, !p2  }
.Ltmp9:
0x17d: {  	_ =	swait.ge [sflag:s13], $0x4000;
	(pc) =	sbr.rel @!p2 .LBB2_5-.Ltmp9, $4  }
0x17e: {  	[sflag:s13] =	ssyncset.done $0x0  }
0x17f: {  	s19 =	simm.s32 @!p1 $0x80;
	s18 =	sor.u32 @!p1 $0x2800, s18;
	[sflag:s13] =	ssyncadd.s32 $0xFFFFC000  }
0x180: {  	[tilespmem:s18], [sflag:$0x1] =	stream.indirect.gather @!p1 [hbm4b:s4+s19], $0x80, s17, s19, $0xb8;
	[tilespmem:$0x1F000] =	vst v63  }
0x181: {  	s15 =	sadd.s32 @!p1 $0x80, s15;
	s17 =	sadd.s32 @!p1 $0x80, s17  }
0x182: {  	_ =	swait.ge [sflag:s13], $0x4000  }
0x183: {  	[sflag:s13] =	ssyncset.done $0x0  }
0x184: {  	s15 =	rddreg [dreg:$0xf];
	[sflag:s13] =	ssyncadd.s32 $0xFFFFC000  }
0x185: {  	[tilespmem:s3], [sflag:$0x3] =	stream.linear.gather [hbm4b:s15+s3], $0x1400, $0x38;
	[tilespmem:$0x1F000] =	vst v63  }
0x186: {  	_ =	swait.ge [sflag:s8], $0x1400  }
0x187: {  	[sflag:s8] =	ssyncset.done $0x0  }
0x188: {  	s19 =	rddreg [dreg:$0x10];
	[sflag:s8] =	ssyncadd.s32 $0xFFFFEC00  }
0x189: {  	[tilespmem:s1], [sflag:$0x3] =	stream.linear.gather [hbm4b:s19+s3], $0x1400, $0x38;
	[tilespmem:$0x1F000] =	vst v63  }
0x18a: {  	_ =	swait.ge [sflag:s8], $0x1400  }
0x18b: {  	[sflag:s8] =	ssyncset.done $0x0  }
0x18c: {  	[sflag:s8] =	ssyncadd.s32 $0xFFFFEC00  }
0x18d: {  	[tilespmem:s10], [sflag:$0x1] =	stream.indirect.gather [hbm4b:s4+s9], $0x80, s3, s9, $0xb8;
	[tilespmem:$0x1F000] =	vst v63  }
0x18e: {  	_ =	swait.ge [sflag:s11], $0x4000  }
0x18f: {  	[sflag:s11] =	ssyncset.done $0x0  }
0x190: {  	[sflag:s11] =	ssyncadd.s32 $0xFFFFC000  }
0x191: {  	[spmem:s2] =	stream.indirect.scatter.add.f32 [tilespmem:s10], [sflag:$0x2], $0x80, s1, s9, $0xb8;
	[tilespmem:$0x1F000] =	vst v63  }
0x192: {  	s16 =	simm.s32 $0x8000;
	s17 =	simm.s32 $0x100;
	s15 =	simm.s32 $0x1480  }
0x193: {  	[tilespmem:s12], [sflag:$0x1] =	stream.indirect.gather [hbm4b:s4+s9], $0x80, s9, s9, $0xb8;
	[tilespmem:$0x1F000] =	vst v63  }
.LBB2_7:
0x194: {  	s18 =	sadd.s32 $0xFFFFC000, s16;
	_ =	swait.ge [sflag:s11], $0x4000  }
0x195: {  	s18 =	sand.u32 $0x4000, s18;
	[sflag:s11] =	ssyncset.done $0x0  }
0x196: {  	p1 =	seq.s32 s16, $0xA0000;
	s18 =	sor.u32 $0x2800, s18;
	[sflag:s11] =	ssyncadd.s32 $0xFFFFC000  }
0x197: {  	[spmem:s2] =	stream.indirect.scatter.add.f32 [tilespmem:s18], [sflag:$0x2], $0x80, s15, s9, $0xb8;
	[tilespmem:$0x1F000] =	vst v63  }
0x198: {  	s18 =	sand.u32 @!p1 $0x4000, s16;
	s16 =	sadd.s32 @!p1 $0x4000, s16  }
0x199: {  	p2 =	sne.s32 @!p1 s16, $0xA4000  }
0x19a: {  	p2 =	por p1, !p2  }
.Ltmp10:
0x19b: {  	_ =	swait.ge [sflag:s13], $0x4000;
	(pc) =	sbr.rel @!p2 .LBB2_7-.Ltmp10, $4  }
0x19c: {  	[sflag:s13] =	ssyncset.done $0x0  }
0x19d: {  	s19 =	simm.s32 @!p1 $0x80;
	s18 =	sor.u32 @!p1 $0x2800, s18;
	[sflag:s13] =	ssyncadd.s32 $0xFFFFC000  }
0x19e: {  	[tilespmem:s18], [sflag:$0x1] =	stream.indirect.gather @!p1 [hbm4b:s4+s19], $0x80, s17, s19, $0xb8;
	[tilespmem:$0x1F000] =	vst v63  }
0x19f: {  	s15 =	sadd.s32 @!p1 $0x80, s15;
	s17 =	sadd.s32 @!p1 $0x80, s17  }
0x1a0: {  	_ =	swait.ge [sflag:s13], $0x4000  }
0x1a1: {  	[sflag:s13] =	ssyncset.done $0x0  }
0x1a2: {  	s15 =	rddreg [dreg:$0x11];
	[sflag:s13] =	ssyncadd.s32 $0xFFFFC000  }
0x1a3: {  	[tilespmem:s3], [sflag:$0x3] =	stream.linear.gather [hbm4b:s15+s3], $0x1400, $0x38;
	[tilespmem:$0x1F000] =	vst v63  }
0x1a4: {  	_ =	swait.ge [sflag:s8], $0x1400  }
0x1a5: {  	[sflag:s8] =	ssyncset.done $0x0  }
0x1a6: {  	s19 =	rddreg [dreg:$0x12];
	[sflag:s8] =	ssyncadd.s32 $0xFFFFEC00  }
0x1a7: {  	[tilespmem:s1], [sflag:$0x3] =	stream.linear.gather [hbm4b:s19+s3], $0x1400, $0x38;
	[tilespmem:$0x1F000] =	vst v63  }
0x1a8: {  	_ =	swait.ge [sflag:s8], $0x1400  }
0x1a9: {  	[sflag:s8] =	ssyncset.done $0x0  }
0x1aa: {  	[sflag:s8] =	ssyncadd.s32 $0xFFFFEC00  }
0x1ab: {  	[tilespmem:s10], [sflag:$0x1] =	stream.indirect.gather [hbm4b:s4+s9], $0x80, s3, s9, $0xb8;
	[tilespmem:$0x1F000] =	vst v63  }
0x1ac: {  	_ =	swait.ge [sflag:s11], $0x4000  }
0x1ad: {  	[sflag:s11] =	ssyncset.done $0x0  }
0x1ae: {  	[sflag:s11] =	ssyncadd.s32 $0xFFFFC000  }
0x1af: {  	[spmem:s2] =	stream.indirect.scatter.add.f32 [tilespmem:s10], [sflag:$0x2], $0x80, s1, s9, $0xb8;
	[tilespmem:$0x1F000] =	vst v63  }
0x1b0: {  	s16 =	simm.s32 $0x8000;
	s17 =	simm.s32 $0x100;
	s15 =	simm.s32 $0x1480  }
0x1b1: {  	[tilespmem:s12], [sflag:$0x1] =	stream.indirect.gather [hbm4b:s4+s9], $0x80, s9, s9, $0xb8;
	[tilespmem:$0x1F000] =	vst v63  }
.LBB2_9:
0x1b2: {  	s18 =	sadd.s32 $0xFFFFC000, s16;
	_ =	swait.ge [sflag:s11], $0x4000  }
0x1b3: {  	s18 =	sand.u32 $0x4000, s18;
	[sflag:s11] =	ssyncset.done $0x0  }
0x1b4: {  	p1 =	seq.s32 s16, $0xA0000;
	s18 =	sor.u32 $0x2800, s18;
	[sflag:s11] =	ssyncadd.s32 $0xFFFFC000  }
0x1b5: {  	[spmem:s2] =	stream.indirect.scatter.add.f32 [tilespmem:s18], [sflag:$0x2], $0x80, s15, s9, $0xb8;
	[tilespmem:$0x1F000] =	vst v63  }
0x1b6: {  	s18 =	sand.u32 @!p1 $0x4000, s16;
	s16 =	sadd.s32 @!p1 $0x4000, s16  }
0x1b7: {  	p2 =	sne.s32 @!p1 s16, $0xA4000  }
0x1b8: {  	p2 =	por p1, !p2  }
.Ltmp11:
0x1b9: {  	_ =	swait.ge [sflag:s13], $0x4000;
	(pc) =	sbr.rel @!p2 .LBB2_9-.Ltmp11, $4  }
0x1ba: {  	[sflag:s13] =	ssyncset.done $0x0  }
0x1bb: {  	s19 =	simm.s32 @!p1 $0x80;
	s18 =	sor.u32 @!p1 $0x2800, s18;
	[sflag:s13] =	ssyncadd.s32 $0xFFFFC000  }
0x1bc: {  	[tilespmem:s18], [sflag:$0x1] =	stream.indirect.gather @!p1 [hbm4b:s4+s19], $0x80, s17, s19, $0xb8;
	[tilespmem:$0x1F000] =	vst v63  }
0x1bd: {  	s15 =	sadd.s32 @!p1 $0x80, s15;
	s17 =	sadd.s32 @!p1 $0x80, s17  }
0x1be: {  	_ =	swait.ge [sflag:s13], $0x4000  }
0x1bf: {  	[sflag:s13] =	ssyncset.done $0x0  }
0x1c0: {  	s15 =	rddreg [dreg:$0x13];
	[sflag:s13] =	ssyncadd.s32 $0xFFFFC000  }
0x1c1: {  	[tilespmem:s3], [sflag:$0x3] =	stream.linear.gather [hbm4b:s15+s3], $0x1400, $0x38;
	[tilespmem:$0x1F000] =	vst v63  }
0x1c2: {  	_ =	swait.ge [sflag:s8], $0x1400  }
0x1c3: {  	[sflag:s8] =	ssyncset.done $0x0  }
0x1c4: {  	s19 =	rddreg [dreg:$0x14];
	[sflag:s8] =	ssyncadd.s32 $0xFFFFEC00  }
0x1c5: {  	[tilespmem:s1], [sflag:$0x3] =	stream.linear.gather [hbm4b:s19+s3], $0x1400, $0x38;
	[tilespmem:$0x1F000] =	vst v63  }
0x1c6: {  	_ =	swait.ge [sflag:s8], $0x1400  }
0x1c7: {  	[sflag:s8] =	ssyncset.done $0x0  }
0x1c8: {  	[sflag:s8] =	ssyncadd.s32 $0xFFFFEC00  }
0x1c9: {  	[tilespmem:s10], [sflag:$0x1] =	stream.indirect.gather [hbm4b:s4+s9], $0x80, s3, s9, $0xb8;
	[tilespmem:$0x1F000] =	vst v63  }
0x1ca: {  	_ =	swait.ge [sflag:s11], $0x4000  }
0x1cb: {  	[sflag:s11] =	ssyncset.done $0x0  }
0x1cc: {  	[sflag:s11] =	ssyncadd.s32 $0xFFFFC000  }
0x1cd: {  	[spmem:s2] =	stream.indirect.scatter.add.f32 [tilespmem:s10], [sflag:$0x2], $0x80, s1, s9, $0xb8;
	[tilespmem:$0x1F000] =	vst v63  }
0x1ce: {  	s16 =	simm.s32 $0x8000;
	s17 =	simm.s32 $0x100;
	s15 =	simm.s32 $0x1480  }
0x1cf: {  	[tilespmem:s12], [sflag:$0x1] =	stream.indirect.gather [hbm4b:s4+s9], $0x80, s9, s9, $0xb8;
	[tilespmem:$0x1F000] =	vst v63  }
.LBB2_11:
0x1d0: {  	s18 =	sadd.s32 $0xFFFFC000, s16;
	_ =	swait.ge [sflag:s11], $0x4000  }
0x1d1: {  	s18 =	sand.u32 $0x4000, s18;
	[sflag:s11] =	ssyncset.done $0x0  }
0x1d2: {  	p1 =	seq.s32 s16, $0xA0000;
	s18 =	sor.u32 $0x2800, s18;
	[sflag:s11] =	ssyncadd.s32 $0xFFFFC000  }
0x1d3: {  	[spmem:s2] =	stream.indirect.scatter.add.f32 [tilespmem:s18], [sflag:$0x2], $0x80, s15, s9, $0xb8;
	[tilespmem:$0x1F000] =	vst v63  }
0x1d4: {  	s18 =	sand.u32 @!p1 $0x4000, s16;
	s16 =	sadd.s32 @!p1 $0x4000, s16  }
0x1d5: {  	p2 =	seq.s32 @!p1 s16, $0xA4000  }
0x1d6: {  	p2 =	por p1, p2  }
.Ltmp12:
0x1d7: {  	_ =	swait.ge [sflag:s13], $0x4000;
	(pc) =	sbr.rel @!p2 .LBB2_11-.Ltmp12, $4  }
0x1d8: {  	[sflag:s13] =	ssyncset.done $0x0  }
0x1d9: {  	s19 =	simm.s32 @!p1 $0x80;
	s18 =	sor.u32 @!p1 $0x2800, s18;
	[sflag:s13] =	ssyncadd.s32 $0xFFFFC000  }
0x1da: {  	[tilespmem:s18], [sflag:$0x1] =	stream.indirect.gather @!p1 [hbm4b:s4+s19], $0x80, s17, s19, $0xb8;
	[tilespmem:$0x1F000] =	vst v63  }
0x1db: {  	s15 =	sadd.s32 @!p1 $0x80, s15;
	s17 =	sadd.s32 @!p1 $0x80, s17  }
.Ltmp13:
0x1dc: {  	(pc) =	sbr.rel .LBB2_22-.Ltmp13, $3  }
0x1dd: {  	_ =	sdelay $0x1  }
0x1de: {  	s15 =	rddreg [dreg:$0x4]  }
0x1df: {  	s15 =	smov.u32 @p1 s15  }
.LBB2_23:
0x1e0: {  	_ =	sfence.sel $0x180000  }
0x1e1: {  	[bflag:$0x0] =	sbarrier.arrive $0xFFFF  }
0x1e2: {  	_ =	strace $0x9000004A  }
0x1e3: {  	s0 =	stileid.u32;
	[bflag:$0x2] =	sbarrier.arrive $0xFFFF  }
0x1e4: {  	p0 =	sne.s32 s0, $0x0;
	s0 =	rddreg [dreg:$0x3]  }
0x1e5: {  	s0 =	sadd.s32 @!p0 $0x100000, s0  }
0x1e6: {  	[sflag:s0] =	ssyncadd.tile.s32 @!p0 $0x1;
	_ =	shalt  }
.Lfunc_end2:
_tile_overlayer_lowered:
.L_overlay_start_2:
0x1e7: {  	(tag) =	ssettag $0x2  }
0x1e8: {  	s0 =	rddreg [dreg:$0x0];
	s2 =	stileid.u32  }
0x1e9: {  	s1 =	rddreg [dreg:$0x1];
	p0 =	sne.s32 s2, $0x0  }
0x1ea: {  	s3 =	rddreg [dreg:$0x2];
	[bflag:$0x3] =	sbarrier.arrive $0xFFFF;
	s2 =	simm.s32 @!p0 $0x1C03  }
0x1eb: {  	[timem:s3], [sflag:s2] =	dma.local @!p0 [hbm:s0], s1  }
0x1ec: {  	s0 =	simm.s32 @!p0 $0x3  }
0x1ed: {  	_ =	swait.ge @!p0 [sflag:s0], s1  }
0x1ee: {  	s1 =	ssub.s32 @!p0 $0x0, s1;
	[sflag:s0] =	ssyncset.done @!p0 $0x0  }
0x1ef: {  	[sflag:s0] =	ssyncadd.s32 @!p0 s1  }
0x1f0: {  	[bflag:$0x3] =	sbarrier.arrive $0xFFFF  }
0x1f1: {  	_ =	shalt  }

// kernel: kernel.15.cloned.1.call-start
scs
__scs_entry_jumppad:
0x0: {  	(pc) =	sbr.rel $0x88, $3  }
0x1: {  	(tag) =	ssettag $0x0;
	lr =	simm.s32 $0x1  }
0x2: {  	[smem:$0x3F97] =	sst lr;
	_ =	strace $0xD0000000  }
0x3: {  	_ = 	snop  }
0x4: {  	_ = 	snop  }
0x5: {  	_ = 	snop  }
0x6: {  	_ = 	snop  }
0x7: {  	_ = 	snop  }
__scs_overlays_trampoline_lowered:
0x8: {  	[smem:$0x3FA6] =	sst s0  }
0x9: {  	[smem:$0x3FA7] =	sst s1  }
0xa: {  	[smem:$0x3FA8] =	sst s2  }
0xb: {  	[smem:$0x3FA9] =	sst s3  }
0xc: {  	[smem:$0x3FAA] =	sst s4  }
0xd: {  	[smem:$0x3FAB] =	sst s5  }
0xe: {  	[smem:$0x3FAC] =	sst s6  }
0xf: {  	[smem:$0x3FAD] =	sst s7  }
0x10: {  	[smem:$0x3FAE] =	sst s8  }
0x11: {  	[smem:$0x3FAF] =	sst s9;
	s0 =	simm.s32 @!p0 $0x0  }
0x12: {  	s1 =	sld [smem:$0x3F95];
	s0 =	simm.s32 @p0 $0x1  }
0x13: {  	[smem:$0x3FB0] =	sst s0;
	s0 =	simm.s32 @!p1 $0x0  }
0x14: {  	s2 =	sld [smem:$0x3F94];
	s0 =	simm.s32 @p1 $0x1  }
0x15: {  	[smem:$0x3FB1] =	sst s0;
	s0 =	simm.s32 @!p2 $0x0  }
0x16: {  	s3 =	sld [smem:$0x3FDB];
	s0 =	simm.s32 @p2 $0x1  }
0x17: {  	s4 =	simm.s32 $0x1BF5;
	[smem:$0x3FB3] =	sst s0  }
0x18: {  	s0 =	sld [smem:$0x3F96];
	_ =	swait.ge [sflag:s4], $0x0  }
0x19: {  	s7 =	sld [smem:$0x3F97]  }
0x1a: {  	s8 =	sadd.s32 $0xFFFFE003, lr  }
0x1b: {  	s9 =	sadd.s32 $0xFFFFFEF7, lr;
	s5 =	simm.s32 $0xFFFFFFFF;
	p2 =	slt.u32 s8, $0xFFFFF086  }
0x1c: {  	p1 =	slt.u32 s9, $0xF7A;
	s5 =	simm.s32 @!p2 $0x0  }
0x1d: {  	s5 =	simm.s32 @p1 $0x1;
	p0 =	seq.s32 s7, s2  }
0x1e: {  	s7 =	smul.u32 @!p0 $0xF7A, s2;
	p2 =	seq.s32 @!p0 s5, $0x0  }
0x1f: {  	s9 =	smul.u32 $0xF7A, s1;
	s8 =	simm.s32 @!p0 $0x1BF5;
	p2 =	por !p2, p0  }
0x20: {  	[sflag:s8] =	ssyncset.s32 @!p0 $0xFFFFF086;
	s6 =	sadd.s32 @!p0 s3, s7;
	s7 =	simm.s32 @!p0 $0x108  }
0x21: {  	s3 =	sadd.s32 s3, s9;
	s6 =	sadd.s32 @!p0 $0x88, s6;
	s7 =	simm.s32 @p2 $0x1082  }
0x22: {  	[simem:s7], [sflag:s8] =	dma.local @!p0 [hbm:s6], $0xF7A  }
0x23: {  	s9 =	sor.u32 $0xD0000000, s2;
	s6 =	simm.s32 $0x108;
	_ =	swait.ge @!p0 [sflag:s8], $0x0  }
0x24: {  	s3 =	sadd.s32 $0x88, s3;
	s6 =	simm.s32 @!p1 $0x1082;
	[sflag:s4] =	ssyncset.s32 $0xFFFFF086  }
0x25: {  	[simem:s6], [sflag:s4] =	dma.local [hbm:s3], $0xF7A  }
0x26: {  	[smem:$0x3F97] =	sst s1;
	(tag) =	ssettag s2;
	_ =	strace s9  }
0x27: {  	s1 =	sld [smem:$0x3FA7]  }
0x28: {  	s2 =	sld [smem:$0x3FA8]  }
0x29: {  	s4 =	sld [smem:$0x3FAA]  }
0x2a: {  	p0 =	seq.s32 s5, $0x0;
	s5 =	sld [smem:$0x3FAB]  }
0x2b: {  	s6 =	sld [smem:$0x3FAC]  }
0x2c: {  	s7 =	sld [smem:$0x3FAD]  }
0x2d: {  	s3 =	simm.s32 $0x108;
	s8 =	sld [smem:$0x3FAE]  }
0x2e: {  	s3 =	simm.s32 @!p0 $0x1082;
	s9 =	sld [smem:$0x3FAF]  }
0x2f: {  	lr =	sadd.s32 s0, s3;
	s0 =	sld [smem:$0x3FA6]  }
0x30: {  	s3 =	sld [smem:$0x3FA9]  }
0x31: {  	[smem:$0x3FB2] =	sst s10  }
0x32: {  	s10 =	sld [smem:$0x3FB0];
	_ =	sdelay $0x3  }
0x33: {  	p0 =	seq.s32 s10, $0x1;
	s10 =	sld [smem:$0x3FB2];
	_ =	sdelay $0x3  }
0x34: {  	[smem:$0x3FB2] =	sst s10  }
0x35: {  	s10 =	sld [smem:$0x3FB1];
	_ =	sdelay $0x3  }
0x36: {  	p1 =	seq.s32 s10, $0x1;
	s10 =	sld [smem:$0x3FB2];
	_ =	sdelay $0x3  }
0x37: {  	[smem:$0x3FB2] =	sst s10  }
0x38: {  	s10 =	sld [smem:$0x3FB3]  }
0x39: {  	_ = 	snop;
	(pc) =	sbr.ind lr, $3  }
0x3a: {  	_ = 	snop  }
0x3b: {  	_ = 	snop  }
0x3c: {  	p2 =	seq.s32 s10, $0x1;
	s10 =	sld [smem:$0x3FB2]  }
0x3d: {  	_ =	shalt  }
0x3e: {  	_ =	shalt  }
0x3f: {  	_ =	shalt  }
0x40: {  	_ =	shalt  }
0x41: {  	_ =	shalt  }
0x42: {  	_ =	shalt  }
0x43: {  	_ =	shalt  }
0x44: {  	_ =	shalt  }
0x45: {  	_ =	shalt  }
0x46: {  	_ =	shalt  }
0x47: {  	_ =	shalt  }
0x48: {  	_ =	shalt  }
0x49: {  	_ =	shalt  }
0x4a: {  	_ =	shalt  }
0x4b: {  	_ =	shalt  }
0x4c: {  	_ =	shalt  }
0x4d: {  	_ =	shalt  }
0x4e: {  	_ =	shalt  }
0x4f: {  	_ =	shalt  }
0x50: {  	_ =	shalt  }
0x51: {  	_ =	shalt  }
0x52: {  	_ =	shalt  }
0x53: {  	_ =	shalt  }
0x54: {  	_ =	shalt  }
0x55: {  	_ =	shalt  }
0x56: {  	_ =	shalt  }
0x57: {  	_ =	shalt  }
0x58: {  	_ =	shalt  }
0x59: {  	_ =	shalt  }
0x5a: {  	_ =	shalt  }
0x5b: {  	_ =	shalt  }
0x5c: {  	_ =	shalt  }
0x5d: {  	_ =	shalt  }
0x5e: {  	_ =	shalt  }
0x5f: {  	_ =	shalt  }
0x60: {  	_ =	shalt  }
0x61: {  	_ =	shalt  }
0x62: {  	_ =	shalt  }
0x63: {  	_ =	shalt  }
0x64: {  	_ =	shalt  }
0x65: {  	_ =	shalt  }
0x66: {  	_ =	shalt  }
0x67: {  	_ =	shalt  }
0x68: {  	_ =	shalt  }
0x69: {  	_ =	shalt  }
0x6a: {  	_ =	shalt  }
0x6b: {  	_ =	shalt  }
0x6c: {  	_ =	shalt  }
0x6d: {  	_ =	shalt  }
0x6e: {  	_ =	shalt  }
0x6f: {  	_ =	shalt  }
0x70: {  	_ =	shalt  }
0x71: {  	_ =	shalt  }
0x72: {  	_ =	shalt  }
0x73: {  	_ =	shalt  }
0x74: {  	_ =	shalt  }
0x75: {  	_ =	shalt  }
0x76: {  	_ =	shalt  }
0x77: {  	_ =	shalt  }
0x78: {  	_ =	shalt  }
0x79: {  	_ =	shalt  }
0x7a: {  	_ =	shalt  }
0x7b: {  	_ =	shalt  }
0x7c: {  	_ =	shalt  }
0x7d: {  	_ =	shalt  }
0x7e: {  	_ =	shalt  }
0x7f: {  	_ =	shalt  }
0x80: {  	_ =	shalt  }
0x81: {  	_ =	shalt  }
0x82: {  	_ =	shalt  }
0x83: {  	_ =	shalt  }
0x84: {  	_ =	shalt  }
0x85: {  	_ =	shalt  }
0x86: {  	_ =	shalt  }
0x87: {  	_ =	shalt  }
.Lfunc_end0:
.L_simem_size_0:
called_computation.2_lowered:
.L_overlay_start_0:
0x88: {  	s2 =	sld [smem:$0x3FD9]  }
0x89: {  	s3 =	sld [smem:$0x3FFE];
	_ =	sdelay $0x1  }
0x8a: {  	s1 =	srdreg.scid  }
0x8b: {  	s0 =	sand.u32 $0x1, s1  }
0x8c: {  	s17 =	sshll.u32 s0, $0xA;
	s2 =	sadd.s32 s3, s2  }
0x8d: {  	s2 =	sadd.s32 s2, s17  }
0x8e: {  	[smem:$0x3FBE] =	sst s2  }
0x8f: {  	_ = 	snop  }
0x90: {  	s2 =	sld [smem:$0x3FD0];
	(tm) =	ssettm $0x1  }
0x91: {  	s18 =	sld [smem:$0x3FFB];
	_ =	sdelay $0x3  }
0x92: {  	_ =	strace s18  }
0x93: {  	s3 =	sld [smem:$0x3FFC];
	_ =	sdelay $0x3  }
0x94: {  	_ =	strace s3  }
0x95: {  	s3 =	sld [smem:$0x3FFD];
	_ =	sdelay $0x3  }
0x96: {  	_ =	strace s3  }
0x97: {  	_ =	strace $0x8FFFFFFF  }
0x98: {  	s19 =	sld [smem:$0x3FDB];
	_ =	sdelay $0x1  }
0x99: {  	s4 =	simm.s32 $_scs_section_size  }
0x9a: {  	s5 =	simm.s32 $_size__tile_overlayer_lowered;
	s6 =	simm.s32 $_tile_overlayer_lowered  }
0x9b: {  	s22 =	simm.s32 $0x1BFF;
	s21 =	sshll.u32 s6, $0x1;
	s3 =	sadd.s32 s4, s19  }
0x9c: {  	s7 =	simm.s32 $0x0;
	s20 =	sshll.u32 s5, $0x1;
	s5 =	sadd.s32 s21, s3  }
0x9d: {  	[timem:s7], [sflag:s22] =	dma.local [hbm:s5], s20  }
0x9e: {  	_ =	swait.ge [sflag:s22], s20  }
0x9f: {  	s4 =	ssub.s32 $0x0, s20;
	[sflag:s22] =	ssyncset.done $0x0  }
0xa0: {  	[sflag:s22] =	ssyncadd.s32 s4;
	_ =	sdelay $0x1  }
0xa1: {  	s23 =	simm.s32 $0x1B8B  }
0xa2: {  	_ =	swait.ge [sflag:s23], $0x1  }
0xa3: {  	[sflag:s23] =	ssyncset.done $0x0  }
0xa4: {  	s25 =	simm.s32 $0x1B8E;
	s24 =	sld [smem:$0x3FFE];
	[sflag:s23] =	ssyncadd.s32 $0xFFFFFFFF  }
0xa5: {  	s26 =	simm.s32 $execute0_lowered;
	[smem:$0x3FD2] =	sst s25  }
0xa6: {  	s5 =	sshll.u32 s26, $0x1;
	_ =	strace $0x8000004C;
	[dreg:$0x1] =	wrdreg $0xFFFFFFFF  }
0xa7: {  	s28 =	simm.s32 $_size_execute0_lowered;
	s3 =	sadd.s32 s3, s5;
	[dreg:$0x0] =	wrdreg $0x0  }
0xa8: {  	s5 =	sshll.u32 s28, $0x1;
	[dreg:$0x2] =	wrdreg s3  }
0xa9: {  	[dreg:$0x3] =	wrdreg s5  }
0xaa: {  	[dreg:$0x4] =	wrdreg $0xC0  }
0xab: {  	_ =	task [dreg:s7], $0x5FFFF  }
0xac: {  	[dreg:$0x1] =	wrdreg $0xFFFFFFFF  }
0xad: {  	[dreg:$0x0] =	wrdreg $0x60  }
0xae: {  	[dreg:$0x2] =	wrdreg s24  }
0xaf: {  	[dreg:$0x3] =	wrdreg s2  }
0xb0: {  	[dreg:$0x4] =	wrdreg $0xB0000  }
0xb1: {  	[dreg:$0x5] =	wrdreg $0x9  }
0xb2: {  	_ =	task.clear_ibuf [dreg:s7], $0x6FFFF;
	_ =	strace $0x9000004C  }
0xb3: {  	s29 =	simm.s32 $0x9;
	_ =	strace $0x8000004E  }
0xb4: {  	_ =	swait.ge [sflag:s29], $0x1  }
0xb5: {  	[sflag:s29] =	ssyncadd.s32 $0xFFFFFFFF  }
0xb6: {  	_ =	strace $0x9000004E  }
0xb7: {  	_ =	sfence  }
0xb8: {  	s30 =	sld [smem:$0x0];
	_ =	sdelay $0x2  }
0xb9: {  	s31 =	sshll.u32 s1, $0xD;
	s1 =	sshrl.u32 s1, $0x2  }
0xba: {  	s3 =	sand.u32 $0x4000, s31;
	s1 =	sadd.s32 s1, s30  }
0xbb: {  	s0 =	sor.u32 s3, s0;
	s1 =	sshll.u32 s1, $0x11  }
0xbc: {  	s0 =	sor.u32 s1, s0  }
0xbd: {  	s0 =	sadd.s32 $0x8F2B, s0  }
0xbe: {  	[sflag:s0] =	ssyncadd.remote.s32 $0x1  }
0xbf: {  	_ =	sfence.sel $0xFFFF  }
0xc0: {  	[dreg:$0x0] =	wrdreg $0xFFFFFFFF;
	(pc) =	sbr.abs _section_cstart, $3  }
0xc1: {  	[dreg:$0x1] =	wrdreg $0xFFFFFFFF  }
0xc2: {  	_ =	task.clear_ibuf [dreg:s7], $0x2FFFF;
	_ =	strace $0x9FFFFFFF  }
0xc3: {  	(tm) =	ssettm $0x7FFFFFFF  }
tec
execute0_lowered:
.L_overlay_start_1:
0x0: {  	(tag) =	ssettag $0x1  }
0x1: {  	s0 =	rddreg [dreg:$0x0]  }
0x2: {  	s2 =	rddreg [dreg:$0x1];
	s11 =	stileid.u32  }
0x3: {  	s1 =	rddreg [dreg:$0x2];
	s3 =	simm.s32 $0x0;
	s6 =	smul.u32 $0x50000, s11  }
0x4: {  	[smem:$0x7FF] =	sst s3;
	s4 =	sadd.s32 $0x17E00, s0;
	s8 =	sadd.s32 $0xDE00, s0  }
0x5: {  	s7 =	sadd.s32 $0x3FE00, s0;
	s0 =	sadd.s32 $0x8FE00, s0;
	s6 =	sshrl.u32 s6, $0x2  }
0x6: {  	_ =	strace $0x8000004D;
	[dreg:$0x4] =	wrdreg s7;
	s7 =	sadd.s32 s6, s1  }
0x7: {  	[dreg:$0x5] =	wrdreg s0;
	s13 =	sadd.s32 $0x800, s7  }
0x8: {  	s14 =	sadd.s32 $0x1000, s7;
	[dreg:$0x6] =	wrdreg s13  }
0x9: {  	s15 =	sadd.s32 $0x1800, s7;
	[dreg:$0x7] =	wrdreg s14  }
0xa: {  	s16 =	sadd.s32 $0x2000, s7;
	[dreg:$0x8] =	wrdreg s15  }
0xb: {  	s17 =	sadd.s32 $0x2800, s7;
	[dreg:$0x9] =	wrdreg s16  }
0xc: {  	s5 =	srdreg.scid;
	s18 =	sadd.s32 $0x3000, s7;
	[dreg:$0xa] =	wrdreg s17  }
0xd: {  	s5 =	sand.u32 $0x1, s5;
	s19 =	sadd.s32 $0x3800, s7;
	[dreg:$0xb] =	wrdreg s18  }
0xe: {  	s26 =	ssub.s32 $0x2, s5;
	s20 =	sadd.s32 $0x4000, s7;
	[dreg:$0xc] =	wrdreg s19  }
0xf: {  	s10 =	sshll.u32 s5, $0x4;
	s21 =	sadd.s32 $0x4800, s7;
	[dreg:$0xd] =	wrdreg s20  }
0x10: {  	s9 =	sshrl.u32 s26, $0x1;
	s22 =	sadd.s32 $0x5000, s7;
	[dreg:$0xe] =	wrdreg s21  }
0x11: {  	s12 =	sor.u32 s11, s10;
	s23 =	sadd.s32 $0x5800, s7;
	[dreg:$0xf] =	wrdreg s22  }
0x12: {  	s0 =	ssub.s32 s26, s9;
	s24 =	sadd.s32 $0x6000, s7;
	[dreg:$0x10] =	wrdreg s23  }
0x13: {  	s6 =	smul.u32 $0x2800, s12;
	s12 =	sadd.s32 $0x6800, s7;
	[dreg:$0x11] =	wrdreg s24  }
0x14: {  	s0 =	smax.u32 s0, $0x1;
	[dreg:$0x16] =	wrdreg s12  }
0x15: {  	[dreg:$0x17] =	wrdreg s0;
	s13 =	sadd.s32 $0x7000, s7  }
0x16: {  	s14 =	sadd.s32 $0x7800, s7;
	[dreg:$0x18] =	wrdreg s13  }
0x17: {  	s15 =	sadd.s32 $0x8000, s7;
	[dreg:$0x19] =	wrdreg s14  }
0x18: {  	s28 =	simm.s32 $0x3;
	s16 =	sadd.s32 $0x8800, s7;
	[dreg:$0x1a] =	wrdreg s15  }
0x19: {  	s29 =	simm.s32 $0x1400;
	s17 =	sadd.s32 $0x9000, s7;
	[dreg:$0x1b] =	wrdreg s16  }
0x1a: {  	s30 =	simm.s32 $0x80;
	s18 =	sadd.s32 $0x9800, s7;
	[dreg:$0x1c] =	wrdreg s17  }
0x1b: {  	s31 =	simm.s32 $0x2800;
	s19 =	sadd.s32 $0xA000, s7;
	[dreg:$0x1d] =	wrdreg s18  }
0x1c: {  	p0 =	seq.s32 s5, $0x1;
	s20 =	sadd.s32 $0xA800, s7;
	[dreg:$0x1e] =	wrdreg s19  }
0x1d: {  	s5 =	simm.s32 $0x6800;
	s21 =	sadd.s32 $0xB000, s7;
	[dreg:$0x1f] =	wrdreg s20  }
0x1e: {  	s6 =	sshrl.u32 s6, $0x3;
	s22 =	sadd.s32 $0xB800, s7;
	[smem:$0x7F8] =	sst s21  }
0x1f: {  	s23 =	sadd.s32 $0xC000, s7;
	s24 =	sadd.s32 $0xC800, s7;
	[smem:$0x7F9] =	sst s22  }
0x20: {  	s0 =	simm.s32 $0x1;
	s25 =	sadd.s32 $0x280, s6;
	[smem:$0x7FA] =	sst s23  }
0x21: {  	s26 =	sadd.s32 s8, s6;
	s6 =	sadd.s32 s2, s6;
	[smem:$0x7FB] =	sst s24  }
0x22: {  	s13 =	sadd.s32 $0xE000, s7;
	s14 =	sadd.s32 $0xE800, s7;
	s15 =	sadd.s32 $0xF000, s7  }
0x23: {  	s16 =	sadd.s32 $0xF800, s7;
	s17 =	sadd.s32 $0x10000, s7;
	s18 =	sadd.s32 $0x10800, s7  }
0x24: {  	s19 =	sadd.s32 $0x11000, s7;
	s20 =	sadd.s32 $0x11800, s7;
	[dreg:$0x12] =	wrdreg s26  }
0x25: {  	s21 =	sadd.s32 $0x12000, s7;
	[dreg:$0x13] =	wrdreg s6;
	s10 =	sadd.s32 s8, s25  }
.Ltmp0:
0x26: {  	s2 =	sadd.s32 s2, s25;
	[dreg:$0x14] =	wrdreg s10;
	(pc) =	sbr.rel .LBB2_1-.Ltmp0, $4  }
0x27: {  	s22 =	sadd.s32 $0x12800, s7;
	s25 =	sadd.s32 $0xD000, s7;
	[dreg:$0x15] =	wrdreg s2  }
0x28: {  	s23 =	sadd.s32 $0x13000, s7;
	s26 =	sadd.s32 $0xD800, s7;
	[smem:$0x7FC] =	sst s25  }
0x29: {  	s24 =	sadd.s32 $0x13800, s7;
	s6 =	simm.s32 $0x2;
	[smem:$0x7FD] =	sst s26  }
0x2a: {  	v0 =	vimm.f32 $0.0e+00;
	s25 =	smul.u32 $0x2800, s11;
	s26 =	simm.s32 $0xA800;
	s2 =	simm.s32 $0x0  }
.LBB2_14:
0x2b: {  	_ =	swait.ge [sflag:s6], $0x4000  }
0x2c: {  	s9 =	stileid.u32;
	[sflag:s6] =	ssyncset.done $0x0  }
0x2d: {  	s10 =	sshrl.u32 s7, $0x3;
	s9 =	sshll.u32 s9, $0x6;
	[sflag:s6] =	ssyncadd.s32 $0xFFFFC000  }
0x2e: {  	s8 =	sadd.s32 s8, s25;
	s9 =	sor.u32 $0x1C03, s9;
	[bflag:$0x0] =	sbarrier.arrive $0xFFFF  }
0x2f: {  	[hbm:s8], [sflag:s9] =	dma.local [spmem:s10], $0x2800  }
0x30: {  	_ =	swait.ge [sflag:s28], $0x2800  }
0x31: {  	s2 =	sadd.s32 $0x1, s2;
	s12 =	rddreg [dreg:$0x17]  }
0x32: {  	p1 =	sne.s32 s2, s12  }
.Ltmp1:
0x33: {  	_ = 	snop;
	(pc) =	sbr.rel @!p1 .LBB2_15-.Ltmp1, $3  }
0x34: {  	_ =	sdelay $0x1  }
0x35: {  	[sflag:s28] =	ssyncset.done $0x0  }
0x36: {  	[sflag:s28] =	ssyncadd.s32 $0xFFFFD800  }
.LBB2_1:
0x37: {  	s8 =	sand.u32 $0x1E00, s3  }
0x38: {  	s9 =	sand.u32 $0x70, s3;
	s10 =	sshrl.u32 s8, $0x2  }
0x39: {  	s8 =	simm.s32 $0x40;
	s10 =	sor.u32 s9, s10;
	s9 =	simm.s32 $0x0  }
.LBB2_2:
0x3a: {  	p1 =	sne.s32 s8, $0x1FC0  }
0x3b: {  	[tilespmem:s10+$0xA800] =	vst v0;
	s9 =	sadd.s32 $0x10, s9;
	s10 =	smov.u32 s8;
	s8 =	sadd.s32 $0x40, s8  }
.Ltmp2:
0x3c: {  	(pc) =	sbr.rel @p1 .LBB2_2-.Ltmp2, $4  }
0x3d: {  	_ = 	snop  }
0x3e: {  	s10 =	sand.u32 $0x1E00, s10  }
0x3f: {  	s11 =	sand.u32 $0x70, s9;
	s10 =	sshrl.u32 s10, $0x2  }
0x40: {  	s10 =	sor.u32 s11, s10  }
0x41: {  	[tilespmem:s10+$0xA800] =	vst v0  }
0x42: {  	[spmem:s7] =	stream.linear.scatter [tilespmem:s26], [sflag:$0x3], $0x800, $0x38;
	[tilespmem:$0x1F000] =	vst v63  }
0x43: {  	_ =	swait.ge [sflag:s28], $0x800  }
0x44: {  	[sflag:s28] =	ssyncset.done $0x0  }
0x45: {  	s8 =	rddreg [dreg:$0x6];
	[sflag:s28] =	ssyncadd.s32 $0xFFFFF800  }
0x46: {  	[spmem:s8] =	stream.linear.scatter [tilespmem:s26], [sflag:$0x3], $0x800, $0x38;
	[tilespmem:$0x1F000] =	vst v63  }
0x47: {  	_ =	swait.ge [sflag:s28], $0x800  }
0x48: {  	[sflag:s28] =	ssyncset.done $0x0  }
0x49: {  	s9 =	rddreg [dreg:$0x7];
	[sflag:s28] =	ssyncadd.s32 $0xFFFFF800  }
0x4a: {  	[spmem:s9] =	stream.linear.scatter [tilespmem:s26], [sflag:$0x3], $0x800, $0x38;
	[tilespmem:$0x1F000] =	vst v63  }
0x4b: {  	_ =	swait.ge [sflag:s28], $0x800  }
0x4c: {  	[sflag:s28] =	ssyncset.done $0x0  }
0x4d: {  	s10 =	rddreg [dreg:$0x8];
	[sflag:s28] =	ssyncadd.s32 $0xFFFFF800  }
0x4e: {  	[spmem:s10] =	stream.linear.scatter [tilespmem:s26], [sflag:$0x3], $0x800, $0x38;
	[tilespmem:$0x1F000] =	vst v63  }
0x4f: {  	_ =	swait.ge [sflag:s28], $0x800  }
0x50: {  	[sflag:s28] =	ssyncset.done $0x0  }
0x51: {  	s11 =	rddreg [dreg:$0x9];
	[sflag:s28] =	ssyncadd.s32 $0xFFFFF800  }
0x52: {  	[spmem:s11] =	stream.linear.scatter [tilespmem:s26], [sflag:$0x3], $0x800, $0x38;
	[tilespmem:$0x1F000] =	vst v63  }
0x53: {  	_ =	swait.ge [sflag:s28], $0x800  }
0x54: {  	[sflag:s28] =	ssyncset.done $0x0  }
0x55: {  	s12 =	rddreg [dreg:$0xa];
	[sflag:s28] =	ssyncadd.s32 $0xFFFFF800  }
0x56: {  	[spmem:s12] =	stream.linear.scatter [tilespmem:s26], [sflag:$0x3], $0x800, $0x38;
	[tilespmem:$0x1F000] =	vst v63  }
0x57: {  	_ =	swait.ge [sflag:s28], $0x800  }
0x58: {  	[sflag:s28] =	ssyncset.done $0x0  }
0x59: {  	s9 =	rddreg [dreg:$0xb];
	[sflag:s28] =	ssyncadd.s32 $0xFFFFF800  }
0x5a: {  	[spmem:s9] =	stream.linear.scatter [tilespmem:s26], [sflag:$0x3], $0x800, $0x38;
	[tilespmem:$0x1F000] =	vst v63  }
0x5b: {  	_ =	swait.ge [sflag:s28], $0x800  }
0x5c: {  	[sflag:s28] =	ssyncset.done $0x0  }
0x5d: {  	s10 =	rddreg [dreg:$0xc];
	[sflag:s28] =	ssyncadd.s32 $0xFFFFF800  }
0x5e: {  	[spmem:s10] =	stream.linear.scatter [tilespmem:s26], [sflag:$0x3], $0x800, $0x38;
	[tilespmem:$0x1F000] =	vst v63  }
0x5f: {  	_ =	swait.ge [sflag:s28], $0x800  }
0x60: {  	[sflag:s28] =	ssyncset.done $0x0  }
0x61: {  	s11 =	rddreg [dreg:$0xd];
	[sflag:s28] =	ssyncadd.s32 $0xFFFFF800  }
0x62: {  	[spmem:s11] =	stream.linear.scatter [tilespmem:s26], [sflag:$0x3], $0x800, $0x38;
	[tilespmem:$0x1F000] =	vst v63  }
0x63: {  	_ =	swait.ge [sflag:s28], $0x800  }
0x64: {  	[sflag:s28] =	ssyncset.done $0x0  }
0x65: {  	s12 =	rddreg [dreg:$0xe];
	[sflag:s28] =	ssyncadd.s32 $0xFFFFF800  }
0x66: {  	[spmem:s12] =	stream.linear.scatter [tilespmem:s26], [sflag:$0x3], $0x800, $0x38;
	[tilespmem:$0x1F000] =	vst v63  }
0x67: {  	_ =	swait.ge [sflag:s28], $0x800  }
0x68: {  	[sflag:s28] =	ssyncset.done $0x0  }
0x69: {  	s9 =	rddreg [dreg:$0xf];
	[sflag:s28] =	ssyncadd.s32 $0xFFFFF800  }
0x6a: {  	[spmem:s9] =	stream.linear.scatter [tilespmem:s26], [sflag:$0x3], $0x800, $0x38;
	[tilespmem:$0x1F000] =	vst v63  }
0x6b: {  	_ =	swait.ge [sflag:s28], $0x800  }
0x6c: {  	[sflag:s28] =	ssyncset.done $0x0  }
0x6d: {  	s10 =	rddreg [dreg:$0x10];
	[sflag:s28] =	ssyncadd.s32 $0xFFFFF800  }
0x6e: {  	[spmem:s10] =	stream.linear.scatter [tilespmem:s26], [sflag:$0x3], $0x800, $0x38;
	[tilespmem:$0x1F000] =	vst v63  }
0x6f: {  	_ =	swait.ge [sflag:s28], $0x800  }
0x70: {  	[sflag:s28] =	ssyncset.done $0x0  }
0x71: {  	s11 =	rddreg [dreg:$0x11];
	[sflag:s28] =	ssyncadd.s32 $0xFFFFF800  }
0x72: {  	[spmem:s11] =	stream.linear.scatter [tilespmem:s26], [sflag:$0x3], $0x800, $0x38;
	[tilespmem:$0x1F000] =	vst v63  }
0x73: {  	_ =	swait.ge [sflag:s28], $0x800  }
0x74: {  	[sflag:s28] =	ssyncset.done $0x0  }
0x75: {  	s12 =	rddreg [dreg:$0x16];
	[sflag:s28] =	ssyncadd.s32 $0xFFFFF800  }
0x76: {  	[spmem:s12] =	stream.linear.scatter [tilespmem:s26], [sflag:$0x3], $0x800, $0x38;
	[tilespmem:$0x1F000] =	vst v63  }
0x77: {  	_ =	swait.ge [sflag:s28], $0x800  }
0x78: {  	[sflag:s28] =	ssyncset.done $0x0  }
0x79: {  	s9 =	rddreg [dreg:$0x18];
	[sflag:s28] =	ssyncadd.s32 $0xFFFFF800  }
0x7a: {  	[spmem:s9] =	stream.linear.scatter [tilespmem:s26], [sflag:$0x3], $0x800, $0x38;
	[tilespmem:$0x1F000] =	vst v63  }
0x7b: {  	_ =	swait.ge [sflag:s28], $0x800  }
0x7c: {  	[sflag:s28] =	ssyncset.done $0x0  }
0x7d: {  	s10 =	rddreg [dreg:$0x19];
	[sflag:s28] =	ssyncadd.s32 $0xFFFFF800  }
0x7e: {  	[spmem:s10] =	stream.linear.scatter [tilespmem:s26], [sflag:$0x3], $0x800, $0x38;
	[tilespmem:$0x1F000] =	vst v63  }
0x7f: {  	_ =	swait.ge [sflag:s28], $0x800  }
0x80: {  	[sflag:s28] =	ssyncset.done $0x0  }
0x81: {  	s11 =	rddreg [dreg:$0x1a];
	[sflag:s28] =	ssyncadd.s32 $0xFFFFF800  }
0x82: {  	[spmem:s11] =	stream.linear.scatter [tilespmem:s26], [sflag:$0x3], $0x800, $0x38;
	[tilespmem:$0x1F000] =	vst v63  }
0x83: {  	_ =	swait.ge [sflag:s28], $0x800  }
0x84: {  	[sflag:s28] =	ssyncset.done $0x0  }
0x85: {  	s12 =	rddreg [dreg:$0x1b];
	[sflag:s28] =	ssyncadd.s32 $0xFFFFF800  }
0x86: {  	[spmem:s12] =	stream.linear.scatter [tilespmem:s26], [sflag:$0x3], $0x800, $0x38;
	[tilespmem:$0x1F000] =	vst v63  }
0x87: {  	_ =	swait.ge [sflag:s28], $0x800  }
0x88: {  	[sflag:s28] =	ssyncset.done $0x0  }
0x89: {  	s9 =	rddreg [dreg:$0x1c];
	[sflag:s28] =	ssyncadd.s32 $0xFFFFF800  }
0x8a: {  	[spmem:s9] =	stream.linear.scatter [tilespmem:s26], [sflag:$0x3], $0x800, $0x38;
	[tilespmem:$0x1F000] =	vst v63  }
0x8b: {  	_ =	swait.ge [sflag:s28], $0x800  }
0x8c: {  	[sflag:s28] =	ssyncset.done $0x0  }
0x8d: {  	s10 =	rddreg [dreg:$0x1d];
	[sflag:s28] =	ssyncadd.s32 $0xFFFFF800  }
0x8e: {  	[spmem:s10] =	stream.linear.scatter [tilespmem:s26], [sflag:$0x3], $0x800, $0x38;
	[tilespmem:$0x1F000] =	vst v63  }
0x8f: {  	_ =	swait.ge [sflag:s28], $0x800  }
0x90: {  	[sflag:s28] =	ssyncset.done $0x0  }
0x91: {  	s11 =	rddreg [dreg:$0x1e];
	[sflag:s28] =	ssyncadd.s32 $0xFFFFF800  }
0x92: {  	[spmem:s11] =	stream.linear.scatter [tilespmem:s26], [sflag:$0x3], $0x800, $0x38;
	[tilespmem:$0x1F000] =	vst v63  }
0x93: {  	_ =	swait.ge [sflag:s28], $0x800  }
0x94: {  	[sflag:s28] =	ssyncset.done $0x0  }
0x95: {  	s12 =	rddreg [dreg:$0x1f];
	[sflag:s28] =	ssyncadd.s32 $0xFFFFF800  }
0x96: {  	[spmem:s12] =	stream.linear.scatter [tilespmem:s26], [sflag:$0x3], $0x800, $0x38;
	[tilespmem:$0x1F000] =	vst v63  }
0x97: {  	_ =	swait.ge [sflag:s28], $0x800  }
0x98: {  	s9 =	sld [smem:$0x7F8]  }
0x99: {  	[sflag:s28] =	ssyncset.done $0x0  }
0x9a: {  	[sflag:s28] =	ssyncadd.s32 $0xFFFFF800  }
0x9b: {  	[spmem:s9] =	stream.linear.scatter [tilespmem:s26], [sflag:$0x3], $0x800, $0x38;
	[tilespmem:$0x1F000] =	vst v63  }
0x9c: {  	_ =	swait.ge [sflag:s28], $0x800  }
0x9d: {  	s10 =	sld [smem:$0x7F9]  }
0x9e: {  	[sflag:s28] =	ssyncset.done $0x0  }
0x9f: {  	[sflag:s28] =	ssyncadd.s32 $0xFFFFF800  }
0xa0: {  	[spmem:s10] =	stream.linear.scatter [tilespmem:s26], [sflag:$0x3], $0x800, $0x38;
	[tilespmem:$0x1F000] =	vst v63  }
0xa1: {  	_ =	swait.ge [sflag:s28], $0x800  }
0xa2: {  	s11 =	sld [smem:$0x7FA]  }
0xa3: {  	[sflag:s28] =	ssyncset.done $0x0  }
0xa4: {  	[sflag:s28] =	ssyncadd.s32 $0xFFFFF800  }
0xa5: {  	[spmem:s11] =	stream.linear.scatter [tilespmem:s26], [sflag:$0x3], $0x800, $0x38;
	[tilespmem:$0x1F000] =	vst v63  }
0xa6: {  	_ =	swait.ge [sflag:s28], $0x800  }
0xa7: {  	s12 =	sld [smem:$0x7FB]  }
0xa8: {  	[sflag:s28] =	ssyncset.done $0x0  }
0xa9: {  	[sflag:s28] =	ssyncadd.s32 $0xFFFFF800  }
0xaa: {  	[spmem:s12] =	stream.linear.scatter [tilespmem:s26], [sflag:$0x3], $0x800, $0x38;
	[tilespmem:$0x1F000] =	vst v63  }
0xab: {  	_ =	swait.ge [sflag:s28], $0x800  }
0xac: {  	s9 =	sld [smem:$0x7FC]  }
0xad: {  	[sflag:s28] =	ssyncset.done $0x0  }
0xae: {  	[sflag:s28] =	ssyncadd.s32 $0xFFFFF800  }
0xaf: {  	[spmem:s9] =	stream.linear.scatter [tilespmem:s26], [sflag:$0x3], $0x800, $0x38;
	[tilespmem:$0x1F000] =	vst v63  }
0xb0: {  	_ =	swait.ge [sflag:s28], $0x800  }
0xb1: {  	s10 =	sld [smem:$0x7FD]  }
0xb2: {  	[sflag:s28] =	ssyncset.done $0x0  }
0xb3: {  	[sflag:s28] =	ssyncadd.s32 $0xFFFFF800  }
0xb4: {  	[spmem:s10] =	stream.linear.scatter [tilespmem:s26], [sflag:$0x3], $0x800, $0x38;
	[tilespmem:$0x1F000] =	vst v63  }
0xb5: {  	_ =	swait.ge [sflag:s28], $0x800  }
0xb6: {  	[sflag:s28] =	ssyncset.done $0x0  }
0xb7: {  	[sflag:s28] =	ssyncadd.s32 $0xFFFFF800  }
0xb8: {  	[spmem:s13] =	stream.linear.scatter [tilespmem:s26], [sflag:$0x3], $0x800, $0x38;
	[tilespmem:$0x1F000] =	vst v63  }
0xb9: {  	_ =	swait.ge [sflag:s28], $0x800  }
0xba: {  	[sflag:s28] =	ssyncset.done $0x0  }
0xbb: {  	[sflag:s28] =	ssyncadd.s32 $0xFFFFF800  }
0xbc: {  	[spmem:s14] =	stream.linear.scatter [tilespmem:s26], [sflag:$0x3], $0x800, $0x38;
	[tilespmem:$0x1F000] =	vst v63  }
0xbd: {  	_ =	swait.ge [sflag:s28], $0x800  }
0xbe: {  	[sflag:s28] =	ssyncset.done $0x0  }
0xbf: {  	[sflag:s28] =	ssyncadd.s32 $0xFFFFF800  }
0xc0: {  	[spmem:s15] =	stream.linear.scatter [tilespmem:s26], [sflag:$0x3], $0x800, $0x38;
	[tilespmem:$0x1F000] =	vst v63  }
0xc1: {  	_ =	swait.ge [sflag:s28], $0x800  }
0xc2: {  	[sflag:s28] =	ssyncset.done $0x0  }
0xc3: {  	[sflag:s28] =	ssyncadd.s32 $0xFFFFF800  }
0xc4: {  	[spmem:s16] =	stream.linear.scatter [tilespmem:s26], [sflag:$0x3], $0x800, $0x38;
	[tilespmem:$0x1F000] =	vst v63  }
0xc5: {  	_ =	swait.ge [sflag:s28], $0x800  }
0xc6: {  	[sflag:s28] =	ssyncset.done $0x0  }
0xc7: {  	[sflag:s28] =	ssyncadd.s32 $0xFFFFF800  }
0xc8: {  	[spmem:s17] =	stream.linear.scatter [tilespmem:s26], [sflag:$0x3], $0x800, $0x38;
	[tilespmem:$0x1F000] =	vst v63  }
0xc9: {  	_ =	swait.ge [sflag:s28], $0x800  }
0xca: {  	[sflag:s28] =	ssyncset.done $0x0  }
0xcb: {  	[sflag:s28] =	ssyncadd.s32 $0xFFFFF800  }
0xcc: {  	[spmem:s18] =	stream.linear.scatter [tilespmem:s26], [sflag:$0x3], $0x800, $0x38;
	[tilespmem:$0x1F000] =	vst v63  }
0xcd: {  	_ =	swait.ge [sflag:s28], $0x800  }
0xce: {  	[sflag:s28] =	ssyncset.done $0x0  }
0xcf: {  	[sflag:s28] =	ssyncadd.s32 $0xFFFFF800  }
0xd0: {  	[spmem:s19] =	stream.linear.scatter [tilespmem:s26], [sflag:$0x3], $0x800, $0x38;
	[tilespmem:$0x1F000] =	vst v63  }
0xd1: {  	_ =	swait.ge [sflag:s28], $0x800  }
0xd2: {  	[sflag:s28] =	ssyncset.done $0x0  }
0xd3: {  	[sflag:s28] =	ssyncadd.s32 $0xFFFFF800  }
0xd4: {  	[spmem:s20] =	stream.linear.scatter [tilespmem:s26], [sflag:$0x3], $0x800, $0x38;
	[tilespmem:$0x1F000] =	vst v63  }
0xd5: {  	_ =	swait.ge [sflag:s28], $0x800  }
0xd6: {  	[sflag:s28] =	ssyncset.done $0x0  }
0xd7: {  	[sflag:s28] =	ssyncadd.s32 $0xFFFFF800  }
0xd8: {  	[spmem:s21] =	stream.linear.scatter [tilespmem:s26], [sflag:$0x3], $0x800, $0x38;
	[tilespmem:$0x1F000] =	vst v63  }
0xd9: {  	_ =	swait.ge [sflag:s28], $0x800  }
0xda: {  	[sflag:s28] =	ssyncset.done $0x0  }
0xdb: {  	[sflag:s28] =	ssyncadd.s32 $0xFFFFF800  }
0xdc: {  	[spmem:s22] =	stream.linear.scatter [tilespmem:s26], [sflag:$0x3], $0x800, $0x38;
	[tilespmem:$0x1F000] =	vst v63  }
0xdd: {  	_ =	swait.ge [sflag:s28], $0x800  }
0xde: {  	[sflag:s28] =	ssyncset.done $0x0  }
0xdf: {  	[sflag:s28] =	ssyncadd.s32 $0xFFFFF800  }
0xe0: {  	[spmem:s23] =	stream.linear.scatter [tilespmem:s26], [sflag:$0x3], $0x800, $0x38;
	[tilespmem:$0x1F000] =	vst v63  }
0xe1: {  	_ =	swait.ge [sflag:s28], $0x800  }
0xe2: {  	[sflag:s28] =	ssyncset.done $0x0  }
0xe3: {  	[sflag:s28] =	ssyncadd.s32 $0xFFFFF800  }
0xe4: {  	[spmem:s24] =	stream.linear.scatter [tilespmem:s26], [sflag:$0x3], $0x800, $0x38;
	[tilespmem:$0x1F000] =	vst v63  }
0xe5: {  	_ =	swait.ge [sflag:s28], $0x800  }
0xe6: {  	[sflag:s28] =	ssyncset.done $0x0  }
0xe7: {  	[sflag:s28] =	ssyncadd.s32 $0xFFFFF800  }
0xe8: {  	[bflag:$0x0] =	sbarrier.arrive $0xFFFF  }
0xe9: {  	s11 =	rddreg [dreg:$0x12]  }
0xea: {  	[tilespmem:s3], [sflag:$0x3] =	stream.linear.gather [hbm4b:s11+s3], $0x1400, $0x38;
	[tilespmem:$0x1F000] =	vst v63  }
0xeb: {  	_ =	swait.ge [sflag:s28], $0x1400  }
0xec: {  	[sflag:s28] =	ssyncset.done $0x0  }
0xed: {  	s12 =	rddreg [dreg:$0x13];
	[sflag:s28] =	ssyncadd.s32 $0xFFFFEC00  }
0xee: {  	[tilespmem:s29], [sflag:$0x3] =	stream.linear.gather [hbm4b:s12+s3], $0x1400, $0x38;
	[tilespmem:$0x1F000] =	vst v63  }
0xef: {  	_ =	swait.ge [sflag:s28], $0x1400  }
0xf0: {  	[sflag:s28] =	ssyncset.done $0x0  }
0xf1: {  	[sflag:s28] =	ssyncadd.s32 $0xFFFFEC00  }
0xf2: {  	[tilespmem:s31], [sflag:$0x1] =	stream.indirect.gather [hbm4b:s4+s30], $0x80, s3, s30, $0xb8;
	[tilespmem:$0x1F000] =	vst v63  }
.Ltmp3:
0xf3: {  	_ = 	snop;
	(pc) =	sbr.rel @!p0 .LBB2_4-.Ltmp3, $4  }
0xf4: {  	_ =	swait.ge [sflag:s0], $0x4000  }
0xf5: {  	[sflag:s0] =	ssyncset.done $0x0  }
0xf6: {  	[sflag:s0] =	ssyncadd.s32 $0xFFFFC000  }
0xf7: {  	[spmem:s1] =	stream.indirect.scatter.add.f32 [tilespmem:s31], [sflag:$0x2], $0x80, s29, s30, $0xb8;
	[tilespmem:$0x1F000] =	vst v63  }
0xf8: {  	[tilespmem:s5], [sflag:$0x1] =	stream.indirect.gather [hbm4b:s4+s30], $0x80, s30, s30, $0xb8;
	[tilespmem:$0x1F000] =	vst v63  }
0xf9: {  	s8 =	simm.s32 $0x1480;
	s9 =	simm.s32 $0x8000;
	s10 =	simm.s32 $0x100  }
.LBB2_10:
0xfa: {  	s11 =	sadd.s32 $0xFFFFC000, s9;
	_ =	swait.ge [sflag:s0], $0x4000  }
0xfb: {  	s11 =	sand.u32 $0x4000, s11;
	[sflag:s0] =	ssyncset.done $0x0  }
0xfc: {  	p1 =	seq.s32 s9, $0xA0000;
	s11 =	sor.u32 $0x2800, s11;
	[sflag:s0] =	ssyncadd.s32 $0xFFFFC000  }
0xfd: {  	[spmem:s1] =	stream.indirect.scatter.add.f32 [tilespmem:s11], [sflag:$0x2], $0x80, s8, s30, $0xb8;
	[tilespmem:$0x1F000] =	vst v63  }
0xfe: {  	s11 =	sand.u32 @!p1 $0x4000, s9;
	s9 =	sadd.s32 @!p1 $0x4000, s9  }
0xff: {  	p2 =	sne.s32 @!p1 s9, $0xA4000  }
0x100: {  	p2 =	por p1, !p2  }
.Ltmp4:
0x101: {  	_ =	swait.ge [sflag:s6], $0x4000;
	(pc) =	sbr.rel @!p2 .LBB2_10-.Ltmp4, $4  }
0x102: {  	[sflag:s6] =	ssyncset.done $0x0  }
0x103: {  	s12 =	simm.s32 @!p1 $0x80;
	s11 =	sor.u32 @!p1 $0x2800, s11;
	[sflag:s6] =	ssyncadd.s32 $0xFFFFC000  }
0x104: {  	[tilespmem:s11], [sflag:$0x1] =	stream.indirect.gather @!p1 [hbm4b:s4+s12], $0x80, s10, s12, $0xb8;
	[tilespmem:$0x1F000] =	vst v63  }
0x105: {  	s8 =	sadd.s32 @!p1 $0x80, s8;
	s10 =	sadd.s32 @!p1 $0x80, s10  }
0x106: {  	_ =	swait.ge [sflag:s6], $0x4000  }
0x107: {  	[sflag:s6] =	ssyncset.done $0x0  }
0x108: {  	s8 =	rddreg [dreg:$0x14];
	[sflag:s6] =	ssyncadd.s32 $0xFFFFC000  }
0x109: {  	[tilespmem:s3], [sflag:$0x3] =	stream.linear.gather [hbm4b:s8+s3], $0x1400, $0x38;
	[tilespmem:$0x1F000] =	vst v63  }
0x10a: {  	_ =	swait.ge [sflag:s28], $0x1400  }
0x10b: {  	[sflag:s28] =	ssyncset.done $0x0  }
0x10c: {  	s12 =	rddreg [dreg:$0x15];
	[sflag:s28] =	ssyncadd.s32 $0xFFFFEC00  }
0x10d: {  	[tilespmem:s29], [sflag:$0x3] =	stream.linear.gather [hbm4b:s12+s3], $0x1400, $0x38;
	[tilespmem:$0x1F000] =	vst v63  }
0x10e: {  	_ =	swait.ge [sflag:s28], $0x1400  }
0x10f: {  	[sflag:s28] =	ssyncset.done $0x0  }
0x110: {  	[sflag:s28] =	ssyncadd.s32 $0xFFFFEC00  }
0x111: {  	[tilespmem:s31], [sflag:$0x1] =	stream.indirect.gather [hbm4b:s4+s30], $0x80, s3, s30, $0xb8;
	[tilespmem:$0x1F000] =	vst v63  }
0x112: {  	_ =	swait.ge [sflag:s0], $0x4000  }
0x113: {  	[sflag:s0] =	ssyncset.done $0x0  }
0x114: {  	[sflag:s0] =	ssyncadd.s32 $0xFFFFC000  }
0x115: {  	[spmem:s1] =	stream.indirect.scatter.add.f32 [tilespmem:s31], [sflag:$0x2], $0x80, s29, s30, $0xb8;
	[tilespmem:$0x1F000] =	vst v63  }
0x116: {  	s9 =	simm.s32 $0x8000;
	s10 =	simm.s32 $0x100;
	s8 =	simm.s32 $0x1480  }
0x117: {  	[tilespmem:s5], [sflag:$0x1] =	stream.indirect.gather [hbm4b:s4+s30], $0x80, s30, s30, $0xb8;
	[tilespmem:$0x1F000] =	vst v63  }
.LBB2_12:
0x118: {  	s11 =	sadd.s32 $0xFFFFC000, s9;
	_ =	swait.ge [sflag:s0], $0x4000  }
0x119: {  	s11 =	sand.u32 $0x4000, s11;
	[sflag:s0] =	ssyncset.done $0x0  }
0x11a: {  	p1 =	seq.s32 s9, $0xA0000;
	s11 =	sor.u32 $0x2800, s11;
	[sflag:s0] =	ssyncadd.s32 $0xFFFFC000  }
0x11b: {  	[spmem:s1] =	stream.indirect.scatter.add.f32 [tilespmem:s11], [sflag:$0x2], $0x80, s8, s30, $0xb8;
	[tilespmem:$0x1F000] =	vst v63  }
0x11c: {  	s11 =	sand.u32 @!p1 $0x4000, s9;
	s9 =	sadd.s32 @!p1 $0x4000, s9  }
0x11d: {  	p2 =	sne.s32 @!p1 s9, $0xA4000  }
0x11e: {  	p2 =	por p1, !p2  }
.Ltmp5:
0x11f: {  	_ =	swait.ge [sflag:s6], $0x4000;
	(pc) =	sbr.rel @!p2 .LBB2_12-.Ltmp5, $4  }
0x120: {  	[sflag:s6] =	ssyncset.done $0x0  }
0x121: {  	s12 =	simm.s32 @!p1 $0x80;
	s11 =	sor.u32 @!p1 $0x2800, s11;
	[sflag:s6] =	ssyncadd.s32 $0xFFFFC000  }
0x122: {  	[tilespmem:s11], [sflag:$0x1] =	stream.indirect.gather @!p1 [hbm4b:s4+s12], $0x80, s10, s12, $0xb8;
	[tilespmem:$0x1F000] =	vst v63  }
0x123: {  	s8 =	sadd.s32 @!p1 $0x80, s8;
	s10 =	sadd.s32 @!p1 $0x80, s10  }
.Ltmp6:
0x124: {  	(pc) =	sbr.rel .LBB2_14-.Ltmp6, $3  }
0x125: {  	_ =	sdelay $0x1  }
0x126: {  	s8 =	rddreg [dreg:$0x5]  }
0x127: {  	s8 =	smov.u32 @p1 s8  }
.LBB2_4:
0x128: {  	[tilespmem:s5], [sflag:$0x1] =	stream.indirect.gather [hbm4b:s4+s30], $0x80, s30, s30, $0xb8;
	[tilespmem:$0x1F000] =	vst v63  }
0x129: {  	s8 =	simm.s32 $0x1480;
	s9 =	simm.s32 $0x8000;
	s10 =	simm.s32 $0x100  }
.LBB2_5:
0x12a: {  	s11 =	sadd.s32 $0xFFFFC000, s9;
	_ =	swait.ge [sflag:s0], $0x4000  }
0x12b: {  	s11 =	sand.u32 $0x4000, s11;
	[sflag:s0] =	ssyncset.done $0x0  }
0x12c: {  	p1 =	seq.s32 s9, $0xA0000;
	s11 =	sor.u32 $0x2800, s11;
	[sflag:s0] =	ssyncadd.s32 $0xFFFFC000  }
0x12d: {  	[spmem:s1] =	stream.indirect.scatter.add.f32 [tilespmem:s11], [sflag:$0x2], $0x80, s8, s30, $0xb8;
	[tilespmem:$0x1F000] =	vst v63  }
0x12e: {  	s11 =	sand.u32 @!p1 $0x4000, s9;
	s9 =	sadd.s32 @!p1 $0x4000, s9  }
0x12f: {  	p2 =	sne.s32 @!p1 s9, $0xA4000  }
0x130: {  	p2 =	por p1, !p2  }
.Ltmp7:
0x131: {  	_ =	swait.ge [sflag:s6], $0x4000;
	(pc) =	sbr.rel @!p2 .LBB2_5-.Ltmp7, $4  }
0x132: {  	[sflag:s6] =	ssyncset.done $0x0  }
0x133: {  	s12 =	simm.s32 @!p1 $0x80;
	s11 =	sor.u32 @!p1 $0x2800, s11;
	[sflag:s6] =	ssyncadd.s32 $0xFFFFC000  }
0x134: {  	[tilespmem:s11], [sflag:$0x1] =	stream.indirect.gather @!p1 [hbm4b:s4+s12], $0x80, s10, s12, $0xb8;
	[tilespmem:$0x1F000] =	vst v63  }
0x135: {  	s8 =	sadd.s32 @!p1 $0x80, s8;
	s10 =	sadd.s32 @!p1 $0x80, s10  }
0x136: {  	_ =	swait.ge [sflag:s6], $0x4000  }
0x137: {  	[sflag:s6] =	ssyncset.done $0x0  }
0x138: {  	s8 =	rddreg [dreg:$0x14];
	[sflag:s6] =	ssyncadd.s32 $0xFFFFC000  }
0x139: {  	[tilespmem:s3], [sflag:$0x3] =	stream.linear.gather [hbm4b:s8+s3], $0x1400, $0x38;
	[tilespmem:$0x1F000] =	vst v63  }
0x13a: {  	_ =	swait.ge [sflag:s28], $0x1400  }
0x13b: {  	[sflag:s28] =	ssyncset.done $0x0  }
0x13c: {  	s12 =	rddreg [dreg:$0x15];
	[sflag:s28] =	ssyncadd.s32 $0xFFFFEC00  }
0x13d: {  	[tilespmem:s29], [sflag:$0x3] =	stream.linear.gather [hbm4b:s12+s3], $0x1400, $0x38;
	[tilespmem:$0x1F000] =	vst v63  }
0x13e: {  	_ =	swait.ge [sflag:s28], $0x1400  }
0x13f: {  	[sflag:s28] =	ssyncset.done $0x0  }
0x140: {  	[sflag:s28] =	ssyncadd.s32 $0xFFFFEC00  }
0x141: {  	[tilespmem:s31], [sflag:$0x1] =	stream.indirect.gather [hbm4b:s4+s30], $0x80, s3, s30, $0xb8;
	[tilespmem:$0x1F000] =	vst v63  }
0x142: {  	_ =	swait.ge [sflag:s0], $0x4000  }
0x143: {  	[sflag:s0] =	ssyncset.done $0x0  }
0x144: {  	[sflag:s0] =	ssyncadd.s32 $0xFFFFC000  }
0x145: {  	[spmem:s1] =	stream.indirect.scatter.add.f32 [tilespmem:s31], [sflag:$0x2], $0x80, s29, s30, $0xb8;
	[tilespmem:$0x1F000] =	vst v63  }
0x146: {  	s9 =	simm.s32 $0x8000;
	s10 =	simm.s32 $0x100;
	s8 =	simm.s32 $0x1480  }
0x147: {  	[tilespmem:s5], [sflag:$0x1] =	stream.indirect.gather [hbm4b:s4+s30], $0x80, s30, s30, $0xb8;
	[tilespmem:$0x1F000] =	vst v63  }
.LBB2_7:
0x148: {  	s11 =	sadd.s32 $0xFFFFC000, s9;
	_ =	swait.ge [sflag:s0], $0x4000  }
0x149: {  	s11 =	sand.u32 $0x4000, s11;
	[sflag:s0] =	ssyncset.done $0x0  }
0x14a: {  	p1 =	seq.s32 s9, $0xA0000;
	s11 =	sor.u32 $0x2800, s11;
	[sflag:s0] =	ssyncadd.s32 $0xFFFFC000  }
0x14b: {  	[spmem:s1] =	stream.indirect.scatter.add.f32 [tilespmem:s11], [sflag:$0x2], $0x80, s8, s30, $0xb8;
	[tilespmem:$0x1F000] =	vst v63  }
0x14c: {  	s11 =	sand.u32 @!p1 $0x4000, s9;
	s9 =	sadd.s32 @!p1 $0x4000, s9  }
0x14d: {  	p2 =	seq.s32 @!p1 s9, $0xA4000  }
0x14e: {  	p2 =	por p1, p2  }
.Ltmp8:
0x14f: {  	_ =	swait.ge [sflag:s6], $0x4000;
	(pc) =	sbr.rel @!p2 .LBB2_7-.Ltmp8, $4  }
0x150: {  	[sflag:s6] =	ssyncset.done $0x0  }
0x151: {  	s12 =	simm.s32 @!p1 $0x80;
	s11 =	sor.u32 @!p1 $0x2800, s11;
	[sflag:s6] =	ssyncadd.s32 $0xFFFFC000  }
0x152: {  	[tilespmem:s11], [sflag:$0x1] =	stream.indirect.gather @!p1 [hbm4b:s4+s12], $0x80, s10, s12, $0xb8;
	[tilespmem:$0x1F000] =	vst v63  }
0x153: {  	s8 =	sadd.s32 @!p1 $0x80, s8;
	s10 =	sadd.s32 @!p1 $0x80, s10  }
.Ltmp9:
0x154: {  	(pc) =	sbr.rel .LBB2_14-.Ltmp9, $3  }
0x155: {  	_ =	sdelay $0x1  }
0x156: {  	s8 =	rddreg [dreg:$0x4]  }
0x157: {  	s8 =	smov.u32 @p1 s8  }
.LBB2_15:
0x158: {  	_ =	sfence.sel $0x180000  }
0x159: {  	[bflag:$0x0] =	sbarrier.arrive $0xFFFF  }
0x15a: {  	_ =	strace $0x9000004D  }
0x15b: {  	s0 =	stileid.u32;
	[bflag:$0x2] =	sbarrier.arrive $0xFFFF  }
0x15c: {  	p0 =	sne.s32 s0, $0x0;
	s0 =	rddreg [dreg:$0x3]  }
0x15d: {  	s0 =	sadd.s32 @!p0 $0x100000, s0  }
0x15e: {  	[sflag:s0] =	ssyncadd.tile.s32 @!p0 $0x1;
	_ =	shalt  }
.Lfunc_end2:
_tile_overlayer_lowered:
.L_overlay_start_2:
0x15f: {  	(tag) =	ssettag $0x2  }
0x160: {  	s0 =	rddreg [dreg:$0x0];
	s2 =	stileid.u32  }
0x161: {  	s1 =	rddreg [dreg:$0x1];
	p0 =	sne.s32 s2, $0x0  }
0x162: {  	s3 =	rddreg [dreg:$0x2];
	[bflag:$0x3] =	sbarrier.arrive $0xFFFF;
	s2 =	simm.s32 @!p0 $0x1C03  }
0x163: {  	[timem:s3], [sflag:s2] =	dma.local @!p0 [hbm:s0], s1  }
0x164: {  	s0 =	simm.s32 @!p0 $0x3  }
0x165: {  	_ =	swait.ge @!p0 [sflag:s0], s1  }
0x166: {  	s1 =	ssub.s32 @!p0 $0x0, s1;
	[sflag:s0] =	ssyncset.done @!p0 $0x0  }
0x167: {  	[sflag:s0] =	ssyncadd.s32 @!p0 s1  }
0x168: {  	[bflag:$0x3] =	sbarrier.arrive $0xFFFF  }
0x169: {  	_ =	shalt  }

// kernel: kernel.9.cloned.1.call-start
scs
__scs_entry_jumppad:
0x0: {  	(pc) =	sbr.rel $0x88, $3  }
0x1: {  	(tag) =	ssettag $0x0;
	lr =	simm.s32 $0x1  }
0x2: {  	[smem:$0x3F97] =	sst lr;
	_ =	strace $0xD0000000  }
0x3: {  	_ = 	snop  }
0x4: {  	_ = 	snop  }
0x5: {  	_ = 	snop  }
0x6: {  	_ = 	snop  }
0x7: {  	_ = 	snop  }
__scs_overlays_trampoline_lowered:
0x8: {  	[smem:$0x3FA6] =	sst s0  }
0x9: {  	[smem:$0x3FA7] =	sst s1  }
0xa: {  	[smem:$0x3FA8] =	sst s2  }
0xb: {  	[smem:$0x3FA9] =	sst s3  }
0xc: {  	[smem:$0x3FAA] =	sst s4  }
0xd: {  	[smem:$0x3FAB] =	sst s5  }
0xe: {  	[smem:$0x3FAC] =	sst s6  }
0xf: {  	[smem:$0x3FAD] =	sst s7  }
0x10: {  	[smem:$0x3FAE] =	sst s8  }
0x11: {  	[smem:$0x3FAF] =	sst s9;
	s0 =	simm.s32 @!p0 $0x0  }
0x12: {  	s1 =	sld [smem:$0x3F95];
	s0 =	simm.s32 @p0 $0x1  }
0x13: {  	[smem:$0x3FB0] =	sst s0;
	s0 =	simm.s32 @!p1 $0x0  }
0x14: {  	s2 =	sld [smem:$0x3F94];
	s0 =	simm.s32 @p1 $0x1  }
0x15: {  	[smem:$0x3FB1] =	sst s0;
	s0 =	simm.s32 @!p2 $0x0  }
0x16: {  	s3 =	sld [smem:$0x3FDB];
	s0 =	simm.s32 @p2 $0x1  }
0x17: {  	s4 =	simm.s32 $0x1BF5;
	[smem:$0x3FB3] =	sst s0  }
0x18: {  	s0 =	sld [smem:$0x3F96];
	_ =	swait.ge [sflag:s4], $0x0  }
0x19: {  	s7 =	sld [smem:$0x3F97]  }
0x1a: {  	s8 =	sadd.s32 $0xFFFFE003, lr  }
0x1b: {  	s9 =	sadd.s32 $0xFFFFFEF7, lr;
	s5 =	simm.s32 $0xFFFFFFFF;
	p2 =	slt.u32 s8, $0xFFFFF086  }
0x1c: {  	p1 =	slt.u32 s9, $0xF7A;
	s5 =	simm.s32 @!p2 $0x0  }
0x1d: {  	s5 =	simm.s32 @p1 $0x1;
	p0 =	seq.s32 s7, s2  }
0x1e: {  	s7 =	smul.u32 @!p0 $0xF7A, s2;
	p2 =	seq.s32 @!p0 s5, $0x0  }
0x1f: {  	s9 =	smul.u32 $0xF7A, s1;
	s8 =	simm.s32 @!p0 $0x1BF5;
	p2 =	por !p2, p0  }
0x20: {  	[sflag:s8] =	ssyncset.s32 @!p0 $0xFFFFF086;
	s6 =	sadd.s32 @!p0 s3, s7;
	s7 =	simm.s32 @!p0 $0x108  }
0x21: {  	s3 =	sadd.s32 s3, s9;
	s6 =	sadd.s32 @!p0 $0x88, s6;
	s7 =	simm.s32 @p2 $0x1082  }
0x22: {  	[simem:s7], [sflag:s8] =	dma.local @!p0 [hbm:s6], $0xF7A  }
0x23: {  	s9 =	sor.u32 $0xD0000000, s2;
	s6 =	simm.s32 $0x108;
	_ =	swait.ge @!p0 [sflag:s8], $0x0  }
0x24: {  	s3 =	sadd.s32 $0x88, s3;
	s6 =	simm.s32 @!p1 $0x1082;
	[sflag:s4] =	ssyncset.s32 $0xFFFFF086  }
0x25: {  	[simem:s6], [sflag:s4] =	dma.local [hbm:s3], $0xF7A  }
0x26: {  	[smem:$0x3F97] =	sst s1;
	(tag) =	ssettag s2;
	_ =	strace s9  }
0x27: {  	s1 =	sld [smem:$0x3FA7]  }
0x28: {  	s2 =	sld [smem:$0x3FA8]  }
0x29: {  	s4 =	sld [smem:$0x3FAA]  }
0x2a: {  	p0 =	seq.s32 s5, $0x0;
	s5 =	sld [smem:$0x3FAB]  }
0x2b: {  	s6 =	sld [smem:$0x3FAC]  }
0x2c: {  	s7 =	sld [smem:$0x3FAD]  }
0x2d: {  	s3 =	simm.s32 $0x108;
	s8 =	sld [smem:$0x3FAE]  }
0x2e: {  	s3 =	simm.s32 @!p0 $0x1082;
	s9 =	sld [smem:$0x3FAF]  }
0x2f: {  	lr =	sadd.s32 s0, s3;
	s0 =	sld [smem:$0x3FA6]  }
0x30: {  	s3 =	sld [smem:$0x3FA9]  }
0x31: {  	[smem:$0x3FB2] =	sst s10  }
0x32: {  	s10 =	sld [smem:$0x3FB0];
	_ =	sdelay $0x3  }
0x33: {  	p0 =	seq.s32 s10, $0x1;
	s10 =	sld [smem:$0x3FB2];
	_ =	sdelay $0x3  }
0x34: {  	[smem:$0x3FB2] =	sst s10  }
0x35: {  	s10 =	sld [smem:$0x3FB1];
	_ =	sdelay $0x3  }
0x36: {  	p1 =	seq.s32 s10, $0x1;
	s10 =	sld [smem:$0x3FB2];
	_ =	sdelay $0x3  }
0x37: {  	[smem:$0x3FB2] =	sst s10  }
0x38: {  	s10 =	sld [smem:$0x3FB3]  }
0x39: {  	_ = 	snop;
	(pc) =	sbr.ind lr, $3  }
0x3a: {  	_ = 	snop  }
0x3b: {  	_ = 	snop  }
0x3c: {  	p2 =	seq.s32 s10, $0x1;
	s10 =	sld [smem:$0x3FB2]  }
0x3d: {  	_ =	shalt  }
0x3e: {  	_ =	shalt  }
0x3f: {  	_ =	shalt  }
0x40: {  	_ =	shalt  }
0x41: {  	_ =	shalt  }
0x42: {  	_ =	shalt  }
0x43: {  	_ =	shalt  }
0x44: {  	_ =	shalt  }
0x45: {  	_ =	shalt  }
0x46: {  	_ =	shalt  }
0x47: {  	_ =	shalt  }
0x48: {  	_ =	shalt  }
0x49: {  	_ =	shalt  }
0x4a: {  	_ =	shalt  }
0x4b: {  	_ =	shalt  }
0x4c: {  	_ =	shalt  }
0x4d: {  	_ =	shalt  }
0x4e: {  	_ =	shalt  }
0x4f: {  	_ =	shalt  }
0x50: {  	_ =	shalt  }
0x51: {  	_ =	shalt  }
0x52: {  	_ =	shalt  }
0x53: {  	_ =	shalt  }
0x54: {  	_ =	shalt  }
0x55: {  	_ =	shalt  }
0x56: {  	_ =	shalt  }
0x57: {  	_ =	shalt  }
0x58: {  	_ =	shalt  }
0x59: {  	_ =	shalt  }
0x5a: {  	_ =	shalt  }
0x5b: {  	_ =	shalt  }
0x5c: {  	_ =	shalt  }
0x5d: {  	_ =	shalt  }
0x5e: {  	_ =	shalt  }
0x5f: {  	_ =	shalt  }
0x60: {  	_ =	shalt  }
0x61: {  	_ =	shalt  }
0x62: {  	_ =	shalt  }
0x63: {  	_ =	shalt  }
0x64: {  	_ =	shalt  }
0x65: {  	_ =	shalt  }
0x66: {  	_ =	shalt  }
0x67: {  	_ =	shalt  }
0x68: {  	_ =	shalt  }
0x69: {  	_ =	shalt  }
0x6a: {  	_ =	shalt  }
0x6b: {  	_ =	shalt  }
0x6c: {  	_ =	shalt  }
0x6d: {  	_ =	shalt  }
0x6e: {  	_ =	shalt  }
0x6f: {  	_ =	shalt  }
0x70: {  	_ =	shalt  }
0x71: {  	_ =	shalt  }
0x72: {  	_ =	shalt  }
0x73: {  	_ =	shalt  }
0x74: {  	_ =	shalt  }
0x75: {  	_ =	shalt  }
0x76: {  	_ =	shalt  }
0x77: {  	_ =	shalt  }
0x78: {  	_ =	shalt  }
0x79: {  	_ =	shalt  }
0x7a: {  	_ =	shalt  }
0x7b: {  	_ =	shalt  }
0x7c: {  	_ =	shalt  }
0x7d: {  	_ =	shalt  }
0x7e: {  	_ =	shalt  }
0x7f: {  	_ =	shalt  }
0x80: {  	_ =	shalt  }
0x81: {  	_ =	shalt  }
0x82: {  	_ =	shalt  }
0x83: {  	_ =	shalt  }
0x84: {  	_ =	shalt  }
0x85: {  	_ =	shalt  }
0x86: {  	_ =	shalt  }
0x87: {  	_ =	shalt  }
.Lfunc_end0:
.L_simem_size_0:
called_computation_lowered:
.L_overlay_start_0:
0x88: {  	s2 =	sld [smem:$0x3FD9]  }
0x89: {  	s3 =	sld [smem:$0x3FFE];
	_ =	sdelay $0x1  }
0x8a: {  	s1 =	srdreg.scid  }
0x8b: {  	s0 =	sand.u32 $0x1, s1  }
0x8c: {  	s17 =	sshll.u32 s0, $0xA;
	s2 =	sadd.s32 s3, s2  }
0x8d: {  	s2 =	sadd.s32 s2, s17  }
0x8e: {  	[smem:$0x3FBE] =	sst s2  }
0x8f: {  	_ = 	snop  }
0x90: {  	s2 =	sld [smem:$0x3FD0];
	(tm) =	ssettm $0x1  }
0x91: {  	s18 =	sld [smem:$0x3FFB];
	_ =	sdelay $0x3  }
0x92: {  	_ =	strace s18  }
0x93: {  	s3 =	sld [smem:$0x3FFC];
	_ =	sdelay $0x3  }
0x94: {  	_ =	strace s3  }
0x95: {  	s3 =	sld [smem:$0x3FFD];
	_ =	sdelay $0x3  }
0x96: {  	_ =	strace s3  }
0x97: {  	_ =	strace $0x8FFFFFFF  }
0x98: {  	s19 =	sld [smem:$0x3FDB];
	_ =	sdelay $0x1  }
0x99: {  	s4 =	simm.s32 $_scs_section_size  }
0x9a: {  	s5 =	simm.s32 $_size__tile_overlayer_lowered;
	s6 =	simm.s32 $_tile_overlayer_lowered  }
0x9b: {  	s22 =	simm.s32 $0x1BFF;
	s21 =	sshll.u32 s6, $0x1;
	s3 =	sadd.s32 s4, s19  }
0x9c: {  	s7 =	simm.s32 $0x0;
	s20 =	sshll.u32 s5, $0x1;
	s5 =	sadd.s32 s21, s3  }
0x9d: {  	[timem:s7], [sflag:s22] =	dma.local [hbm:s5], s20  }
0x9e: {  	_ =	swait.ge [sflag:s22], s20  }
0x9f: {  	s4 =	ssub.s32 $0x0, s20;
	[sflag:s22] =	ssyncset.done $0x0  }
0xa0: {  	[sflag:s22] =	ssyncadd.s32 s4;
	_ =	sdelay $0x1  }
0xa1: {  	s23 =	simm.s32 $0x1B8B  }
0xa2: {  	_ =	swait.ge [sflag:s23], $0x1  }
0xa3: {  	[sflag:s23] =	ssyncset.done $0x0  }
0xa4: {  	s25 =	simm.s32 $0x1B8E;
	s24 =	sld [smem:$0x3FFE];
	[sflag:s23] =	ssyncadd.s32 $0xFFFFFFFF  }
0xa5: {  	s26 =	simm.s32 $execute0_lowered;
	[smem:$0x3FD2] =	sst s25  }
0xa6: {  	s5 =	sshll.u32 s26, $0x1;
	_ =	strace $0x80000046;
	[dreg:$0x1] =	wrdreg $0xFFFFFFFF  }
0xa7: {  	s28 =	simm.s32 $_size_execute0_lowered;
	s3 =	sadd.s32 s3, s5;
	[dreg:$0x0] =	wrdreg $0x0  }
0xa8: {  	s5 =	sshll.u32 s28, $0x1;
	[dreg:$0x2] =	wrdreg s3  }
0xa9: {  	[dreg:$0x3] =	wrdreg s5  }
0xaa: {  	[dreg:$0x4] =	wrdreg $0xC0  }
0xab: {  	_ =	task [dreg:s7], $0x5FFFF  }
0xac: {  	[dreg:$0x1] =	wrdreg $0xFFFFFFFF  }
0xad: {  	[dreg:$0x0] =	wrdreg $0x60  }
0xae: {  	[dreg:$0x2] =	wrdreg s2  }
0xaf: {  	[dreg:$0x3] =	wrdreg s24  }
0xb0: {  	[dreg:$0x4] =	wrdreg $0x9  }
0xb1: {  	_ =	task.clear_ibuf [dreg:s7], $0x5FFFF;
	_ =	strace $0x90000046  }
0xb2: {  	s29 =	simm.s32 $0x9;
	_ =	strace $0x80000048  }
0xb3: {  	_ =	swait.ge [sflag:s29], $0x1  }
0xb4: {  	[sflag:s29] =	ssyncadd.s32 $0xFFFFFFFF  }
0xb5: {  	_ =	strace $0x90000048  }
0xb6: {  	_ =	sfence  }
0xb7: {  	s30 =	sld [smem:$0x0];
	_ =	sdelay $0x2  }
0xb8: {  	s31 =	sshll.u32 s1, $0xD;
	s1 =	sshrl.u32 s1, $0x2  }
0xb9: {  	s3 =	sand.u32 $0x4000, s31;
	s1 =	sadd.s32 s1, s30  }
0xba: {  	s0 =	sor.u32 s3, s0;
	s1 =	sshll.u32 s1, $0x11  }
0xbb: {  	s0 =	sor.u32 s1, s0  }
0xbc: {  	s0 =	sadd.s32 $0x8F2B, s0  }
0xbd: {  	[sflag:s0] =	ssyncadd.remote.s32 $0x1  }
0xbe: {  	_ =	sfence.sel $0xFFFF  }
0xbf: {  	[dreg:$0x0] =	wrdreg $0xFFFFFFFF;
	(pc) =	sbr.abs _section_cstart, $3  }
0xc0: {  	[dreg:$0x1] =	wrdreg $0xFFFFFFFF  }
0xc1: {  	_ =	task.clear_ibuf [dreg:s7], $0x2FFFF;
	_ =	strace $0x9FFFFFFF  }
0xc2: {  	(tm) =	ssettm $0x7FFFFFFF  }
0xc3: {  	_ =	shalt  }
tec
execute0_lowered:
.L_overlay_start_1:
0x0: {  	(tag) =	ssettag $0x1  }
0x1: {  	s0 =	srdreg.scid  }
0x2: {  	s3 =	sand.u32 $0x1, s0  }
0x3: {  	s4 =	rddreg [dreg:$0x0];
	s0 =	stileid.u32;
	s1 =	sshll.u32 s3, $0x4  }
0x4: {  	s5 =	rddreg [dreg:$0x1];
	s2 =	simm.s32 $0x0;
	s6 =	sor.u32 s0, s1  }
0x5: {  	s9 =	simm.s32 $0x400;
	[smem:$0x7FF] =	sst s2;
	s7 =	sshrl.u32 s6, $0x3  }
0x6: {  	s8 =	sshll.u32 s0, $0x7;
	s3 =	ssub.s32 $0x2, s3;
	s7 =	smul.u32 $0x14000, s7  }
0x7: {  	s1 =	rddreg [dreg:$0x2];
	s8 =	sand.u32 $0x380, s8;
	s6 =	smul.u32 $0x500, s6  }
0x8: {  	_ =	strace $0x80000047;
	s30 =	sshrl.u32 s3, $0x1;
	s7 =	sor.u32 s8, s7  }
0x9: {  	s31 =	ssub.s32 s3, s30;
	s3 =	sadd.s32 s4, s6;
	s7 =	sshrl.u32 s7, $0x3  }
0xa: {  	s6 =	simm.s32 $0x1;
	s8 =	simm.s32 $0x80;
	s5 =	sadd.s32 s7, s5  }
0xb: {  	v0 =	vimm.f32 $0.0e+00;
	v1 =	vimm.f32 $1.000000000e+00;
	s7 =	simm.s32 $0x2800;
	s4 =	sadd.s32 $0x3E00, s5;
	s5 =	smax.u32 s31, $0x1  }
.LBB2_1:
0xc: {  	s10 =	simm.s32 $0x40;
	s11 =	simm.s32 $0x0  }
.LBB2_2:
0xd: {  	p0 =	sne.s32 s10, $0x9FC0;
	[tilespmem:s11+$0x2800] =	vst v0;
	s11 =	smov.u32 s10;
	s10 =	sadd.s32 $0x40, s10  }
.Ltmp0:
0xe: {  	(pc) =	sbr.rel @p0 .LBB2_2-.Ltmp0, $2  }
0xf: {  	_ =	sdelay $0x2  }
0x10: {  	s11 =	sshra.s32 s11, $0x2  }
0x11: {  	[tilespmem:s11+$0x2800] =	vst v0;
	s10 =	simm.s32 $0x0  }
0x12: {  	[tilespmem:s10], [sflag:$0x1] =	stream.linear.gather [hbm4b:s3+s10], $0x2800, $0x38;
	[tilespmem:$0x5000] =	vst v63  }
0x13: {  	s31 =	sand.u32 $0xFE00, s10;
	_ =	swait.ge [sflag:s6], $0x2800  }
0x14: {  	s10 =	sand.u32 $0x70, s10;
	s11 =	sshrl.u32 s31, $0x2;
	[sflag:s6] =	ssyncset.done $0x0  }
0x15: {  	s10 =	sor.u32 s10, s11;
	[sflag:s6] =	ssyncadd.s32 $0xFFFFD800  }
0x16: {  	v2 =	vld [tilespmem:s10+$0x0];
	_ =	sdelay $0x4  }
0x17: {  	s12 =	simm.s32 $0x40  }
0x18: {  	s12 =	sand.u32 $0xFE00, s12;
	s11 =	simm.s32 $0x80;
	s10 =	simm.s32 $0x10  }
.LBB2_4:
0x19: {  	p0 =	sne.s32 s11, $0x9FC0;
	s13 =	sand.u32 $0x70, s10;
	s12 =	sshrl.u32 s12, $0x2  }
0x1a: {  	s12 =	sor.u32 s13, s12;
	[tilespmem:v2+s7+$0x0] =	vst.idx.add.f32.msk $0xffff, v1  }
0x1b: {  	v2 =	vld [tilespmem:s12+$0x0];
	_ =	sdelay $0x1  }
.Ltmp1:
0x1c: {  	(pc) =	sbr.rel @p0 .LBB2_4-.Ltmp1, $2  }
0x1d: {  	_ =	sdelay $0x2  }
0x1e: {  	s10 =	sadd.s32 $0x10, s10;
	s12 =	sand.u32 $0xFE00, s11;
	s11 =	sadd.s32 $0x40, s11  }
0x1f: {  	_ =	sdelay $0x2  }
0x20: {  	s10 =	sand.u32 $0x70, s10;
	s11 =	sshrl.u32 s12, $0x2  }
0x21: {  	[tilespmem:v2+s7+$0x0] =	vst.idx.add.f32.msk $0xffff, v1;
	s10 =	sor.u32 s10, s11  }
0x22: {  	v2 =	vld [tilespmem:s10+$0x0];
	_ =	sdelay $0x5  }
0x23: {  	s2 =	sadd.s32 $0x1, s2  }
0x24: {  	p0 =	sne.s32 s2, s5  }
.Ltmp2:
0x25: {  	[tilespmem:v2+s7+$0x0] =	vst.idx.add.f32.msk $0xffff, v1;
	(pc) =	sbr.rel @p0 .LBB2_1-.Ltmp2, $4  }
0x26: {  	[hbm4b:s4+s8] =	stream.strided.scatter [tilespmem:s7], [sflag:$0x1], $0x2800, s9, s8, $0x38;
	[tilespmem:$0x5000] =	vst v63  }
0x27: {  	_ =	swait.ge [sflag:s6], $0x2800  }
0x28: {  	[sflag:s6] =	ssyncset.done $0x0  }
0x29: {  	[sflag:s6] =	ssyncadd.s32 $0xFFFFD800  }
0x2a: {  	_ =	sfence.sel $0x180000  }
0x2b: {  	[bflag:$0x0] =	sbarrier.arrive $0xFFFF  }
0x2c: {  	p0 =	sne.s32 s0, $0x0;
	_ =	strace $0x90000047  }
0x2d: {  	s0 =	sadd.s32 @!p0 $0x100000, s1;
	[bflag:$0x2] =	sbarrier.arrive $0xFFFF  }
0x2e: {  	[sflag:s0] =	ssyncadd.tile.s32 @!p0 $0x1;
	_ =	shalt  }
.Lfunc_end2:
_tile_overlayer_lowered:
.L_overlay_start_2:
0x2f: {  	(tag) =	ssettag $0x2  }
0x30: {  	s0 =	rddreg [dreg:$0x0];
	s2 =	stileid.u32  }
0x31: {  	s1 =	rddreg [dreg:$0x1];
	p0 =	sne.s32 s2, $0x0  }
0x32: {  	s3 =	rddreg [dreg:$0x2];
	[bflag:$0x3] =	sbarrier.arrive $0xFFFF;
	s2 =	simm.s32 @!p0 $0x1C01  }
0x33: {  	[timem:s3], [sflag:s2] =	dma.local @!p0 [hbm:s0], s1  }
0x34: {  	s0 =	simm.s32 @!p0 $0x1  }
0x35: {  	_ =	swait.ge @!p0 [sflag:s0], s1  }
0x36: {  	s1 =	ssub.s32 @!p0 $0x0, s1;
	[sflag:s0] =	ssyncset.done @!p0 $0x0  }
0x37: {  	[sflag:s0] =	ssyncadd.s32 @!p0 s1  }
0x38: {  	[bflag:$0x3] =	sbarrier.arrive $0xFFFF  }
0x39: {  	_ =	shalt  }

</sc_bundles>
